<compile_context>
chip_gen: v7x
topology: tpu7x:2x2x1
jax: 0.10.2.dev20260603
libtpu: 0.0.44.dev20260713+nightly
codegen_flags: <defaults>
</compile_context>

<pallas_src>
import functools

import jax
import jax.numpy as jnp
from jax import lax
from jax.experimental import pallas as pl
from jax.experimental.pallas import tpu as pltpu
from jax.experimental.pallas import tpu_sc as plsc

N = 10000
NP = 10112
RPT = 632
E = 320000
NW = 32
K = 128
NCHUNK = 79
EW = E // NW
PADW = NCHUNK * K - EW
EP = NW * NCHUNK * K
NPOOL = NW * 3 * K
NCHB = 3
NG = 256
NSEGP = 384
SPT = 24
D_IN = 128
HID = 64
EMB = 32
NB = 2528
FW = 128


def _mesh():
    return plsc.VectorSubcoreMesh(core_axis_name="c", subcore_axis_name="s",
                                  num_cores=2, num_subcores=16)


def _zero_acc(zbuf, acc, base, rows):
    full, rem = rows // K, rows % K
    for r in range(full):
        pltpu.sync_copy(zbuf, acc.at[pl.ds(base + r * K, K)])
    if rem:
        pltpu.sync_copy(zbuf.at[pl.ds(0, rem)], acc.at[pl.ds(base + full * K, rem)])


def _make_deg_counts():

    @functools.partial(
        pl.kernel,
        mesh=_mesh(),
        out_type=(
            jax.ShapeDtypeStruct((2, NP, FW), jnp.float32),
            jax.ShapeDtypeStruct((2, NSEGP, FW), jnp.float32),
        ),
        scratch_types=[
            pltpu.VMEM((NCHUNK, K), jnp.int32),
            pltpu.VMEM((NCHB, K), jnp.int32),
            pltpu.VMEM((K, FW), jnp.float32),
            pltpu.VMEM_SHARED((NP, FW), jnp.float32),
            pltpu.VMEM_SHARED((NSEGP, FW), jnp.float32),
        ],
    )
    def deg_kernel(dsts_hbm, bidx_hbm, ones_hbm, zeros_hbm, deg_out, cnt_out,
                   dstv, bv, onesv, acc_d, acc_c):
        c = lax.axis_index("c")
        s = lax.axis_index("s")
        wid = s * 2 + c
        pltpu.sync_copy(dsts_hbm.at[wid], dstv)
        pltpu.sync_copy(bidx_hbm.at[wid], bv)
        pltpu.sync_copy(zeros_hbm, onesv)
        _zero_acc(onesv, acc_d, s * RPT, RPT)
        _zero_acc(onesv, acc_c, s * SPT, SPT)
        pltpu.sync_copy(ones_hbm, onesv)
        plsc.subcore_barrier()

        def body(j, carry):
            pltpu.sync_copy(onesv, acc_d.at[dstv.at[j]], add=True)
            return carry

        lax.fori_loop(0, NCHUNK, body, 0)
        for j in range(NCHB):
            pltpu.sync_copy(onesv, acc_c.at[bv.at[j]], add=True)
        plsc.subcore_barrier()
        pltpu.sync_copy(acc_d.at[pl.ds(s * RPT, RPT)],
                        deg_out.at[c].at[pl.ds(s * RPT, RPT)])
        pltpu.sync_copy(acc_c.at[pl.ds(s * SPT, SPT)],
                        cnt_out.at[c].at[pl.ds(s * SPT, SPT)])

    return deg_kernel


def _make_scatter():
    H0 = (NCHUNK + 1) // 2
    H1 = NCHUNK - H0

    @functools.partial(
        pl.kernel,
        mesh=_mesh(),
        out_type=jax.ShapeDtypeStruct((2, NP, FW), jnp.float32),
        scratch_types=[
            pltpu.VMEM((H0, K), jnp.int32),
            pltpu.VMEM((H0, K), jnp.int32),
            pltpu.VMEM((K, FW), jnp.float32),
            pltpu.VMEM((K, FW), jnp.float32),
            pltpu.VMEM_SHARED((NP, FW), jnp.float32),
            pltpu.SemaphoreType.DMA,
            pltpu.SemaphoreType.DMA,
        ],
    )
    def scat_kernel(g_hbm, srcs_hbm, dsts_hbm, zeros_hbm, out_hbm,
                    srcv, dstv, rows0, rows1, acc, sem0, sem1):
        c = lax.axis_index("c")
        s = lax.axis_index("s")
        wid = s * 2 + c
        pltpu.sync_copy(zeros_hbm, rows0)
        _zero_acc(rows0, acc, s * RPT, RPT)
        plsc.subcore_barrier()

        def make_body(nh):
            def body(i, carry):
                j = 2 * i

                @pl.when(j + 1 < nh)
                def _():
                    pltpu.async_copy(g_hbm.at[srcv.at[j + 1]], rows1, sem1)

                pltpu.make_async_copy(g_hbm.at[srcv.at[j]], rows0, sem0).wait()
                pltpu.sync_copy(rows0, acc.at[dstv.at[j]], add=True)

                @pl.when(j + 2 < nh)
                def _():
                    pltpu.async_copy(g_hbm.at[srcv.at[j + 2]], rows0, sem0)

                @pl.when(j + 1 < nh)
                def _():
                    pltpu.make_async_copy(
                        g_hbm.at[srcv.at[j + 1]], rows1, sem1).wait()
                    pltpu.sync_copy(rows1, acc.at[dstv.at[j + 1]], add=True)

                return carry
            return body

        for h, nh in ((0, H0), (1, H1)):
            pltpu.sync_copy(srcs_hbm.at[wid].at[pl.ds(h * H0, nh)], srcv.at[pl.ds(0, nh)])
            pltpu.sync_copy(dsts_hbm.at[wid].at[pl.ds(h * H0, nh)], dstv.at[pl.ds(0, nh)])
            pltpu.async_copy(g_hbm.at[srcv.at[0]], rows0, sem0)
            lax.fori_loop(0, (nh + 1) // 2, make_body(nh), 0)

        plsc.subcore_barrier()
        pltpu.sync_copy(acc.at[pl.ds(s * RPT, RPT)],
                        out_hbm.at[c].at[pl.ds(s * RPT, RPT)])

    return scat_kernel


def _make_pool():

    @functools.partial(
        pl.kernel,
        mesh=_mesh(),
        out_type=jax.ShapeDtypeStruct((2, NSEGP, FW), jnp.float32),
        scratch_types=[
            pltpu.VMEM((NCHB, K), jnp.int32),
            pltpu.VMEM((NCHB, K), jnp.int32),
            pltpu.VMEM((K, FW), jnp.float32),
            pltpu.VMEM_SHARED((NSEGP, FW), jnp.float32),
        ],
    )
    def pool_kernel(x_hbm, nid_hbm, bidx_hbm, zeros_hbm, out_hbm,
                    nidv, bv, rows, acc):
        c = lax.axis_index("c")
        s = lax.axis_index("s")
        wid = s * 2 + c
        pltpu.sync_copy(nid_hbm.at[wid], nidv)
        pltpu.sync_copy(bidx_hbm.at[wid], bv)
        pltpu.sync_copy(zeros_hbm, rows)
        _zero_acc(rows, acc, s * SPT, SPT)
        plsc.subcore_barrier()
        for j in range(NCHB):
            pltpu.sync_copy(x_hbm.at[nidv.at[j]], rows)
            pltpu.sync_copy(rows, acc.at[bv.at[j]], add=True)
        plsc.subcore_barrier()
        pltpu.sync_copy(acc.at[pl.ds(s * SPT, SPT)],
                        out_hbm.at[c].at[pl.ds(s * SPT, SPT)])

    return pool_kernel



def _dinv(d0, d1):
    return lax.rsqrt(1.0 + d0[:, :1] + d1[:, :1])


def _t_in_body(x_ref, d0_ref, d1_ref, w_ref, o_ref):
    o_ref[...] = _dinv(d0_ref[...], d1_ref[...]) * jnp.dot(
        x_ref[...], w_ref[...], preferred_element_type=jnp.float32)


def _t_mid_body(a0_ref, a1_ref, g_ref, d0_ref, d1_ref, b_ref, w_ref, o_ref):
    dinv = _dinv(d0_ref[...], d1_ref[...])
    xn = jnp.maximum(dinv * (a0_ref[...] + a1_ref[...] + g_ref[...]) + b_ref[...], 0.0)
    o_ref[...] = dinv * jnp.dot(xn, w_ref[...], preferred_element_type=jnp.float32)


def _t_last_body(a0_ref, a1_ref, g_ref, d0_ref, d1_ref, b_ref, o_ref):
    dinv = _dinv(d0_ref[...], d1_ref[...])
    o_ref[...] = jnp.maximum(
        dinv * (a0_ref[...] + a1_ref[...] + g_ref[...]) + b_ref[...], 0.0)


def _t_head_body(s0_ref, s1_ref, c0_ref, c1_ref, w1_ref, b1_ref, w2_ref, b2_ref,
                 o_ref):
    cnt = jnp.maximum(c0_ref[:, :1] + c1_ref[:, :1], 1.0)
    emb = (s0_ref[:, :EMB] + s1_ref[:, :EMB]) / cnt
    h = jnp.maximum(
        jnp.dot(emb, w1_ref[...], preferred_element_type=jnp.float32) + b1_ref[...],
        0.0)
    o = jnp.dot(h, w2_ref[...], preferred_element_type=jnp.float32) + b2_ref[...]
    o_ref[...] = o[:NG]


def _nb(F):
    return pl.BlockSpec((NB, F), lambda i: (i, 0))


def _const(shape):
    return pl.BlockSpec(shape, lambda i: (0, 0))


def kernel(x, edge_index, batch, W1, b1, W2, b2, W3, b3, Wc1, bc1, Wc2, bc2):
    src = edge_index[0].astype(jnp.int32)
    dst = edge_index[1].astype(jnp.int32)
    batch_i = batch.astype(jnp.int32)

    pad_e = jnp.full((EP - E,), NP - 1, jnp.int32)
    srcs = jnp.concatenate([src, pad_e]).reshape(NW, NCHUNK, K)
    dsts = jnp.concatenate([dst, pad_e]).reshape(NW, NCHUNK, K)
    bidx = jnp.concatenate(
        [batch_i,
         NG + (jnp.arange(NPOOL - N, dtype=jnp.int32) % (NSEGP - NG))]).reshape(
        NW, NCHB, K)
    nid = jnp.concatenate(
        [jnp.arange(N, dtype=jnp.int32),
         jnp.full((NPOOL - N,), NP - 1, jnp.int32)]).reshape(NW, NCHB, K)
    x_p = jnp.zeros((NP, D_IN), jnp.float32).at[:N].set(x)

    zerosF = jnp.zeros((K, FW), jnp.float32)
    onesF = jnp.ones((K, FW), jnp.float32)

    W1p = jnp.zeros((D_IN, FW), jnp.float32).at[:, :HID].set(W1)
    W2p = jnp.zeros((FW, FW), jnp.float32).at[:HID, :HID].set(W2)
    W3p = jnp.zeros((FW, FW), jnp.float32).at[:HID, :EMB].set(W3)
    b1p = jnp.zeros((1, FW), jnp.float32).at[0, :HID].set(b1)
    b2p = jnp.zeros((1, FW), jnp.float32).at[0, :HID].set(b2)
    b3p = jnp.zeros((1, FW), jnp.float32).at[0, :EMB].set(b3)
    bc1r, bc2r = bc1.reshape(1, 16), bc2.reshape(1, 1)

    d_part, c_part = _make_deg_counts()(dsts, bidx, onesF, zerosF)
    d0, d1 = d_part[0, :, :8], d_part[1, :, :8]
    c0, c1 = c_part[0, :, :8], c_part[1, :, :8]

    scat = _make_scatter()

    g1 = pl.pallas_call(
        _t_in_body, grid=(NP // NB,),
        in_specs=[_nb(D_IN), _nb(8), _nb(8), _const((D_IN, FW))],
        out_specs=_nb(FW),
        out_shape=jax.ShapeDtypeStruct((NP, FW), jnp.float32),
    )(x_p, d0, d1, W1p)
    a = scat(g1, srcs, dsts, zerosF)

    g2 = pl.pallas_call(
        _t_mid_body, grid=(NP // NB,),
        in_specs=[_nb(FW), _nb(FW), _nb(FW), _nb(8), _nb(8),
                  _const((1, FW)), _const((FW, FW))],
        out_specs=_nb(FW),
        out_shape=jax.ShapeDtypeStruct((NP, FW), jnp.float32),
    )(a[0], a[1], g1, d0, d1, b1p, W2p)
    a = scat(g2, srcs, dsts, zerosF)

    g3 = pl.pallas_call(
        _t_mid_body, grid=(NP // NB,),
        in_specs=[_nb(FW), _nb(FW), _nb(FW), _nb(8), _nb(8),
                  _const((1, FW)), _const((FW, FW))],
        out_specs=_nb(FW),
        out_shape=jax.ShapeDtypeStruct((NP, FW), jnp.float32),
    )(a[0], a[1], g2, d0, d1, b2p, W3p)
    a = scat(g3, srcs, dsts, zerosF)

    x4 = pl.pallas_call(
        _t_last_body, grid=(NP // NB,),
        in_specs=[_nb(FW), _nb(FW), _nb(FW), _nb(8), _nb(8),
                  _const((1, FW))],
        out_specs=_nb(FW),
        out_shape=jax.ShapeDtypeStruct((NP, FW), jnp.float32),
    )(a[0], a[1], g3, d0, d1, b3p)

    p = _make_pool()(x4, nid, bidx, zerosF)
    out = pl.pallas_call(
        _t_head_body, grid=(1,),
        in_specs=[_const((NSEGP, FW)), _const((NSEGP, FW)),
                  _const((NSEGP, 8)), _const((NSEGP, 8)),
                  _const((EMB, 16)), _const((1, 16)),
                  _const((16, 1)), _const((1, 1))],
        out_specs=_const((NG, 1)),
        out_shape=jax.ShapeDtypeStruct((NG, 1), jnp.float32),
    )(p[0], p[1], c0, c1, Wc1, bc1r, Wc2, bc2r)
    return out

# --- scband reference (transcript-rebuilt; emitter-appended) ---
"""Pipeline reference for scband-gcn-18021682774333 (READ-ONLY COPY).

The authoritative reference and input builder live on the scoring server;
editing this copy changes nothing except your own understanding.
"""

import jax, jax.numpy as jnp
import numpy as np

N_NODES = 10000
N_EDGES = 320000
D_IN = 128
HIDDEN = 64
EMBED = 32
NUM_TASKS = 1
NUM_GRAPHS = 256


def glorot(key, shape):
    fan_in, fan_out = shape[0], shape[1]
    limit = np.sqrt(6.0 / (fan_in + fan_out))
    return jax.random.uniform(key, shape, dtype=jnp.float32, minval=-limit, maxval=limit)


def setup_inputs(seed: int = 0) -> dict:
    key = jax.random.key(seed)
    ks = jax.random.split(key, 12)
    x = jax.random.normal(ks[0], (N_NODES, D_IN), dtype=jnp.float32)
    edge_index = jax.random.randint(ks[1], (2, N_EDGES), 0, N_NODES, dtype=jnp.int64)
    batch = jnp.sort(jax.random.randint(ks[2], (N_NODES,), 0, NUM_GRAPHS, dtype=jnp.int64))
    W1 = glorot(ks[3], (D_IN, HIDDEN)); b1 = jnp.zeros((HIDDEN,), jnp.float32)
    W2 = glorot(ks[4], (HIDDEN, HIDDEN)); b2 = jnp.zeros((HIDDEN,), jnp.float32)
    W3 = glorot(ks[5], (HIDDEN, EMBED)); b3 = jnp.zeros((EMBED,), jnp.float32)
    Wc1 = glorot(ks[6], (EMBED, 16)); bc1 = jnp.zeros((16,), jnp.float32)
    Wc2 = glorot(ks[7], (16, NUM_TASKS)); bc2 = jnp.zeros((NUM_TASKS,), jnp.float32)
    return {"x": x, "edge_index": edge_index, "batch": batch,
            "W1": W1, "b1": b1, "W2": W2, "b2": b2, "W3": W3, "b3": b3,
            "Wc1": Wc1, "bc1": bc1, "Wc2": Wc2, "bc2": bc2}


def gcn_conv(x, edge_index, W, b):
    # GCNConv: x' = D^{-1/2} (A + I) D^{-1/2} x W + b  (symmetric normalization, self-loops)
    N = x.shape[0]
    loop = jnp.arange(N, dtype=edge_index.dtype)
    src = jnp.concatenate([edge_index[0], loop])
    dst = jnp.concatenate([edge_index[1], loop])
    deg = jnp.zeros((N,), jnp.float32).at[dst].add(1.0)
    deg_inv_sqrt = jnp.where(deg > 0, 1.0 / jnp.sqrt(deg), 0.0)
    norm = deg_inv_sqrt[src] * deg_inv_sqrt[dst]
    h = x @ W
    msg = h[src] * norm[:, None]
    out = jnp.zeros((N, W.shape[1]), jnp.float32).at[dst].add(msg)
    return out + b


def global_mean_pool(x, batch, num_segments):
    sums = jax.ops.segment_sum(x, batch, num_segments=num_segments)
    counts = jax.ops.segment_sum(jnp.ones((x.shape[0],), jnp.float32), batch, num_segments=num_segments)
    counts = jnp.maximum(counts, 1.0)
    return sums / counts[:, None]


def reference(x, edge_index, batch, W1, b1, W2, b2, W3, b3, Wc1, bc1, Wc2, bc2):
    # Dropout is identity in eval mode.
    h = jax.nn.relu(gcn_conv(x, edge_index, W1, b1))
    h = jax.nn.relu(gcn_conv(h, edge_index, W2, b2))
    h = jax.nn.relu(gcn_conv(h, edge_index, W3, b3))
    emb = global_mean_pool(h, batch, NUM_GRAPHS)
    out = jax.nn.relu(emb @ Wc1 + bc1) @ Wc2 + bc2
    return out

if __name__ == "__main__":
    import jax
    _d = setup_inputs()
    print(jax.jit(kernel)(*tuple(_d.values())))

</pallas_src>

<mosaic_0001>
#map = affine_map<(d0, d1) -> (0, 0)>
#map1 = affine_map<(d0, d1) -> (0, 0, 0)>
module attributes {stable_mosaic.version = 14 : i64} {
  func.func @scat_kernel(%arg0: i32, %arg1: i32, %arg2: memref<10112x128xf32, #tpu.memory_space<hbm>>, %arg3: memref<32x79x128xi32, #tpu.memory_space<hbm>>, %arg4: memref<32x79x128xi32, #tpu.memory_space<hbm>>, %arg5: memref<128x128xf32, #tpu.memory_space<hbm>>, %arg6: memref<2x10112x128xf32, #tpu.memory_space<hbm>>, %arg7: memref<40x128xi32, #tpu.memory_space<vmem>>, %arg8: memref<40x128xi32, #tpu.memory_space<vmem>>, %arg9: memref<128x128xf32, #tpu.memory_space<vmem>>, %arg10: memref<128x128xf32, #tpu.memory_space<vmem>>, %arg11: memref<10112x128xf32, #tpu.memory_space<vmem_shared>>, %arg12: memref<!tpu.dma_semaphore, #tpu.memory_space<semaphore_mem>>, %arg13: memref<!tpu.dma_semaphore, #tpu.memory_space<semaphore_mem>>) attributes {dimension_semantics = [#tpu.dimension_semantics<core_parallel>, #tpu.dimension_semantics<subcore_parallel>], iteration_bounds = array<i64: 2, 16>, scalar_prefetch = 0 : i64, scratch_operands = 7 : i64, tpu.core_type = #tpu.core_type<sc_vector_subcore>, window_params = [{transform_indices = #map}, {transform_indices = #map1}, {transform_indices = #map1}, {transform_indices = #map}, {transform_indices = #map1}]} {
    %mul3A = arith.constant 2 : i32
    %mul3A_0 = arith.muli %arg1, %mul3A : i32
    %add3A = arith.addi %mul3A_0, %arg0 : i32
    "tpu.region"() ({
      %run_scoped3A = tpu.sem_alloc : memref<!tpu.dma_semaphore, #tpu.memory_space<semaphore_mem>>
      tpu.enqueue_dma source(%arg5 : memref<128x128xf32, #tpu.memory_space<hbm>>) target(%arg9 : memref<128x128xf32, #tpu.memory_space<vmem>>) target_semaphore(%run_scoped3A : memref<!tpu.dma_semaphore, #tpu.memory_space<semaphore_mem>>)
      tpu.wait_dma2 semaphore(%run_scoped3A : memref<!tpu.dma_semaphore, #tpu.memory_space<semaphore_mem>>) src(%arg5 : memref<128x128xf32, #tpu.memory_space<hbm>>) dst(%arg9 : memref<128x128xf32, #tpu.memory_space<vmem>>)
      tpu.yield
    }) : () -> ()
    %mul3A_1 = arith.constant 632 : i32
    %mul3A_2 = arith.muli %arg1, %mul3A_1 : i32
    %add3A_3 = arith.constant 0 : i32
    %add3A_4 = arith.addi %mul3A_2, %add3A_3 : i32
    "tpu.region"() ({
      %run_scoped3A = tpu.sem_alloc : memref<!tpu.dma_semaphore, #tpu.memory_space<semaphore_mem>>
      %dma_start3A_42 = arith.constant 0 : i32
      %dma_start3A_43 = tpu.memref_slice %arg11[%add3A_4, %dma_start3A_42] : memref<10112x128xf32, #tpu.memory_space<vmem_shared>> -> memref<128x128xf32, #tpu.memory_space<vmem_shared>>
      %dma_start3A_44 = arith.constant 0 : i32
      %dma_start3A_45 = tpu.memref_slice %arg11[%add3A_4, %dma_start3A_44] : memref<10112x128xf32, #tpu.memory_space<vmem_shared>> -> memref<128x128xf32, #tpu.memory_space<vmem_shared>>
      tpu.enqueue_dma source(%arg9 : memref<128x128xf32, #tpu.memory_space<vmem>>) target(%dma_start3A_45 : memref<128x128xf32, #tpu.memory_space<vmem_shared>>) target_semaphore(%run_scoped3A : memref<!tpu.dma_semaphore, #tpu.memory_space<semaphore_mem>>)
      %dma_wait3A = arith.constant 0 : i32
      %dma_wait3A_46 = tpu.memref_slice %arg11[%add3A_4, %dma_wait3A] : memref<10112x128xf32, #tpu.memory_space<vmem_shared>> -> memref<128x128xf32, #tpu.memory_space<vmem_shared>>
      %dma_wait3A_47 = arith.constant 0 : i32
      %dma_wait3A_48 = tpu.memref_slice %arg11[%add3A_4, %dma_wait3A_47] : memref<10112x128xf32, #tpu.memory_space<vmem_shared>> -> memref<128x128xf32, #tpu.memory_space<vmem_shared>>
      tpu.wait_dma2 semaphore(%run_scoped3A : memref<!tpu.dma_semaphore, #tpu.memory_space<semaphore_mem>>) src(%arg9 : memref<128x128xf32, #tpu.memory_space<vmem>>) dst(%dma_wait3A_48 : memref<128x128xf32, #tpu.memory_space<vmem_shared>>)
      tpu.yield
    }) : () -> ()
    %add3A_5 = arith.constant 128 : i32
    %add3A_6 = arith.addi %mul3A_2, %add3A_5 : i32
    "tpu.region"() ({
      %run_scoped3A = tpu.sem_alloc : memref<!tpu.dma_semaphore, #tpu.memory_space<semaphore_mem>>
      %dma_start3A_42 = arith.constant 0 : i32
      %dma_start3A_43 = tpu.memref_slice %arg11[%add3A_6, %dma_start3A_42] : memref<10112x128xf32, #tpu.memory_space<vmem_shared>> -> memref<128x128xf32, #tpu.memory_space<vmem_shared>>
      %dma_start3A_44 = arith.constant 0 : i32
      %dma_start3A_45 = tpu.memref_slice %arg11[%add3A_6, %dma_start3A_44] : memref<10112x128xf32, #tpu.memory_space<vmem_shared>> -> memref<128x128xf32, #tpu.memory_space<vmem_shared>>
      tpu.enqueue_dma source(%arg9 : memref<128x128xf32, #tpu.memory_space<vmem>>) target(%dma_start3A_45 : memref<128x128xf32, #tpu.memory_space<vmem_shared>>) target_semaphore(%run_scoped3A : memref<!tpu.dma_semaphore, #tpu.memory_space<semaphore_mem>>)
      %dma_wait3A = arith.constant 0 : i32
      %dma_wait3A_46 = tpu.memref_slice %arg11[%add3A_6, %dma_wait3A] : memref<10112x128xf32, #tpu.memory_space<vmem_shared>> -> memref<128x128xf32, #tpu.memory_space<vmem_shared>>
      %dma_wait3A_47 = arith.constant 0 : i32
      %dma_wait3A_48 = tpu.memref_slice %arg11[%add3A_6, %dma_wait3A_47] : memref<10112x128xf32, #tpu.memory_space<vmem_shared>> -> memref<128x128xf32, #tpu.memory_space<vmem_shared>>
      tpu.wait_dma2 semaphore(%run_scoped3A : memref<!tpu.dma_semaphore, #tpu.memory_space<semaphore_mem>>) src(%arg9 : memref<128x128xf32, #tpu.memory_space<vmem>>) dst(%dma_wait3A_48 : memref<128x128xf32, #tpu.memory_space<vmem_shared>>)
      tpu.yield
    }) : () -> ()
    %add3A_7 = arith.constant 256 : i32
    %add3A_8 = arith.addi %mul3A_2, %add3A_7 : i32
    "tpu.region"() ({
      %run_scoped3A = tpu.sem_alloc : memref<!tpu.dma_semaphore, #tpu.memory_space<semaphore_mem>>
      %dma_start3A_42 = arith.constant 0 : i32
      %dma_start3A_43 = tpu.memref_slice %arg11[%add3A_8, %dma_start3A_42] : memref<10112x128xf32, #tpu.memory_space<vmem_shared>> -> memref<128x128xf32, #tpu.memory_space<vmem_shared>>
      %dma_start3A_44 = arith.constant 0 : i32
      %dma_start3A_45 = tpu.memref_slice %arg11[%add3A_8, %dma_start3A_44] : memref<10112x128xf32, #tpu.memory_space<vmem_shared>> -> memref<128x128xf32, #tpu.memory_space<vmem_shared>>
      tpu.enqueue_dma source(%arg9 : memref<128x128xf32, #tpu.memory_space<vmem>>) target(%dma_start3A_45 : memref<128x128xf32, #tpu.memory_space<vmem_shared>>) target_semaphore(%run_scoped3A : memref<!tpu.dma_semaphore, #tpu.memory_space<semaphore_mem>>)
      %dma_wait3A = arith.constant 0 : i32
      %dma_wait3A_46 = tpu.memref_slice %arg11[%add3A_8, %dma_wait3A] : memref<10112x128xf32, #tpu.memory_space<vmem_shared>> -> memref<128x128xf32, #tpu.memory_space<vmem_shared>>
      %dma_wait3A_47 = arith.constant 0 : i32
      %dma_wait3A_48 = tpu.memref_slice %arg11[%add3A_8, %dma_wait3A_47] : memref<10112x128xf32, #tpu.memory_space<vmem_shared>> -> memref<128x128xf32, #tpu.memory_space<vmem_shared>>
      tpu.wait_dma2 semaphore(%run_scoped3A : memref<!tpu.dma_semaphore, #tpu.memory_space<semaphore_mem>>) src(%arg9 : memref<128x128xf32, #tpu.memory_space<vmem>>) dst(%dma_wait3A_48 : memref<128x128xf32, #tpu.memory_space<vmem_shared>>)
      tpu.yield
    }) : () -> ()
    %add3A_9 = arith.constant 384 : i32
    %add3A_10 = arith.addi %mul3A_2, %add3A_9 : i32
    "tpu.region"() ({
      %run_scoped3A = tpu.sem_alloc : memref<!tpu.dma_semaphore, #tpu.memory_space<semaphore_mem>>
      %dma_start3A_42 = arith.constant 0 : i32
      %dma_start3A_43 = tpu.memref_slice %arg11[%add3A_10, %dma_start3A_42] : memref<10112x128xf32, #tpu.memory_space<vmem_shared>> -> memref<128x128xf32, #tpu.memory_space<vmem_shared>>
      %dma_start3A_44 = arith.constant 0 : i32
      %dma_start3A_45 = tpu.memref_slice %arg11[%add3A_10, %dma_start3A_44] : memref<10112x128xf32, #tpu.memory_space<vmem_shared>> -> memref<128x128xf32, #tpu.memory_space<vmem_shared>>
      tpu.enqueue_dma source(%arg9 : memref<128x128xf32, #tpu.memory_space<vmem>>) target(%dma_start3A_45 : memref<128x128xf32, #tpu.memory_space<vmem_shared>>) target_semaphore(%run_scoped3A : memref<!tpu.dma_semaphore, #tpu.memory_space<semaphore_mem>>)
      %dma_wait3A = arith.constant 0 : i32
      %dma_wait3A_46 = tpu.memref_slice %arg11[%add3A_10, %dma_wait3A] : memref<10112x128xf32, #tpu.memory_space<vmem_shared>> -> memref<128x128xf32, #tpu.memory_space<vmem_shared>>
      %dma_wait3A_47 = arith.constant 0 : i32
      %dma_wait3A_48 = tpu.memref_slice %arg11[%add3A_10, %dma_wait3A_47] : memref<10112x128xf32, #tpu.memory_space<vmem_shared>> -> memref<128x128xf32, #tpu.memory_space<vmem_shared>>
      tpu.wait_dma2 semaphore(%run_scoped3A : memref<!tpu.dma_semaphore, #tpu.memory_space<semaphore_mem>>) src(%arg9 : memref<128x128xf32, #tpu.memory_space<vmem>>) dst(%dma_wait3A_48 : memref<128x128xf32, #tpu.memory_space<vmem_shared>>)
      tpu.yield
    }) : () -> ()
    %add3A_11 = arith.constant 512 : i32
    %add3A_12 = arith.addi %mul3A_2, %add3A_11 : i32
    "tpu.region"() ({
      %run_scoped3A = tpu.sem_alloc : memref<!tpu.dma_semaphore, #tpu.memory_space<semaphore_mem>>
      %dma_start3A_42 = arith.constant 0 : i32
      %dma_start3A_43 = arith.constant 0 : i32
      %dma_start3A_44 = tpu.memref_slice %arg9[%dma_start3A_42, %dma_start3A_43] : memref<128x128xf32, #tpu.memory_space<vmem>> -> memref<120x128xf32, #tpu.memory_space<vmem>>
      %dma_start3A_45 = arith.constant 0 : i32
      %dma_start3A_46 = tpu.memref_slice %arg11[%add3A_12, %dma_start3A_45] : memref<10112x128xf32, #tpu.memory_space<vmem_shared>> -> memref<120x128xf32, #tpu.memory_space<vmem_shared>>
      %dma_start3A_47 = arith.constant 0 : i32
      %dma_start3A_48 = tpu.memref_slice %arg11[%add3A_12, %dma_start3A_47] : memref<10112x128xf32, #tpu.memory_space<vmem_shared>> -> memref<120x128xf32, #tpu.memory_space<vmem_shared>>
      %dma_start3A_49 = arith.constant 0 : i32
      %dma_start3A_50 = arith.constant 0 : i32
      %dma_start3A_51 = tpu.memref_slice %arg9[%dma_start3A_49, %dma_start3A_50] : memref<128x128xf32, #tpu.memory_space<vmem>> -> memref<120x128xf32, #tpu.memory_space<vmem>>
      tpu.enqueue_dma source(%dma_start3A_51 : memref<120x128xf32, #tpu.memory_space<vmem>>) target(%dma_start3A_48 : memref<120x128xf32, #tpu.memory_space<vmem_shared>>) target_semaphore(%run_scoped3A : memref<!tpu.dma_semaphore, #tpu.memory_space<semaphore_mem>>)
      %dma_wait3A = arith.constant 0 : i32
      %dma_wait3A_52 = arith.constant 0 : i32
      %dma_wait3A_53 = tpu.memref_slice %arg9[%dma_wait3A, %dma_wait3A_52] : memref<128x128xf32, #tpu.memory_space<vmem>> -> memref<120x128xf32, #tpu.memory_space<vmem>>
      %dma_wait3A_54 = arith.constant 0 : i32
      %dma_wait3A_55 = tpu.memref_slice %arg11[%add3A_12, %dma_wait3A_54] : memref<10112x128xf32, #tpu.memory_space<vmem_shared>> -> memref<120x128xf32, #tpu.memory_space<vmem_shared>>
      %dma_wait3A_56 = arith.constant 0 : i32
      %dma_wait3A_57 = tpu.memref_slice %arg11[%add3A_12, %dma_wait3A_56] : memref<10112x128xf32, #tpu.memory_space<vmem_shared>> -> memref<120x128xf32, #tpu.memory_space<vmem_shared>>
      %dma_wait3A_58 = arith.constant 0 : i32
      %dma_wait3A_59 = arith.constant 0 : i32
      %dma_wait3A_60 = tpu.memref_slice %arg9[%dma_wait3A_58, %dma_wait3A_59] : memref<128x128xf32, #tpu.memory_space<vmem>> -> memref<120x128xf32, #tpu.memory_space<vmem>>
      tpu.wait_dma2 semaphore(%run_scoped3A : memref<!tpu.dma_semaphore, #tpu.memory_space<semaphore_mem>>) src(%dma_wait3A_60 : memref<120x128xf32, #tpu.memory_space<vmem>>) dst(%dma_wait3A_57 : memref<120x128xf32, #tpu.memory_space<vmem_shared>>)
      tpu.yield
    }) : () -> ()
    %barrier3A = arith.constant 0 : index
    tpu.barrier barrier_id(%barrier3A)
    "tpu.region"() ({
      %run_scoped3A = tpu.sem_alloc : memref<!tpu.dma_semaphore, #tpu.memory_space<semaphore_mem>>
      %dma_start3A_42 = arith.constant 0 : i32
      %dma_start3A_43 = arith.constant 0 : i32
      %dma_start3A_44 = tpu.memref_slice %arg7[%dma_start3A_42, %dma_start3A_43] : memref<40x128xi32, #tpu.memory_space<vmem>> -> memref<40x128xi32, #tpu.memory_space<vmem>>
      %dma_start3A_45 = arith.constant 0 : i32
      %dma_start3A_46 = arith.constant 0 : i32
      %dma_start3A_47 = tpu.memref_slice %arg3[%add3A, %dma_start3A_45, %dma_start3A_46] : memref<32x79x128xi32, #tpu.memory_space<hbm>> -> memref<1x79x128xi32, #tpu.memory_space<hbm>>
      %dma_start3A_48 = tpu.memref_squeeze %dma_start3A_47 : memref<1x79x128xi32, #tpu.memory_space<hbm>> -> memref<79x128xi32, #tpu.memory_space<hbm>>
      %dma_start3A_49 = arith.constant 0 : i32
      %dma_start3A_50 = arith.constant 0 : i32
      %dma_start3A_51 = tpu.memref_slice %dma_start3A_48[%dma_start3A_49, %dma_start3A_50] : memref<79x128xi32, #tpu.memory_space<hbm>> -> memref<40x128xi32, #tpu.memory_space<hbm>>
      %dma_start3A_52 = arith.constant 0 : i32
      %dma_start3A_53 = arith.constant 0 : i32
      %dma_start3A_54 = tpu.memref_slice %arg7[%dma_start3A_52, %dma_start3A_53] : memref<40x128xi32, #tpu.memory_space<vmem>> -> memref<40x128xi32, #tpu.memory_space<vmem>>
      %dma_start3A_55 = arith.constant 0 : i32
      %dma_start3A_56 = arith.constant 0 : i32
      %dma_start3A_57 = tpu.memref_slice %arg3[%add3A, %dma_start3A_55, %dma_start3A_56] : memref<32x79x128xi32, #tpu.memory_space<hbm>> -> memref<1x79x128xi32, #tpu.memory_space<hbm>>
      %dma_start3A_58 = tpu.memref_squeeze %dma_start3A_57 : memref<1x79x128xi32, #tpu.memory_space<hbm>> -> memref<79x128xi32, #tpu.memory_space<hbm>>
      %dma_start3A_59 = arith.constant 0 : i32
      %dma_start3A_60 = arith.constant 0 : i32
      %dma_start3A_61 = tpu.memref_slice %dma_start3A_58[%dma_start3A_59, %dma_start3A_60] : memref<79x128xi32, #tpu.memory_space<hbm>> -> memref<40x128xi32, #tpu.memory_space<hbm>>
      tpu.enqueue_dma source(%dma_start3A_61 : memref<40x128xi32, #tpu.memory_space<hbm>>) target(%dma_start3A_54 : memref<40x128xi32, #tpu.memory_space<vmem>>) target_semaphore(%run_scoped3A : memref<!tpu.dma_semaphore, #tpu.memory_space<semaphore_mem>>)
      %dma_wait3A = arith.constant 0 : i32
      %dma_wait3A_62 = arith.constant 0 : i32
      %dma_wait3A_63 = tpu.memref_slice %arg7[%dma_wait3A, %dma_wait3A_62] : memref<40x128xi32, #tpu.memory_space<vmem>> -> memref<40x128xi32, #tpu.memory_space<vmem>>
      %dma_wait3A_64 = arith.constant 0 : i32
      %dma_wait3A_65 = arith.constant 0 : i32
      %dma_wait3A_66 = tpu.memref_slice %arg3[%add3A, %dma_wait3A_64, %dma_wait3A_65] : memref<32x79x128xi32, #tpu.memory_space<hbm>> -> memref<1x79x128xi32, #tpu.memory_space<hbm>>
      %dma_wait3A_67 = tpu.memref_squeeze %dma_wait3A_66 : memref<1x79x128xi32, #tpu.memory_space<hbm>> -> memref<79x128xi32, #tpu.memory_space<hbm>>
      %dma_wait3A_68 = arith.constant 0 : i32
      %dma_wait3A_69 = arith.constant 0 : i32
      %dma_wait3A_70 = tpu.memref_slice %dma_wait3A_67[%dma_wait3A_68, %dma_wait3A_69] : memref<79x128xi32, #tpu.memory_space<hbm>> -> memref<40x128xi32, #tpu.memory_space<hbm>>
      %dma_wait3A_71 = arith.constant 0 : i32
      %dma_wait3A_72 = arith.constant 0 : i32
      %dma_wait3A_73 = tpu.memref_slice %arg7[%dma_wait3A_71, %dma_wait3A_72] : memref<40x128xi32, #tpu.memory_space<vmem>> -> memref<40x128xi32, #tpu.memory_space<vmem>>
      %dma_wait3A_74 = arith.constant 0 : i32
      %dma_wait3A_75 = arith.constant 0 : i32
      %dma_wait3A_76 = tpu.memref_slice %arg3[%add3A, %dma_wait3A_74, %dma_wait3A_75] : memref<32x79x128xi32, #tpu.memory_space<hbm>> -> memref<1x79x128xi32, #tpu.memory_space<hbm>>
      %dma_wait3A_77 = tpu.memref_squeeze %dma_wait3A_76 : memref<1x79x128xi32, #tpu.memory_space<hbm>> -> memref<79x128xi32, #tpu.memory_space<hbm>>
      %dma_wait3A_78 = arith.constant 0 : i32
      %dma_wait3A_79 = arith.constant 0 : i32
      %dma_wait3A_80 = tpu.memref_slice %dma_wait3A_77[%dma_wait3A_78, %dma_wait3A_79] : memref<79x128xi32, #tpu.memory_space<hbm>> -> memref<40x128xi32, #tpu.memory_space<hbm>>
      tpu.wait_dma2 semaphore(%run_scoped3A : memref<!tpu.dma_semaphore, #tpu.memory_space<semaphore_mem>>) src(%dma_wait3A_80 : memref<40x128xi32, #tpu.memory_space<hbm>>) dst(%dma_wait3A_73 : memref<40x128xi32, #tpu.memory_space<vmem>>)
      tpu.yield
    }) : () -> ()
    "tpu.region"() ({
      %run_scoped3A = tpu.sem_alloc : memref<!tpu.dma_semaphore, #tpu.memory_space<semaphore_mem>>
      %dma_start3A_42 = arith.constant 0 : i32
      %dma_start3A_43 = arith.constant 0 : i32
      %dma_start3A_44 = tpu.memref_slice %arg8[%dma_start3A_42, %dma_start3A_43] : memref<40x128xi32, #tpu.memory_space<vmem>> -> memref<40x128xi32, #tpu.memory_space<vmem>>
      %dma_start3A_45 = arith.constant 0 : i32
      %dma_start3A_46 = arith.constant 0 : i32
      %dma_start3A_47 = tpu.memref_slice %arg4[%add3A, %dma_start3A_45, %dma_start3A_46] : memref<32x79x128xi32, #tpu.memory_space<hbm>> -> memref<1x79x128xi32, #tpu.memory_space<hbm>>
      %dma_start3A_48 = tpu.memref_squeeze %dma_start3A_47 : memref<1x79x128xi32, #tpu.memory_space<hbm>> -> memref<79x128xi32, #tpu.memory_space<hbm>>
      %dma_start3A_49 = arith.constant 0 : i32
      %dma_start3A_50 = arith.constant 0 : i32
      %dma_start3A_51 = tpu.memref_slice %dma_start3A_48[%dma_start3A_49, %dma_start3A_50] : memref<79x128xi32, #tpu.memory_space<hbm>> -> memref<40x128xi32, #tpu.memory_space<hbm>>
      %dma_start3A_52 = arith.constant 0 : i32
      %dma_start3A_53 = arith.constant 0 : i32
      %dma_start3A_54 = tpu.memref_slice %arg8[%dma_start3A_52, %dma_start3A_53] : memref<40x128xi32, #tpu.memory_space<vmem>> -> memref<40x128xi32, #tpu.memory_space<vmem>>
      %dma_start3A_55 = arith.constant 0 : i32
      %dma_start3A_56 = arith.constant 0 : i32
      %dma_start3A_57 = tpu.memref_slice %arg4[%add3A, %dma_start3A_55, %dma_start3A_56] : memref<32x79x128xi32, #tpu.memory_space<hbm>> -> memref<1x79x128xi32, #tpu.memory_space<hbm>>
      %dma_start3A_58 = tpu.memref_squeeze %dma_start3A_57 : memref<1x79x128xi32, #tpu.memory_space<hbm>> -> memref<79x128xi32, #tpu.memory_space<hbm>>
      %dma_start3A_59 = arith.constant 0 : i32
      %dma_start3A_60 = arith.constant 0 : i32
      %dma_start3A_61 = tpu.memref_slice %dma_start3A_58[%dma_start3A_59, %dma_start3A_60] : memref<79x128xi32, #tpu.memory_space<hbm>> -> memref<40x128xi32, #tpu.memory_space<hbm>>
      tpu.enqueue_dma source(%dma_start3A_61 : memref<40x128xi32, #tpu.memory_space<hbm>>) target(%dma_start3A_54 : memref<40x128xi32, #tpu.memory_space<vmem>>) target_semaphore(%run_scoped3A : memref<!tpu.dma_semaphore, #tpu.memory_space<semaphore_mem>>)
      %dma_wait3A = arith.constant 0 : i32
      %dma_wait3A_62 = arith.constant 0 : i32
      %dma_wait3A_63 = tpu.memref_slice %arg8[%dma_wait3A, %dma_wait3A_62] : memref<40x128xi32, #tpu.memory_space<vmem>> -> memref<40x128xi32, #tpu.memory_space<vmem>>
      %dma_wait3A_64 = arith.constant 0 : i32
      %dma_wait3A_65 = arith.constant 0 : i32
      %dma_wait3A_66 = tpu.memref_slice %arg4[%add3A, %dma_wait3A_64, %dma_wait3A_65] : memref<32x79x128xi32, #tpu.memory_space<hbm>> -> memref<1x79x128xi32, #tpu.memory_space<hbm>>
      %dma_wait3A_67 = tpu.memref_squeeze %dma_wait3A_66 : memref<1x79x128xi32, #tpu.memory_space<hbm>> -> memref<79x128xi32, #tpu.memory_space<hbm>>
      %dma_wait3A_68 = arith.constant 0 : i32
      %dma_wait3A_69 = arith.constant 0 : i32
      %dma_wait3A_70 = tpu.memref_slice %dma_wait3A_67[%dma_wait3A_68, %dma_wait3A_69] : memref<79x128xi32, #tpu.memory_space<hbm>> -> memref<40x128xi32, #tpu.memory_space<hbm>>
      %dma_wait3A_71 = arith.constant 0 : i32
      %dma_wait3A_72 = arith.constant 0 : i32
      %dma_wait3A_73 = tpu.memref_slice %arg8[%dma_wait3A_71, %dma_wait3A_72] : memref<40x128xi32, #tpu.memory_space<vmem>> -> memref<40x128xi32, #tpu.memory_space<vmem>>
      %dma_wait3A_74 = arith.constant 0 : i32
      %dma_wait3A_75 = arith.constant 0 : i32
      %dma_wait3A_76 = tpu.memref_slice %arg4[%add3A, %dma_wait3A_74, %dma_wait3A_75] : memref<32x79x128xi32, #tpu.memory_space<hbm>> -> memref<1x79x128xi32, #tpu.memory_space<hbm>>
      %dma_wait3A_77 = tpu.memref_squeeze %dma_wait3A_76 : memref<1x79x128xi32, #tpu.memory_space<hbm>> -> memref<79x128xi32, #tpu.memory_space<hbm>>
      %dma_wait3A_78 = arith.constant 0 : i32
      %dma_wait3A_79 = arith.constant 0 : i32
      %dma_wait3A_80 = tpu.memref_slice %dma_wait3A_77[%dma_wait3A_78, %dma_wait3A_79] : memref<79x128xi32, #tpu.memory_space<hbm>> -> memref<40x128xi32, #tpu.memory_space<hbm>>
      tpu.wait_dma2 semaphore(%run_scoped3A : memref<!tpu.dma_semaphore, #tpu.memory_space<semaphore_mem>>) src(%dma_wait3A_80 : memref<40x128xi32, #tpu.memory_space<hbm>>) dst(%dma_wait3A_73 : memref<40x128xi32, #tpu.memory_space<vmem>>)
      tpu.yield
    }) : () -> ()
    %dma_start3A = arith.constant 0 : i32
    %dma_start3A_13 = arith.constant 0 : i32
    %dma_start3A_14 = tpu.memref_slice %arg7[%dma_start3A, %dma_start3A_13] : memref<40x128xi32, #tpu.memory_space<vmem>> -> memref<1x128xi32, #tpu.memory_space<vmem>>
    %dma_start3A_15 = tpu.memref_squeeze %dma_start3A_14 : memref<1x128xi32, #tpu.memory_space<vmem>> -> memref<128xi32, #tpu.memory_space<vmem>>
    %dma_start3A_16 = arith.constant 0 : i32
    %dma_start3A_17 = arith.constant 0 : i32
    %dma_start3A_18 = tpu.memref_slice %arg2[%dma_start3A_16, %dma_start3A_17] : memref<10112x128xf32, #tpu.memory_space<hbm>> -> memref<10112x128xf32, #tpu.memory_space<hbm>>
    tpu.enqueue_indirect_dma source(%dma_start3A_18 : memref<10112x128xf32, #tpu.memory_space<hbm>>) target(%arg9 : memref<128x128xf32, #tpu.memory_space<vmem>>) offsets(%dma_start3A_15 : memref<128xi32, #tpu.memory_space<vmem>>) semaphore(%arg12 : memref<!tpu.dma_semaphore, #tpu.memory_space<semaphore_mem>>)
    %scan3A = arith.constant 0 : i32
    %scan3A_19 = arith.constant 0 : i32
    %scan3A_20 = arith.constant 20 : i32
    %scan3A_21 = arith.addi %scan3A_19, %scan3A_20 : i32
    %scan3A_22 = arith.constant 1 : i32
    scf.for %scan3A_42 = %scan3A_19 to %scan3A_21 step %scan3A_22  : i32 {
      %mul3A_43 = arith.constant 2 : i32
      %mul3A_44 = arith.muli %mul3A_43, %scan3A_42 : i32
      %add3A_45 = arith.constant 1 : i32
      %add3A_46 = arith.addi %mul3A_44, %add3A_45 : i32
      %lt3A = arith.constant 40 : i32
      %lt3A_47 = arith.cmpi slt, %add3A_46, %lt3A : i32
      %convert_element_type3A = arith.extui %lt3A_47 : i1 to i32
      %cond3A = arith.constant 0 : i32
      %cond3A_48 = arith.cmpi ne, %convert_element_type3A, %cond3A : i32
      scf.if %cond3A_48 {
        %add3A_68 = arith.constant 1 : i32
        %add3A_69 = arith.addi %mul3A_44, %add3A_68 : i32
        %dma_start3A_70 = arith.constant 0 : i32
        %dma_start3A_71 = tpu.memref_slice %arg7[%add3A_69, %dma_start3A_70] : memref<40x128xi32, #tpu.memory_space<vmem>> -> memref<1x128xi32, #tpu.memory_space<vmem>>
        %dma_start3A_72 = tpu.memref_squeeze %dma_start3A_71 : memref<1x128xi32, #tpu.memory_space<vmem>> -> memref<128xi32, #tpu.memory_space<vmem>>
        %dma_start3A_73 = arith.constant 0 : i32
        %dma_start3A_74 = arith.constant 0 : i32
        %dma_start3A_75 = tpu.memref_slice %arg2[%dma_start3A_73, %dma_start3A_74] : memref<10112x128xf32, #tpu.memory_space<hbm>> -> memref<10112x128xf32, #tpu.memory_space<hbm>>
        tpu.enqueue_indirect_dma source(%dma_start3A_75 : memref<10112x128xf32, #tpu.memory_space<hbm>>) target(%arg10 : memref<128x128xf32, #tpu.memory_space<vmem>>) offsets(%dma_start3A_72 : memref<128xi32, #tpu.memory_space<vmem>>) semaphore(%arg13 : memref<!tpu.dma_semaphore, #tpu.memory_space<semaphore_mem>>)
      } else {
      }
      %dma_wait3A = arith.constant 0 : i32
      %dma_wait3A_49 = tpu.memref_slice %arg7[%mul3A_44, %dma_wait3A] : memref<40x128xi32, #tpu.memory_space<vmem>> -> memref<1x128xi32, #tpu.memory_space<vmem>>
      %dma_wait3A_50 = tpu.memref_squeeze %dma_wait3A_49 : memref<1x128xi32, #tpu.memory_space<vmem>> -> memref<128xi32, #tpu.memory_space<vmem>>
      %dma_wait3A_51 = arith.constant 0 : i32
      %dma_wait3A_52 = arith.constant 0 : i32
      %dma_wait3A_53 = tpu.memref_slice %arg2[%dma_wait3A_51, %dma_wait3A_52] : memref<10112x128xf32, #tpu.memory_space<hbm>> -> memref<10112x128xf32, #tpu.memory_space<hbm>>
      tpu.wait_indirect_dma semaphore(%arg12 : memref<!tpu.dma_semaphore, #tpu.memory_space<semaphore_mem>>) src(%dma_wait3A_53 : memref<10112x128xf32, #tpu.memory_space<hbm>>) dst(%arg9 : memref<128x128xf32, #tpu.memory_space<vmem>>)
      "tpu.region"() ({
        %run_scoped3A = tpu.sem_alloc : memref<!tpu.dma_semaphore, #tpu.memory_space<semaphore_mem>>
        %dma_start3A_68 = arith.constant 0 : i32
        %dma_start3A_69 = tpu.memref_slice %arg8[%mul3A_44, %dma_start3A_68] : memref<40x128xi32, #tpu.memory_space<vmem>> -> memref<1x128xi32, #tpu.memory_space<vmem>>
        %dma_start3A_70 = tpu.memref_squeeze %dma_start3A_69 : memref<1x128xi32, #tpu.memory_space<vmem>> -> memref<128xi32, #tpu.memory_space<vmem>>
        %dma_start3A_71 = arith.constant 0 : i32
        %dma_start3A_72 = arith.constant 0 : i32
        %dma_start3A_73 = tpu.memref_slice %arg11[%dma_start3A_71, %dma_start3A_72] : memref<10112x128xf32, #tpu.memory_space<vmem_shared>> -> memref<10112x128xf32, #tpu.memory_space<vmem_shared>>
        tpu.enqueue_indirect_dma source(%arg9 : memref<128x128xf32, #tpu.memory_space<vmem>>) target(%dma_start3A_73 : memref<10112x128xf32, #tpu.memory_space<vmem_shared>>) offsets(%dma_start3A_70 : memref<128xi32, #tpu.memory_space<vmem>>) semaphore(%run_scoped3A : memref<!tpu.dma_semaphore, #tpu.memory_space<semaphore_mem>>) {add = true}
        %dma_wait3A_74 = arith.constant 0 : i32
        %dma_wait3A_75 = tpu.memref_slice %arg8[%mul3A_44, %dma_wait3A_74] : memref<40x128xi32, #tpu.memory_space<vmem>> -> memref<1x128xi32, #tpu.memory_space<vmem>>
        %dma_wait3A_76 = tpu.memref_squeeze %dma_wait3A_75 : memref<1x128xi32, #tpu.memory_space<vmem>> -> memref<128xi32, #tpu.memory_space<vmem>>
        %dma_wait3A_77 = arith.constant 0 : i32
        %dma_wait3A_78 = arith.constant 0 : i32
        %dma_wait3A_79 = tpu.memref_slice %arg11[%dma_wait3A_77, %dma_wait3A_78] : memref<10112x128xf32, #tpu.memory_space<vmem_shared>> -> memref<10112x128xf32, #tpu.memory_space<vmem_shared>>
        tpu.wait_indirect_dma semaphore(%run_scoped3A : memref<!tpu.dma_semaphore, #tpu.memory_space<semaphore_mem>>) src(%arg9 : memref<128x128xf32, #tpu.memory_space<vmem>>) dst(%dma_wait3A_79 : memref<10112x128xf32, #tpu.memory_space<vmem_shared>>)
        tpu.yield
      }) : () -> ()
      %add3A_54 = arith.constant 2 : i32
      %add3A_55 = arith.addi %mul3A_44, %add3A_54 : i32
      %lt3A_56 = arith.constant 40 : i32
      %lt3A_57 = arith.cmpi slt, %add3A_55, %lt3A_56 : i32
      %convert_element_type3A_58 = arith.extui %lt3A_57 : i1 to i32
      %cond3A_59 = arith.constant 0 : i32
      %cond3A_60 = arith.cmpi ne, %convert_element_type3A_58, %cond3A_59 : i32
      scf.if %cond3A_60 {
        %add3A_68 = arith.constant 2 : i32
        %add3A_69 = arith.addi %mul3A_44, %add3A_68 : i32
        %dma_start3A_70 = arith.constant 0 : i32
        %dma_start3A_71 = tpu.memref_slice %arg7[%add3A_69, %dma_start3A_70] : memref<40x128xi32, #tpu.memory_space<vmem>> -> memref<1x128xi32, #tpu.memory_space<vmem>>
        %dma_start3A_72 = tpu.memref_squeeze %dma_start3A_71 : memref<1x128xi32, #tpu.memory_space<vmem>> -> memref<128xi32, #tpu.memory_space<vmem>>
        %dma_start3A_73 = arith.constant 0 : i32
        %dma_start3A_74 = arith.constant 0 : i32
        %dma_start3A_75 = tpu.memref_slice %arg2[%dma_start3A_73, %dma_start3A_74] : memref<10112x128xf32, #tpu.memory_space<hbm>> -> memref<10112x128xf32, #tpu.memory_space<hbm>>
        tpu.enqueue_indirect_dma source(%dma_start3A_75 : memref<10112x128xf32, #tpu.memory_space<hbm>>) target(%arg9 : memref<128x128xf32, #tpu.memory_space<vmem>>) offsets(%dma_start3A_72 : memref<128xi32, #tpu.memory_space<vmem>>) semaphore(%arg12 : memref<!tpu.dma_semaphore, #tpu.memory_space<semaphore_mem>>)
      } else {
      }
      %add3A_61 = arith.constant 1 : i32
      %add3A_62 = arith.addi %mul3A_44, %add3A_61 : i32
      %lt3A_63 = arith.constant 40 : i32
      %lt3A_64 = arith.cmpi slt, %add3A_62, %lt3A_63 : i32
      %convert_element_type3A_65 = arith.extui %lt3A_64 : i1 to i32
      %cond3A_66 = arith.constant 0 : i32
      %cond3A_67 = arith.cmpi ne, %convert_element_type3A_65, %cond3A_66 : i32
      scf.if %cond3A_67 {
        %add3A_68 = arith.constant 1 : i32
        %add3A_69 = arith.addi %mul3A_44, %add3A_68 : i32
        %dma_wait3A_70 = arith.constant 0 : i32
        %dma_wait3A_71 = tpu.memref_slice %arg7[%add3A_69, %dma_wait3A_70] : memref<40x128xi32, #tpu.memory_space<vmem>> -> memref<1x128xi32, #tpu.memory_space<vmem>>
        %dma_wait3A_72 = tpu.memref_squeeze %dma_wait3A_71 : memref<1x128xi32, #tpu.memory_space<vmem>> -> memref<128xi32, #tpu.memory_space<vmem>>
        %dma_wait3A_73 = arith.constant 0 : i32
        %dma_wait3A_74 = arith.constant 0 : i32
        %dma_wait3A_75 = tpu.memref_slice %arg2[%dma_wait3A_73, %dma_wait3A_74] : memref<10112x128xf32, #tpu.memory_space<hbm>> -> memref<10112x128xf32, #tpu.memory_space<hbm>>
        tpu.wait_indirect_dma semaphore(%arg13 : memref<!tpu.dma_semaphore, #tpu.memory_space<semaphore_mem>>) src(%dma_wait3A_75 : memref<10112x128xf32, #tpu.memory_space<hbm>>) dst(%arg10 : memref<128x128xf32, #tpu.memory_space<vmem>>)
        %add3A_76 = arith.constant 1 : i32
        %add3A_77 = arith.addi %mul3A_44, %add3A_76 : i32
        "tpu.region"() ({
          %run_scoped3A = tpu.sem_alloc : memref<!tpu.dma_semaphore, #tpu.memory_space<semaphore_mem>>
          %dma_start3A_78 = arith.constant 0 : i32
          %dma_start3A_79 = tpu.memref_slice %arg8[%add3A_77, %dma_start3A_78] : memref<40x128xi32, #tpu.memory_space<vmem>> -> memref<1x128xi32, #tpu.memory_space<vmem>>
          %dma_start3A_80 = tpu.memref_squeeze %dma_start3A_79 : memref<1x128xi32, #tpu.memory_space<vmem>> -> memref<128xi32, #tpu.memory_space<vmem>>
          %dma_start3A_81 = arith.constant 0 : i32
          %dma_start3A_82 = arith.constant 0 : i32
          %dma_start3A_83 = tpu.memref_slice %arg11[%dma_start3A_81, %dma_start3A_82] : memref<10112x128xf32, #tpu.memory_space<vmem_shared>> -> memref<10112x128xf32, #tpu.memory_space<vmem_shared>>
          tpu.enqueue_indirect_dma source(%arg10 : memref<128x128xf32, #tpu.memory_space<vmem>>) target(%dma_start3A_83 : memref<10112x128xf32, #tpu.memory_space<vmem_shared>>) offsets(%dma_start3A_80 : memref<128xi32, #tpu.memory_space<vmem>>) semaphore(%run_scoped3A : memref<!tpu.dma_semaphore, #tpu.memory_space<semaphore_mem>>) {add = true}
          %dma_wait3A_84 = arith.constant 0 : i32
          %dma_wait3A_85 = tpu.memref_slice %arg8[%add3A_77, %dma_wait3A_84] : memref<40x128xi32, #tpu.memory_space<vmem>> -> memref<1x128xi32, #tpu.memory_space<vmem>>
          %dma_wait3A_86 = tpu.memref_squeeze %dma_wait3A_85 : memref<1x128xi32, #tpu.memory_space<vmem>> -> memref<128xi32, #tpu.memory_space<vmem>>
          %dma_wait3A_87 = arith.constant 0 : i32
          %dma_wait3A_88 = arith.constant 0 : i32
          %dma_wait3A_89 = tpu.memref_slice %arg11[%dma_wait3A_87, %dma_wait3A_88] : memref<10112x128xf32, #tpu.memory_space<vmem_shared>> -> memref<10112x128xf32, #tpu.memory_space<vmem_shared>>
          tpu.wait_indirect_dma semaphore(%run_scoped3A : memref<!tpu.dma_semaphore, #tpu.memory_space<semaphore_mem>>) src(%arg10 : memref<128x128xf32, #tpu.memory_space<vmem>>) dst(%dma_wait3A_89 : memref<10112x128xf32, #tpu.memory_space<vmem_shared>>)
          tpu.yield
        }) : () -> ()
      } else {
      }
    }
    %scan3A_23 = arith.constant 20 : i32
    "tpu.region"() ({
      %run_scoped3A = tpu.sem_alloc : memref<!tpu.dma_semaphore, #tpu.memory_space<semaphore_mem>>
      %dma_start3A_42 = arith.constant 0 : i32
      %dma_start3A_43 = arith.constant 0 : i32
      %dma_start3A_44 = tpu.memref_slice %arg7[%dma_start3A_42, %dma_start3A_43] : memref<40x128xi32, #tpu.memory_space<vmem>> -> memref<39x128xi32, #tpu.memory_space<vmem>>
      %dma_start3A_45 = arith.constant 0 : i32
      %dma_start3A_46 = arith.constant 0 : i32
      %dma_start3A_47 = tpu.memref_slice %arg3[%add3A, %dma_start3A_45, %dma_start3A_46] : memref<32x79x128xi32, #tpu.memory_space<hbm>> -> memref<1x79x128xi32, #tpu.memory_space<hbm>>
      %dma_start3A_48 = tpu.memref_squeeze %dma_start3A_47 : memref<1x79x128xi32, #tpu.memory_space<hbm>> -> memref<79x128xi32, #tpu.memory_space<hbm>>
      %dma_start3A_49 = arith.constant 40 : i32
      %dma_start3A_50 = arith.constant 0 : i32
      %dma_start3A_51 = tpu.memref_slice %dma_start3A_48[%dma_start3A_49, %dma_start3A_50] : memref<79x128xi32, #tpu.memory_space<hbm>> -> memref<39x128xi32, #tpu.memory_space<hbm>>
      %dma_start3A_52 = arith.constant 0 : i32
      %dma_start3A_53 = arith.constant 0 : i32
      %dma_start3A_54 = tpu.memref_slice %arg7[%dma_start3A_52, %dma_start3A_53] : memref<40x128xi32, #tpu.memory_space<vmem>> -> memref<39x128xi32, #tpu.memory_space<vmem>>
      %dma_start3A_55 = arith.constant 0 : i32
      %dma_start3A_56 = arith.constant 0 : i32
      %dma_start3A_57 = tpu.memref_slice %arg3[%add3A, %dma_start3A_55, %dma_start3A_56] : memref<32x79x128xi32, #tpu.memory_space<hbm>> -> memref<1x79x128xi32, #tpu.memory_space<hbm>>
      %dma_start3A_58 = tpu.memref_squeeze %dma_start3A_57 : memref<1x79x128xi32, #tpu.memory_space<hbm>> -> memref<79x128xi32, #tpu.memory_space<hbm>>
      %dma_start3A_59 = arith.constant 40 : i32
      %dma_start3A_60 = arith.constant 0 : i32
      %dma_start3A_61 = tpu.memref_slice %dma_start3A_58[%dma_start3A_59, %dma_start3A_60] : memref<79x128xi32, #tpu.memory_space<hbm>> -> memref<39x128xi32, #tpu.memory_space<hbm>>
      tpu.enqueue_dma source(%dma_start3A_61 : memref<39x128xi32, #tpu.memory_space<hbm>>) target(%dma_start3A_54 : memref<39x128xi32, #tpu.memory_space<vmem>>) target_semaphore(%run_scoped3A : memref<!tpu.dma_semaphore, #tpu.memory_space<semaphore_mem>>)
      %dma_wait3A = arith.constant 0 : i32
      %dma_wait3A_62 = arith.constant 0 : i32
      %dma_wait3A_63 = tpu.memref_slice %arg7[%dma_wait3A, %dma_wait3A_62] : memref<40x128xi32, #tpu.memory_space<vmem>> -> memref<39x128xi32, #tpu.memory_space<vmem>>
      %dma_wait3A_64 = arith.constant 0 : i32
      %dma_wait3A_65 = arith.constant 0 : i32
      %dma_wait3A_66 = tpu.memref_slice %arg3[%add3A, %dma_wait3A_64, %dma_wait3A_65] : memref<32x79x128xi32, #tpu.memory_space<hbm>> -> memref<1x79x128xi32, #tpu.memory_space<hbm>>
      %dma_wait3A_67 = tpu.memref_squeeze %dma_wait3A_66 : memref<1x79x128xi32, #tpu.memory_space<hbm>> -> memref<79x128xi32, #tpu.memory_space<hbm>>
      %dma_wait3A_68 = arith.constant 40 : i32
      %dma_wait3A_69 = arith.constant 0 : i32
      %dma_wait3A_70 = tpu.memref_slice %dma_wait3A_67[%dma_wait3A_68, %dma_wait3A_69] : memref<79x128xi32, #tpu.memory_space<hbm>> -> memref<39x128xi32, #tpu.memory_space<hbm>>
      %dma_wait3A_71 = arith.constant 0 : i32
      %dma_wait3A_72 = arith.constant 0 : i32
      %dma_wait3A_73 = tpu.memref_slice %arg7[%dma_wait3A_71, %dma_wait3A_72] : memref<40x128xi32, #tpu.memory_space<vmem>> -> memref<39x128xi32, #tpu.memory_space<vmem>>
      %dma_wait3A_74 = arith.constant 0 : i32
      %dma_wait3A_75 = arith.constant 0 : i32
      %dma_wait3A_76 = tpu.memref_slice %arg3[%add3A, %dma_wait3A_74, %dma_wait3A_75] : memref<32x79x128xi32, #tpu.memory_space<hbm>> -> memref<1x79x128xi32, #tpu.memory_space<hbm>>
      %dma_wait3A_77 = tpu.memref_squeeze %dma_wait3A_76 : memref<1x79x128xi32, #tpu.memory_space<hbm>> -> memref<79x128xi32, #tpu.memory_space<hbm>>
      %dma_wait3A_78 = arith.constant 40 : i32
      %dma_wait3A_79 = arith.constant 0 : i32
      %dma_wait3A_80 = tpu.memref_slice %dma_wait3A_77[%dma_wait3A_78, %dma_wait3A_79] : memref<79x128xi32, #tpu.memory_space<hbm>> -> memref<39x128xi32, #tpu.memory_space<hbm>>
      tpu.wait_dma2 semaphore(%run_scoped3A : memref<!tpu.dma_semaphore, #tpu.memory_space<semaphore_mem>>) src(%dma_wait3A_80 : memref<39x128xi32, #tpu.memory_space<hbm>>) dst(%dma_wait3A_73 : memref<39x128xi32, #tpu.memory_space<vmem>>)
      tpu.yield
    }) : () -> ()
    "tpu.region"() ({
      %run_scoped3A = tpu.sem_alloc : memref<!tpu.dma_semaphore, #tpu.memory_space<semaphore_mem>>
      %dma_start3A_42 = arith.constant 0 : i32
      %dma_start3A_43 = arith.constant 0 : i32
      %dma_start3A_44 = tpu.memref_slice %arg8[%dma_start3A_42, %dma_start3A_43] : memref<40x128xi32, #tpu.memory_space<vmem>> -> memref<39x128xi32, #tpu.memory_space<vmem>>
      %dma_start3A_45 = arith.constant 0 : i32
      %dma_start3A_46 = arith.constant 0 : i32
      %dma_start3A_47 = tpu.memref_slice %arg4[%add3A, %dma_start3A_45, %dma_start3A_46] : memref<32x79x128xi32, #tpu.memory_space<hbm>> -> memref<1x79x128xi32, #tpu.memory_space<hbm>>
      %dma_start3A_48 = tpu.memref_squeeze %dma_start3A_47 : memref<1x79x128xi32, #tpu.memory_space<hbm>> -> memref<79x128xi32, #tpu.memory_space<hbm>>
      %dma_start3A_49 = arith.constant 40 : i32
      %dma_start3A_50 = arith.constant 0 : i32
      %dma_start3A_51 = tpu.memref_slice %dma_start3A_48[%dma_start3A_49, %dma_start3A_50] : memref<79x128xi32, #tpu.memory_space<hbm>> -> memref<39x128xi32, #tpu.memory_space<hbm>>
      %dma_start3A_52 = arith.constant 0 : i32
      %dma_start3A_53 = arith.constant 0 : i32
      %dma_start3A_54 = tpu.memref_slice %arg8[%dma_start3A_52, %dma_start3A_53] : memref<40x128xi32, #tpu.memory_space<vmem>> -> memref<39x128xi32, #tpu.memory_space<vmem>>
      %dma_start3A_55 = arith.constant 0 : i32
      %dma_start3A_56 = arith.constant 0 : i32
      %dma_start3A_57 = tpu.memref_slice %arg4[%add3A, %dma_start3A_55, %dma_start3A_56] : memref<32x79x128xi32, #tpu.memory_space<hbm>> -> memref<1x79x128xi32, #tpu.memory_space<hbm>>
      %dma_start3A_58 = tpu.memref_squeeze %dma_start3A_57 : memref<1x79x128xi32, #tpu.memory_space<hbm>> -> memref<79x128xi32, #tpu.memory_space<hbm>>
      %dma_start3A_59 = arith.constant 40 : i32
      %dma_start3A_60 = arith.constant 0 : i32
      %dma_start3A_61 = tpu.memref_slice %dma_start3A_58[%dma_start3A_59, %dma_start3A_60] : memref<79x128xi32, #tpu.memory_space<hbm>> -> memref<39x128xi32, #tpu.memory_space<hbm>>
      tpu.enqueue_dma source(%dma_start3A_61 : memref<39x128xi32, #tpu.memory_space<hbm>>) target(%dma_start3A_54 : memref<39x128xi32, #tpu.memory_space<vmem>>) target_semaphore(%run_scoped3A : memref<!tpu.dma_semaphore, #tpu.memory_space<semaphore_mem>>)
      %dma_wait3A = arith.constant 0 : i32
      %dma_wait3A_62 = arith.constant 0 : i32
      %dma_wait3A_63 = tpu.memref_slice %arg8[%dma_wait3A, %dma_wait3A_62] : memref<40x128xi32, #tpu.memory_space<vmem>> -> memref<39x128xi32, #tpu.memory_space<vmem>>
      %dma_wait3A_64 = arith.constant 0 : i32
      %dma_wait3A_65 = arith.constant 0 : i32
      %dma_wait3A_66 = tpu.memref_slice %arg4[%add3A, %dma_wait3A_64, %dma_wait3A_65] : memref<32x79x128xi32, #tpu.memory_space<hbm>> -> memref<1x79x128xi32, #tpu.memory_space<hbm>>
      %dma_wait3A_67 = tpu.memref_squeeze %dma_wait3A_66 : memref<1x79x128xi32, #tpu.memory_space<hbm>> -> memref<79x128xi32, #tpu.memory_space<hbm>>
      %dma_wait3A_68 = arith.constant 40 : i32
      %dma_wait3A_69 = arith.constant 0 : i32
      %dma_wait3A_70 = tpu.memref_slice %dma_wait3A_67[%dma_wait3A_68, %dma_wait3A_69] : memref<79x128xi32, #tpu.memory_space<hbm>> -> memref<39x128xi32, #tpu.memory_space<hbm>>
      %dma_wait3A_71 = arith.constant 0 : i32
      %dma_wait3A_72 = arith.constant 0 : i32
      %dma_wait3A_73 = tpu.memref_slice %arg8[%dma_wait3A_71, %dma_wait3A_72] : memref<40x128xi32, #tpu.memory_space<vmem>> -> memref<39x128xi32, #tpu.memory_space<vmem>>
      %dma_wait3A_74 = arith.constant 0 : i32
      %dma_wait3A_75 = arith.constant 0 : i32
      %dma_wait3A_76 = tpu.memref_slice %arg4[%add3A, %dma_wait3A_74, %dma_wait3A_75] : memref<32x79x128xi32, #tpu.memory_space<hbm>> -> memref<1x79x128xi32, #tpu.memory_space<hbm>>
      %dma_wait3A_77 = tpu.memref_squeeze %dma_wait3A_76 : memref<1x79x128xi32, #tpu.memory_space<hbm>> -> memref<79x128xi32, #tpu.memory_space<hbm>>
      %dma_wait3A_78 = arith.constant 40 : i32
      %dma_wait3A_79 = arith.constant 0 : i32
      %dma_wait3A_80 = tpu.memref_slice %dma_wait3A_77[%dma_wait3A_78, %dma_wait3A_79] : memref<79x128xi32, #tpu.memory_space<hbm>> -> memref<39x128xi32, #tpu.memory_space<hbm>>
      tpu.wait_dma2 semaphore(%run_scoped3A : memref<!tpu.dma_semaphore, #tpu.memory_space<semaphore_mem>>) src(%dma_wait3A_80 : memref<39x128xi32, #tpu.memory_space<hbm>>) dst(%dma_wait3A_73 : memref<39x128xi32, #tpu.memory_space<vmem>>)
      tpu.yield
    }) : () -> ()
    %dma_start3A_24 = arith.constant 0 : i32
    %dma_start3A_25 = arith.constant 0 : i32
    %dma_start3A_26 = tpu.memref_slice %arg7[%dma_start3A_24, %dma_start3A_25] : memref<40x128xi32, #tpu.memory_space<vmem>> -> memref<1x128xi32, #tpu.memory_space<vmem>>
    %dma_start3A_27 = tpu.memref_squeeze %dma_start3A_26 : memref<1x128xi32, #tpu.memory_space<vmem>> -> memref<128xi32, #tpu.memory_space<vmem>>
    %dma_start3A_28 = arith.constant 0 : i32
    %dma_start3A_29 = arith.constant 0 : i32
    %dma_start3A_30 = tpu.memref_slice %arg2[%dma_start3A_28, %dma_start3A_29] : memref<10112x128xf32, #tpu.memory_space<hbm>> -> memref<10112x128xf32, #tpu.memory_space<hbm>>
    tpu.enqueue_indirect_dma source(%dma_start3A_30 : memref<10112x128xf32, #tpu.memory_space<hbm>>) target(%arg9 : memref<128x128xf32, #tpu.memory_space<vmem>>) offsets(%dma_start3A_27 : memref<128xi32, #tpu.memory_space<vmem>>) semaphore(%arg12 : memref<!tpu.dma_semaphore, #tpu.memory_space<semaphore_mem>>)
    %scan3A_31 = arith.constant 0 : i32
    %scan3A_32 = arith.constant 0 : i32
    %scan3A_33 = arith.constant 20 : i32
    %scan3A_34 = arith.addi %scan3A_32, %scan3A_33 : i32
    %scan3A_35 = arith.constant 1 : i32
    scf.for %scan3A_42 = %scan3A_32 to %scan3A_34 step %scan3A_35  : i32 {
      %mul3A_43 = arith.constant 2 : i32
      %mul3A_44 = arith.muli %mul3A_43, %scan3A_42 : i32
      %add3A_45 = arith.constant 1 : i32
      %add3A_46 = arith.addi %mul3A_44, %add3A_45 : i32
      %lt3A = arith.constant 39 : i32
      %lt3A_47 = arith.cmpi slt, %add3A_46, %lt3A : i32
      %convert_element_type3A = arith.extui %lt3A_47 : i1 to i32
      %cond3A = arith.constant 0 : i32
      %cond3A_48 = arith.cmpi ne, %convert_element_type3A, %cond3A : i32
      scf.if %cond3A_48 {
        %add3A_68 = arith.constant 1 : i32
        %add3A_69 = arith.addi %mul3A_44, %add3A_68 : i32
        %dma_start3A_70 = arith.constant 0 : i32
        %dma_start3A_71 = tpu.memref_slice %arg7[%add3A_69, %dma_start3A_70] : memref<40x128xi32, #tpu.memory_space<vmem>> -> memref<1x128xi32, #tpu.memory_space<vmem>>
        %dma_start3A_72 = tpu.memref_squeeze %dma_start3A_71 : memref<1x128xi32, #tpu.memory_space<vmem>> -> memref<128xi32, #tpu.memory_space<vmem>>
        %dma_start3A_73 = arith.constant 0 : i32
        %dma_start3A_74 = arith.constant 0 : i32
        %dma_start3A_75 = tpu.memref_slice %arg2[%dma_start3A_73, %dma_start3A_74] : memref<10112x128xf32, #tpu.memory_space<hbm>> -> memref<10112x128xf32, #tpu.memory_space<hbm>>
        tpu.enqueue_indirect_dma source(%dma_start3A_75 : memref<10112x128xf32, #tpu.memory_space<hbm>>) target(%arg10 : memref<128x128xf32, #tpu.memory_space<vmem>>) offsets(%dma_start3A_72 : memref<128xi32, #tpu.memory_space<vmem>>) semaphore(%arg13 : memref<!tpu.dma_semaphore, #tpu.memory_space<semaphore_mem>>)
      } else {
      }
      %dma_wait3A = arith.constant 0 : i32
      %dma_wait3A_49 = tpu.memref_slice %arg7[%mul3A_44, %dma_wait3A] : memref<40x128xi32, #tpu.memory_space<vmem>> -> memref<1x128xi32, #tpu.memory_space<vmem>>
      %dma_wait3A_50 = tpu.memref_squeeze %dma_wait3A_49 : memref<1x128xi32, #tpu.memory_space<vmem>> -> memref<128xi32, #tpu.memory_space<vmem>>
      %dma_wait3A_51 = arith.constant 0 : i32
      %dma_wait3A_52 = arith.constant 0 : i32
      %dma_wait3A_53 = tpu.memref_slice %arg2[%dma_wait3A_51, %dma_wait3A_52] : memref<10112x128xf32, #tpu.memory_space<hbm>> -> memref<10112x128xf32, #tpu.memory_space<hbm>>
      tpu.wait_indirect_dma semaphore(%arg12 : memref<!tpu.dma_semaphore, #tpu.memory_space<semaphore_mem>>) src(%dma_wait3A_53 : memref<10112x128xf32, #tpu.memory_space<hbm>>) dst(%arg9 : memref<128x128xf32, #tpu.memory_space<vmem>>)
      "tpu.region"() ({
        %run_scoped3A = tpu.sem_alloc : memref<!tpu.dma_semaphore, #tpu.memory_space<semaphore_mem>>
        %dma_start3A_68 = arith.constant 0 : i32
        %dma_start3A_69 = tpu.memref_slice %arg8[%mul3A_44, %dma_start3A_68] : memref<40x128xi32, #tpu.memory_space<vmem>> -> memref<1x128xi32, #tpu.memory_space<vmem>>
        %dma_start3A_70 = tpu.memref_squeeze %dma_start3A_69 : memref<1x128xi32, #tpu.memory_space<vmem>> -> memref<128xi32, #tpu.memory_space<vmem>>
        %dma_start3A_71 = arith.constant 0 : i32
        %dma_start3A_72 = arith.constant 0 : i32
        %dma_start3A_73 = tpu.memref_slice %arg11[%dma_start3A_71, %dma_start3A_72] : memref<10112x128xf32, #tpu.memory_space<vmem_shared>> -> memref<10112x128xf32, #tpu.memory_space<vmem_shared>>
        tpu.enqueue_indirect_dma source(%arg9 : memref<128x128xf32, #tpu.memory_space<vmem>>) target(%dma_start3A_73 : memref<10112x128xf32, #tpu.memory_space<vmem_shared>>) offsets(%dma_start3A_70 : memref<128xi32, #tpu.memory_space<vmem>>) semaphore(%run_scoped3A : memref<!tpu.dma_semaphore, #tpu.memory_space<semaphore_mem>>) {add = true}
        %dma_wait3A_74 = arith.constant 0 : i32
        %dma_wait3A_75 = tpu.memref_slice %arg8[%mul3A_44, %dma_wait3A_74] : memref<40x128xi32, #tpu.memory_space<vmem>> -> memref<1x128xi32, #tpu.memory_space<vmem>>
        %dma_wait3A_76 = tpu.memref_squeeze %dma_wait3A_75 : memref<1x128xi32, #tpu.memory_space<vmem>> -> memref<128xi32, #tpu.memory_space<vmem>>
        %dma_wait3A_77 = arith.constant 0 : i32
        %dma_wait3A_78 = arith.constant 0 : i32
        %dma_wait3A_79 = tpu.memref_slice %arg11[%dma_wait3A_77, %dma_wait3A_78] : memref<10112x128xf32, #tpu.memory_space<vmem_shared>> -> memref<10112x128xf32, #tpu.memory_space<vmem_shared>>
        tpu.wait_indirect_dma semaphore(%run_scoped3A : memref<!tpu.dma_semaphore, #tpu.memory_space<semaphore_mem>>) src(%arg9 : memref<128x128xf32, #tpu.memory_space<vmem>>) dst(%dma_wait3A_79 : memref<10112x128xf32, #tpu.memory_space<vmem_shared>>)
        tpu.yield
      }) : () -> ()
      %add3A_54 = arith.constant 2 : i32
      %add3A_55 = arith.addi %mul3A_44, %add3A_54 : i32
      %lt3A_56 = arith.constant 39 : i32
      %lt3A_57 = arith.cmpi slt, %add3A_55, %lt3A_56 : i32
      %convert_element_type3A_58 = arith.extui %lt3A_57 : i1 to i32
      %cond3A_59 = arith.constant 0 : i32
      %cond3A_60 = arith.cmpi ne, %convert_element_type3A_58, %cond3A_59 : i32
      scf.if %cond3A_60 {
        %add3A_68 = arith.constant 2 : i32
        %add3A_69 = arith.addi %mul3A_44, %add3A_68 : i32
        %dma_start3A_70 = arith.constant 0 : i32
        %dma_start3A_71 = tpu.memref_slice %arg7[%add3A_69, %dma_start3A_70] : memref<40x128xi32, #tpu.memory_space<vmem>> -> memref<1x128xi32, #tpu.memory_space<vmem>>
        %dma_start3A_72 = tpu.memref_squeeze %dma_start3A_71 : memref<1x128xi32, #tpu.memory_space<vmem>> -> memref<128xi32, #tpu.memory_space<vmem>>
        %dma_start3A_73 = arith.constant 0 : i32
        %dma_start3A_74 = arith.constant 0 : i32
        %dma_start3A_75 = tpu.memref_slice %arg2[%dma_start3A_73, %dma_start3A_74] : memref<10112x128xf32, #tpu.memory_space<hbm>> -> memref<10112x128xf32, #tpu.memory_space<hbm>>
        tpu.enqueue_indirect_dma source(%dma_start3A_75 : memref<10112x128xf32, #tpu.memory_space<hbm>>) target(%arg9 : memref<128x128xf32, #tpu.memory_space<vmem>>) offsets(%dma_start3A_72 : memref<128xi32, #tpu.memory_space<vmem>>) semaphore(%arg12 : memref<!tpu.dma_semaphore, #tpu.memory_space<semaphore_mem>>)
      } else {
      }
      %add3A_61 = arith.constant 1 : i32
      %add3A_62 = arith.addi %mul3A_44, %add3A_61 : i32
      %lt3A_63 = arith.constant 39 : i32
      %lt3A_64 = arith.cmpi slt, %add3A_62, %lt3A_63 : i32
      %convert_element_type3A_65 = arith.extui %lt3A_64 : i1 to i32
      %cond3A_66 = arith.constant 0 : i32
      %cond3A_67 = arith.cmpi ne, %convert_element_type3A_65, %cond3A_66 : i32
      scf.if %cond3A_67 {
        %add3A_68 = arith.constant 1 : i32
        %add3A_69 = arith.addi %mul3A_44, %add3A_68 : i32
        %dma_wait3A_70 = arith.constant 0 : i32
        %dma_wait3A_71 = tpu.memref_slice %arg7[%add3A_69, %dma_wait3A_70] : memref<40x128xi32, #tpu.memory_space<vmem>> -> memref<1x128xi32, #tpu.memory_space<vmem>>
        %dma_wait3A_72 = tpu.memref_squeeze %dma_wait3A_71 : memref<1x128xi32, #tpu.memory_space<vmem>> -> memref<128xi32, #tpu.memory_space<vmem>>
        %dma_wait3A_73 = arith.constant 0 : i32
        %dma_wait3A_74 = arith.constant 0 : i32
        %dma_wait3A_75 = tpu.memref_slice %arg2[%dma_wait3A_73, %dma_wait3A_74] : memref<10112x128xf32, #tpu.memory_space<hbm>> -> memref<10112x128xf32, #tpu.memory_space<hbm>>
        tpu.wait_indirect_dma semaphore(%arg13 : memref<!tpu.dma_semaphore, #tpu.memory_space<semaphore_mem>>) src(%dma_wait3A_75 : memref<10112x128xf32, #tpu.memory_space<hbm>>) dst(%arg10 : memref<128x128xf32, #tpu.memory_space<vmem>>)
        %add3A_76 = arith.constant 1 : i32
        %add3A_77 = arith.addi %mul3A_44, %add3A_76 : i32
        "tpu.region"() ({
          %run_scoped3A = tpu.sem_alloc : memref<!tpu.dma_semaphore, #tpu.memory_space<semaphore_mem>>
          %dma_start3A_78 = arith.constant 0 : i32
          %dma_start3A_79 = tpu.memref_slice %arg8[%add3A_77, %dma_start3A_78] : memref<40x128xi32, #tpu.memory_space<vmem>> -> memref<1x128xi32, #tpu.memory_space<vmem>>
          %dma_start3A_80 = tpu.memref_squeeze %dma_start3A_79 : memref<1x128xi32, #tpu.memory_space<vmem>> -> memref<128xi32, #tpu.memory_space<vmem>>
          %dma_start3A_81 = arith.constant 0 : i32
          %dma_start3A_82 = arith.constant 0 : i32
          %dma_start3A_83 = tpu.memref_slice %arg11[%dma_start3A_81, %dma_start3A_82] : memref<10112x128xf32, #tpu.memory_space<vmem_shared>> -> memref<10112x128xf32, #tpu.memory_space<vmem_shared>>
          tpu.enqueue_indirect_dma source(%arg10 : memref<128x128xf32, #tpu.memory_space<vmem>>) target(%dma_start3A_83 : memref<10112x128xf32, #tpu.memory_space<vmem_shared>>) offsets(%dma_start3A_80 : memref<128xi32, #tpu.memory_space<vmem>>) semaphore(%run_scoped3A : memref<!tpu.dma_semaphore, #tpu.memory_space<semaphore_mem>>) {add = true}
          %dma_wait3A_84 = arith.constant 0 : i32
          %dma_wait3A_85 = tpu.memref_slice %arg8[%add3A_77, %dma_wait3A_84] : memref<40x128xi32, #tpu.memory_space<vmem>> -> memref<1x128xi32, #tpu.memory_space<vmem>>
          %dma_wait3A_86 = tpu.memref_squeeze %dma_wait3A_85 : memref<1x128xi32, #tpu.memory_space<vmem>> -> memref<128xi32, #tpu.memory_space<vmem>>
          %dma_wait3A_87 = arith.constant 0 : i32
          %dma_wait3A_88 = arith.constant 0 : i32
          %dma_wait3A_89 = tpu.memref_slice %arg11[%dma_wait3A_87, %dma_wait3A_88] : memref<10112x128xf32, #tpu.memory_space<vmem_shared>> -> memref<10112x128xf32, #tpu.memory_space<vmem_shared>>
          tpu.wait_indirect_dma semaphore(%run_scoped3A : memref<!tpu.dma_semaphore, #tpu.memory_space<semaphore_mem>>) src(%arg10 : memref<128x128xf32, #tpu.memory_space<vmem>>) dst(%dma_wait3A_89 : memref<10112x128xf32, #tpu.memory_space<vmem_shared>>)
          tpu.yield
        }) : () -> ()
      } else {
      }
    }
    %scan3A_36 = arith.constant 20 : i32
    %barrier3A_37 = arith.constant 0 : index
    tpu.barrier barrier_id(%barrier3A_37)
    %mul3A_38 = arith.constant 632 : i32
    %mul3A_39 = arith.muli %arg1, %mul3A_38 : i32
    %mul3A_40 = arith.constant 632 : i32
    %mul3A_41 = arith.muli %arg1, %mul3A_40 : i32
    "tpu.region"() ({
      %run_scoped3A = tpu.sem_alloc : memref<!tpu.dma_semaphore, #tpu.memory_space<semaphore_mem>>
      %dma_start3A_42 = arith.constant 0 : i32
      %dma_start3A_43 = arith.constant 0 : i32
      %dma_start3A_44 = tpu.memref_slice %arg6[%arg0, %dma_start3A_42, %dma_start3A_43] : memref<2x10112x128xf32, #tpu.memory_space<hbm>> -> memref<1x10112x128xf32, #tpu.memory_space<hbm>>
      %dma_start3A_45 = tpu.memref_squeeze %dma_start3A_44 : memref<1x10112x128xf32, #tpu.memory_space<hbm>> -> memref<10112x128xf32, #tpu.memory_space<hbm>>
      %dma_start3A_46 = arith.constant 0 : i32
      %dma_start3A_47 = tpu.memref_slice %dma_start3A_45[%mul3A_41, %dma_start3A_46] : memref<10112x128xf32, #tpu.memory_space<hbm>> -> memref<632x128xf32, #tpu.memory_space<hbm>>
      %dma_start3A_48 = arith.constant 0 : i32
      %dma_start3A_49 = tpu.memref_slice %arg11[%mul3A_39, %dma_start3A_48] : memref<10112x128xf32, #tpu.memory_space<vmem_shared>> -> memref<632x128xf32, #tpu.memory_space<vmem_shared>>
      tpu.enqueue_dma source(%dma_start3A_49 : memref<632x128xf32, #tpu.memory_space<vmem_shared>>) target(%dma_start3A_47 : memref<632x128xf32, #tpu.memory_space<hbm>>) target_semaphore(%run_scoped3A : memref<!tpu.dma_semaphore, #tpu.memory_space<semaphore_mem>>)
      %dma_wait3A = arith.constant 0 : i32
      %dma_wait3A_50 = arith.constant 0 : i32
      %dma_wait3A_51 = tpu.memref_slice %arg6[%arg0, %dma_wait3A, %dma_wait3A_50] : memref<2x10112x128xf32, #tpu.memory_space<hbm>> -> memref<1x10112x128xf32, #tpu.memory_space<hbm>>
      %dma_wait3A_52 = tpu.memref_squeeze %dma_wait3A_51 : memref<1x10112x128xf32, #tpu.memory_space<hbm>> -> memref<10112x128xf32, #tpu.memory_space<hbm>>
      %dma_wait3A_53 = arith.constant 0 : i32
      %dma_wait3A_54 = tpu.memref_slice %dma_wait3A_52[%mul3A_41, %dma_wait3A_53] : memref<10112x128xf32, #tpu.memory_space<hbm>> -> memref<632x128xf32, #tpu.memory_space<hbm>>
      %dma_wait3A_55 = arith.constant 0 : i32
      %dma_wait3A_56 = tpu.memref_slice %arg11[%mul3A_39, %dma_wait3A_55] : memref<10112x128xf32, #tpu.memory_space<vmem_shared>> -> memref<632x128xf32, #tpu.memory_space<vmem_shared>>
      tpu.wait_dma2 semaphore(%run_scoped3A : memref<!tpu.dma_semaphore, #tpu.memory_space<semaphore_mem>>) src(%dma_wait3A_56 : memref<632x128xf32, #tpu.memory_space<vmem_shared>>) dst(%dma_wait3A_54 : memref<632x128xf32, #tpu.memory_space<hbm>>)
      tpu.yield
    }) : () -> ()
    return
  }
}

#map = affine_map<(d0, d1) -> (0, 0)>
#map1 = affine_map<(d0, d1) -> (0, 0, 0)>
module attributes {stable_mosaic.version = 14 : i64} {
  func.func @scat_kernel(%arg0: i32, %arg1: i32, %arg2: memref<10112x128xf32, #tpu.memory_space<hbm>>, %arg3: memref<32x79x128xi32, #tpu.memory_space<hbm>>, %arg4: memref<32x79x128xi32, #tpu.memory_space<hbm>>, %arg5: memref<128x128xf32, #tpu.memory_space<hbm>>, %arg6: memref<2x10112x128xf32, #tpu.memory_space<hbm>>, %arg7: memref<40x128xi32, #tpu.memory_space<vmem>>, %arg8: memref<40x128xi32, #tpu.memory_space<vmem>>, %arg9: memref<128x128xf32, #tpu.memory_space<vmem>>, %arg10: memref<128x128xf32, #tpu.memory_space<vmem>>, %arg11: memref<10112x128xf32, #tpu.memory_space<vmem_shared>>, %arg12: memref<!tpu.dma_semaphore, #tpu.memory_space<semaphore_mem>>, %arg13: memref<!tpu.dma_semaphore, #tpu.memory_space<semaphore_mem>>) attributes {dimension_semantics = [#tpu.dimension_semantics<core_parallel>, #tpu.dimension_semantics<subcore_parallel>], iteration_bounds = array<i64: 2, 16>, scalar_prefetch = 0 : i64, scratch_operands = 7 : i64, tpu.core_type = #tpu.core_type<sc_vector_subcore>, window_params = [{transform_indices = #map}, {transform_indices = #map1}, {transform_indices = #map1}, {transform_indices = #map}, {transform_indices = #map1}]} {
    %mul3A = arith.constant 2 : i32
    %mul3A_0 = arith.muli %arg1, %mul3A : i32
    %add3A = arith.addi %mul3A_0, %arg0 : i32
    "tpu.region"() ({
      %run_scoped3A = tpu.sem_alloc : memref<!tpu.dma_semaphore, #tpu.memory_space<semaphore_mem>>
      tpu.enqueue_dma source(%arg5 : memref<128x128xf32, #tpu.memory_space<hbm>>) target(%arg9 : memref<128x128xf32, #tpu.memory_space<vmem>>) target_semaphore(%run_scoped3A : memref<!tpu.dma_semaphore, #tpu.memory_space<semaphore_mem>>)
      tpu.wait_dma2 semaphore(%run_scoped3A : memref<!tpu.dma_semaphore, #tpu.memory_space<semaphore_mem>>) src(%arg5 : memref<128x128xf32, #tpu.memory_space<hbm>>) dst(%arg9 : memref<128x128xf32, #tpu.memory_space<vmem>>)
      tpu.yield
    }) : () -> ()
    %mul3A_1 = arith.constant 632 : i32
    %mul3A_2 = arith.muli %arg1, %mul3A_1 : i32
    %add3A_3 = arith.constant 0 : i32
    %add3A_4 = arith.addi %mul3A_2, %add3A_3 : i32
    "tpu.region"() ({
      %run_scoped3A = tpu.sem_alloc : memref<!tpu.dma_semaphore, #tpu.memory_space<semaphore_mem>>
      %dma_start3A_42 = arith.constant 0 : i32
      %dma_start3A_43 = tpu.memref_slice %arg11[%add3A_4, %dma_start3A_42] : memref<10112x128xf32, #tpu.memory_space<vmem_shared>> -> memref<128x128xf32, #tpu.memory_space<vmem_shared>>
      %dma_start3A_44 = arith.constant 0 : i32
      %dma_start3A_45 = tpu.memref_slice %arg11[%add3A_4, %dma_start3A_44] : memref<10112x128xf32, #tpu.memory_space<vmem_shared>> -> memref<128x128xf32, #tpu.memory_space<vmem_shared>>
      tpu.enqueue_dma source(%arg9 : memref<128x128xf32, #tpu.memory_space<vmem>>) target(%dma_start3A_45 : memref<128x128xf32, #tpu.memory_space<vmem_shared>>) target_semaphore(%run_scoped3A : memref<!tpu.dma_semaphore, #tpu.memory_space<semaphore_mem>>)
      %dma_wait3A = arith.constant 0 : i32
      %dma_wait3A_46 = tpu.memref_slice %arg11[%add3A_4, %dma_wait3A] : memref<10112x128xf32, #tpu.memory_space<vmem_shared>> -> memref<128x128xf32, #tpu.memory_space<vmem_shared>>
      %dma_wait3A_47 = arith.constant 0 : i32
      %dma_wait3A_48 = tpu.memref_slice %arg11[%add3A_4, %dma_wait3A_47] : memref<10112x128xf32, #tpu.memory_space<vmem_shared>> -> memref<128x128xf32, #tpu.memory_space<vmem_shared>>
      tpu.wait_dma2 semaphore(%run_scoped3A : memref<!tpu.dma_semaphore, #tpu.memory_space<semaphore_mem>>) src(%arg9 : memref<128x128xf32, #tpu.memory_space<vmem>>) dst(%dma_wait3A_48 : memref<128x128xf32, #tpu.memory_space<vmem_shared>>)
      tpu.yield
    }) : () -> ()
    %add3A_5 = arith.constant 128 : i32
    %add3A_6 = arith.addi %mul3A_2, %add3A_5 : i32
    "tpu.region"() ({
      %run_scoped3A = tpu.sem_alloc : memref<!tpu.dma_semaphore, #tpu.memory_space<semaphore_mem>>
      %dma_start3A_42 = arith.constant 0 : i32
      %dma_start3A_43 = tpu.memref_slice %arg11[%add3A_6, %dma_start3A_42] : memref<10112x128xf32, #tpu.memory_space<vmem_shared>> -> memref<128x128xf32, #tpu.memory_space<vmem_shared>>
      %dma_start3A_44 = arith.constant 0 : i32
      %dma_start3A_45 = tpu.memref_slice %arg11[%add3A_6, %dma_start3A_44] : memref<10112x128xf32, #tpu.memory_space<vmem_shared>> -> memref<128x128xf32, #tpu.memory_space<vmem_shared>>
      tpu.enqueue_dma source(%arg9 : memref<128x128xf32, #tpu.memory_space<vmem>>) target(%dma_start3A_45 : memref<128x128xf32, #tpu.memory_space<vmem_shared>>) target_semaphore(%run_scoped3A : memref<!tpu.dma_semaphore, #tpu.memory_space<semaphore_mem>>)
      %dma_wait3A = arith.constant 0 : i32
      %dma_wait3A_46 = tpu.memref_slice %arg11[%add3A_6, %dma_wait3A] : memref<10112x128xf32, #tpu.memory_space<vmem_shared>> -> memref<128x128xf32, #tpu.memory_space<vmem_shared>>
      %dma_wait3A_47 = arith.constant 0 : i32
      %dma_wait3A_48 = tpu.memref_slice %arg11[%add3A_6, %dma_wait3A_47] : memref<10112x128xf32, #tpu.memory_space<vmem_shared>> -> memref<128x128xf32, #tpu.memory_space<vmem_shared>>
      tpu.wait_dma2 semaphore(%run_scoped3A : memref<!tpu.dma_semaphore, #tpu.memory_space<semaphore_mem>>) src(%arg9 : memref<128x128xf32, #tpu.memory_space<vmem>>) dst(%dma_wait3A_48 : memref<128x128xf32, #tpu.memory_space<vmem_shared>>)
      tpu.yield
    }) : () -> ()
    %add3A_7 = arith.constant 256 : i32
    %add3A_8 = arith.addi %mul3A_2, %add3A_7 : i32
    "tpu.region"() ({
      %run_scoped3A = tpu.sem_alloc : memref<!tpu.dma_semaphore, #tpu.memory_space<semaphore_mem>>
      %dma_start3A_42 = arith.constant 0 : i32
      %dma_start3A_43 = tpu.memref_slice %arg11[%add3A_8, %dma_start3A_42] : memref<10112x128xf32, #tpu.memory_space<vmem_shared>> -> memref<128x128xf32, #tpu.memory_space<vmem_shared>>
      %dma_start3A_44 = arith.constant 0 : i32
      %dma_start3A_45 = tpu.memref_slice %arg11[%add3A_8, %dma_start3A_44] : memref<10112x128xf32, #tpu.memory_space<vmem_shared>> -> memref<128x128xf32, #tpu.memory_space<vmem_shared>>
      tpu.enqueue_dma source(%arg9 : memref<128x128xf32, #tpu.memory_space<vmem>>) target(%dma_start3A_45 : memref<128x128xf32, #tpu.memory_space<vmem_shared>>) target_semaphore(%run_scoped3A : memref<!tpu.dma_semaphore, #tpu.memory_space<semaphore_mem>>)
      %dma_wait3A = arith.constant 0 : i32
      %dma_wait3A_46 = tpu.memref_slice %arg11[%add3A_8, %dma_wait3A] : memref<10112x128xf32, #tpu.memory_space<vmem_shared>> -> memref<128x128xf32, #tpu.memory_space<vmem_shared>>
      %dma_wait3A_47 = arith.constant 0 : i32
      %dma_wait3A_48 = tpu.memref_slice %arg11[%add3A_8, %dma_wait3A_47] : memref<10112x128xf32, #tpu.memory_space<vmem_shared>> -> memref<128x128xf32, #tpu.memory_space<vmem_shared>>
      tpu.wait_dma2 semaphore(%run_scoped3A : memref<!tpu.dma_semaphore, #tpu.memory_space<semaphore_mem>>) src(%arg9 : memref<128x128xf32, #tpu.memory_space<vmem>>) dst(%dma_wait3A_48 : memref<128x128xf32, #tpu.memory_space<vmem_shared>>)
      tpu.yield
    }) : () -> ()
    %add3A_9 = arith.constant 384 : i32
    %add3A_10 = arith.addi %mul3A_2, %add3A_9 : i32
    "tpu.region"() ({
      %run_scoped3A = tpu.sem_alloc : memref<!tpu.dma_semaphore, #tpu.memory_space<semaphore_mem>>
      %dma_start3A_42 = arith.constant 0 : i32
      %dma_start3A_43 = tpu.memref_slice %arg11[%add3A_10, %dma_start3A_42] : memref<10112x128xf32, #tpu.memory_space<vmem_shared>> -> memref<128x128xf32, #tpu.memory_space<vmem_shared>>
      %dma_start3A_44 = arith.constant 0 : i32
      %dma_start3A_45 = tpu.memref_slice %arg11[%add3A_10, %dma_start3A_44] : memref<10112x128xf32, #tpu.memory_space<vmem_shared>> -> memref<128x128xf32, #tpu.memory_space<vmem_shared>>
      tpu.enqueue_dma source(%arg9 : memref<128x128xf32, #tpu.memory_space<vmem>>) target(%dma_start3A_45 : memref<128x128xf32, #tpu.memory_space<vmem_shared>>) target_semaphore(%run_scoped3A : memref<!tpu.dma_semaphore, #tpu.memory_space<semaphore_mem>>)
      %dma_wait3A = arith.constant 0 : i32
      %dma_wait3A_46 = tpu.memref_slice %arg11[%add3A_10, %dma_wait3A] : memref<10112x128xf32, #tpu.memory_space<vmem_shared>> -> memref<128x128xf32, #tpu.memory_space<vmem_shared>>
      %dma_wait3A_47 = arith.constant 0 : i32
      %dma_wait3A_48 = tpu.memref_slice %arg11[%add3A_10, %dma_wait3A_47] : memref<10112x128xf32, #tpu.memory_space<vmem_shared>> -> memref<128x128xf32, #tpu.memory_space<vmem_shared>>
      tpu.wait_dma2 semaphore(%run_scoped3A : memref<!tpu.dma_semaphore, #tpu.memory_space<semaphore_mem>>) src(%arg9 : memref<128x128xf32, #tpu.memory_space<vmem>>) dst(%dma_wait3A_48 : memref<128x128xf32, #tpu.memory_space<vmem_shared>>)
      tpu.yield
    }) : () -> ()
    %add3A_11 = arith.constant 512 : i32
    %add3A_12 = arith.addi %mul3A_2, %add3A_11 : i32
    "tpu.region"() ({
      %run_scoped3A = tpu.sem_alloc : memref<!tpu.dma_semaphore, #tpu.memory_space<semaphore_mem>>
      %dma_start3A_42 = arith.constant 0 : i32
      %dma_start3A_43 = arith.constant 0 : i32
      %dma_start3A_44 = tpu.memref_slice %arg9[%dma_start3A_42, %dma_start3A_43] : memref<128x128xf32, #tpu.memory_space<vmem>> -> memref<120x128xf32, #tpu.memory_space<vmem>>
      %dma_start3A_45 = arith.constant 0 : i32
      %dma_start3A_46 = tpu.memref_slice %arg11[%add3A_12, %dma_start3A_45] : memref<10112x128xf32, #tpu.memory_space<vmem_shared>> -> memref<120x128xf32, #tpu.memory_space<vmem_shared>>
      %dma_start3A_47 = arith.constant 0 : i32
      %dma_start3A_48 = tpu.memref_slice %arg11[%add3A_12, %dma_start3A_47] : memref<10112x128xf32, #tpu.memory_space<vmem_shared>> -> memref<120x128xf32, #tpu.memory_space<vmem_shared>>
      %dma_start3A_49 = arith.constant 0 : i32
      %dma_start3A_50 = arith.constant 0 : i32
      %dma_start3A_51 = tpu.memref_slice %arg9[%dma_start3A_49, %dma_start3A_50] : memref<128x128xf32, #tpu.memory_space<vmem>> -> memref<120x128xf32, #tpu.memory_space<vmem>>
      tpu.enqueue_dma source(%dma_start3A_51 : memref<120x128xf32, #tpu.memory_space<vmem>>) target(%dma_start3A_48 : memref<120x128xf32, #tpu.memory_space<vmem_shared>>) target_semaphore(%run_scoped3A : memref<!tpu.dma_semaphore, #tpu.memory_space<semaphore_mem>>)
      %dma_wait3A = arith.constant 0 : i32
      %dma_wait3A_52 = arith.constant 0 : i32
      %dma_wait3A_53 = tpu.memref_slice %arg9[%dma_wait3A, %dma_wait3A_52] : memref<128x128xf32, #tpu.memory_space<vmem>> -> memref<120x128xf32, #tpu.memory_space<vmem>>
      %dma_wait3A_54 = arith.constant 0 : i32
      %dma_wait3A_55 = tpu.memref_slice %arg11[%add3A_12, %dma_wait3A_54] : memref<10112x128xf32, #tpu.memory_space<vmem_shared>> -> memref<120x128xf32, #tpu.memory_space<vmem_shared>>
      %dma_wait3A_56 = arith.constant 0 : i32
      %dma_wait3A_57 = tpu.memref_slice %arg11[%add3A_12, %dma_wait3A_56] : memref<10112x128xf32, #tpu.memory_space<vmem_shared>> -> memref<120x128xf32, #tpu.memory_space<vmem_shared>>
      %dma_wait3A_58 = arith.constant 0 : i32
      %dma_wait3A_59 = arith.constant 0 : i32
      %dma_wait3A_60 = tpu.memref_slice %arg9[%dma_wait3A_58, %dma_wait3A_59] : memref<128x128xf32, #tpu.memory_space<vmem>> -> memref<120x128xf32, #tpu.memory_space<vmem>>
      tpu.wait_dma2 semaphore(%run_scoped3A : memref<!tpu.dma_semaphore, #tpu.memory_space<semaphore_mem>>) src(%dma_wait3A_60 : memref<120x128xf32, #tpu.memory_space<vmem>>) dst(%dma_wait3A_57 : memref<120x128xf32, #tpu.memory_space<vmem_shared>>)
      tpu.yield
    }) : () -> ()
    %barrier3A = arith.constant 0 : index
    tpu.barrier barrier_id(%barrier3A)
    "tpu.region"() ({
      %run_scoped3A = tpu.sem_alloc : memref<!tpu.dma_semaphore, #tpu.memory_space<semaphore_mem>>
      %dma_start3A_42 = arith.constant 0 : i32
      %dma_start3A_43 = arith.constant 0 : i32
      %dma_start3A_44 = tpu.memref_slice %arg7[%dma_start3A_42, %dma_start3A_43] : memref<40x128xi32, #tpu.memory_space<vmem>> -> memref<40x128xi32, #tpu.memory_space<vmem>>
      %dma_start3A_45 = arith.constant 0 : i32
      %dma_start3A_46 = arith.constant 0 : i32
      %dma_start3A_47 = tpu.memref_slice %arg3[%add3A, %dma_start3A_45, %dma_start3A_46] : memref<32x79x128xi32, #tpu.memory_space<hbm>> -> memref<1x79x128xi32, #tpu.memory_space<hbm>>
      %dma_start3A_48 = tpu.memref_squeeze %dma_start3A_47 : memref<1x79x128xi32, #tpu.memory_space<hbm>> -> memref<79x128xi32, #tpu.memory_space<hbm>>
      %dma_start3A_49 = arith.constant 0 : i32
      %dma_start3A_50 = arith.constant 0 : i32
      %dma_start3A_51 = tpu.memref_slice %dma_start3A_48[%dma_start3A_49, %dma_start3A_50] : memref<79x128xi32, #tpu.memory_space<hbm>> -> memref<40x128xi32, #tpu.memory_space<hbm>>
      %dma_start3A_52 = arith.constant 0 : i32
      %dma_start3A_53 = arith.constant 0 : i32
      %dma_start3A_54 = tpu.memref_slice %arg7[%dma_start3A_52, %dma_start3A_53] : memref<40x128xi32, #tpu.memory_space<vmem>> -> memref<40x128xi32, #tpu.memory_space<vmem>>
      %dma_start3A_55 = arith.constant 0 : i32
      %dma_start3A_56 = arith.constant 0 : i32
      %dma_start3A_57 = tpu.memref_slice %arg3[%add3A, %dma_start3A_55, %dma_start3A_56] : memref<32x79x128xi32, #tpu.memory_space<hbm>> -> memref<1x79x128xi32, #tpu.memory_space<hbm>>
      %dma_start3A_58 = tpu.memref_squeeze %dma_start3A_57 : memref<1x79x128xi32, #tpu.memory_space<hbm>> -> memref<79x128xi32, #tpu.memory_space<hbm>>
      %dma_start3A_59 = arith.constant 0 : i32
      %dma_start3A_60 = arith.constant 0 : i32
      %dma_start3A_61 = tpu.memref_slice %dma_start3A_58[%dma_start3A_59, %dma_start3A_60] : memref<79x128xi32, #tpu.memory_space<hbm>> -> memref<40x128xi32, #tpu.memory_space<hbm>>
      tpu.enqueue_dma source(%dma_start3A_61 : memref<40x128xi32, #tpu.memory_space<hbm>>) target(%dma_start3A_54 : memref<40x128xi32, #tpu.memory_space<vmem>>) target_semaphore(%run_scoped3A : memref<!tpu.dma_semaphore, #tpu.memory_space<semaphore_mem>>)
      %dma_wait3A = arith.constant 0 : i32
      %dma_wait3A_62 = arith.constant 0 : i32
      %dma_wait3A_63 = tpu.memref_slice %arg7[%dma_wait3A, %dma_wait3A_62] : memref<40x128xi32, #tpu.memory_space<vmem>> -> memref<40x128xi32, #tpu.memory_space<vmem>>
      %dma_wait3A_64 = arith.constant 0 : i32
      %dma_wait3A_65 = arith.constant 0 : i32
      %dma_wait3A_66 = tpu.memref_slice %arg3[%add3A, %dma_wait3A_64, %dma_wait3A_65] : memref<32x79x128xi32, #tpu.memory_space<hbm>> -> memref<1x79x128xi32, #tpu.memory_space<hbm>>
      %dma_wait3A_67 = tpu.memref_squeeze %dma_wait3A_66 : memref<1x79x128xi32, #tpu.memory_space<hbm>> -> memref<79x128xi32, #tpu.memory_space<hbm>>
      %dma_wait3A_68 = arith.constant 0 : i32
      %dma_wait3A_69 = arith.constant 0 : i32
      %dma_wait3A_70 = tpu.memref_slice %dma_wait3A_67[%dma_wait3A_68, %dma_wait3A_69] : memref<79x128xi32, #tpu.memory_space<hbm>> -> memref<40x128xi32, #tpu.memory_space<hbm>>
      %dma_wait3A_71 = arith.constant 0 : i32
      %dma_wait3A_72 = arith.constant 0 : i32
      %dma_wait3A_73 = tpu.memref_slice %arg7[%dma_wait3A_71, %dma_wait3A_72] : memref<40x128xi32, #tpu.memory_space<vmem>> -> memref<40x128xi32, #tpu.memory_space<vmem>>
      %dma_wait3A_74 = arith.constant 0 : i32
      %dma_wait3A_75 = arith.constant 0 : i32
      %dma_wait3A_76 = tpu.memref_slice %arg3[%add3A, %dma_wait3A_74, %dma_wait3A_75] : memref<32x79x128xi32, #tpu.memory_space<hbm>> -> memref<1x79x128xi32, #tpu.memory_space<hbm>>
      %dma_wait3A_77 = tpu.memref_squeeze %dma_wait3A_76 : memref<1x79x128xi32, #tpu.memory_space<hbm>> -> memref<79x128xi32, #tpu.memory_space<hbm>>
      %dma_wait3A_78 = arith.constant 0 : i32
      %dma_wait3A_79 = arith.constant 0 : i32
      %dma_wait3A_80 = tpu.memref_slice %dma_wait3A_77[%dma_wait3A_78, %dma_wait3A_79] : memref<79x128xi32, #tpu.memory_space<hbm>> -> memref<40x128xi32, #tpu.memory_space<hbm>>
      tpu.wait_dma2 semaphore(%run_scoped3A : memref<!tpu.dma_semaphore, #tpu.memory_space<semaphore_mem>>) src(%dma_wait3A_80 : memref<40x128xi32, #tpu.memory_space<hbm>>) dst(%dma_wait3A_73 : memref<40x128xi32, #tpu.memory_space<vmem>>)
      tpu.yield
    }) : () -> ()
    "tpu.region"() ({
      %run_scoped3A = tpu.sem_alloc : memref<!tpu.dma_semaphore, #tpu.memory_space<semaphore_mem>>
      %dma_start3A_42 = arith.constant 0 : i32
      %dma_start3A_43 = arith.constant 0 : i32
      %dma_start3A_44 = tpu.memref_slice %arg8[%dma_start3A_42, %dma_start3A_43] : memref<40x128xi32, #tpu.memory_space<vmem>> -> memref<40x128xi32, #tpu.memory_space<vmem>>
      %dma_start3A_45 = arith.constant 0 : i32
      %dma_start3A_46 = arith.constant 0 : i32
      %dma_start3A_47 = tpu.memref_slice %arg4[%add3A, %dma_start3A_45, %dma_start3A_46] : memref<32x79x128xi32, #tpu.memory_space<hbm>> -> memref<1x79x128xi32, #tpu.memory_space<hbm>>
      %dma_start3A_48 = tpu.memref_squeeze %dma_start3A_47 : memref<1x79x128xi32, #tpu.memory_space<hbm>> -> memref<79x128xi32, #tpu.memory_space<hbm>>
      %dma_start3A_49 = arith.constant 0 : i32
      %dma_start3A_50 = arith.constant 0 : i32
      %dma_start3A_51 = tpu.memref_slice %dma_start3A_48[%dma_start3A_49, %dma_start3A_50] : memref<79x128xi32, #tpu.memory_space<hbm>> -> memref<40x128xi32, #tpu.memory_space<hbm>>
      %dma_start3A_52 = arith.constant 0 : i32
      %dma_start3A_53 = arith.constant 0 : i32
      %dma_start3A_54 = tpu.memref_slice %arg8[%dma_start3A_52, %dma_start3A_53] : memref<40x128xi32, #tpu.memory_space<vmem>> -> memref<40x128xi32, #tpu.memory_space<vmem>>
      %dma_start3A_55 = arith.constant 0 : i32
      %dma_start3A_56 = arith.constant 0 : i32
      %dma_start3A_57 = tpu.memref_slice %arg4[%add3A, %dma_start3A_55, %dma_start3A_56] : memref<32x79x128xi32, #tpu.memory_space<hbm>> -> memref<1x79x128xi32, #tpu.memory_space<hbm>>
      %dma_start3A_58 = tpu.memref_squeeze %dma_start3A_57 : memref<1x79x128xi32, #tpu.memory_space<hbm>> -> memref<79x128xi32, #tpu.memory_space<hbm>>
      %dma_start3A_59 = arith.constant 0 : i32
      %dma_start3A_60 = arith.constant 0 : i32
      %dma_start3A_61 = tpu.memref_slice %dma_start3A_58[%dma_start3A_59, %dma_start3A_60] : memref<79x128xi32, #tpu.memory_space<hbm>> -> memref<40x128xi32, #tpu.memory_space<hbm>>
      tpu.enqueue_dma source(%dma_start3A_61 : memref<40x128xi32, #tpu.memory_space<hbm>>) target(%dma_start3A_54 : memref<40x128xi32, #tpu.memory_space<vmem>>) target_semaphore(%run_scoped3A : memref<!tpu.dma_semaphore, #tpu.memory_space<semaphore_mem>>)
      %dma_wait3A = arith.constant 0 : i32
      %dma_wait3A_62 = arith.constant 0 : i32
      %dma_wait3A_63 = tpu.memref_slice %arg8[%dma_wait3A, %dma_wait3A_62] : memref<40x128xi32, #tpu.memory_space<vmem>> -> memref<40x128xi32, #tpu.memory_space<vmem>>
      %dma_wait3A_64 = arith.constant 0 : i32
      %dma_wait3A_65 = arith.constant 0 : i32
      %dma_wait3A_66 = tpu.memref_slice %arg4[%add3A, %dma_wait3A_64, %dma_wait3A_65] : memref<32x79x128xi32, #tpu.memory_space<hbm>> -> memref<1x79x128xi32, #tpu.memory_space<hbm>>
      %dma_wait3A_67 = tpu.memref_squeeze %dma_wait3A_66 : memref<1x79x128xi32, #tpu.memory_space<hbm>> -> memref<79x128xi32, #tpu.memory_space<hbm>>
      %dma_wait3A_68 = arith.constant 0 : i32
      %dma_wait3A_69 = arith.constant 0 : i32
      %dma_wait3A_70 = tpu.memref_slice %dma_wait3A_67[%dma_wait3A_68, %dma_wait3A_69] : memref<79x128xi32, #tpu.memory_space<hbm>> -> memref<40x128xi32, #tpu.memory_space<hbm>>
      %dma_wait3A_71 = arith.constant 0 : i32
      %dma_wait3A_72 = arith.constant 0 : i32
      %dma_wait3A_73 = tpu.memref_slice %arg8[%dma_wait3A_71, %dma_wait3A_72] : memref<40x128xi32, #tpu.memory_space<vmem>> -> memref<40x128xi32, #tpu.memory_space<vmem>>
      %dma_wait3A_74 = arith.constant 0 : i32
      %dma_wait3A_75 = arith.constant 0 : i32
      %dma_wait3A_76 = tpu.memref_slice %arg4[%add3A, %dma_wait3A_74, %dma_wait3A_75] : memref<32x79x128xi32, #tpu.memory_space<hbm>> -> memref<1x79x128xi32, #tpu.memory_space<hbm>>
      %dma_wait3A_77 = tpu.memref_squeeze %dma_wait3A_76 : memref<1x79x128xi32, #tpu.memory_space<hbm>> -> memref<79x128xi32, #tpu.memory_space<hbm>>
      %dma_wait3A_78 = arith.constant 0 : i32
      %dma_wait3A_79 = arith.constant 0 : i32
      %dma_wait3A_80 = tpu.memref_slice %dma_wait3A_77[%dma_wait3A_78, %dma_wait3A_79] : memref<79x128xi32, #tpu.memory_space<hbm>> -> memref<40x128xi32, #tpu.memory_space<hbm>>
      tpu.wait_dma2 semaphore(%run_scoped3A : memref<!tpu.dma_semaphore, #tpu.memory_space<semaphore_mem>>) src(%dma_wait3A_80 : memref<40x128xi32, #tpu.memory_space<hbm>>) dst(%dma_wait3A_73 : memref<40x128xi32, #tpu.memory_space<vmem>>)
      tpu.yield
    }) : () -> ()
    %dma_start3A = arith.constant 0 : i32
    %dma_start3A_13 = arith.constant 0 : i32
    %dma_start3A_14 = tpu.memref_slice %arg7[%dma_start3A, %dma_start3A_13] : memref<40x128xi32, #tpu.memory_space<vmem>> -> memref<1x128xi32, #tpu.memory_space<vmem>>
    %dma_start3A_15 = tpu.memref_squeeze %dma_start3A_14 : memref<1x128xi32, #tpu.memory_space<vmem>> -> memref<128xi32, #tpu.memory_space<vmem>>
    %dma_start3A_16 = arith.constant 0 : i32
    %dma_start3A_17 = arith.constant 0 : i32
    %dma_start3A_18 = tpu.memref_slice %arg2[%dma_start3A_16, %dma_start3A_17] : memref<10112x128xf32, #tpu.memory_space<hbm>> -> memref<10112x128xf32, #tpu.memory_space<hbm>>
    tpu.enqueue_indirect_dma source(%dma_start3A_18 : memref<10112x128xf32, #tpu.memory_space<hbm>>) target(%arg9 : memref<128x128xf32, #tpu.memory_space<vmem>>) offsets(%dma_start3A_15 : memref<128xi32, #tpu.memory_space<vmem>>) semaphore(%arg12 : memref<!tpu.dma_semaphore, #tpu.memory_space<semaphore_mem>>)
    %scan3A = arith.constant 0 : i32
    %scan3A_19 = arith.constant 0 : i32
    %scan3A_20 = arith.constant 20 : i32
    %scan3A_21 = arith.addi %scan3A_19, %scan3A_20 : i32
    %scan3A_22 = arith.constant 1 : i32
    scf.for %scan3A_42 = %scan3A_19 to %scan3A_21 step %scan3A_22  : i32 {
      %mul3A_43 = arith.constant 2 : i32
      %mul3A_44 = arith.muli %mul3A_43, %scan3A_42 : i32
      %add3A_45 = arith.constant 1 : i32
      %add3A_46 = arith.addi %mul3A_44, %add3A_45 : i32
      %lt3A = arith.constant 40 : i32
      %lt3A_47 = arith.cmpi slt, %add3A_46, %lt3A : i32
      %convert_element_type3A = arith.extui %lt3A_47 : i1 to i32
      %cond3A = arith.constant 0 : i32
      %cond3A_48 = arith.cmpi ne, %convert_element_type3A, %cond3A : i32
      scf.if %cond3A_48 {
        %add3A_68 = arith.constant 1 : i32
        %add3A_69 = arith.addi %mul3A_44, %add3A_68 : i32
        %dma_start3A_70 = arith.constant 0 : i32
        %dma_start3A_71 = tpu.memref_slice %arg7[%add3A_69, %dma_start3A_70] : memref<40x128xi32, #tpu.memory_space<vmem>> -> memref<1x128xi32, #tpu.memory_space<vmem>>
        %dma_start3A_72 = tpu.memref_squeeze %dma_start3A_71 : memref<1x128xi32, #tpu.memory_space<vmem>> -> memref<128xi32, #tpu.memory_space<vmem>>
        %dma_start3A_73 = arith.constant 0 : i32
        %dma_start3A_74 = arith.constant 0 : i32
        %dma_start3A_75 = tpu.memref_slice %arg2[%dma_start3A_73, %dma_start3A_74] : memref<10112x128xf32, #tpu.memory_space<hbm>> -> memref<10112x128xf32, #tpu.memory_space<hbm>>
        tpu.enqueue_indirect_dma source(%dma_start3A_75 : memref<10112x128xf32, #tpu.memory_space<hbm>>) target(%arg10 : memref<128x128xf32, #tpu.memory_space<vmem>>) offsets(%dma_start3A_72 : memref<128xi32, #tpu.memory_space<vmem>>) semaphore(%arg13 : memref<!tpu.dma_semaphore, #tpu.memory_space<semaphore_mem>>)
      } else {
      }
      %dma_wait3A = arith.constant 0 : i32
      %dma_wait3A_49 = tpu.memref_slice %arg7[%mul3A_44, %dma_wait3A] : memref<40x128xi32, #tpu.memory_space<vmem>> -> memref<1x128xi32, #tpu.memory_space<vmem>>
      %dma_wait3A_50 = tpu.memref_squeeze %dma_wait3A_49 : memref<1x128xi32, #tpu.memory_space<vmem>> -> memref<128xi32, #tpu.memory_space<vmem>>
      %dma_wait3A_51 = arith.constant 0 : i32
      %dma_wait3A_52 = arith.constant 0 : i32
      %dma_wait3A_53 = tpu.memref_slice %arg2[%dma_wait3A_51, %dma_wait3A_52] : memref<10112x128xf32, #tpu.memory_space<hbm>> -> memref<10112x128xf32, #tpu.memory_space<hbm>>
      tpu.wait_indirect_dma semaphore(%arg12 : memref<!tpu.dma_semaphore, #tpu.memory_space<semaphore_mem>>) src(%dma_wait3A_53 : memref<10112x128xf32, #tpu.memory_space<hbm>>) dst(%arg9 : memref<128x128xf32, #tpu.memory_space<vmem>>)
      "tpu.region"() ({
        %run_scoped3A = tpu.sem_alloc : memref<!tpu.dma_semaphore, #tpu.memory_space<semaphore_mem>>
        %dma_start3A_68 = arith.constant 0 : i32
        %dma_start3A_69 = tpu.memref_slice %arg8[%mul3A_44, %dma_start3A_68] : memref<40x128xi32, #tpu.memory_space<vmem>> -> memref<1x128xi32, #tpu.memory_space<vmem>>
        %dma_start3A_70 = tpu.memref_squeeze %dma_start3A_69 : memref<1x128xi32, #tpu.memory_space<vmem>> -> memref<128xi32, #tpu.memory_space<vmem>>
        %dma_start3A_71 = arith.constant 0 : i32
        %dma_start3A_72 = arith.constant 0 : i32
        %dma_start3A_73 = tpu.memref_slice %arg11[%dma_start3A_71, %dma_start3A_72] : memref<10112x128xf32, #tpu.memory_space<vmem_shared>> -> memref<10112x128xf32, #tpu.memory_space<vmem_shared>>
        tpu.enqueue_indirect_dma source(%arg9 : memref<128x128xf32, #tpu.memory_space<vmem>>) target(%dma_start3A_73 : memref<10112x128xf32, #tpu.memory_space<vmem_shared>>) offsets(%dma_start3A_70 : memref<128xi32, #tpu.memory_space<vmem>>) semaphore(%run_scoped3A : memref<!tpu.dma_semaphore, #tpu.memory_space<semaphore_mem>>) {add = true}
        %dma_wait3A_74 = arith.constant 0 : i32
        %dma_wait3A_75 = tpu.memref_slice %arg8[%mul3A_44, %dma_wait3A_74] : memref<40x128xi32, #tpu.memory_space<vmem>> -> memref<1x128xi32, #tpu.memory_space<vmem>>
        %dma_wait3A_76 = tpu.memref_squeeze %dma_wait3A_75 : memref<1x128xi32, #tpu.memory_space<vmem>> -> memref<128xi32, #tpu.memory_space<vmem>>
        %dma_wait3A_77 = arith.constant 0 : i32
        %dma_wait3A_78 = arith.constant 0 : i32
        %dma_wait3A_79 = tpu.memref_slice %arg11[%dma_wait3A_77, %dma_wait3A_78] : memref<10112x128xf32, #tpu.memory_space<vmem_shared>> -> memref<10112x128xf32, #tpu.memory_space<vmem_shared>>
        tpu.wait_indirect_dma semaphore(%run_scoped3A : memref<!tpu.dma_semaphore, #tpu.memory_space<semaphore_mem>>) src(%arg9 : memref<128x128xf32, #tpu.memory_space<vmem>>) dst(%dma_wait3A_79 : memref<10112x128xf32, #tpu.memory_space<vmem_shared>>)
        tpu.yield
      }) : () -> ()
      %add3A_54 = arith.constant 2 : i32
      %add3A_55 = arith.addi %mul3A_44, %add3A_54 : i32
      %lt3A_56 = arith.constant 40 : i32
      %lt3A_57 = arith.cmpi slt, %add3A_55, %lt3A_56 : i32
      %convert_element_type3A_58 = arith.extui %lt3A_57 : i1 to i32
      %cond3A_59 = arith.constant 0 : i32
      %cond3A_60 = arith.cmpi ne, %convert_element_type3A_58, %cond3A_59 : i32
      scf.if %cond3A_60 {
        %add3A_68 = arith.constant 2 : i32
        %add3A_69 = arith.addi %mul3A_44, %add3A_68 : i32
        %dma_start3A_70 = arith.constant 0 : i32
        %dma_start3A_71 = tpu.memref_slice %arg7[%add3A_69, %dma_start3A_70] : memref<40x128xi32, #tpu.memory_space<vmem>> -> memref<1x128xi32, #tpu.memory_space<vmem>>
        %dma_start3A_72 = tpu.memref_squeeze %dma_start3A_71 : memref<1x128xi32, #tpu.memory_space<vmem>> -> memref<128xi32, #tpu.memory_space<vmem>>
        %dma_start3A_73 = arith.constant 0 : i32
        %dma_start3A_74 = arith.constant 0 : i32
        %dma_start3A_75 = tpu.memref_slice %arg2[%dma_start3A_73, %dma_start3A_74] : memref<10112x128xf32, #tpu.memory_space<hbm>> -> memref<10112x128xf32, #tpu.memory_space<hbm>>
        tpu.enqueue_indirect_dma source(%dma_start3A_75 : memref<10112x128xf32, #tpu.memory_space<hbm>>) target(%arg9 : memref<128x128xf32, #tpu.memory_space<vmem>>) offsets(%dma_start3A_72 : memref<128xi32, #tpu.memory_space<vmem>>) semaphore(%arg12 : memref<!tpu.dma_semaphore, #tpu.memory_space<semaphore_mem>>)
      } else {
      }
      %add3A_61 = arith.constant 1 : i32
      %add3A_62 = arith.addi %mul3A_44, %add3A_61 : i32
      %lt3A_63 = arith.constant 40 : i32
      %lt3A_64 = arith.cmpi slt, %add3A_62, %lt3A_63 : i32
      %convert_element_type3A_65 = arith.extui %lt3A_64 : i1 to i32
      %cond3A_66 = arith.constant 0 : i32
      %cond3A_67 = arith.cmpi ne, %convert_element_type3A_65, %cond3A_66 : i32
      scf.if %cond3A_67 {
        %add3A_68 = arith.constant 1 : i32
        %add3A_69 = arith.addi %mul3A_44, %add3A_68 : i32
        %dma_wait3A_70 = arith.constant 0 : i32
        %dma_wait3A_71 = tpu.memref_slice %arg7[%add3A_69, %dma_wait3A_70] : memref<40x128xi32, #tpu.memory_space<vmem>> -> memref<1x128xi32, #tpu.memory_space<vmem>>
        %dma_wait3A_72 = tpu.memref_squeeze %dma_wait3A_71 : memref<1x128xi32, #tpu.memory_space<vmem>> -> memref<128xi32, #tpu.memory_space<vmem>>
        %dma_wait3A_73 = arith.constant 0 : i32
        %dma_wait3A_74 = arith.constant 0 : i32
        %dma_wait3A_75 = tpu.memref_slice %arg2[%dma_wait3A_73, %dma_wait3A_74] : memref<10112x128xf32, #tpu.memory_space<hbm>> -> memref<10112x128xf32, #tpu.memory_space<hbm>>
        tpu.wait_indirect_dma semaphore(%arg13 : memref<!tpu.dma_semaphore, #tpu.memory_space<semaphore_mem>>) src(%dma_wait3A_75 : memref<10112x128xf32, #tpu.memory_space<hbm>>) dst(%arg10 : memref<128x128xf32, #tpu.memory_space<vmem>>)
        %add3A_76 = arith.constant 1 : i32
        %add3A_77 = arith.addi %mul3A_44, %add3A_76 : i32
        "tpu.region"() ({
          %run_scoped3A = tpu.sem_alloc : memref<!tpu.dma_semaphore, #tpu.memory_space<semaphore_mem>>
          %dma_start3A_78 = arith.constant 0 : i32
          %dma_start3A_79 = tpu.memref_slice %arg8[%add3A_77, %dma_start3A_78] : memref<40x128xi32, #tpu.memory_space<vmem>> -> memref<1x128xi32, #tpu.memory_space<vmem>>
          %dma_start3A_80 = tpu.memref_squeeze %dma_start3A_79 : memref<1x128xi32, #tpu.memory_space<vmem>> -> memref<128xi32, #tpu.memory_space<vmem>>
          %dma_start3A_81 = arith.constant 0 : i32
          %dma_start3A_82 = arith.constant 0 : i32
          %dma_start3A_83 = tpu.memref_slice %arg11[%dma_start3A_81, %dma_start3A_82] : memref<10112x128xf32, #tpu.memory_space<vmem_shared>> -> memref<10112x128xf32, #tpu.memory_space<vmem_shared>>
          tpu.enqueue_indirect_dma source(%arg10 : memref<128x128xf32, #tpu.memory_space<vmem>>) target(%dma_start3A_83 : memref<10112x128xf32, #tpu.memory_space<vmem_shared>>) offsets(%dma_start3A_80 : memref<128xi32, #tpu.memory_space<vmem>>) semaphore(%run_scoped3A : memref<!tpu.dma_semaphore, #tpu.memory_space<semaphore_mem>>) {add = true}
          %dma_wait3A_84 = arith.constant 0 : i32
          %dma_wait3A_85 = tpu.memref_slice %arg8[%add3A_77, %dma_wait3A_84] : memref<40x128xi32, #tpu.memory_space<vmem>> -> memref<1x128xi32, #tpu.memory_space<vmem>>
          %dma_wait3A_86 = tpu.memref_squeeze %dma_wait3A_85 : memref<1x128xi32, #tpu.memory_space<vmem>> -> memref<128xi32, #tpu.memory_space<vmem>>
          %dma_wait3A_87 = arith.constant 0 : i32
          %dma_wait3A_88 = arith.constant 0 : i32
          %dma_wait3A_89 = tpu.memref_slice %arg11[%dma_wait3A_87, %dma_wait3A_88] : memref<10112x128xf32, #tpu.memory_space<vmem_shared>> -> memref<10112x128xf32, #tpu.memory_space<vmem_shared>>
          tpu.wait_indirect_dma semaphore(%run_scoped3A : memref<!tpu.dma_semaphore, #tpu.memory_space<semaphore_mem>>) src(%arg10 : memref<128x128xf32, #tpu.memory_space<vmem>>) dst(%dma_wait3A_89 : memref<10112x128xf32, #tpu.memory_space<vmem_shared>>)
          tpu.yield
        }) : () -> ()
      } else {
      }
    }
    %scan3A_23 = arith.constant 20 : i32
    "tpu.region"() ({
      %run_scoped3A = tpu.sem_alloc : memref<!tpu.dma_semaphore, #tpu.memory_space<semaphore_mem>>
      %dma_start3A_42 = arith.constant 0 : i32
      %dma_start3A_43 = arith.constant 0 : i32
      %dma_start3A_44 = tpu.memref_slice %arg7[%dma_start3A_42, %dma_start3A_43] : memref<40x128xi32, #tpu.memory_space<vmem>> -> memref<39x128xi32, #tpu.memory_space<vmem>>
      %dma_start3A_45 = arith.constant 0 : i32
      %dma_start3A_46 = arith.constant 0 : i32
      %dma_start3A_47 = tpu.memref_slice %arg3[%add3A, %dma_start3A_45, %dma_start3A_46] : memref<32x79x128xi32, #tpu.memory_space<hbm>> -> memref<1x79x128xi32, #tpu.memory_space<hbm>>
      %dma_start3A_48 = tpu.memref_squeeze %dma_start3A_47 : memref<1x79x128xi32, #tpu.memory_space<hbm>> -> memref<79x128xi32, #tpu.memory_space<hbm>>
      %dma_start3A_49 = arith.constant 40 : i32
      %dma_start3A_50 = arith.constant 0 : i32
      %dma_start3A_51 = tpu.memref_slice %dma_start3A_48[%dma_start3A_49, %dma_start3A_50] : memref<79x128xi32, #tpu.memory_space<hbm>> -> memref<39x128xi32, #tpu.memory_space<hbm>>
      %dma_start3A_52 = arith.constant 0 : i32
      %dma_start3A_53 = arith.constant 0 : i32
      %dma_start3A_54 = tpu.memref_slice %arg7[%dma_start3A_52, %dma_start3A_53] : memref<40x128xi32, #tpu.memory_space<vmem>> -> memref<39x128xi32, #tpu.memory_space<vmem>>
      %dma_start3A_55 = arith.constant 0 : i32
      %dma_start3A_56 = arith.constant 0 : i32
      %dma_start3A_57 = tpu.memref_slice %arg3[%add3A, %dma_start3A_55, %dma_start3A_56] : memref<32x79x128xi32, #tpu.memory_space<hbm>> -> memref<1x79x128xi32, #tpu.memory_space<hbm>>
      %dma_start3A_58 = tpu.memref_squeeze %dma_start3A_57 : memref<1x79x128xi32, #tpu.memory_space<hbm>> -> memref<79x128xi32, #tpu.memory_space<hbm>>
      %dma_start3A_59 = arith.constant 40 : i32
      %dma_start3A_60 = arith.constant 0 : i32
      %dma_start3A_61 = tpu.memref_slice %dma_start3A_58[%dma_start3A_59, %dma_start3A_60] : memref<79x128xi32, #tpu.memory_space<hbm>> -> memref<39x128xi32, #tpu.memory_space<hbm>>
      tpu.enqueue_dma source(%dma_start3A_61 : memref<39x128xi32, #tpu.memory_space<hbm>>) target(%dma_start3A_54 : memref<39x128xi32, #tpu.memory_space<vmem>>) target_semaphore(%run_scoped3A : memref<!tpu.dma_semaphore, #tpu.memory_space<semaphore_mem>>)
      %dma_wait3A = arith.constant 0 : i32
      %dma_wait3A_62 = arith.constant 0 : i32
      %dma_wait3A_63 = tpu.memref_slice %arg7[%dma_wait3A, %dma_wait3A_62] : memref<40x128xi32, #tpu.memory_space<vmem>> -> memref<39x128xi32, #tpu.memory_space<vmem>>
      %dma_wait3A_64 = arith.constant 0 : i32
      %dma_wait3A_65 = arith.constant 0 : i32
      %dma_wait3A_66 = tpu.memref_slice %arg3[%add3A, %dma_wait3A_64, %dma_wait3A_65] : memref<32x79x128xi32, #tpu.memory_space<hbm>> -> memref<1x79x128xi32, #tpu.memory_space<hbm>>
      %dma_wait3A_67 = tpu.memref_squeeze %dma_wait3A_66 : memref<1x79x128xi32, #tpu.memory_space<hbm>> -> memref<79x128xi32, #tpu.memory_space<hbm>>
      %dma_wait3A_68 = arith.constant 40 : i32
      %dma_wait3A_69 = arith.constant 0 : i32
      %dma_wait3A_70 = tpu.memref_slice %dma_wait3A_67[%dma_wait3A_68, %dma_wait3A_69] : memref<79x128xi32, #tpu.memory_space<hbm>> -> memref<39x128xi32, #tpu.memory_space<hbm>>
      %dma_wait3A_71 = arith.constant 0 : i32
      %dma_wait3A_72 = arith.constant 0 : i32
      %dma_wait3A_73 = tpu.memref_slice %arg7[%dma_wait3A_71, %dma_wait3A_72] : memref<40x128xi32, #tpu.memory_space<vmem>> -> memref<39x128xi32, #tpu.memory_space<vmem>>
      %dma_wait3A_74 = arith.constant 0 : i32
      %dma_wait3A_75 = arith.constant 0 : i32
      %dma_wait3A_76 = tpu.memref_slice %arg3[%add3A, %dma_wait3A_74, %dma_wait3A_75] : memref<32x79x128xi32, #tpu.memory_space<hbm>> -> memref<1x79x128xi32, #tpu.memory_space<hbm>>
      %dma_wait3A_77 = tpu.memref_squeeze %dma_wait3A_76 : memref<1x79x128xi32, #tpu.memory_space<hbm>> -> memref<79x128xi32, #tpu.memory_space<hbm>>
      %dma_wait3A_78 = arith.constant 40 : i32
      %dma_wait3A_79 = arith.constant 0 : i32
      %dma_wait3A_80 = tpu.memref_slice %dma_wait3A_77[%dma_wait3A_78, %dma_wait3A_79] : memref<79x128xi32, #tpu.memory_space<hbm>> -> memref<39x128xi32, #tpu.memory_space<hbm>>
      tpu.wait_dma2 semaphore(%run_scoped3A : memref<!tpu.dma_semaphore, #tpu.memory_space<semaphore_mem>>) src(%dma_wait3A_80 : memref<39x128xi32, #tpu.memory_space<hbm>>) dst(%dma_wait3A_73 : memref<39x128xi32, #tpu.memory_space<vmem>>)
      tpu.yield
    }) : () -> ()
    "tpu.region"() ({
      %run_scoped3A = tpu.sem_alloc : memref<!tpu.dma_semaphore, #tpu.memory_space<semaphore_mem>>
      %dma_start3A_42 = arith.constant 0 : i32
      %dma_start3A_43 = arith.constant 0 : i32
      %dma_start3A_44 = tpu.memref_slice %arg8[%dma_start3A_42, %dma_start3A_43] : memref<40x128xi32, #tpu.memory_space<vmem>> -> memref<39x128xi32, #tpu.memory_space<vmem>>
      %dma_start3A_45 = arith.constant 0 : i32
      %dma_start3A_46 = arith.constant 0 : i32
      %dma_start3A_47 = tpu.memref_slice %arg4[%add3A, %dma_start3A_45, %dma_start3A_46] : memref<32x79x128xi32, #tpu.memory_space<hbm>> -> memref<1x79x128xi32, #tpu.memory_space<hbm>>
      %dma_start3A_48 = tpu.memref_squeeze %dma_start3A_47 : memref<1x79x128xi32, #tpu.memory_space<hbm>> -> memref<79x128xi32, #tpu.memory_space<hbm>>
      %dma_start3A_49 = arith.constant 40 : i32
      %dma_start3A_50 = arith.constant 0 : i32
      %dma_start3A_51 = tpu.memref_slice %dma_start3A_48[%dma_start3A_49, %dma_start3A_50] : memref<79x128xi32, #tpu.memory_space<hbm>> -> memref<39x128xi32, #tpu.memory_space<hbm>>
      %dma_start3A_52 = arith.constant 0 : i32
      %dma_start3A_53 = arith.constant 0 : i32
      %dma_start3A_54 = tpu.memref_slice %arg8[%dma_start3A_52, %dma_start3A_53] : memref<40x128xi32, #tpu.memory_space<vmem>> -> memref<39x128xi32, #tpu.memory_space<vmem>>
      %dma_start3A_55 = arith.constant 0 : i32
      %dma_start3A_56 = arith.constant 0 : i32
      %dma_start3A_57 = tpu.memref_slice %arg4[%add3A, %dma_start3A_55, %dma_start3A_56] : memref<32x79x128xi32, #tpu.memory_space<hbm>> -> memref<1x79x128xi32, #tpu.memory_space<hbm>>
      %dma_start3A_58 = tpu.memref_squeeze %dma_start3A_57 : memref<1x79x128xi32, #tpu.memory_space<hbm>> -> memref<79x128xi32, #tpu.memory_space<hbm>>
      %dma_start3A_59 = arith.constant 40 : i32
      %dma_start3A_60 = arith.constant 0 : i32
      %dma_start3A_61 = tpu.memref_slice %dma_start3A_58[%dma_start3A_59, %dma_start3A_60] : memref<79x128xi32, #tpu.memory_space<hbm>> -> memref<39x128xi32, #tpu.memory_space<hbm>>
      tpu.enqueue_dma source(%dma_start3A_61 : memref<39x128xi32, #tpu.memory_space<hbm>>) target(%dma_start3A_54 : memref<39x128xi32, #tpu.memory_space<vmem>>) target_semaphore(%run_scoped3A : memref<!tpu.dma_semaphore, #tpu.memory_space<semaphore_mem>>)
      %dma_wait3A = arith.constant 0 : i32
      %dma_wait3A_62 = arith.constant 0 : i32
      %dma_wait3A_63 = tpu.memref_slice %arg8[%dma_wait3A, %dma_wait3A_62] : memref<40x128xi32, #tpu.memory_space<vmem>> -> memref<39x128xi32, #tpu.memory_space<vmem>>
      %dma_wait3A_64 = arith.constant 0 : i32
      %dma_wait3A_65 = arith.constant 0 : i32
      %dma_wait3A_66 = tpu.memref_slice %arg4[%add3A, %dma_wait3A_64, %dma_wait3A_65] : memref<32x79x128xi32, #tpu.memory_space<hbm>> -> memref<1x79x128xi32, #tpu.memory_space<hbm>>
      %dma_wait3A_67 = tpu.memref_squeeze %dma_wait3A_66 : memref<1x79x128xi32, #tpu.memory_space<hbm>> -> memref<79x128xi32, #tpu.memory_space<hbm>>
      %dma_wait3A_68 = arith.constant 40 : i32
      %dma_wait3A_69 = arith.constant 0 : i32
      %dma_wait3A_70 = tpu.memref_slice %dma_wait3A_67[%dma_wait3A_68, %dma_wait3A_69] : memref<79x128xi32, #tpu.memory_space<hbm>> -> memref<39x128xi32, #tpu.memory_space<hbm>>
      %dma_wait3A_71 = arith.constant 0 : i32
      %dma_wait3A_72 = arith.constant 0 : i32
      %dma_wait3A_73 = tpu.memref_slice %arg8[%dma_wait3A_71, %dma_wait3A_72] : memref<40x128xi32, #tpu.memory_space<vmem>> -> memref<39x128xi32, #tpu.memory_space<vmem>>
      %dma_wait3A_74 = arith.constant 0 : i32
      %dma_wait3A_75 = arith.constant 0 : i32
      %dma_wait3A_76 = tpu.memref_slice %arg4[%add3A, %dma_wait3A_74, %dma_wait3A_75] : memref<32x79x128xi32, #tpu.memory_space<hbm>> -> memref<1x79x128xi32, #tpu.memory_space<hbm>>
      %dma_wait3A_77 = tpu.memref_squeeze %dma_wait3A_76 : memref<1x79x128xi32, #tpu.memory_space<hbm>> -> memref<79x128xi32, #tpu.memory_space<hbm>>
      %dma_wait3A_78 = arith.constant 40 : i32
      %dma_wait3A_79 = arith.constant 0 : i32
      %dma_wait3A_80 = tpu.memref_slice %dma_wait3A_77[%dma_wait3A_78, %dma_wait3A_79] : memref<79x128xi32, #tpu.memory_space<hbm>> -> memref<39x128xi32, #tpu.memory_space<hbm>>
      tpu.wait_dma2 semaphore(%run_scoped3A : memref<!tpu.dma_semaphore, #tpu.memory_space<semaphore_mem>>) src(%dma_wait3A_80 : memref<39x128xi32, #tpu.memory_space<hbm>>) dst(%dma_wait3A_73 : memref<39x128xi32, #tpu.memory_space<vmem>>)
      tpu.yield
    }) : () -> ()
    %dma_start3A_24 = arith.constant 0 : i32
    %dma_start3A_25 = arith.constant 0 : i32
    %dma_start3A_26 = tpu.memref_slice %arg7[%dma_start3A_24, %dma_start3A_25] : memref<40x128xi32, #tpu.memory_space<vmem>> -> memref<1x128xi32, #tpu.memory_space<vmem>>
    %dma_start3A_27 = tpu.memref_squeeze %dma_start3A_26 : memref<1x128xi32, #tpu.memory_space<vmem>> -> memref<128xi32, #tpu.memory_space<vmem>>
    %dma_start3A_28 = arith.constant 0 : i32
    %dma_start3A_29 = arith.constant 0 : i32
    %dma_start3A_30 = tpu.memref_slice %arg2[%dma_start3A_28, %dma_start3A_29] : memref<10112x128xf32, #tpu.memory_space<hbm>> -> memref<10112x128xf32, #tpu.memory_space<hbm>>
    tpu.enqueue_indirect_dma source(%dma_start3A_30 : memref<10112x128xf32, #tpu.memory_space<hbm>>) target(%arg9 : memref<128x128xf32, #tpu.memory_space<vmem>>) offsets(%dma_start3A_27 : memref<128xi32, #tpu.memory_space<vmem>>) semaphore(%arg12 : memref<!tpu.dma_semaphore, #tpu.memory_space<semaphore_mem>>)
    %scan3A_31 = arith.constant 0 : i32
    %scan3A_32 = arith.constant 0 : i32
    %scan3A_33 = arith.constant 20 : i32
    %scan3A_34 = arith.addi %scan3A_32, %scan3A_33 : i32
    %scan3A_35 = arith.constant 1 : i32
    scf.for %scan3A_42 = %scan3A_32 to %scan3A_34 step %scan3A_35  : i32 {
      %mul3A_43 = arith.constant 2 : i32
      %mul3A_44 = arith.muli %mul3A_43, %scan3A_42 : i32
      %add3A_45 = arith.constant 1 : i32
      %add3A_46 = arith.addi %mul3A_44, %add3A_45 : i32
      %lt3A = arith.constant 39 : i32
      %lt3A_47 = arith.cmpi slt, %add3A_46, %lt3A : i32
      %convert_element_type3A = arith.extui %lt3A_47 : i1 to i32
      %cond3A = arith.constant 0 : i32
      %cond3A_48 = arith.cmpi ne, %convert_element_type3A, %cond3A : i32
      scf.if %cond3A_48 {
        %add3A_68 = arith.constant 1 : i32
        %add3A_69 = arith.addi %mul3A_44, %add3A_68 : i32
        %dma_start3A_70 = arith.constant 0 : i32
        %dma_start3A_71 = tpu.memref_slice %arg7[%add3A_69, %dma_start3A_70] : memref<40x128xi32, #tpu.memory_space<vmem>> -> memref<1x128xi32, #tpu.memory_space<vmem>>
        %dma_start3A_72 = tpu.memref_squeeze %dma_start3A_71 : memref<1x128xi32, #tpu.memory_space<vmem>> -> memref<128xi32, #tpu.memory_space<vmem>>
        %dma_start3A_73 = arith.constant 0 : i32
        %dma_start3A_74 = arith.constant 0 : i32
        %dma_start3A_75 = tpu.memref_slice %arg2[%dma_start3A_73, %dma_start3A_74] : memref<10112x128xf32, #tpu.memory_space<hbm>> -> memref<10112x128xf32, #tpu.memory_space<hbm>>
        tpu.enqueue_indirect_dma source(%dma_start3A_75 : memref<10112x128xf32, #tpu.memory_space<hbm>>) target(%arg10 : memref<128x128xf32, #tpu.memory_space<vmem>>) offsets(%dma_start3A_72 : memref<128xi32, #tpu.memory_space<vmem>>) semaphore(%arg13 : memref<!tpu.dma_semaphore, #tpu.memory_space<semaphore_mem>>)
      } else {
      }
      %dma_wait3A = arith.constant 0 : i32
      %dma_wait3A_49 = tpu.memref_slice %arg7[%mul3A_44, %dma_wait3A] : memref<40x128xi32, #tpu.memory_space<vmem>> -> memref<1x128xi32, #tpu.memory_space<vmem>>
      %dma_wait3A_50 = tpu.memref_squeeze %dma_wait3A_49 : memref<1x128xi32, #tpu.memory_space<vmem>> -> memref<128xi32, #tpu.memory_space<vmem>>
      %dma_wait3A_51 = arith.constant 0 : i32
      %dma_wait3A_52 = arith.constant 0 : i32
      %dma_wait3A_53 = tpu.memref_slice %arg2[%dma_wait3A_51, %dma_wait3A_52] : memref<10112x128xf32, #tpu.memory_space<hbm>> -> memref<10112x128xf32, #tpu.memory_space<hbm>>
      tpu.wait_indirect_dma semaphore(%arg12 : memref<!tpu.dma_semaphore, #tpu.memory_space<semaphore_mem>>) src(%dma_wait3A_53 : memref<10112x128xf32, #tpu.memory_space<hbm>>) dst(%arg9 : memref<128x128xf32, #tpu.memory_space<vmem>>)
      "tpu.region"() ({
        %run_scoped3A = tpu.sem_alloc : memref<!tpu.dma_semaphore, #tpu.memory_space<semaphore_mem>>
        %dma_start3A_68 = arith.constant 0 : i32
        %dma_start3A_69 = tpu.memref_slice %arg8[%mul3A_44, %dma_start3A_68] : memref<40x128xi32, #tpu.memory_space<vmem>> -> memref<1x128xi32, #tpu.memory_space<vmem>>
        %dma_start3A_70 = tpu.memref_squeeze %dma_start3A_69 : memref<1x128xi32, #tpu.memory_space<vmem>> -> memref<128xi32, #tpu.memory_space<vmem>>
        %dma_start3A_71 = arith.constant 0 : i32
        %dma_start3A_72 = arith.constant 0 : i32
        %dma_start3A_73 = tpu.memref_slice %arg11[%dma_start3A_71, %dma_start3A_72] : memref<10112x128xf32, #tpu.memory_space<vmem_shared>> -> memref<10112x128xf32, #tpu.memory_space<vmem_shared>>
        tpu.enqueue_indirect_dma source(%arg9 : memref<128x128xf32, #tpu.memory_space<vmem>>) target(%dma_start3A_73 : memref<10112x128xf32, #tpu.memory_space<vmem_shared>>) offsets(%dma_start3A_70 : memref<128xi32, #tpu.memory_space<vmem>>) semaphore(%run_scoped3A : memref<!tpu.dma_semaphore, #tpu.memory_space<semaphore_mem>>) {add = true}
        %dma_wait3A_74 = arith.constant 0 : i32
        %dma_wait3A_75 = tpu.memref_slice %arg8[%mul3A_44, %dma_wait3A_74] : memref<40x128xi32, #tpu.memory_space<vmem>> -> memref<1x128xi32, #tpu.memory_space<vmem>>
        %dma_wait3A_76 = tpu.memref_squeeze %dma_wait3A_75 : memref<1x128xi32, #tpu.memory_space<vmem>> -> memref<128xi32, #tpu.memory_space<vmem>>
        %dma_wait3A_77 = arith.constant 0 : i32
        %dma_wait3A_78 = arith.constant 0 : i32
        %dma_wait3A_79 = tpu.memref_slice %arg11[%dma_wait3A_77, %dma_wait3A_78] : memref<10112x128xf32, #tpu.memory_space<vmem_shared>> -> memref<10112x128xf32, #tpu.memory_space<vmem_shared>>
        tpu.wait_indirect_dma semaphore(%run_scoped3A : memref<!tpu.dma_semaphore, #tpu.memory_space<semaphore_mem>>) src(%arg9 : memref<128x128xf32, #tpu.memory_space<vmem>>) dst(%dma_wait3A_79 : memref<10112x128xf32, #tpu.memory_space<vmem_shared>>)
        tpu.yield
      }) : () -> ()
      %add3A_54 = arith.constant 2 : i32
      %add3A_55 = arith.addi %mul3A_44, %add3A_54 : i32
      %lt3A_56 = arith.constant 39 : i32
      %lt3A_57 = arith.cmpi slt, %add3A_55, %lt3A_56 : i32
      %convert_element_type3A_58 = arith.extui %lt3A_57 : i1 to i32
      %cond3A_59 = arith.constant 0 : i32
      %cond3A_60 = arith.cmpi ne, %convert_element_type3A_58, %cond3A_59 : i32
      scf.if %cond3A_60 {
        %add3A_68 = arith.constant 2 : i32
        %add3A_69 = arith.addi %mul3A_44, %add3A_68 : i32
        %dma_start3A_70 = arith.constant 0 : i32
        %dma_start3A_71 = tpu.memref_slice %arg7[%add3A_69, %dma_start3A_70] : memref<40x128xi32, #tpu.memory_space<vmem>> -> memref<1x128xi32, #tpu.memory_space<vmem>>
        %dma_start3A_72 = tpu.memref_squeeze %dma_start3A_71 : memref<1x128xi32, #tpu.memory_space<vmem>> -> memref<128xi32, #tpu.memory_space<vmem>>
        %dma_start3A_73 = arith.constant 0 : i32
        %dma_start3A_74 = arith.constant 0 : i32
        %dma_start3A_75 = tpu.memref_slice %arg2[%dma_start3A_73, %dma_start3A_74] : memref<10112x128xf32, #tpu.memory_space<hbm>> -> memref<10112x128xf32, #tpu.memory_space<hbm>>
        tpu.enqueue_indirect_dma source(%dma_start3A_75 : memref<10112x128xf32, #tpu.memory_space<hbm>>) target(%arg9 : memref<128x128xf32, #tpu.memory_space<vmem>>) offsets(%dma_start3A_72 : memref<128xi32, #tpu.memory_space<vmem>>) semaphore(%arg12 : memref<!tpu.dma_semaphore, #tpu.memory_space<semaphore_mem>>)
      } else {
      }
      %add3A_61 = arith.constant 1 : i32
      %add3A_62 = arith.addi %mul3A_44, %add3A_61 : i32
      %lt3A_63 = arith.constant 39 : i32
      %lt3A_64 = arith.cmpi slt, %add3A_62, %lt3A_63 : i32
      %convert_element_type3A_65 = arith.extui %lt3A_64 : i1 to i32
      %cond3A_66 = arith.constant 0 : i32
      %cond3A_67 = arith.cmpi ne, %convert_element_type3A_65, %cond3A_66 : i32
      scf.if %cond3A_67 {
        %add3A_68 = arith.constant 1 : i32
        %add3A_69 = arith.addi %mul3A_44, %add3A_68 : i32
        %dma_wait3A_70 = arith.constant 0 : i32
        %dma_wait3A_71 = tpu.memref_slice %arg7[%add3A_69, %dma_wait3A_70] : memref<40x128xi32, #tpu.memory_space<vmem>> -> memref<1x128xi32, #tpu.memory_space<vmem>>
        %dma_wait3A_72 = tpu.memref_squeeze %dma_wait3A_71 : memref<1x128xi32, #tpu.memory_space<vmem>> -> memref<128xi32, #tpu.memory_space<vmem>>
        %dma_wait3A_73 = arith.constant 0 : i32
        %dma_wait3A_74 = arith.constant 0 : i32
        %dma_wait3A_75 = tpu.memref_slice %arg2[%dma_wait3A_73, %dma_wait3A_74] : memref<10112x128xf32, #tpu.memory_space<hbm>> -> memref<10112x128xf32, #tpu.memory_space<hbm>>
        tpu.wait_indirect_dma semaphore(%arg13 : memref<!tpu.dma_semaphore, #tpu.memory_space<semaphore_mem>>) src(%dma_wait3A_75 : memref<10112x128xf32, #tpu.memory_space<hbm>>) dst(%arg10 : memref<128x128xf32, #tpu.memory_space<vmem>>)
        %add3A_76 = arith.constant 1 : i32
        %add3A_77 = arith.addi %mul3A_44, %add3A_76 : i32
        "tpu.region"() ({
          %run_scoped3A = tpu.sem_alloc : memref<!tpu.dma_semaphore, #tpu.memory_space<semaphore_mem>>
          %dma_start3A_78 = arith.constant 0 : i32
          %dma_start3A_79 = tpu.memref_slice %arg8[%add3A_77, %dma_start3A_78] : memref<40x128xi32, #tpu.memory_space<vmem>> -> memref<1x128xi32, #tpu.memory_space<vmem>>
          %dma_start3A_80 = tpu.memref_squeeze %dma_start3A_79 : memref<1x128xi32, #tpu.memory_space<vmem>> -> memref<128xi32, #tpu.memory_space<vmem>>
          %dma_start3A_81 = arith.constant 0 : i32
          %dma_start3A_82 = arith.constant 0 : i32
          %dma_start3A_83 = tpu.memref_slice %arg11[%dma_start3A_81, %dma_start3A_82] : memref<10112x128xf32, #tpu.memory_space<vmem_shared>> -> memref<10112x128xf32, #tpu.memory_space<vmem_shared>>
          tpu.enqueue_indirect_dma source(%arg10 : memref<128x128xf32, #tpu.memory_space<vmem>>) target(%dma_start3A_83 : memref<10112x128xf32, #tpu.memory_space<vmem_shared>>) offsets(%dma_start3A_80 : memref<128xi32, #tpu.memory_space<vmem>>) semaphore(%run_scoped3A : memref<!tpu.dma_semaphore, #tpu.memory_space<semaphore_mem>>) {add = true}
          %dma_wait3A_84 = arith.constant 0 : i32
          %dma_wait3A_85 = tpu.memref_slice %arg8[%add3A_77, %dma_wait3A_84] : memref<40x128xi32, #tpu.memory_space<vmem>> -> memref<1x128xi32, #tpu.memory_space<vmem>>
          %dma_wait3A_86 = tpu.memref_squeeze %dma_wait3A_85 : memref<1x128xi32, #tpu.memory_space<vmem>> -> memref<128xi32, #tpu.memory_space<vmem>>
          %dma_wait3A_87 = arith.constant 0 : i32
          %dma_wait3A_88 = arith.constant 0 : i32
          %dma_wait3A_89 = tpu.memref_slice %arg11[%dma_wait3A_87, %dma_wait3A_88] : memref<10112x128xf32, #tpu.memory_space<vmem_shared>> -> memref<10112x128xf32, #tpu.memory_space<vmem_shared>>
          tpu.wait_indirect_dma semaphore(%run_scoped3A : memref<!tpu.dma_semaphore, #tpu.memory_space<semaphore_mem>>) src(%arg10 : memref<128x128xf32, #tpu.memory_space<vmem>>) dst(%dma_wait3A_89 : memref<10112x128xf32, #tpu.memory_space<vmem_shared>>)
          tpu.yield
        }) : () -> ()
      } else {
      }
    }
    %scan3A_36 = arith.constant 20 : i32
    %barrier3A_37 = arith.constant 0 : index
    tpu.barrier barrier_id(%barrier3A_37)
    %mul3A_38 = arith.constant 632 : i32
    %mul3A_39 = arith.muli %arg1, %mul3A_38 : i32
    %mul3A_40 = arith.constant 632 : i32
    %mul3A_41 = arith.muli %arg1, %mul3A_40 : i32
    "tpu.region"() ({
      %run_scoped3A = tpu.sem_alloc : memref<!tpu.dma_semaphore, #tpu.memory_space<semaphore_mem>>
      %dma_start3A_42 = arith.constant 0 : i32
      %dma_start3A_43 = arith.constant 0 : i32
      %dma_start3A_44 = tpu.memref_slice %arg6[%arg0, %dma_start3A_42, %dma_start3A_43] : memref<2x10112x128xf32, #tpu.memory_space<hbm>> -> memref<1x10112x128xf32, #tpu.memory_space<hbm>>
      %dma_start3A_45 = tpu.memref_squeeze %dma_start3A_44 : memref<1x10112x128xf32, #tpu.memory_space<hbm>> -> memref<10112x128xf32, #tpu.memory_space<hbm>>
      %dma_start3A_46 = arith.constant 0 : i32
      %dma_start3A_47 = tpu.memref_slice %dma_start3A_45[%mul3A_41, %dma_start3A_46] : memref<10112x128xf32, #tpu.memory_space<hbm>> -> memref<632x128xf32, #tpu.memory_space<hbm>>
      %dma_start3A_48 = arith.constant 0 : i32
      %dma_start3A_49 = tpu.memref_slice %arg11[%mul3A_39, %dma_start3A_48] : memref<10112x128xf32, #tpu.memory_space<vmem_shared>> -> memref<632x128xf32, #tpu.memory_space<vmem_shared>>
      tpu.enqueue_dma source(%dma_start3A_49 : memref<632x128xf32, #tpu.memory_space<vmem_shared>>) target(%dma_start3A_47 : memref<632x128xf32, #tpu.memory_space<hbm>>) target_semaphore(%run_scoped3A : memref<!tpu.dma_semaphore, #tpu.memory_space<semaphore_mem>>)
      %dma_wait3A = arith.constant 0 : i32
      %dma_wait3A_50 = arith.constant 0 : i32
      %dma_wait3A_51 = tpu.memref_slice %arg6[%arg0, %dma_wait3A, %dma_wait3A_50] : memref<2x10112x128xf32, #tpu.memory_space<hbm>> -> memref<1x10112x128xf32, #tpu.memory_space<hbm>>
      %dma_wait3A_52 = tpu.memref_squeeze %dma_wait3A_51 : memref<1x10112x128xf32, #tpu.memory_space<hbm>> -> memref<10112x128xf32, #tpu.memory_space<hbm>>
      %dma_wait3A_53 = arith.constant 0 : i32
      %dma_wait3A_54 = tpu.memref_slice %dma_wait3A_52[%mul3A_41, %dma_wait3A_53] : memref<10112x128xf32, #tpu.memory_space<hbm>> -> memref<632x128xf32, #tpu.memory_space<hbm>>
      %dma_wait3A_55 = arith.constant 0 : i32
      %dma_wait3A_56 = tpu.memref_slice %arg11[%mul3A_39, %dma_wait3A_55] : memref<10112x128xf32, #tpu.memory_space<vmem_shared>> -> memref<632x128xf32, #tpu.memory_space<vmem_shared>>
      tpu.wait_dma2 semaphore(%run_scoped3A : memref<!tpu.dma_semaphore, #tpu.memory_space<semaphore_mem>>) src(%dma_wait3A_56 : memref<632x128xf32, #tpu.memory_space<vmem_shared>>) dst(%dma_wait3A_54 : memref<632x128xf32, #tpu.memory_space<hbm>>)
      tpu.yield
    }) : () -> ()
    return
  }
}

#map = affine_map<(d0, d1) -> (0, 0, 0)>
#map1 = affine_map<(d0, d1) -> (0, 0)>
module attributes {stable_mosaic.version = 14 : i64} {
  func.func @deg_kernel(%arg0: i32, %arg1: i32, %arg2: memref<32x79x128xi32, #tpu.memory_space<hbm>>, %arg3: memref<32x3x128xi32, #tpu.memory_space<hbm>>, %arg4: memref<128x128xf32, #tpu.memory_space<hbm>>, %arg5: memref<128x128xf32, #tpu.memory_space<hbm>>, %arg6: memref<2x10112x128xf32, #tpu.memory_space<hbm>>, %arg7: memref<2x384x128xf32, #tpu.memory_space<hbm>>, %arg8: memref<79x128xi32, #tpu.memory_space<vmem>>, %arg9: memref<3x128xi32, #tpu.memory_space<vmem>>, %arg10: memref<128x128xf32, #tpu.memory_space<vmem>>, %arg11: memref<10112x128xf32, #tpu.memory_space<vmem_shared>>, %arg12: memref<384x128xf32, #tpu.memory_space<vmem_shared>>) attributes {dimension_semantics = [#tpu.dimension_semantics<core_parallel>, #tpu.dimension_semantics<subcore_parallel>], iteration_bounds = array<i64: 2, 16>, scalar_prefetch = 0 : i64, scratch_operands = 5 : i64, tpu.core_type = #tpu.core_type<sc_vector_subcore>, window_params = [{transform_indices = #map}, {transform_indices = #map}, {transform_indices = #map1}, {transform_indices = #map1}, {transform_indices = #map}, {transform_indices = #map}]} {
    %mul3A = arith.constant 2 : i32
    %mul3A_0 = arith.muli %arg1, %mul3A : i32
    %add3A = arith.addi %mul3A_0, %arg0 : i32
    "tpu.region"() ({
      %run_scoped3A_33 = tpu.sem_alloc : memref<!tpu.dma_semaphore, #tpu.memory_space<semaphore_mem>>
      %dma_start3A = arith.constant 0 : i32
      %dma_start3A_34 = arith.constant 0 : i32
      %dma_start3A_35 = tpu.memref_slice %arg2[%add3A, %dma_start3A, %dma_start3A_34] : memref<32x79x128xi32, #tpu.memory_space<hbm>> -> memref<1x79x128xi32, #tpu.memory_space<hbm>>
      %dma_start3A_36 = tpu.memref_squeeze %dma_start3A_35 : memref<1x79x128xi32, #tpu.memory_space<hbm>> -> memref<79x128xi32, #tpu.memory_space<hbm>>
      %dma_start3A_37 = arith.constant 0 : i32
      %dma_start3A_38 = arith.constant 0 : i32
      %dma_start3A_39 = tpu.memref_slice %arg2[%add3A, %dma_start3A_37, %dma_start3A_38] : memref<32x79x128xi32, #tpu.memory_space<hbm>> -> memref<1x79x128xi32, #tpu.memory_space<hbm>>
      %dma_start3A_40 = tpu.memref_squeeze %dma_start3A_39 : memref<1x79x128xi32, #tpu.memory_space<hbm>> -> memref<79x128xi32, #tpu.memory_space<hbm>>
      tpu.enqueue_dma source(%dma_start3A_40 : memref<79x128xi32, #tpu.memory_space<hbm>>) target(%arg8 : memref<79x128xi32, #tpu.memory_space<vmem>>) target_semaphore(%run_scoped3A_33 : memref<!tpu.dma_semaphore, #tpu.memory_space<semaphore_mem>>)
      %dma_wait3A = arith.constant 0 : i32
      %dma_wait3A_41 = arith.constant 0 : i32
      %dma_wait3A_42 = tpu.memref_slice %arg2[%add3A, %dma_wait3A, %dma_wait3A_41] : memref<32x79x128xi32, #tpu.memory_space<hbm>> -> memref<1x79x128xi32, #tpu.memory_space<hbm>>
      %dma_wait3A_43 = tpu.memref_squeeze %dma_wait3A_42 : memref<1x79x128xi32, #tpu.memory_space<hbm>> -> memref<79x128xi32, #tpu.memory_space<hbm>>
      %dma_wait3A_44 = arith.constant 0 : i32
      %dma_wait3A_45 = arith.constant 0 : i32
      %dma_wait3A_46 = tpu.memref_slice %arg2[%add3A, %dma_wait3A_44, %dma_wait3A_45] : memref<32x79x128xi32, #tpu.memory_space<hbm>> -> memref<1x79x128xi32, #tpu.memory_space<hbm>>
      %dma_wait3A_47 = tpu.memref_squeeze %dma_wait3A_46 : memref<1x79x128xi32, #tpu.memory_space<hbm>> -> memref<79x128xi32, #tpu.memory_space<hbm>>
      tpu.wait_dma2 semaphore(%run_scoped3A_33 : memref<!tpu.dma_semaphore, #tpu.memory_space<semaphore_mem>>) src(%dma_wait3A_47 : memref<79x128xi32, #tpu.memory_space<hbm>>) dst(%arg8 : memref<79x128xi32, #tpu.memory_space<vmem>>)
      tpu.yield
    }) : () -> ()
    "tpu.region"() ({
      %run_scoped3A_33 = tpu.sem_alloc : memref<!tpu.dma_semaphore, #tpu.memory_space<semaphore_mem>>
      %dma_start3A = arith.constant 0 : i32
      %dma_start3A_34 = arith.constant 0 : i32
      %dma_start3A_35 = tpu.memref_slice %arg3[%add3A, %dma_start3A, %dma_start3A_34] : memref<32x3x128xi32, #tpu.memory_space<hbm>> -> memref<1x3x128xi32, #tpu.memory_space<hbm>>
      %dma_start3A_36 = tpu.memref_squeeze %dma_start3A_35 : memref<1x3x128xi32, #tpu.memory_space<hbm>> -> memref<3x128xi32, #tpu.memory_space<hbm>>
      %dma_start3A_37 = arith.constant 0 : i32
      %dma_start3A_38 = arith.constant 0 : i32
      %dma_start3A_39 = tpu.memref_slice %arg3[%add3A, %dma_start3A_37, %dma_start3A_38] : memref<32x3x128xi32, #tpu.memory_space<hbm>> -> memref<1x3x128xi32, #tpu.memory_space<hbm>>
      %dma_start3A_40 = tpu.memref_squeeze %dma_start3A_39 : memref<1x3x128xi32, #tpu.memory_space<hbm>> -> memref<3x128xi32, #tpu.memory_space<hbm>>
      tpu.enqueue_dma source(%dma_start3A_40 : memref<3x128xi32, #tpu.memory_space<hbm>>) target(%arg9 : memref<3x128xi32, #tpu.memory_space<vmem>>) target_semaphore(%run_scoped3A_33 : memref<!tpu.dma_semaphore, #tpu.memory_space<semaphore_mem>>)
      %dma_wait3A = arith.constant 0 : i32
      %dma_wait3A_41 = arith.constant 0 : i32
      %dma_wait3A_42 = tpu.memref_slice %arg3[%add3A, %dma_wait3A, %dma_wait3A_41] : memref<32x3x128xi32, #tpu.memory_space<hbm>> -> memref<1x3x128xi32, #tpu.memory_space<hbm>>
      %dma_wait3A_43 = tpu.memref_squeeze %dma_wait3A_42 : memref<1x3x128xi32, #tpu.memory_space<hbm>> -> memref<3x128xi32, #tpu.memory_space<hbm>>
      %dma_wait3A_44 = arith.constant 0 : i32
      %dma_wait3A_45 = arith.constant 0 : i32
      %dma_wait3A_46 = tpu.memref_slice %arg3[%add3A, %dma_wait3A_44, %dma_wait3A_45] : memref<32x3x128xi32, #tpu.memory_space<hbm>> -> memref<1x3x128xi32, #tpu.memory_space<hbm>>
      %dma_wait3A_47 = tpu.memref_squeeze %dma_wait3A_46 : memref<1x3x128xi32, #tpu.memory_space<hbm>> -> memref<3x128xi32, #tpu.memory_space<hbm>>
      tpu.wait_dma2 semaphore(%run_scoped3A_33 : memref<!tpu.dma_semaphore, #tpu.memory_space<semaphore_mem>>) src(%dma_wait3A_47 : memref<3x128xi32, #tpu.memory_space<hbm>>) dst(%arg9 : memref<3x128xi32, #tpu.memory_space<vmem>>)
      tpu.yield
    }) : () -> ()
    "tpu.region"() ({
      %run_scoped3A_33 = tpu.sem_alloc : memref<!tpu.dma_semaphore, #tpu.memory_space<semaphore_mem>>
      tpu.enqueue_dma source(%arg5 : memref<128x128xf32, #tpu.memory_space<hbm>>) target(%arg10 : memref<128x128xf32, #tpu.memory_space<vmem>>) target_semaphore(%run_scoped3A_33 : memref<!tpu.dma_semaphore, #tpu.memory_space<semaphore_mem>>)
      tpu.wait_dma2 semaphore(%run_scoped3A_33 : memref<!tpu.dma_semaphore, #tpu.memory_space<semaphore_mem>>) src(%arg5 : memref<128x128xf32, #tpu.memory_space<hbm>>) dst(%arg10 : memref<128x128xf32, #tpu.memory_space<vmem>>)
      tpu.yield
    }) : () -> ()
    %mul3A_1 = arith.constant 632 : i32
    %mul3A_2 = arith.muli %arg1, %mul3A_1 : i32
    %add3A_3 = arith.constant 0 : i32
    %add3A_4 = arith.addi %mul3A_2, %add3A_3 : i32
    "tpu.region"() ({
      %run_scoped3A_33 = tpu.sem_alloc : memref<!tpu.dma_semaphore, #tpu.memory_space<semaphore_mem>>
      %dma_start3A = arith.constant 0 : i32
      %dma_start3A_34 = tpu.memref_slice %arg11[%add3A_4, %dma_start3A] : memref<10112x128xf32, #tpu.memory_space<vmem_shared>> -> memref<128x128xf32, #tpu.memory_space<vmem_shared>>
      %dma_start3A_35 = arith.constant 0 : i32
      %dma_start3A_36 = tpu.memref_slice %arg11[%add3A_4, %dma_start3A_35] : memref<10112x128xf32, #tpu.memory_space<vmem_shared>> -> memref<128x128xf32, #tpu.memory_space<vmem_shared>>
      tpu.enqueue_dma source(%arg10 : memref<128x128xf32, #tpu.memory_space<vmem>>) target(%dma_start3A_36 : memref<128x128xf32, #tpu.memory_space<vmem_shared>>) target_semaphore(%run_scoped3A_33 : memref<!tpu.dma_semaphore, #tpu.memory_space<semaphore_mem>>)
      %dma_wait3A = arith.constant 0 : i32
      %dma_wait3A_37 = tpu.memref_slice %arg11[%add3A_4, %dma_wait3A] : memref<10112x128xf32, #tpu.memory_space<vmem_shared>> -> memref<128x128xf32, #tpu.memory_space<vmem_shared>>
      %dma_wait3A_38 = arith.constant 0 : i32
      %dma_wait3A_39 = tpu.memref_slice %arg11[%add3A_4, %dma_wait3A_38] : memref<10112x128xf32, #tpu.memory_space<vmem_shared>> -> memref<128x128xf32, #tpu.memory_space<vmem_shared>>
      tpu.wait_dma2 semaphore(%run_scoped3A_33 : memref<!tpu.dma_semaphore, #tpu.memory_space<semaphore_mem>>) src(%arg10 : memref<128x128xf32, #tpu.memory_space<vmem>>) dst(%dma_wait3A_39 : memref<128x128xf32, #tpu.memory_space<vmem_shared>>)
      tpu.yield
    }) : () -> ()
    %add3A_5 = arith.constant 128 : i32
    %add3A_6 = arith.addi %mul3A_2, %add3A_5 : i32
    "tpu.region"() ({
      %run_scoped3A_33 = tpu.sem_alloc : memref<!tpu.dma_semaphore, #tpu.memory_space<semaphore_mem>>
      %dma_start3A = arith.constant 0 : i32
      %dma_start3A_34 = tpu.memref_slice %arg11[%add3A_6, %dma_start3A] : memref<10112x128xf32, #tpu.memory_space<vmem_shared>> -> memref<128x128xf32, #tpu.memory_space<vmem_shared>>
      %dma_start3A_35 = arith.constant 0 : i32
      %dma_start3A_36 = tpu.memref_slice %arg11[%add3A_6, %dma_start3A_35] : memref<10112x128xf32, #tpu.memory_space<vmem_shared>> -> memref<128x128xf32, #tpu.memory_space<vmem_shared>>
      tpu.enqueue_dma source(%arg10 : memref<128x128xf32, #tpu.memory_space<vmem>>) target(%dma_start3A_36 : memref<128x128xf32, #tpu.memory_space<vmem_shared>>) target_semaphore(%run_scoped3A_33 : memref<!tpu.dma_semaphore, #tpu.memory_space<semaphore_mem>>)
      %dma_wait3A = arith.constant 0 : i32
      %dma_wait3A_37 = tpu.memref_slice %arg11[%add3A_6, %dma_wait3A] : memref<10112x128xf32, #tpu.memory_space<vmem_shared>> -> memref<128x128xf32, #tpu.memory_space<vmem_shared>>
      %dma_wait3A_38 = arith.constant 0 : i32
      %dma_wait3A_39 = tpu.memref_slice %arg11[%add3A_6, %dma_wait3A_38] : memref<10112x128xf32, #tpu.memory_space<vmem_shared>> -> memref<128x128xf32, #tpu.memory_space<vmem_shared>>
      tpu.wait_dma2 semaphore(%run_scoped3A_33 : memref<!tpu.dma_semaphore, #tpu.memory_space<semaphore_mem>>) src(%arg10 : memref<128x128xf32, #tpu.memory_space<vmem>>) dst(%dma_wait3A_39 : memref<128x128xf32, #tpu.memory_space<vmem_shared>>)
      tpu.yield
    }) : () -> ()
    %add3A_7 = arith.constant 256 : i32
    %add3A_8 = arith.addi %mul3A_2, %add3A_7 : i32
    "tpu.region"() ({
      %run_scoped3A_33 = tpu.sem_alloc : memref<!tpu.dma_semaphore, #tpu.memory_space<semaphore_mem>>
      %dma_start3A = arith.constant 0 : i32
      %dma_start3A_34 = tpu.memref_slice %arg11[%add3A_8, %dma_start3A] : memref<10112x128xf32, #tpu.memory_space<vmem_shared>> -> memref<128x128xf32, #tpu.memory_space<vmem_shared>>
      %dma_start3A_35 = arith.constant 0 : i32
      %dma_start3A_36 = tpu.memref_slice %arg11[%add3A_8, %dma_start3A_35] : memref<10112x128xf32, #tpu.memory_space<vmem_shared>> -> memref<128x128xf32, #tpu.memory_space<vmem_shared>>
      tpu.enqueue_dma source(%arg10 : memref<128x128xf32, #tpu.memory_space<vmem>>) target(%dma_start3A_36 : memref<128x128xf32, #tpu.memory_space<vmem_shared>>) target_semaphore(%run_scoped3A_33 : memref<!tpu.dma_semaphore, #tpu.memory_space<semaphore_mem>>)
      %dma_wait3A = arith.constant 0 : i32
      %dma_wait3A_37 = tpu.memref_slice %arg11[%add3A_8, %dma_wait3A] : memref<10112x128xf32, #tpu.memory_space<vmem_shared>> -> memref<128x128xf32, #tpu.memory_space<vmem_shared>>
      %dma_wait3A_38 = arith.constant 0 : i32
      %dma_wait3A_39 = tpu.memref_slice %arg11[%add3A_8, %dma_wait3A_38] : memref<10112x128xf32, #tpu.memory_space<vmem_shared>> -> memref<128x128xf32, #tpu.memory_space<vmem_shared>>
      tpu.wait_dma2 semaphore(%run_scoped3A_33 : memref<!tpu.dma_semaphore, #tpu.memory_space<semaphore_mem>>) src(%arg10 : memref<128x128xf32, #tpu.memory_space<vmem>>) dst(%dma_wait3A_39 : memref<128x128xf32, #tpu.memory_space<vmem_shared>>)
      tpu.yield
    }) : () -> ()
    %add3A_9 = arith.constant 384 : i32
    %add3A_10 = arith.addi %mul3A_2, %add3A_9 : i32
    "tpu.region"() ({
      %run_scoped3A_33 = tpu.sem_alloc : memref<!tpu.dma_semaphore, #tpu.memory_space<semaphore_mem>>
      %dma_start3A = arith.constant 0 : i32
      %dma_start3A_34 = tpu.memref_slice %arg11[%add3A_10, %dma_start3A] : memref<10112x128xf32, #tpu.memory_space<vmem_shared>> -> memref<128x128xf32, #tpu.memory_space<vmem_shared>>
      %dma_start3A_35 = arith.constant 0 : i32
      %dma_start3A_36 = tpu.memref_slice %arg11[%add3A_10, %dma_start3A_35] : memref<10112x128xf32, #tpu.memory_space<vmem_shared>> -> memref<128x128xf32, #tpu.memory_space<vmem_shared>>
      tpu.enqueue_dma source(%arg10 : memref<128x128xf32, #tpu.memory_space<vmem>>) target(%dma_start3A_36 : memref<128x128xf32, #tpu.memory_space<vmem_shared>>) target_semaphore(%run_scoped3A_33 : memref<!tpu.dma_semaphore, #tpu.memory_space<semaphore_mem>>)
      %dma_wait3A = arith.constant 0 : i32
      %dma_wait3A_37 = tpu.memref_slice %arg11[%add3A_10, %dma_wait3A] : memref<10112x128xf32, #tpu.memory_space<vmem_shared>> -> memref<128x128xf32, #tpu.memory_space<vmem_shared>>
      %dma_wait3A_38 = arith.constant 0 : i32
      %dma_wait3A_39 = tpu.memref_slice %arg11[%add3A_10, %dma_wait3A_38] : memref<10112x128xf32, #tpu.memory_space<vmem_shared>> -> memref<128x128xf32, #tpu.memory_space<vmem_shared>>
      tpu.wait_dma2 semaphore(%run_scoped3A_33 : memref<!tpu.dma_semaphore, #tpu.memory_space<semaphore_mem>>) src(%arg10 : memref<128x128xf32, #tpu.memory_space<vmem>>) dst(%dma_wait3A_39 : memref<128x128xf32, #tpu.memory_space<vmem_shared>>)
      tpu.yield
    }) : () -> ()
    %add3A_11 = arith.constant 512 : i32
    %add3A_12 = arith.addi %mul3A_2, %add3A_11 : i32
    "tpu.region"() ({
      %run_scoped3A_33 = tpu.sem_alloc : memref<!tpu.dma_semaphore, #tpu.memory_space<semaphore_mem>>
      %dma_start3A = arith.constant 0 : i32
      %dma_start3A_34 = arith.constant 0 : i32
      %dma_start3A_35 = tpu.memref_slice %arg10[%dma_start3A, %dma_start3A_34] : memref<128x128xf32, #tpu.memory_space<vmem>> -> memref<120x128xf32, #tpu.memory_space<vmem>>
      %dma_start3A_36 = arith.constant 0 : i32
      %dma_start3A_37 = tpu.memref_slice %arg11[%add3A_12, %dma_start3A_36] : memref<10112x128xf32, #tpu.memory_space<vmem_shared>> -> memref<120x128xf32, #tpu.memory_space<vmem_shared>>
      %dma_start3A_38 = arith.constant 0 : i32
      %dma_start3A_39 = tpu.memref_slice %arg11[%add3A_12, %dma_start3A_38] : memref<10112x128xf32, #tpu.memory_space<vmem_shared>> -> memref<120x128xf32, #tpu.memory_space<vmem_shared>>
      %dma_start3A_40 = arith.constant 0 : i32
      %dma_start3A_41 = arith.constant 0 : i32
      %dma_start3A_42 = tpu.memref_slice %arg10[%dma_start3A_40, %dma_start3A_41] : memref<128x128xf32, #tpu.memory_space<vmem>> -> memref<120x128xf32, #tpu.memory_space<vmem>>
      tpu.enqueue_dma source(%dma_start3A_42 : memref<120x128xf32, #tpu.memory_space<vmem>>) target(%dma_start3A_39 : memref<120x128xf32, #tpu.memory_space<vmem_shared>>) target_semaphore(%run_scoped3A_33 : memref<!tpu.dma_semaphore, #tpu.memory_space<semaphore_mem>>)
      %dma_wait3A = arith.constant 0 : i32
      %dma_wait3A_43 = arith.constant 0 : i32
      %dma_wait3A_44 = tpu.memref_slice %arg10[%dma_wait3A, %dma_wait3A_43] : memref<128x128xf32, #tpu.memory_space<vmem>> -> memref<120x128xf32, #tpu.memory_space<vmem>>
      %dma_wait3A_45 = arith.constant 0 : i32
      %dma_wait3A_46 = tpu.memref_slice %arg11[%add3A_12, %dma_wait3A_45] : memref<10112x128xf32, #tpu.memory_space<vmem_shared>> -> memref<120x128xf32, #tpu.memory_space<vmem_shared>>
      %dma_wait3A_47 = arith.constant 0 : i32
      %dma_wait3A_48 = tpu.memref_slice %arg11[%add3A_12, %dma_wait3A_47] : memref<10112x128xf32, #tpu.memory_space<vmem_shared>> -> memref<120x128xf32, #tpu.memory_space<vmem_shared>>
      %dma_wait3A_49 = arith.constant 0 : i32
      %dma_wait3A_50 = arith.constant 0 : i32
      %dma_wait3A_51 = tpu.memref_slice %arg10[%dma_wait3A_49, %dma_wait3A_50] : memref<128x128xf32, #tpu.memory_space<vmem>> -> memref<120x128xf32, #tpu.memory_space<vmem>>
      tpu.wait_dma2 semaphore(%run_scoped3A_33 : memref<!tpu.dma_semaphore, #tpu.memory_space<semaphore_mem>>) src(%dma_wait3A_51 : memref<120x128xf32, #tpu.memory_space<vmem>>) dst(%dma_wait3A_48 : memref<120x128xf32, #tpu.memory_space<vmem_shared>>)
      tpu.yield
    }) : () -> ()
    %mul3A_13 = arith.constant 24 : i32
    %mul3A_14 = arith.muli %arg1, %mul3A_13 : i32
    %add3A_15 = arith.constant 0 : i32
    %add3A_16 = arith.addi %mul3A_14, %add3A_15 : i32
    "tpu.region"() ({
      %run_scoped3A_33 = tpu.sem_alloc : memref<!tpu.dma_semaphore, #tpu.memory_space<semaphore_mem>>
      %dma_start3A = arith.constant 0 : i32
      %dma_start3A_34 = arith.constant 0 : i32
      %dma_start3A_35 = tpu.memref_slice %arg10[%dma_start3A, %dma_start3A_34] : memref<128x128xf32, #tpu.memory_space<vmem>> -> memref<24x128xf32, #tpu.memory_space<vmem>>
      %dma_start3A_36 = arith.constant 0 : i32
      %dma_start3A_37 = tpu.memref_slice %arg12[%add3A_16, %dma_start3A_36] : memref<384x128xf32, #tpu.memory_space<vmem_shared>> -> memref<24x128xf32, #tpu.memory_space<vmem_shared>>
      %dma_start3A_38 = arith.constant 0 : i32
      %dma_start3A_39 = tpu.memref_slice %arg12[%add3A_16, %dma_start3A_38] : memref<384x128xf32, #tpu.memory_space<vmem_shared>> -> memref<24x128xf32, #tpu.memory_space<vmem_shared>>
      %dma_start3A_40 = arith.constant 0 : i32
      %dma_start3A_41 = arith.constant 0 : i32
      %dma_start3A_42 = tpu.memref_slice %arg10[%dma_start3A_40, %dma_start3A_41] : memref<128x128xf32, #tpu.memory_space<vmem>> -> memref<24x128xf32, #tpu.memory_space<vmem>>
      tpu.enqueue_dma source(%dma_start3A_42 : memref<24x128xf32, #tpu.memory_space<vmem>>) target(%dma_start3A_39 : memref<24x128xf32, #tpu.memory_space<vmem_shared>>) target_semaphore(%run_scoped3A_33 : memref<!tpu.dma_semaphore, #tpu.memory_space<semaphore_mem>>)
      %dma_wait3A = arith.constant 0 : i32
      %dma_wait3A_43 = arith.constant 0 : i32
      %dma_wait3A_44 = tpu.memref_slice %arg10[%dma_wait3A, %dma_wait3A_43] : memref<128x128xf32, #tpu.memory_space<vmem>> -> memref<24x128xf32, #tpu.memory_space<vmem>>
      %dma_wait3A_45 = arith.constant 0 : i32
      %dma_wait3A_46 = tpu.memref_slice %arg12[%add3A_16, %dma_wait3A_45] : memref<384x128xf32, #tpu.memory_space<vmem_shared>> -> memref<24x128xf32, #tpu.memory_space<vmem_shared>>
      %dma_wait3A_47 = arith.constant 0 : i32
      %dma_wait3A_48 = tpu.memref_slice %arg12[%add3A_16, %dma_wait3A_47] : memref<384x128xf32, #tpu.memory_space<vmem_shared>> -> memref<24x128xf32, #tpu.memory_space<vmem_shared>>
      %dma_wait3A_49 = arith.constant 0 : i32
      %dma_wait3A_50 = arith.constant 0 : i32
      %dma_wait3A_51 = tpu.memref_slice %arg10[%dma_wait3A_49, %dma_wait3A_50] : memref<128x128xf32, #tpu.memory_space<vmem>> -> memref<24x128xf32, #tpu.memory_space<vmem>>
      tpu.wait_dma2 semaphore(%run_scoped3A_33 : memref<!tpu.dma_semaphore, #tpu.memory_space<semaphore_mem>>) src(%dma_wait3A_51 : memref<24x128xf32, #tpu.memory_space<vmem>>) dst(%dma_wait3A_48 : memref<24x128xf32, #tpu.memory_space<vmem_shared>>)
      tpu.yield
    }) : () -> ()
    "tpu.region"() ({
      %run_scoped3A_33 = tpu.sem_alloc : memref<!tpu.dma_semaphore, #tpu.memory_space<semaphore_mem>>
      tpu.enqueue_dma source(%arg4 : memref<128x128xf32, #tpu.memory_space<hbm>>) target(%arg10 : memref<128x128xf32, #tpu.memory_space<vmem>>) target_semaphore(%run_scoped3A_33 : memref<!tpu.dma_semaphore, #tpu.memory_space<semaphore_mem>>)
      tpu.wait_dma2 semaphore(%run_scoped3A_33 : memref<!tpu.dma_semaphore, #tpu.memory_space<semaphore_mem>>) src(%arg4 : memref<128x128xf32, #tpu.memory_space<hbm>>) dst(%arg10 : memref<128x128xf32, #tpu.memory_space<vmem>>)
      tpu.yield
    }) : () -> ()
    %barrier3A = arith.constant 0 : index
    tpu.barrier barrier_id(%barrier3A)
    %scan3A = arith.constant 0 : i32
    %scan3A_17 = arith.constant 0 : i32
    %scan3A_18 = arith.constant 79 : i32
    %scan3A_19 = arith.addi %scan3A_17, %scan3A_18 : i32
    %scan3A_20 = arith.constant 1 : i32
    scf.for %scan3A_33 = %scan3A_17 to %scan3A_19 step %scan3A_20  : i32 {
      "tpu.region"() ({
        %run_scoped3A_34 = tpu.sem_alloc : memref<!tpu.dma_semaphore, #tpu.memory_space<semaphore_mem>>
        %dma_start3A = arith.constant 0 : i32
        %dma_start3A_35 = tpu.memref_slice %arg8[%scan3A_33, %dma_start3A] : memref<79x128xi32, #tpu.memory_space<vmem>> -> memref<1x128xi32, #tpu.memory_space<vmem>>
        %dma_start3A_36 = tpu.memref_squeeze %dma_start3A_35 : memref<1x128xi32, #tpu.memory_space<vmem>> -> memref<128xi32, #tpu.memory_space<vmem>>
        %dma_start3A_37 = arith.constant 0 : i32
        %dma_start3A_38 = arith.constant 0 : i32
        %dma_start3A_39 = tpu.memref_slice %arg11[%dma_start3A_37, %dma_start3A_38] : memref<10112x128xf32, #tpu.memory_space<vmem_shared>> -> memref<10112x128xf32, #tpu.memory_space<vmem_shared>>
        tpu.enqueue_indirect_dma source(%arg10 : memref<128x128xf32, #tpu.memory_space<vmem>>) target(%dma_start3A_39 : memref<10112x128xf32, #tpu.memory_space<vmem_shared>>) offsets(%dma_start3A_36 : memref<128xi32, #tpu.memory_space<vmem>>) semaphore(%run_scoped3A_34 : memref<!tpu.dma_semaphore, #tpu.memory_space<semaphore_mem>>) {add = true}
        %dma_wait3A = arith.constant 0 : i32
        %dma_wait3A_40 = tpu.memref_slice %arg8[%scan3A_33, %dma_wait3A] : memref<79x128xi32, #tpu.memory_space<vmem>> -> memref<1x128xi32, #tpu.memory_space<vmem>>
        %dma_wait3A_41 = tpu.memref_squeeze %dma_wait3A_40 : memref<1x128xi32, #tpu.memory_space<vmem>> -> memref<128xi32, #tpu.memory_space<vmem>>
        %dma_wait3A_42 = arith.constant 0 : i32
        %dma_wait3A_43 = arith.constant 0 : i32
        %dma_wait3A_44 = tpu.memref_slice %arg11[%dma_wait3A_42, %dma_wait3A_43] : memref<10112x128xf32, #tpu.memory_space<vmem_shared>> -> memref<10112x128xf32, #tpu.memory_space<vmem_shared>>
        tpu.wait_indirect_dma semaphore(%run_scoped3A_34 : memref<!tpu.dma_semaphore, #tpu.memory_space<semaphore_mem>>) src(%arg10 : memref<128x128xf32, #tpu.memory_space<vmem>>) dst(%dma_wait3A_44 : memref<10112x128xf32, #tpu.memory_space<vmem_shared>>)
        tpu.yield
      }) : () -> ()
    }
    %scan3A_21 = arith.constant 79 : i32
    %run_scoped3A = arith.constant 0 : i32
    "tpu.region"() ({
      %run_scoped3A_33 = tpu.sem_alloc : memref<!tpu.dma_semaphore, #tpu.memory_space<semaphore_mem>>
      %dma_start3A = arith.constant 0 : i32
      %dma_start3A_34 = tpu.memref_slice %arg9[%run_scoped3A, %dma_start3A] : memref<3x128xi32, #tpu.memory_space<vmem>> -> memref<1x128xi32, #tpu.memory_space<vmem>>
      %dma_start3A_35 = tpu.memref_squeeze %dma_start3A_34 : memref<1x128xi32, #tpu.memory_space<vmem>> -> memref<128xi32, #tpu.memory_space<vmem>>
      %dma_start3A_36 = arith.constant 0 : i32
      %dma_start3A_37 = arith.constant 0 : i32
      %dma_start3A_38 = tpu.memref_slice %arg12[%dma_start3A_36, %dma_start3A_37] : memref<384x128xf32, #tpu.memory_space<vmem_shared>> -> memref<384x128xf32, #tpu.memory_space<vmem_shared>>
      tpu.enqueue_indirect_dma source(%arg10 : memref<128x128xf32, #tpu.memory_space<vmem>>) target(%dma_start3A_38 : memref<384x128xf32, #tpu.memory_space<vmem_shared>>) offsets(%dma_start3A_35 : memref<128xi32, #tpu.memory_space<vmem>>) semaphore(%run_scoped3A_33 : memref<!tpu.dma_semaphore, #tpu.memory_space<semaphore_mem>>) {add = true}
      %dma_wait3A = arith.constant 0 : i32
      %dma_wait3A_39 = tpu.memref_slice %arg9[%run_scoped3A, %dma_wait3A] : memref<3x128xi32, #tpu.memory_space<vmem>> -> memref<1x128xi32, #tpu.memory_space<vmem>>
      %dma_wait3A_40 = tpu.memref_squeeze %dma_wait3A_39 : memref<1x128xi32, #tpu.memory_space<vmem>> -> memref<128xi32, #tpu.memory_space<vmem>>
      %dma_wait3A_41 = arith.constant 0 : i32
      %dma_wait3A_42 = arith.constant 0 : i32
      %dma_wait3A_43 = tpu.memref_slice %arg12[%dma_wait3A_41, %dma_wait3A_42] : memref<384x128xf32, #tpu.memory_space<vmem_shared>> -> memref<384x128xf32, #tpu.memory_space<vmem_shared>>
      tpu.wait_indirect_dma semaphore(%run_scoped3A_33 : memref<!tpu.dma_semaphore, #tpu.memory_space<semaphore_mem>>) src(%arg10 : memref<128x128xf32, #tpu.memory_space<vmem>>) dst(%dma_wait3A_43 : memref<384x128xf32, #tpu.memory_space<vmem_shared>>)
      tpu.yield
    }) : () -> ()
    %run_scoped3A_22 = arith.constant 1 : i32
    "tpu.region"() ({
      %run_scoped3A_33 = tpu.sem_alloc : memref<!tpu.dma_semaphore, #tpu.memory_space<semaphore_mem>>
      %dma_start3A = arith.constant 0 : i32
      %dma_start3A_34 = tpu.memref_slice %arg9[%run_scoped3A_22, %dma_start3A] : memref<3x128xi32, #tpu.memory_space<vmem>> -> memref<1x128xi32, #tpu.memory_space<vmem>>
      %dma_start3A_35 = tpu.memref_squeeze %dma_start3A_34 : memref<1x128xi32, #tpu.memory_space<vmem>> -> memref<128xi32, #tpu.memory_space<vmem>>
      %dma_start3A_36 = arith.constant 0 : i32
      %dma_start3A_37 = arith.constant 0 : i32
      %dma_start3A_38 = tpu.memref_slice %arg12[%dma_start3A_36, %dma_start3A_37] : memref<384x128xf32, #tpu.memory_space<vmem_shared>> -> memref<384x128xf32, #tpu.memory_space<vmem_shared>>
      tpu.enqueue_indirect_dma source(%arg10 : memref<128x128xf32, #tpu.memory_space<vmem>>) target(%dma_start3A_38 : memref<384x128xf32, #tpu.memory_space<vmem_shared>>) offsets(%dma_start3A_35 : memref<128xi32, #tpu.memory_space<vmem>>) semaphore(%run_scoped3A_33 : memref<!tpu.dma_semaphore, #tpu.memory_space<semaphore_mem>>) {add = true}
      %dma_wait3A = arith.constant 0 : i32
      %dma_wait3A_39 = tpu.memref_slice %arg9[%run_scoped3A_22, %dma_wait3A] : memref<3x128xi32, #tpu.memory_space<vmem>> -> memref<1x128xi32, #tpu.memory_space<vmem>>
      %dma_wait3A_40 = tpu.memref_squeeze %dma_wait3A_39 : memref<1x128xi32, #tpu.memory_space<vmem>> -> memref<128xi32, #tpu.memory_space<vmem>>
      %dma_wait3A_41 = arith.constant 0 : i32
      %dma_wait3A_42 = arith.constant 0 : i32
      %dma_wait3A_43 = tpu.memref_slice %arg12[%dma_wait3A_41, %dma_wait3A_42] : memref<384x128xf32, #tpu.memory_space<vmem_shared>> -> memref<384x128xf32, #tpu.memory_space<vmem_shared>>
      tpu.wait_indirect_dma semaphore(%run_scoped3A_33 : memref<!tpu.dma_semaphore, #tpu.memory_space<semaphore_mem>>) src(%arg10 : memref<128x128xf32, #tpu.memory_space<vmem>>) dst(%dma_wait3A_43 : memref<384x128xf32, #tpu.memory_space<vmem_shared>>)
      tpu.yield
    }) : () -> ()
    %run_scoped3A_23 = arith.constant 2 : i32
    "tpu.region"() ({
      %run_scoped3A_33 = tpu.sem_alloc : memref<!tpu.dma_semaphore, #tpu.memory_space<semaphore_mem>>
      %dma_start3A = arith.constant 0 : i32
      %dma_start3A_34 = tpu.memref_slice %arg9[%run_scoped3A_23, %dma_start3A] : memref<3x128xi32, #tpu.memory_space<vmem>> -> memref<1x128xi32, #tpu.memory_space<vmem>>
      %dma_start3A_35 = tpu.memref_squeeze %dma_start3A_34 : memref<1x128xi32, #tpu.memory_space<vmem>> -> memref<128xi32, #tpu.memory_space<vmem>>
      %dma_start3A_36 = arith.constant 0 : i32
      %dma_start3A_37 = arith.constant 0 : i32
      %dma_start3A_38 = tpu.memref_slice %arg12[%dma_start3A_36, %dma_start3A_37] : memref<384x128xf32, #tpu.memory_space<vmem_shared>> -> memref<384x128xf32, #tpu.memory_space<vmem_shared>>
      tpu.enqueue_indirect_dma source(%arg10 : memref<128x128xf32, #tpu.memory_space<vmem>>) target(%dma_start3A_38 : memref<384x128xf32, #tpu.memory_space<vmem_shared>>) offsets(%dma_start3A_35 : memref<128xi32, #tpu.memory_space<vmem>>) semaphore(%run_scoped3A_33 : memref<!tpu.dma_semaphore, #tpu.memory_space<semaphore_mem>>) {add = true}
      %dma_wait3A = arith.constant 0 : i32
      %dma_wait3A_39 = tpu.memref_slice %arg9[%run_scoped3A_23, %dma_wait3A] : memref<3x128xi32, #tpu.memory_space<vmem>> -> memref<1x128xi32, #tpu.memory_space<vmem>>
      %dma_wait3A_40 = tpu.memref_squeeze %dma_wait3A_39 : memref<1x128xi32, #tpu.memory_space<vmem>> -> memref<128xi32, #tpu.memory_space<vmem>>
      %dma_wait3A_41 = arith.constant 0 : i32
      %dma_wait3A_42 = arith.constant 0 : i32
      %dma_wait3A_43 = tpu.memref_slice %arg12[%dma_wait3A_41, %dma_wait3A_42] : memref<384x128xf32, #tpu.memory_space<vmem_shared>> -> memref<384x128xf32, #tpu.memory_space<vmem_shared>>
      tpu.wait_indirect_dma semaphore(%run_scoped3A_33 : memref<!tpu.dma_semaphore, #tpu.memory_space<semaphore_mem>>) src(%arg10 : memref<128x128xf32, #tpu.memory_space<vmem>>) dst(%dma_wait3A_43 : memref<384x128xf32, #tpu.memory_space<vmem_shared>>)
      tpu.yield
    }) : () -> ()
    %barrier3A_24 = arith.constant 0 : index
    tpu.barrier barrier_id(%barrier3A_24)
    %mul3A_25 = arith.constant 632 : i32
    %mul3A_26 = arith.muli %arg1, %mul3A_25 : i32
    %mul3A_27 = arith.constant 632 : i32
    %mul3A_28 = arith.muli %arg1, %mul3A_27 : i32
    "tpu.region"() ({
      %run_scoped3A_33 = tpu.sem_alloc : memref<!tpu.dma_semaphore, #tpu.memory_space<semaphore_mem>>
      %dma_start3A = arith.constant 0 : i32
      %dma_start3A_34 = arith.constant 0 : i32
      %dma_start3A_35 = tpu.memref_slice %arg6[%arg0, %dma_start3A, %dma_start3A_34] : memref<2x10112x128xf32, #tpu.memory_space<hbm>> -> memref<1x10112x128xf32, #tpu.memory_space<hbm>>
      %dma_start3A_36 = tpu.memref_squeeze %dma_start3A_35 : memref<1x10112x128xf32, #tpu.memory_space<hbm>> -> memref<10112x128xf32, #tpu.memory_space<hbm>>
      %dma_start3A_37 = arith.constant 0 : i32
      %dma_start3A_38 = tpu.memref_slice %dma_start3A_36[%mul3A_28, %dma_start3A_37] : memref<10112x128xf32, #tpu.memory_space<hbm>> -> memref<632x128xf32, #tpu.memory_space<hbm>>
      %dma_start3A_39 = arith.constant 0 : i32
      %dma_start3A_40 = tpu.memref_slice %arg11[%mul3A_26, %dma_start3A_39] : memref<10112x128xf32, #tpu.memory_space<vmem_shared>> -> memref<632x128xf32, #tpu.memory_space<vmem_shared>>
      tpu.enqueue_dma source(%dma_start3A_40 : memref<632x128xf32, #tpu.memory_space<vmem_shared>>) target(%dma_start3A_38 : memref<632x128xf32, #tpu.memory_space<hbm>>) target_semaphore(%run_scoped3A_33 : memref<!tpu.dma_semaphore, #tpu.memory_space<semaphore_mem>>)
      %dma_wait3A = arith.constant 0 : i32
      %dma_wait3A_41 = arith.constant 0 : i32
      %dma_wait3A_42 = tpu.memref_slice %arg6[%arg0, %dma_wait3A, %dma_wait3A_41] : memref<2x10112x128xf32, #tpu.memory_space<hbm>> -> memref<1x10112x128xf32, #tpu.memory_space<hbm>>
      %dma_wait3A_43 = tpu.memref_squeeze %dma_wait3A_42 : memref<1x10112x128xf32, #tpu.memory_space<hbm>> -> memref<10112x128xf32, #tpu.memory_space<hbm>>
      %dma_wait3A_44 = arith.constant 0 : i32
      %dma_wait3A_45 = tpu.memref_slice %dma_wait3A_43[%mul3A_28, %dma_wait3A_44] : memref<10112x128xf32, #tpu.memory_space<hbm>> -> memref<632x128xf32, #tpu.memory_space<hbm>>
      %dma_wait3A_46 = arith.constant 0 : i32
      %dma_wait3A_47 = tpu.memref_slice %arg11[%mul3A_26, %dma_wait3A_46] : memref<10112x128xf32, #tpu.memory_space<vmem_shared>> -> memref<632x128xf32, #tpu.memory_space<vmem_shared>>
      tpu.wait_dma2 semaphore(%run_scoped3A_33 : memref<!tpu.dma_semaphore, #tpu.memory_space<semaphore_mem>>) src(%dma_wait3A_47 : memref<632x128xf32, #tpu.memory_space<vmem_shared>>) dst(%dma_wait3A_45 : memref<632x128xf32, #tpu.memory_space<hbm>>)
      tpu.yield
    }) : () -> ()
    %mul3A_29 = arith.constant 24 : i32
    %mul3A_30 = arith.muli %arg1, %mul3A_29 : i32
    %mul3A_31 = arith.constant 24 : i32
    %mul3A_32 = arith.muli %arg1, %mul3A_31 : i32
    "tpu.region"() ({
      %run_scoped3A_33 = tpu.sem_alloc : memref<!tpu.dma_semaphore, #tpu.memory_space<semaphore_mem>>
      %dma_start3A = arith.constant 0 : i32
      %dma_start3A_34 = arith.constant 0 : i32
      %dma_start3A_35 = tpu.memref_slice %arg7[%arg0, %dma_start3A, %dma_start3A_34] : memref<2x384x128xf32, #tpu.memory_space<hbm>> -> memref<1x384x128xf32, #tpu.memory_space<hbm>>
      %dma_start3A_36 = tpu.memref_squeeze %dma_start3A_35 : memref<1x384x128xf32, #tpu.memory_space<hbm>> -> memref<384x128xf32, #tpu.memory_space<hbm>>
      %dma_start3A_37 = arith.constant 0 : i32
      %dma_start3A_38 = tpu.memref_slice %dma_start3A_36[%mul3A_32, %dma_start3A_37] : memref<384x128xf32, #tpu.memory_space<hbm>> -> memref<24x128xf32, #tpu.memory_space<hbm>>
      %dma_start3A_39 = arith.constant 0 : i32
      %dma_start3A_40 = tpu.memref_slice %arg12[%mul3A_30, %dma_start3A_39] : memref<384x128xf32, #tpu.memory_space<vmem_shared>> -> memref<24x128xf32, #tpu.memory_space<vmem_shared>>
      tpu.enqueue_dma source(%dma_start3A_40 : memref<24x128xf32, #tpu.memory_space<vmem_shared>>) target(%dma_start3A_38 : memref<24x128xf32, #tpu.memory_space<hbm>>) target_semaphore(%run_scoped3A_33 : memref<!tpu.dma_semaphore, #tpu.memory_space<semaphore_mem>>)
      %dma_wait3A = arith.constant 0 : i32
      %dma_wait3A_41 = arith.constant 0 : i32
      %dma_wait3A_42 = tpu.memref_slice %arg7[%arg0, %dma_wait3A, %dma_wait3A_41] : memref<2x384x128xf32, #tpu.memory_space<hbm>> -> memref<1x384x128xf32, #tpu.memory_space<hbm>>
      %dma_wait3A_43 = tpu.memref_squeeze %dma_wait3A_42 : memref<1x384x128xf32, #tpu.memory_space<hbm>> -> memref<384x128xf32, #tpu.memory_space<hbm>>
      %dma_wait3A_44 = arith.constant 0 : i32
      %dma_wait3A_45 = tpu.memref_slice %dma_wait3A_43[%mul3A_32, %dma_wait3A_44] : memref<384x128xf32, #tpu.memory_space<hbm>> -> memref<24x128xf32, #tpu.memory_space<hbm>>
      %dma_wait3A_46 = arith.constant 0 : i32
      %dma_wait3A_47 = tpu.memref_slice %arg12[%mul3A_30, %dma_wait3A_46] : memref<384x128xf32, #tpu.memory_space<vmem_shared>> -> memref<24x128xf32, #tpu.memory_space<vmem_shared>>
      tpu.wait_dma2 semaphore(%run_scoped3A_33 : memref<!tpu.dma_semaphore, #tpu.memory_space<semaphore_mem>>) src(%dma_wait3A_47 : memref<24x128xf32, #tpu.memory_space<vmem_shared>>) dst(%dma_wait3A_45 : memref<24x128xf32, #tpu.memory_space<hbm>>)
      tpu.yield
    }) : () -> ()
    return
  }
}

#map = affine_map<(d0, d1) -> (0, 0)>
#map1 = affine_map<(d0, d1) -> (0, 0, 0)>
module attributes {stable_mosaic.version = 14 : i64} {
  func.func @scat_kernel(%arg0: i32, %arg1: i32, %arg2: memref<10112x128xf32, #tpu.memory_space<hbm>>, %arg3: memref<32x79x128xi32, #tpu.memory_space<hbm>>, %arg4: memref<32x79x128xi32, #tpu.memory_space<hbm>>, %arg5: memref<128x128xf32, #tpu.memory_space<hbm>>, %arg6: memref<2x10112x128xf32, #tpu.memory_space<hbm>>, %arg7: memref<40x128xi32, #tpu.memory_space<vmem>>, %arg8: memref<40x128xi32, #tpu.memory_space<vmem>>, %arg9: memref<128x128xf32, #tpu.memory_space<vmem>>, %arg10: memref<128x128xf32, #tpu.memory_space<vmem>>, %arg11: memref<10112x128xf32, #tpu.memory_space<vmem_shared>>, %arg12: memref<!tpu.dma_semaphore, #tpu.memory_space<semaphore_mem>>, %arg13: memref<!tpu.dma_semaphore, #tpu.memory_space<semaphore_mem>>) attributes {dimension_semantics = [#tpu.dimension_semantics<core_parallel>, #tpu.dimension_semantics<subcore_parallel>], iteration_bounds = array<i64: 2, 16>, scalar_prefetch = 0 : i64, scratch_operands = 7 : i64, tpu.core_type = #tpu.core_type<sc_vector_subcore>, window_params = [{transform_indices = #map}, {transform_indices = #map1}, {transform_indices = #map1}, {transform_indices = #map}, {transform_indices = #map1}]} {
    %mul3A = arith.constant 2 : i32
    %mul3A_0 = arith.muli %arg1, %mul3A : i32
    %add3A = arith.addi %mul3A_0, %arg0 : i32
    "tpu.region"() ({
      %run_scoped3A = tpu.sem_alloc : memref<!tpu.dma_semaphore, #tpu.memory_space<semaphore_mem>>
      tpu.enqueue_dma source(%arg5 : memref<128x128xf32, #tpu.memory_space<hbm>>) target(%arg9 : memref<128x128xf32, #tpu.memory_space<vmem>>) target_semaphore(%run_scoped3A : memref<!tpu.dma_semaphore, #tpu.memory_space<semaphore_mem>>)
      tpu.wait_dma2 semaphore(%run_scoped3A : memref<!tpu.dma_semaphore, #tpu.memory_space<semaphore_mem>>) src(%arg5 : memref<128x128xf32, #tpu.memory_space<hbm>>) dst(%arg9 : memref<128x128xf32, #tpu.memory_space<vmem>>)
      tpu.yield
    }) : () -> ()
    %mul3A_1 = arith.constant 632 : i32
    %mul3A_2 = arith.muli %arg1, %mul3A_1 : i32
    %add3A_3 = arith.constant 0 : i32
    %add3A_4 = arith.addi %mul3A_2, %add3A_3 : i32
    "tpu.region"() ({
      %run_scoped3A = tpu.sem_alloc : memref<!tpu.dma_semaphore, #tpu.memory_space<semaphore_mem>>
      %dma_start3A_42 = arith.constant 0 : i32
      %dma_start3A_43 = tpu.memref_slice %arg11[%add3A_4, %dma_start3A_42] : memref<10112x128xf32, #tpu.memory_space<vmem_shared>> -> memref<128x128xf32, #tpu.memory_space<vmem_shared>>
      %dma_start3A_44 = arith.constant 0 : i32
      %dma_start3A_45 = tpu.memref_slice %arg11[%add3A_4, %dma_start3A_44] : memref<10112x128xf32, #tpu.memory_space<vmem_shared>> -> memref<128x128xf32, #tpu.memory_space<vmem_shared>>
      tpu.enqueue_dma source(%arg9 : memref<128x128xf32, #tpu.memory_space<vmem>>) target(%dma_start3A_45 : memref<128x128xf32, #tpu.memory_space<vmem_shared>>) target_semaphore(%run_scoped3A : memref<!tpu.dma_semaphore, #tpu.memory_space<semaphore_mem>>)
      %dma_wait3A = arith.constant 0 : i32
      %dma_wait3A_46 = tpu.memref_slice %arg11[%add3A_4, %dma_wait3A] : memref<10112x128xf32, #tpu.memory_space<vmem_shared>> -> memref<128x128xf32, #tpu.memory_space<vmem_shared>>
      %dma_wait3A_47 = arith.constant 0 : i32
      %dma_wait3A_48 = tpu.memref_slice %arg11[%add3A_4, %dma_wait3A_47] : memref<10112x128xf32, #tpu.memory_space<vmem_shared>> -> memref<128x128xf32, #tpu.memory_space<vmem_shared>>
      tpu.wait_dma2 semaphore(%run_scoped3A : memref<!tpu.dma_semaphore, #tpu.memory_space<semaphore_mem>>) src(%arg9 : memref<128x128xf32, #tpu.memory_space<vmem>>) dst(%dma_wait3A_48 : memref<128x128xf32, #tpu.memory_space<vmem_shared>>)
      tpu.yield
    }) : () -> ()
    %add3A_5 = arith.constant 128 : i32
    %add3A_6 = arith.addi %mul3A_2, %add3A_5 : i32
    "tpu.region"() ({
      %run_scoped3A = tpu.sem_alloc : memref<!tpu.dma_semaphore, #tpu.memory_space<semaphore_mem>>
      %dma_start3A_42 = arith.constant 0 : i32
      %dma_start3A_43 = tpu.memref_slice %arg11[%add3A_6, %dma_start3A_42] : memref<10112x128xf32, #tpu.memory_space<vmem_shared>> -> memref<128x128xf32, #tpu.memory_space<vmem_shared>>
      %dma_start3A_44 = arith.constant 0 : i32
      %dma_start3A_45 = tpu.memref_slice %arg11[%add3A_6, %dma_start3A_44] : memref<10112x128xf32, #tpu.memory_space<vmem_shared>> -> memref<128x128xf32, #tpu.memory_space<vmem_shared>>
      tpu.enqueue_dma source(%arg9 : memref<128x128xf32, #tpu.memory_space<vmem>>) target(%dma_start3A_45 : memref<128x128xf32, #tpu.memory_space<vmem_shared>>) target_semaphore(%run_scoped3A : memref<!tpu.dma_semaphore, #tpu.memory_space<semaphore_mem>>)
      %dma_wait3A = arith.constant 0 : i32
      %dma_wait3A_46 = tpu.memref_slice %arg11[%add3A_6, %dma_wait3A] : memref<10112x128xf32, #tpu.memory_space<vmem_shared>> -> memref<128x128xf32, #tpu.memory_space<vmem_shared>>
      %dma_wait3A_47 = arith.constant 0 : i32
      %dma_wait3A_48 = tpu.memref_slice %arg11[%add3A_6, %dma_wait3A_47] : memref<10112x128xf32, #tpu.memory_space<vmem_shared>> -> memref<128x128xf32, #tpu.memory_space<vmem_shared>>
      tpu.wait_dma2 semaphore(%run_scoped3A : memref<!tpu.dma_semaphore, #tpu.memory_space<semaphore_mem>>) src(%arg9 : memref<128x128xf32, #tpu.memory_space<vmem>>) dst(%dma_wait3A_48 : memref<128x128xf32, #tpu.memory_space<vmem_shared>>)
      tpu.yield
    }) : () -> ()
    %add3A_7 = arith.constant 256 : i32
    %add3A_8 = arith.addi %mul3A_2, %add3A_7 : i32
    "tpu.region"() ({
      %run_scoped3A = tpu.sem_alloc : memref<!tpu.dma_semaphore, #tpu.memory_space<semaphore_mem>>
      %dma_start3A_42 = arith.constant 0 : i32
      %dma_start3A_43 = tpu.memref_slice %arg11[%add3A_8, %dma_start3A_42] : memref<10112x128xf32, #tpu.memory_space<vmem_shared>> -> memref<128x128xf32, #tpu.memory_space<vmem_shared>>
      %dma_start3A_44 = arith.constant 0 : i32
      %dma_start3A_45 = tpu.memref_slice %arg11[%add3A_8, %dma_start3A_44] : memref<10112x128xf32, #tpu.memory_space<vmem_shared>> -> memref<128x128xf32, #tpu.memory_space<vmem_shared>>
      tpu.enqueue_dma source(%arg9 : memref<128x128xf32, #tpu.memory_space<vmem>>) target(%dma_start3A_45 : memref<128x128xf32, #tpu.memory_space<vmem_shared>>) target_semaphore(%run_scoped3A : memref<!tpu.dma_semaphore, #tpu.memory_space<semaphore_mem>>)
      %dma_wait3A = arith.constant 0 : i32
      %dma_wait3A_46 = tpu.memref_slice %arg11[%add3A_8, %dma_wait3A] : memref<10112x128xf32, #tpu.memory_space<vmem_shared>> -> memref<128x128xf32, #tpu.memory_space<vmem_shared>>
      %dma_wait3A_47 = arith.constant 0 : i32
      %dma_wait3A_48 = tpu.memref_slice %arg11[%add3A_8, %dma_wait3A_47] : memref<10112x128xf32, #tpu.memory_space<vmem_shared>> -> memref<128x128xf32, #tpu.memory_space<vmem_shared>>
      tpu.wait_dma2 semaphore(%run_scoped3A : memref<!tpu.dma_semaphore, #tpu.memory_space<semaphore_mem>>) src(%arg9 : memref<128x128xf32, #tpu.memory_space<vmem>>) dst(%dma_wait3A_48 : memref<128x128xf32, #tpu.memory_space<vmem_shared>>)
      tpu.yield
    }) : () -> ()
    %add3A_9 = arith.constant 384 : i32
    %add3A_10 = arith.addi %mul3A_2, %add3A_9 : i32
    "tpu.region"() ({
      %run_scoped3A = tpu.sem_alloc : memref<!tpu.dma_semaphore, #tpu.memory_space<semaphore_mem>>
      %dma_start3A_42 = arith.constant 0 : i32
      %dma_start3A_43 = tpu.memref_slice %arg11[%add3A_10, %dma_start3A_42] : memref<10112x128xf32, #tpu.memory_space<vmem_shared>> -> memref<128x128xf32, #tpu.memory_space<vmem_shared>>
      %dma_start3A_44 = arith.constant 0 : i32
      %dma_start3A_45 = tpu.memref_slice %arg11[%add3A_10, %dma_start3A_44] : memref<10112x128xf32, #tpu.memory_space<vmem_shared>> -> memref<128x128xf32, #tpu.memory_space<vmem_shared>>
      tpu.enqueue_dma source(%arg9 : memref<128x128xf32, #tpu.memory_space<vmem>>) target(%dma_start3A_45 : memref<128x128xf32, #tpu.memory_space<vmem_shared>>) target_semaphore(%run_scoped3A : memref<!tpu.dma_semaphore, #tpu.memory_space<semaphore_mem>>)
      %dma_wait3A = arith.constant 0 : i32
      %dma_wait3A_46 = tpu.memref_slice %arg11[%add3A_10, %dma_wait3A] : memref<10112x128xf32, #tpu.memory_space<vmem_shared>> -> memref<128x128xf32, #tpu.memory_space<vmem_shared>>
      %dma_wait3A_47 = arith.constant 0 : i32
      %dma_wait3A_48 = tpu.memref_slice %arg11[%add3A_10, %dma_wait3A_47] : memref<10112x128xf32, #tpu.memory_space<vmem_shared>> -> memref<128x128xf32, #tpu.memory_space<vmem_shared>>
      tpu.wait_dma2 semaphore(%run_scoped3A : memref<!tpu.dma_semaphore, #tpu.memory_space<semaphore_mem>>) src(%arg9 : memref<128x128xf32, #tpu.memory_space<vmem>>) dst(%dma_wait3A_48 : memref<128x128xf32, #tpu.memory_space<vmem_shared>>)
      tpu.yield
    }) : () -> ()
    %add3A_11 = arith.constant 512 : i32
    %add3A_12 = arith.addi %mul3A_2, %add3A_11 : i32
    "tpu.region"() ({
      %run_scoped3A = tpu.sem_alloc : memref<!tpu.dma_semaphore, #tpu.memory_space<semaphore_mem>>
      %dma_start3A_42 = arith.constant 0 : i32
      %dma_start3A_43 = arith.constant 0 : i32
      %dma_start3A_44 = tpu.memref_slice %arg9[%dma_start3A_42, %dma_start3A_43] : memref<128x128xf32, #tpu.memory_space<vmem>> -> memref<120x128xf32, #tpu.memory_space<vmem>>
      %dma_start3A_45 = arith.constant 0 : i32
      %dma_start3A_46 = tpu.memref_slice %arg11[%add3A_12, %dma_start3A_45] : memref<10112x128xf32, #tpu.memory_space<vmem_shared>> -> memref<120x128xf32, #tpu.memory_space<vmem_shared>>
      %dma_start3A_47 = arith.constant 0 : i32
      %dma_start3A_48 = tpu.memref_slice %arg11[%add3A_12, %dma_start3A_47] : memref<10112x128xf32, #tpu.memory_space<vmem_shared>> -> memref<120x128xf32, #tpu.memory_space<vmem_shared>>
      %dma_start3A_49 = arith.constant 0 : i32
      %dma_start3A_50 = arith.constant 0 : i32
      %dma_start3A_51 = tpu.memref_slice %arg9[%dma_start3A_49, %dma_start3A_50] : memref<128x128xf32, #tpu.memory_space<vmem>> -> memref<120x128xf32, #tpu.memory_space<vmem>>
      tpu.enqueue_dma source(%dma_start3A_51 : memref<120x128xf32, #tpu.memory_space<vmem>>) target(%dma_start3A_48 : memref<120x128xf32, #tpu.memory_space<vmem_shared>>) target_semaphore(%run_scoped3A : memref<!tpu.dma_semaphore, #tpu.memory_space<semaphore_mem>>)
      %dma_wait3A = arith.constant 0 : i32
      %dma_wait3A_52 = arith.constant 0 : i32
      %dma_wait3A_53 = tpu.memref_slice %arg9[%dma_wait3A, %dma_wait3A_52] : memref<128x128xf32, #tpu.memory_space<vmem>> -> memref<120x128xf32, #tpu.memory_space<vmem>>
      %dma_wait3A_54 = arith.constant 0 : i32
      %dma_wait3A_55 = tpu.memref_slice %arg11[%add3A_12, %dma_wait3A_54] : memref<10112x128xf32, #tpu.memory_space<vmem_shared>> -> memref<120x128xf32, #tpu.memory_space<vmem_shared>>
      %dma_wait3A_56 = arith.constant 0 : i32
      %dma_wait3A_57 = tpu.memref_slice %arg11[%add3A_12, %dma_wait3A_56] : memref<10112x128xf32, #tpu.memory_space<vmem_shared>> -> memref<120x128xf32, #tpu.memory_space<vmem_shared>>
      %dma_wait3A_58 = arith.constant 0 : i32
      %dma_wait3A_59 = arith.constant 0 : i32
      %dma_wait3A_60 = tpu.memref_slice %arg9[%dma_wait3A_58, %dma_wait3A_59] : memref<128x128xf32, #tpu.memory_space<vmem>> -> memref<120x128xf32, #tpu.memory_space<vmem>>
      tpu.wait_dma2 semaphore(%run_scoped3A : memref<!tpu.dma_semaphore, #tpu.memory_space<semaphore_mem>>) src(%dma_wait3A_60 : memref<120x128xf32, #tpu.memory_space<vmem>>) dst(%dma_wait3A_57 : memref<120x128xf32, #tpu.memory_space<vmem_shared>>)
      tpu.yield
    }) : () -> ()
    %barrier3A = arith.constant 0 : index
    tpu.barrier barrier_id(%barrier3A)
    "tpu.region"() ({
      %run_scoped3A = tpu.sem_alloc : memref<!tpu.dma_semaphore, #tpu.memory_space<semaphore_mem>>
      %dma_start3A_42 = arith.constant 0 : i32
      %dma_start3A_43 = arith.constant 0 : i32
      %dma_start3A_44 = tpu.memref_slice %arg7[%dma_start3A_42, %dma_start3A_43] : memref<40x128xi32, #tpu.memory_space<vmem>> -> memref<40x128xi32, #tpu.memory_space<vmem>>
      %dma_start3A_45 = arith.constant 0 : i32
      %dma_start3A_46 = arith.constant 0 : i32
      %dma_start3A_47 = tpu.memref_slice %arg3[%add3A, %dma_start3A_45, %dma_start3A_46] : memref<32x79x128xi32, #tpu.memory_space<hbm>> -> memref<1x79x128xi32, #tpu.memory_space<hbm>>
      %dma_start3A_48 = tpu.memref_squeeze %dma_start3A_47 : memref<1x79x128xi32, #tpu.memory_space<hbm>> -> memref<79x128xi32, #tpu.memory_space<hbm>>
      %dma_start3A_49 = arith.constant 0 : i32
      %dma_start3A_50 = arith.constant 0 : i32
      %dma_start3A_51 = tpu.memref_slice %dma_start3A_48[%dma_start3A_49, %dma_start3A_50] : memref<79x128xi32, #tpu.memory_space<hbm>> -> memref<40x128xi32, #tpu.memory_space<hbm>>
      %dma_start3A_52 = arith.constant 0 : i32
      %dma_start3A_53 = arith.constant 0 : i32
      %dma_start3A_54 = tpu.memref_slice %arg7[%dma_start3A_52, %dma_start3A_53] : memref<40x128xi32, #tpu.memory_space<vmem>> -> memref<40x128xi32, #tpu.memory_space<vmem>>
      %dma_start3A_55 = arith.constant 0 : i32
      %dma_start3A_56 = arith.constant 0 : i32
      %dma_start3A_57 = tpu.memref_slice %arg3[%add3A, %dma_start3A_55, %dma_start3A_56] : memref<32x79x128xi32, #tpu.memory_space<hbm>> -> memref<1x79x128xi32, #tpu.memory_space<hbm>>
      %dma_start3A_58 = tpu.memref_squeeze %dma_start3A_57 : memref<1x79x128xi32, #tpu.memory_space<hbm>> -> memref<79x128xi32, #tpu.memory_space<hbm>>
      %dma_start3A_59 = arith.constant 0 : i32
      %dma_start3A_60 = arith.constant 0 : i32
      %dma_start3A_61 = tpu.memref_slice %dma_start3A_58[%dma_start3A_59, %dma_start3A_60] : memref<79x128xi32, #tpu.memory_space<hbm>> -> memref<40x128xi32, #tpu.memory_space<hbm>>
      tpu.enqueue_dma source(%dma_start3A_61 : memref<40x128xi32, #tpu.memory_space<hbm>>) target(%dma_start3A_54 : memref<40x128xi32, #tpu.memory_space<vmem>>) target_semaphore(%run_scoped3A : memref<!tpu.dma_semaphore, #tpu.memory_space<semaphore_mem>>)
      %dma_wait3A = arith.constant 0 : i32
      %dma_wait3A_62 = arith.constant 0 : i32
      %dma_wait3A_63 = tpu.memref_slice %arg7[%dma_wait3A, %dma_wait3A_62] : memref<40x128xi32, #tpu.memory_space<vmem>> -> memref<40x128xi32, #tpu.memory_space<vmem>>
      %dma_wait3A_64 = arith.constant 0 : i32
      %dma_wait3A_65 = arith.constant 0 : i32
      %dma_wait3A_66 = tpu.memref_slice %arg3[%add3A, %dma_wait3A_64, %dma_wait3A_65] : memref<32x79x128xi32, #tpu.memory_space<hbm>> -> memref<1x79x128xi32, #tpu.memory_space<hbm>>
      %dma_wait3A_67 = tpu.memref_squeeze %dma_wait3A_66 : memref<1x79x128xi32, #tpu.memory_space<hbm>> -> memref<79x128xi32, #tpu.memory_space<hbm>>
      %dma_wait3A_68 = arith.constant 0 : i32
      %dma_wait3A_69 = arith.constant 0 : i32
      %dma_wait3A_70 = tpu.memref_slice %dma_wait3A_67[%dma_wait3A_68, %dma_wait3A_69] : memref<79x128xi32, #tpu.memory_space<hbm>> -> memref<40x128xi32, #tpu.memory_space<hbm>>
      %dma_wait3A_71 = arith.constant 0 : i32
      %dma_wait3A_72 = arith.constant 0 : i32
      %dma_wait3A_73 = tpu.memref_slice %arg7[%dma_wait3A_71, %dma_wait3A_72] : memref<40x128xi32, #tpu.memory_space<vmem>> -> memref<40x128xi32, #tpu.memory_space<vmem>>
      %dma_wait3A_74 = arith.constant 0 : i32
      %dma_wait3A_75 = arith.constant 0 : i32
      %dma_wait3A_76 = tpu.memref_slice %arg3[%add3A, %dma_wait3A_74, %dma_wait3A_75] : memref<32x79x128xi32, #tpu.memory_space<hbm>> -> memref<1x79x128xi32, #tpu.memory_space<hbm>>
      %dma_wait3A_77 = tpu.memref_squeeze %dma_wait3A_76 : memref<1x79x128xi32, #tpu.memory_space<hbm>> -> memref<79x128xi32, #tpu.memory_space<hbm>>
      %dma_wait3A_78 = arith.constant 0 : i32
      %dma_wait3A_79 = arith.constant 0 : i32
      %dma_wait3A_80 = tpu.memref_slice %dma_wait3A_77[%dma_wait3A_78, %dma_wait3A_79] : memref<79x128xi32, #tpu.memory_space<hbm>> -> memref<40x128xi32, #tpu.memory_space<hbm>>
      tpu.wait_dma2 semaphore(%run_scoped3A : memref<!tpu.dma_semaphore, #tpu.memory_space<semaphore_mem>>) src(%dma_wait3A_80 : memref<40x128xi32, #tpu.memory_space<hbm>>) dst(%dma_wait3A_73 : memref<40x128xi32, #tpu.memory_space<vmem>>)
      tpu.yield
    }) : () -> ()
    "tpu.region"() ({
      %run_scoped3A = tpu.sem_alloc : memref<!tpu.dma_semaphore, #tpu.memory_space<semaphore_mem>>
      %dma_start3A_42 = arith.constant 0 : i32
      %dma_start3A_43 = arith.constant 0 : i32
      %dma_start3A_44 = tpu.memref_slice %arg8[%dma_start3A_42, %dma_start3A_43] : memref<40x128xi32, #tpu.memory_space<vmem>> -> memref<40x128xi32, #tpu.memory_space<vmem>>
      %dma_start3A_45 = arith.constant 0 : i32
      %dma_start3A_46 = arith.constant 0 : i32
      %dma_start3A_47 = tpu.memref_slice %arg4[%add3A, %dma_start3A_45, %dma_start3A_46] : memref<32x79x128xi32, #tpu.memory_space<hbm>> -> memref<1x79x128xi32, #tpu.memory_space<hbm>>
      %dma_start3A_48 = tpu.memref_squeeze %dma_start3A_47 : memref<1x79x128xi32, #tpu.memory_space<hbm>> -> memref<79x128xi32, #tpu.memory_space<hbm>>
      %dma_start3A_49 = arith.constant 0 : i32
      %dma_start3A_50 = arith.constant 0 : i32
      %dma_start3A_51 = tpu.memref_slice %dma_start3A_48[%dma_start3A_49, %dma_start3A_50] : memref<79x128xi32, #tpu.memory_space<hbm>> -> memref<40x128xi32, #tpu.memory_space<hbm>>
      %dma_start3A_52 = arith.constant 0 : i32
      %dma_start3A_53 = arith.constant 0 : i32
      %dma_start3A_54 = tpu.memref_slice %arg8[%dma_start3A_52, %dma_start3A_53] : memref<40x128xi32, #tpu.memory_space<vmem>> -> memref<40x128xi32, #tpu.memory_space<vmem>>
      %dma_start3A_55 = arith.constant 0 : i32
      %dma_start3A_56 = arith.constant 0 : i32
      %dma_start3A_57 = tpu.memref_slice %arg4[%add3A, %dma_start3A_55, %dma_start3A_56] : memref<32x79x128xi32, #tpu.memory_space<hbm>> -> memref<1x79x128xi32, #tpu.memory_space<hbm>>
      %dma_start3A_58 = tpu.memref_squeeze %dma_start3A_57 : memref<1x79x128xi32, #tpu.memory_space<hbm>> -> memref<79x128xi32, #tpu.memory_space<hbm>>
      %dma_start3A_59 = arith.constant 0 : i32
      %dma_start3A_60 = arith.constant 0 : i32
      %dma_start3A_61 = tpu.memref_slice %dma_start3A_58[%dma_start3A_59, %dma_start3A_60] : memref<79x128xi32, #tpu.memory_space<hbm>> -> memref<40x128xi32, #tpu.memory_space<hbm>>
      tpu.enqueue_dma source(%dma_start3A_61 : memref<40x128xi32, #tpu.memory_space<hbm>>) target(%dma_start3A_54 : memref<40x128xi32, #tpu.memory_space<vmem>>) target_semaphore(%run_scoped3A : memref<!tpu.dma_semaphore, #tpu.memory_space<semaphore_mem>>)
      %dma_wait3A = arith.constant 0 : i32
      %dma_wait3A_62 = arith.constant 0 : i32
      %dma_wait3A_63 = tpu.memref_slice %arg8[%dma_wait3A, %dma_wait3A_62] : memref<40x128xi32, #tpu.memory_space<vmem>> -> memref<40x128xi32, #tpu.memory_space<vmem>>
      %dma_wait3A_64 = arith.constant 0 : i32
      %dma_wait3A_65 = arith.constant 0 : i32
      %dma_wait3A_66 = tpu.memref_slice %arg4[%add3A, %dma_wait3A_64, %dma_wait3A_65] : memref<32x79x128xi32, #tpu.memory_space<hbm>> -> memref<1x79x128xi32, #tpu.memory_space<hbm>>
      %dma_wait3A_67 = tpu.memref_squeeze %dma_wait3A_66 : memref<1x79x128xi32, #tpu.memory_space<hbm>> -> memref<79x128xi32, #tpu.memory_space<hbm>>
      %dma_wait3A_68 = arith.constant 0 : i32
      %dma_wait3A_69 = arith.constant 0 : i32
      %dma_wait3A_70 = tpu.memref_slice %dma_wait3A_67[%dma_wait3A_68, %dma_wait3A_69] : memref<79x128xi32, #tpu.memory_space<hbm>> -> memref<40x128xi32, #tpu.memory_space<hbm>>
      %dma_wait3A_71 = arith.constant 0 : i32
      %dma_wait3A_72 = arith.constant 0 : i32
      %dma_wait3A_73 = tpu.memref_slice %arg8[%dma_wait3A_71, %dma_wait3A_72] : memref<40x128xi32, #tpu.memory_space<vmem>> -> memref<40x128xi32, #tpu.memory_space<vmem>>
      %dma_wait3A_74 = arith.constant 0 : i32
      %dma_wait3A_75 = arith.constant 0 : i32
      %dma_wait3A_76 = tpu.memref_slice %arg4[%add3A, %dma_wait3A_74, %dma_wait3A_75] : memref<32x79x128xi32, #tpu.memory_space<hbm>> -> memref<1x79x128xi32, #tpu.memory_space<hbm>>
      %dma_wait3A_77 = tpu.memref_squeeze %dma_wait3A_76 : memref<1x79x128xi32, #tpu.memory_space<hbm>> -> memref<79x128xi32, #tpu.memory_space<hbm>>
      %dma_wait3A_78 = arith.constant 0 : i32
      %dma_wait3A_79 = arith.constant 0 : i32
      %dma_wait3A_80 = tpu.memref_slice %dma_wait3A_77[%dma_wait3A_78, %dma_wait3A_79] : memref<79x128xi32, #tpu.memory_space<hbm>> -> memref<40x128xi32, #tpu.memory_space<hbm>>
      tpu.wait_dma2 semaphore(%run_scoped3A : memref<!tpu.dma_semaphore, #tpu.memory_space<semaphore_mem>>) src(%dma_wait3A_80 : memref<40x128xi32, #tpu.memory_space<hbm>>) dst(%dma_wait3A_73 : memref<40x128xi32, #tpu.memory_space<vmem>>)
      tpu.yield
    }) : () -> ()
    %dma_start3A = arith.constant 0 : i32
    %dma_start3A_13 = arith.constant 0 : i32
    %dma_start3A_14 = tpu.memref_slice %arg7[%dma_start3A, %dma_start3A_13] : memref<40x128xi32, #tpu.memory_space<vmem>> -> memref<1x128xi32, #tpu.memory_space<vmem>>
    %dma_start3A_15 = tpu.memref_squeeze %dma_start3A_14 : memref<1x128xi32, #tpu.memory_space<vmem>> -> memref<128xi32, #tpu.memory_space<vmem>>
    %dma_start3A_16 = arith.constant 0 : i32
    %dma_start3A_17 = arith.constant 0 : i32
    %dma_start3A_18 = tpu.memref_slice %arg2[%dma_start3A_16, %dma_start3A_17] : memref<10112x128xf32, #tpu.memory_space<hbm>> -> memref<10112x128xf32, #tpu.memory_space<hbm>>
    tpu.enqueue_indirect_dma source(%dma_start3A_18 : memref<10112x128xf32, #tpu.memory_space<hbm>>) target(%arg9 : memref<128x128xf32, #tpu.memory_space<vmem>>) offsets(%dma_start3A_15 : memref<128xi32, #tpu.memory_space<vmem>>) semaphore(%arg12 : memref<!tpu.dma_semaphore, #tpu.memory_space<semaphore_mem>>)
    %scan3A = arith.constant 0 : i32
    %scan3A_19 = arith.constant 0 : i32
    %scan3A_20 = arith.constant 20 : i32
    %scan3A_21 = arith.addi %scan3A_19, %scan3A_20 : i32
    %scan3A_22 = arith.constant 1 : i32
    scf.for %scan3A_42 = %scan3A_19 to %scan3A_21 step %scan3A_22  : i32 {
      %mul3A_43 = arith.constant 2 : i32
      %mul3A_44 = arith.muli %mul3A_43, %scan3A_42 : i32
      %add3A_45 = arith.constant 1 : i32
      %add3A_46 = arith.addi %mul3A_44, %add3A_45 : i32
      %lt3A = arith.constant 40 : i32
      %lt3A_47 = arith.cmpi slt, %add3A_46, %lt3A : i32
      %convert_element_type3A = arith.extui %lt3A_47 : i1 to i32
      %cond3A = arith.constant 0 : i32
      %cond3A_48 = arith.cmpi ne, %convert_element_type3A, %cond3A : i32
      scf.if %cond3A_48 {
        %add3A_68 = arith.constant 1 : i32
        %add3A_69 = arith.addi %mul3A_44, %add3A_68 : i32
        %dma_start3A_70 = arith.constant 0 : i32
        %dma_start3A_71 = tpu.memref_slice %arg7[%add3A_69, %dma_start3A_70] : memref<40x128xi32, #tpu.memory_space<vmem>> -> memref<1x128xi32, #tpu.memory_space<vmem>>
        %dma_start3A_72 = tpu.memref_squeeze %dma_start3A_71 : memref<1x128xi32, #tpu.memory_space<vmem>> -> memref<128xi32, #tpu.memory_space<vmem>>
        %dma_start3A_73 = arith.constant 0 : i32
        %dma_start3A_74 = arith.constant 0 : i32
        %dma_start3A_75 = tpu.memref_slice %arg2[%dma_start3A_73, %dma_start3A_74] : memref<10112x128xf32, #tpu.memory_space<hbm>> -> memref<10112x128xf32, #tpu.memory_space<hbm>>
        tpu.enqueue_indirect_dma source(%dma_start3A_75 : memref<10112x128xf32, #tpu.memory_space<hbm>>) target(%arg10 : memref<128x128xf32, #tpu.memory_space<vmem>>) offsets(%dma_start3A_72 : memref<128xi32, #tpu.memory_space<vmem>>) semaphore(%arg13 : memref<!tpu.dma_semaphore, #tpu.memory_space<semaphore_mem>>)
      } else {
      }
      %dma_wait3A = arith.constant 0 : i32
      %dma_wait3A_49 = tpu.memref_slice %arg7[%mul3A_44, %dma_wait3A] : memref<40x128xi32, #tpu.memory_space<vmem>> -> memref<1x128xi32, #tpu.memory_space<vmem>>
      %dma_wait3A_50 = tpu.memref_squeeze %dma_wait3A_49 : memref<1x128xi32, #tpu.memory_space<vmem>> -> memref<128xi32, #tpu.memory_space<vmem>>
      %dma_wait3A_51 = arith.constant 0 : i32
      %dma_wait3A_52 = arith.constant 0 : i32
      %dma_wait3A_53 = tpu.memref_slice %arg2[%dma_wait3A_51, %dma_wait3A_52] : memref<10112x128xf32, #tpu.memory_space<hbm>> -> memref<10112x128xf32, #tpu.memory_space<hbm>>
      tpu.wait_indirect_dma semaphore(%arg12 : memref<!tpu.dma_semaphore, #tpu.memory_space<semaphore_mem>>) src(%dma_wait3A_53 : memref<10112x128xf32, #tpu.memory_space<hbm>>) dst(%arg9 : memref<128x128xf32, #tpu.memory_space<vmem>>)
      "tpu.region"() ({
        %run_scoped3A = tpu.sem_alloc : memref<!tpu.dma_semaphore, #tpu.memory_space<semaphore_mem>>
        %dma_start3A_68 = arith.constant 0 : i32
        %dma_start3A_69 = tpu.memref_slice %arg8[%mul3A_44, %dma_start3A_68] : memref<40x128xi32, #tpu.memory_space<vmem>> -> memref<1x128xi32, #tpu.memory_space<vmem>>
        %dma_start3A_70 = tpu.memref_squeeze %dma_start3A_69 : memref<1x128xi32, #tpu.memory_space<vmem>> -> memref<128xi32, #tpu.memory_space<vmem>>
        %dma_start3A_71 = arith.constant 0 : i32
        %dma_start3A_72 = arith.constant 0 : i32
        %dma_start3A_73 = tpu.memref_slice %arg11[%dma_start3A_71, %dma_start3A_72] : memref<10112x128xf32, #tpu.memory_space<vmem_shared>> -> memref<10112x128xf32, #tpu.memory_space<vmem_shared>>
        tpu.enqueue_indirect_dma source(%arg9 : memref<128x128xf32, #tpu.memory_space<vmem>>) target(%dma_start3A_73 : memref<10112x128xf32, #tpu.memory_space<vmem_shared>>) offsets(%dma_start3A_70 : memref<128xi32, #tpu.memory_space<vmem>>) semaphore(%run_scoped3A : memref<!tpu.dma_semaphore, #tpu.memory_space<semaphore_mem>>) {add = true}
        %dma_wait3A_74 = arith.constant 0 : i32
        %dma_wait3A_75 = tpu.memref_slice %arg8[%mul3A_44, %dma_wait3A_74] : memref<40x128xi32, #tpu.memory_space<vmem>> -> memref<1x128xi32, #tpu.memory_space<vmem>>
        %dma_wait3A_76 = tpu.memref_squeeze %dma_wait3A_75 : memref<1x128xi32, #tpu.memory_space<vmem>> -> memref<128xi32, #tpu.memory_space<vmem>>
        %dma_wait3A_77 = arith.constant 0 : i32
        %dma_wait3A_78 = arith.constant 0 : i32
        %dma_wait3A_79 = tpu.memref_slice %arg11[%dma_wait3A_77, %dma_wait3A_78] : memref<10112x128xf32, #tpu.memory_space<vmem_shared>> -> memref<10112x128xf32, #tpu.memory_space<vmem_shared>>
        tpu.wait_indirect_dma semaphore(%run_scoped3A : memref<!tpu.dma_semaphore, #tpu.memory_space<semaphore_mem>>) src(%arg9 : memref<128x128xf32, #tpu.memory_space<vmem>>) dst(%dma_wait3A_79 : memref<10112x128xf32, #tpu.memory_space<vmem_shared>>)
        tpu.yield
      }) : () -> ()
      %add3A_54 = arith.constant 2 : i32
      %add3A_55 = arith.addi %mul3A_44, %add3A_54 : i32
      %lt3A_56 = arith.constant 40 : i32
      %lt3A_57 = arith.cmpi slt, %add3A_55, %lt3A_56 : i32
      %convert_element_type3A_58 = arith.extui %lt3A_57 : i1 to i32
      %cond3A_59 = arith.constant 0 : i32
      %cond3A_60 = arith.cmpi ne, %convert_element_type3A_58, %cond3A_59 : i32
      scf.if %cond3A_60 {
        %add3A_68 = arith.constant 2 : i32
        %add3A_69 = arith.addi %mul3A_44, %add3A_68 : i32
        %dma_start3A_70 = arith.constant 0 : i32
        %dma_start3A_71 = tpu.memref_slice %arg7[%add3A_69, %dma_start3A_70] : memref<40x128xi32, #tpu.memory_space<vmem>> -> memref<1x128xi32, #tpu.memory_space<vmem>>
        %dma_start3A_72 = tpu.memref_squeeze %dma_start3A_71 : memref<1x128xi32, #tpu.memory_space<vmem>> -> memref<128xi32, #tpu.memory_space<vmem>>
        %dma_start3A_73 = arith.constant 0 : i32
        %dma_start3A_74 = arith.constant 0 : i32
        %dma_start3A_75 = tpu.memref_slice %arg2[%dma_start3A_73, %dma_start3A_74] : memref<10112x128xf32, #tpu.memory_space<hbm>> -> memref<10112x128xf32, #tpu.memory_space<hbm>>
        tpu.enqueue_indirect_dma source(%dma_start3A_75 : memref<10112x128xf32, #tpu.memory_space<hbm>>) target(%arg9 : memref<128x128xf32, #tpu.memory_space<vmem>>) offsets(%dma_start3A_72 : memref<128xi32, #tpu.memory_space<vmem>>) semaphore(%arg12 : memref<!tpu.dma_semaphore, #tpu.memory_space<semaphore_mem>>)
      } else {
      }
      %add3A_61 = arith.constant 1 : i32
      %add3A_62 = arith.addi %mul3A_44, %add3A_61 : i32
      %lt3A_63 = arith.constant 40 : i32
      %lt3A_64 = arith.cmpi slt, %add3A_62, %lt3A_63 : i32
      %convert_element_type3A_65 = arith.extui %lt3A_64 : i1 to i32
      %cond3A_66 = arith.constant 0 : i32
      %cond3A_67 = arith.cmpi ne, %convert_element_type3A_65, %cond3A_66 : i32
      scf.if %cond3A_67 {
        %add3A_68 = arith.constant 1 : i32
        %add3A_69 = arith.addi %mul3A_44, %add3A_68 : i32
        %dma_wait3A_70 = arith.constant 0 : i32
        %dma_wait3A_71 = tpu.memref_slice %arg7[%add3A_69, %dma_wait3A_70] : memref<40x128xi32, #tpu.memory_space<vmem>> -> memref<1x128xi32, #tpu.memory_space<vmem>>
        %dma_wait3A_72 = tpu.memref_squeeze %dma_wait3A_71 : memref<1x128xi32, #tpu.memory_space<vmem>> -> memref<128xi32, #tpu.memory_space<vmem>>
        %dma_wait3A_73 = arith.constant 0 : i32
        %dma_wait3A_74 = arith.constant 0 : i32
        %dma_wait3A_75 = tpu.memref_slice %arg2[%dma_wait3A_73, %dma_wait3A_74] : memref<10112x128xf32, #tpu.memory_space<hbm>> -> memref<10112x128xf32, #tpu.memory_space<hbm>>
        tpu.wait_indirect_dma semaphore(%arg13 : memref<!tpu.dma_semaphore, #tpu.memory_space<semaphore_mem>>) src(%dma_wait3A_75 : memref<10112x128xf32, #tpu.memory_space<hbm>>) dst(%arg10 : memref<128x128xf32, #tpu.memory_space<vmem>>)
        %add3A_76 = arith.constant 1 : i32
        %add3A_77 = arith.addi %mul3A_44, %add3A_76 : i32
        "tpu.region"() ({
          %run_scoped3A = tpu.sem_alloc : memref<!tpu.dma_semaphore, #tpu.memory_space<semaphore_mem>>
          %dma_start3A_78 = arith.constant 0 : i32
          %dma_start3A_79 = tpu.memref_slice %arg8[%add3A_77, %dma_start3A_78] : memref<40x128xi32, #tpu.memory_space<vmem>> -> memref<1x128xi32, #tpu.memory_space<vmem>>
          %dma_start3A_80 = tpu.memref_squeeze %dma_start3A_79 : memref<1x128xi32, #tpu.memory_space<vmem>> -> memref<128xi32, #tpu.memory_space<vmem>>
          %dma_start3A_81 = arith.constant 0 : i32
          %dma_start3A_82 = arith.constant 0 : i32
          %dma_start3A_83 = tpu.memref_slice %arg11[%dma_start3A_81, %dma_start3A_82] : memref<10112x128xf32, #tpu.memory_space<vmem_shared>> -> memref<10112x128xf32, #tpu.memory_space<vmem_shared>>
          tpu.enqueue_indirect_dma source(%arg10 : memref<128x128xf32, #tpu.memory_space<vmem>>) target(%dma_start3A_83 : memref<10112x128xf32, #tpu.memory_space<vmem_shared>>) offsets(%dma_start3A_80 : memref<128xi32, #tpu.memory_space<vmem>>) semaphore(%run_scoped3A : memref<!tpu.dma_semaphore, #tpu.memory_space<semaphore_mem>>) {add = true}
          %dma_wait3A_84 = arith.constant 0 : i32
          %dma_wait3A_85 = tpu.memref_slice %arg8[%add3A_77, %dma_wait3A_84] : memref<40x128xi32, #tpu.memory_space<vmem>> -> memref<1x128xi32, #tpu.memory_space<vmem>>
          %dma_wait3A_86 = tpu.memref_squeeze %dma_wait3A_85 : memref<1x128xi32, #tpu.memory_space<vmem>> -> memref<128xi32, #tpu.memory_space<vmem>>
          %dma_wait3A_87 = arith.constant 0 : i32
          %dma_wait3A_88 = arith.constant 0 : i32
          %dma_wait3A_89 = tpu.memref_slice %arg11[%dma_wait3A_87, %dma_wait3A_88] : memref<10112x128xf32, #tpu.memory_space<vmem_shared>> -> memref<10112x128xf32, #tpu.memory_space<vmem_shared>>
          tpu.wait_indirect_dma semaphore(%run_scoped3A : memref<!tpu.dma_semaphore, #tpu.memory_space<semaphore_mem>>) src(%arg10 : memref<128x128xf32, #tpu.memory_space<vmem>>) dst(%dma_wait3A_89 : memref<10112x128xf32, #tpu.memory_space<vmem_shared>>)
          tpu.yield
        }) : () -> ()
      } else {
      }
    }
    %scan3A_23 = arith.constant 20 : i32
    "tpu.region"() ({
      %run_scoped3A = tpu.sem_alloc : memref<!tpu.dma_semaphore, #tpu.memory_space<semaphore_mem>>
      %dma_start3A_42 = arith.constant 0 : i32
      %dma_start3A_43 = arith.constant 0 : i32
      %dma_start3A_44 = tpu.memref_slice %arg7[%dma_start3A_42, %dma_start3A_43] : memref<40x128xi32, #tpu.memory_space<vmem>> -> memref<39x128xi32, #tpu.memory_space<vmem>>
      %dma_start3A_45 = arith.constant 0 : i32
      %dma_start3A_46 = arith.constant 0 : i32
      %dma_start3A_47 = tpu.memref_slice %arg3[%add3A, %dma_start3A_45, %dma_start3A_46] : memref<32x79x128xi32, #tpu.memory_space<hbm>> -> memref<1x79x128xi32, #tpu.memory_space<hbm>>
      %dma_start3A_48 = tpu.memref_squeeze %dma_start3A_47 : memref<1x79x128xi32, #tpu.memory_space<hbm>> -> memref<79x128xi32, #tpu.memory_space<hbm>>
      %dma_start3A_49 = arith.constant 40 : i32
      %dma_start3A_50 = arith.constant 0 : i32
      %dma_start3A_51 = tpu.memref_slice %dma_start3A_48[%dma_start3A_49, %dma_start3A_50] : memref<79x128xi32, #tpu.memory_space<hbm>> -> memref<39x128xi32, #tpu.memory_space<hbm>>
      %dma_start3A_52 = arith.constant 0 : i32
      %dma_start3A_53 = arith.constant 0 : i32
      %dma_start3A_54 = tpu.memref_slice %arg7[%dma_start3A_52, %dma_start3A_53] : memref<40x128xi32, #tpu.memory_space<vmem>> -> memref<39x128xi32, #tpu.memory_space<vmem>>
      %dma_start3A_55 = arith.constant 0 : i32
      %dma_start3A_56 = arith.constant 0 : i32
      %dma_start3A_57 = tpu.memref_slice %arg3[%add3A, %dma_start3A_55, %dma_start3A_56] : memref<32x79x128xi32, #tpu.memory_space<hbm>> -> memref<1x79x128xi32, #tpu.memory_space<hbm>>
      %dma_start3A_58 = tpu.memref_squeeze %dma_start3A_57 : memref<1x79x128xi32, #tpu.memory_space<hbm>> -> memref<79x128xi32, #tpu.memory_space<hbm>>
      %dma_start3A_59 = arith.constant 40 : i32
      %dma_start3A_60 = arith.constant 0 : i32
      %dma_start3A_61 = tpu.memref_slice %dma_start3A_58[%dma_start3A_59, %dma_start3A_60] : memref<79x128xi32, #tpu.memory_space<hbm>> -> memref<39x128xi32, #tpu.memory_space<hbm>>
      tpu.enqueue_dma source(%dma_start3A_61 : memref<39x128xi32, #tpu.memory_space<hbm>>) target(%dma_start3A_54 : memref<39x128xi32, #tpu.memory_space<vmem>>) target_semaphore(%run_scoped3A : memref<!tpu.dma_semaphore, #tpu.memory_space<semaphore_mem>>)
      %dma_wait3A = arith.constant 0 : i32
      %dma_wait3A_62 = arith.constant 0 : i32
      %dma_wait3A_63 = tpu.memref_slice %arg7[%dma_wait3A, %dma_wait3A_62] : memref<40x128xi32, #tpu.memory_space<vmem>> -> memref<39x128xi32, #tpu.memory_space<vmem>>
      %dma_wait3A_64 = arith.constant 0 : i32
      %dma_wait3A_65 = arith.constant 0 : i32
      %dma_wait3A_66 = tpu.memref_slice %arg3[%add3A, %dma_wait3A_64, %dma_wait3A_65] : memref<32x79x128xi32, #tpu.memory_space<hbm>> -> memref<1x79x128xi32, #tpu.memory_space<hbm>>
      %dma_wait3A_67 = tpu.memref_squeeze %dma_wait3A_66 : memref<1x79x128xi32, #tpu.memory_space<hbm>> -> memref<79x128xi32, #tpu.memory_space<hbm>>
      %dma_wait3A_68 = arith.constant 40 : i32
      %dma_wait3A_69 = arith.constant 0 : i32
      %dma_wait3A_70 = tpu.memref_slice %dma_wait3A_67[%dma_wait3A_68, %dma_wait3A_69] : memref<79x128xi32, #tpu.memory_space<hbm>> -> memref<39x128xi32, #tpu.memory_space<hbm>>
      %dma_wait3A_71 = arith.constant 0 : i32
      %dma_wait3A_72 = arith.constant 0 : i32
      %dma_wait3A_73 = tpu.memref_slice %arg7[%dma_wait3A_71, %dma_wait3A_72] : memref<40x128xi32, #tpu.memory_space<vmem>> -> memref<39x128xi32, #tpu.memory_space<vmem>>
      %dma_wait3A_74 = arith.constant 0 : i32
      %dma_wait3A_75 = arith.constant 0 : i32
      %dma_wait3A_76 = tpu.memref_slice %arg3[%add3A, %dma_wait3A_74, %dma_wait3A_75] : memref<32x79x128xi32, #tpu.memory_space<hbm>> -> memref<1x79x128xi32, #tpu.memory_space<hbm>>
      %dma_wait3A_77 = tpu.memref_squeeze %dma_wait3A_76 : memref<1x79x128xi32, #tpu.memory_space<hbm>> -> memref<79x128xi32, #tpu.memory_space<hbm>>
      %dma_wait3A_78 = arith.constant 40 : i32
      %dma_wait3A_79 = arith.constant 0 : i32
      %dma_wait3A_80 = tpu.memref_slice %dma_wait3A_77[%dma_wait3A_78, %dma_wait3A_79] : memref<79x128xi32, #tpu.memory_space<hbm>> -> memref<39x128xi32, #tpu.memory_space<hbm>>
      tpu.wait_dma2 semaphore(%run_scoped3A : memref<!tpu.dma_semaphore, #tpu.memory_space<semaphore_mem>>) src(%dma_wait3A_80 : memref<39x128xi32, #tpu.memory_space<hbm>>) dst(%dma_wait3A_73 : memref<39x128xi32, #tpu.memory_space<vmem>>)
      tpu.yield
    }) : () -> ()
    "tpu.region"() ({
      %run_scoped3A = tpu.sem_alloc : memref<!tpu.dma_semaphore, #tpu.memory_space<semaphore_mem>>
      %dma_start3A_42 = arith.constant 0 : i32
      %dma_start3A_43 = arith.constant 0 : i32
      %dma_start3A_44 = tpu.memref_slice %arg8[%dma_start3A_42, %dma_start3A_43] : memref<40x128xi32, #tpu.memory_space<vmem>> -> memref<39x128xi32, #tpu.memory_space<vmem>>
      %dma_start3A_45 = arith.constant 0 : i32
      %dma_start3A_46 = arith.constant 0 : i32
      %dma_start3A_47 = tpu.memref_slice %arg4[%add3A, %dma_start3A_45, %dma_start3A_46] : memref<32x79x128xi32, #tpu.memory_space<hbm>> -> memref<1x79x128xi32, #tpu.memory_space<hbm>>
      %dma_start3A_48 = tpu.memref_squeeze %dma_start3A_47 : memref<1x79x128xi32, #tpu.memory_space<hbm>> -> memref<79x128xi32, #tpu.memory_space<hbm>>
      %dma_start3A_49 = arith.constant 40 : i32
      %dma_start3A_50 = arith.constant 0 : i32
      %dma_start3A_51 = tpu.memref_slice %dma_start3A_48[%dma_start3A_49, %dma_start3A_50] : memref<79x128xi32, #tpu.memory_space<hbm>> -> memref<39x128xi32, #tpu.memory_space<hbm>>
      %dma_start3A_52 = arith.constant 0 : i32
      %dma_start3A_53 = arith.constant 0 : i32
      %dma_start3A_54 = tpu.memref_slice %arg8[%dma_start3A_52, %dma_start3A_53] : memref<40x128xi32, #tpu.memory_space<vmem>> -> memref<39x128xi32, #tpu.memory_space<vmem>>
      %dma_start3A_55 = arith.constant 0 : i32
      %dma_start3A_56 = arith.constant 0 : i32
      %dma_start3A_57 = tpu.memref_slice %arg4[%add3A, %dma_start3A_55, %dma_start3A_56] : memref<32x79x128xi32, #tpu.memory_space<hbm>> -> memref<1x79x128xi32, #tpu.memory_space<hbm>>
      %dma_start3A_58 = tpu.memref_squeeze %dma_start3A_57 : memref<1x79x128xi32, #tpu.memory_space<hbm>> -> memref<79x128xi32, #tpu.memory_space<hbm>>
      %dma_start3A_59 = arith.constant 40 : i32
      %dma_start3A_60 = arith.constant 0 : i32
      %dma_start3A_61 = tpu.memref_slice %dma_start3A_58[%dma_start3A_59, %dma_start3A_60] : memref<79x128xi32, #tpu.memory_space<hbm>> -> memref<39x128xi32, #tpu.memory_space<hbm>>
      tpu.enqueue_dma source(%dma_start3A_61 : memref<39x128xi32, #tpu.memory_space<hbm>>) target(%dma_start3A_54 : memref<39x128xi32, #tpu.memory_space<vmem>>) target_semaphore(%run_scoped3A : memref<!tpu.dma_semaphore, #tpu.memory_space<semaphore_mem>>)
      %dma_wait3A = arith.constant 0 : i32
      %dma_wait3A_62 = arith.constant 0 : i32
      %dma_wait3A_63 = tpu.memref_slice %arg8[%dma_wait3A, %dma_wait3A_62] : memref<40x128xi32, #tpu.memory_space<vmem>> -> memref<39x128xi32, #tpu.memory_space<vmem>>
      %dma_wait3A_64 = arith.constant 0 : i32
      %dma_wait3A_65 = arith.constant 0 : i32
      %dma_wait3A_66 = tpu.memref_slice %arg4[%add3A, %dma_wait3A_64, %dma_wait3A_65] : memref<32x79x128xi32, #tpu.memory_space<hbm>> -> memref<1x79x128xi32, #tpu.memory_space<hbm>>
      %dma_wait3A_67 = tpu.memref_squeeze %dma_wait3A_66 : memref<1x79x128xi32, #tpu.memory_space<hbm>> -> memref<79x128xi32, #tpu.memory_space<hbm>>
      %dma_wait3A_68 = arith.constant 40 : i32
      %dma_wait3A_69 = arith.constant 0 : i32
      %dma_wait3A_70 = tpu.memref_slice %dma_wait3A_67[%dma_wait3A_68, %dma_wait3A_69] : memref<79x128xi32, #tpu.memory_space<hbm>> -> memref<39x128xi32, #tpu.memory_space<hbm>>
      %dma_wait3A_71 = arith.constant 0 : i32
      %dma_wait3A_72 = arith.constant 0 : i32
      %dma_wait3A_73 = tpu.memref_slice %arg8[%dma_wait3A_71, %dma_wait3A_72] : memref<40x128xi32, #tpu.memory_space<vmem>> -> memref<39x128xi32, #tpu.memory_space<vmem>>
      %dma_wait3A_74 = arith.constant 0 : i32
      %dma_wait3A_75 = arith.constant 0 : i32
      %dma_wait3A_76 = tpu.memref_slice %arg4[%add3A, %dma_wait3A_74, %dma_wait3A_75] : memref<32x79x128xi32, #tpu.memory_space<hbm>> -> memref<1x79x128xi32, #tpu.memory_space<hbm>>
      %dma_wait3A_77 = tpu.memref_squeeze %dma_wait3A_76 : memref<1x79x128xi32, #tpu.memory_space<hbm>> -> memref<79x128xi32, #tpu.memory_space<hbm>>
      %dma_wait3A_78 = arith.constant 40 : i32
      %dma_wait3A_79 = arith.constant 0 : i32
      %dma_wait3A_80 = tpu.memref_slice %dma_wait3A_77[%dma_wait3A_78, %dma_wait3A_79] : memref<79x128xi32, #tpu.memory_space<hbm>> -> memref<39x128xi32, #tpu.memory_space<hbm>>
      tpu.wait_dma2 semaphore(%run_scoped3A : memref<!tpu.dma_semaphore, #tpu.memory_space<semaphore_mem>>) src(%dma_wait3A_80 : memref<39x128xi32, #tpu.memory_space<hbm>>) dst(%dma_wait3A_73 : memref<39x128xi32, #tpu.memory_space<vmem>>)
      tpu.yield
    }) : () -> ()
    %dma_start3A_24 = arith.constant 0 : i32
    %dma_start3A_25 = arith.constant 0 : i32
    %dma_start3A_26 = tpu.memref_slice %arg7[%dma_start3A_24, %dma_start3A_25] : memref<40x128xi32, #tpu.memory_space<vmem>> -> memref<1x128xi32, #tpu.memory_space<vmem>>
    %dma_start3A_27 = tpu.memref_squeeze %dma_start3A_26 : memref<1x128xi32, #tpu.memory_space<vmem>> -> memref<128xi32, #tpu.memory_space<vmem>>
    %dma_start3A_28 = arith.constant 0 : i32
    %dma_start3A_29 = arith.constant 0 : i32
    %dma_start3A_30 = tpu.memref_slice %arg2[%dma_start3A_28, %dma_start3A_29] : memref<10112x128xf32, #tpu.memory_space<hbm>> -> memref<10112x128xf32, #tpu.memory_space<hbm>>
    tpu.enqueue_indirect_dma source(%dma_start3A_30 : memref<10112x128xf32, #tpu.memory_space<hbm>>) target(%arg9 : memref<128x128xf32, #tpu.memory_space<vmem>>) offsets(%dma_start3A_27 : memref<128xi32, #tpu.memory_space<vmem>>) semaphore(%arg12 : memref<!tpu.dma_semaphore, #tpu.memory_space<semaphore_mem>>)
    %scan3A_31 = arith.constant 0 : i32
    %scan3A_32 = arith.constant 0 : i32
    %scan3A_33 = arith.constant 20 : i32
    %scan3A_34 = arith.addi %scan3A_32, %scan3A_33 : i32
    %scan3A_35 = arith.constant 1 : i32
    scf.for %scan3A_42 = %scan3A_32 to %scan3A_34 step %scan3A_35  : i32 {
      %mul3A_43 = arith.constant 2 : i32
      %mul3A_44 = arith.muli %mul3A_43, %scan3A_42 : i32
      %add3A_45 = arith.constant 1 : i32
      %add3A_46 = arith.addi %mul3A_44, %add3A_45 : i32
      %lt3A = arith.constant 39 : i32
      %lt3A_47 = arith.cmpi slt, %add3A_46, %lt3A : i32
      %convert_element_type3A = arith.extui %lt3A_47 : i1 to i32
      %cond3A = arith.constant 0 : i32
      %cond3A_48 = arith.cmpi ne, %convert_element_type3A, %cond3A : i32
      scf.if %cond3A_48 {
        %add3A_68 = arith.constant 1 : i32
        %add3A_69 = arith.addi %mul3A_44, %add3A_68 : i32
        %dma_start3A_70 = arith.constant 0 : i32
        %dma_start3A_71 = tpu.memref_slice %arg7[%add3A_69, %dma_start3A_70] : memref<40x128xi32, #tpu.memory_space<vmem>> -> memref<1x128xi32, #tpu.memory_space<vmem>>
        %dma_start3A_72 = tpu.memref_squeeze %dma_start3A_71 : memref<1x128xi32, #tpu.memory_space<vmem>> -> memref<128xi32, #tpu.memory_space<vmem>>
        %dma_start3A_73 = arith.constant 0 : i32
        %dma_start3A_74 = arith.constant 0 : i32
        %dma_start3A_75 = tpu.memref_slice %arg2[%dma_start3A_73, %dma_start3A_74] : memref<10112x128xf32, #tpu.memory_space<hbm>> -> memref<10112x128xf32, #tpu.memory_space<hbm>>
        tpu.enqueue_indirect_dma source(%dma_start3A_75 : memref<10112x128xf32, #tpu.memory_space<hbm>>) target(%arg10 : memref<128x128xf32, #tpu.memory_space<vmem>>) offsets(%dma_start3A_72 : memref<128xi32, #tpu.memory_space<vmem>>) semaphore(%arg13 : memref<!tpu.dma_semaphore, #tpu.memory_space<semaphore_mem>>)
      } else {
      }
      %dma_wait3A = arith.constant 0 : i32
      %dma_wait3A_49 = tpu.memref_slice %arg7[%mul3A_44, %dma_wait3A] : memref<40x128xi32, #tpu.memory_space<vmem>> -> memref<1x128xi32, #tpu.memory_space<vmem>>
      %dma_wait3A_50 = tpu.memref_squeeze %dma_wait3A_49 : memref<1x128xi32, #tpu.memory_space<vmem>> -> memref<128xi32, #tpu.memory_space<vmem>>
      %dma_wait3A_51 = arith.constant 0 : i32
      %dma_wait3A_52 = arith.constant 0 : i32
      %dma_wait3A_53 = tpu.memref_slice %arg2[%dma_wait3A_51, %dma_wait3A_52] : memref<10112x128xf32, #tpu.memory_space<hbm>> -> memref<10112x128xf32, #tpu.memory_space<hbm>>
      tpu.wait_indirect_dma semaphore(%arg12 : memref<!tpu.dma_semaphore, #tpu.memory_space<semaphore_mem>>) src(%dma_wait3A_53 : memref<10112x128xf32, #tpu.memory_space<hbm>>) dst(%arg9 : memref<128x128xf32, #tpu.memory_space<vmem>>)
      "tpu.region"() ({
        %run_scoped3A = tpu.sem_alloc : memref<!tpu.dma_semaphore, #tpu.memory_space<semaphore_mem>>
        %dma_start3A_68 = arith.constant 0 : i32
        %dma_start3A_69 = tpu.memref_slice %arg8[%mul3A_44, %dma_start3A_68] : memref<40x128xi32, #tpu.memory_space<vmem>> -> memref<1x128xi32, #tpu.memory_space<vmem>>
        %dma_start3A_70 = tpu.memref_squeeze %dma_start3A_69 : memref<1x128xi32, #tpu.memory_space<vmem>> -> memref<128xi32, #tpu.memory_space<vmem>>
        %dma_start3A_71 = arith.constant 0 : i32
        %dma_start3A_72 = arith.constant 0 : i32
        %dma_start3A_73 = tpu.memref_slice %arg11[%dma_start3A_71, %dma_start3A_72] : memref<10112x128xf32, #tpu.memory_space<vmem_shared>> -> memref<10112x128xf32, #tpu.memory_space<vmem_shared>>
        tpu.enqueue_indirect_dma source(%arg9 : memref<128x128xf32, #tpu.memory_space<vmem>>) target(%dma_start3A_73 : memref<10112x128xf32, #tpu.memory_space<vmem_shared>>) offsets(%dma_start3A_70 : memref<128xi32, #tpu.memory_space<vmem>>) semaphore(%run_scoped3A : memref<!tpu.dma_semaphore, #tpu.memory_space<semaphore_mem>>) {add = true}
        %dma_wait3A_74 = arith.constant 0 : i32
        %dma_wait3A_75 = tpu.memref_slice %arg8[%mul3A_44, %dma_wait3A_74] : memref<40x128xi32, #tpu.memory_space<vmem>> -> memref<1x128xi32, #tpu.memory_space<vmem>>
        %dma_wait3A_76 = tpu.memref_squeeze %dma_wait3A_75 : memref<1x128xi32, #tpu.memory_space<vmem>> -> memref<128xi32, #tpu.memory_space<vmem>>
        %dma_wait3A_77 = arith.constant 0 : i32
        %dma_wait3A_78 = arith.constant 0 : i32
        %dma_wait3A_79 = tpu.memref_slice %arg11[%dma_wait3A_77, %dma_wait3A_78] : memref<10112x128xf32, #tpu.memory_space<vmem_shared>> -> memref<10112x128xf32, #tpu.memory_space<vmem_shared>>
        tpu.wait_indirect_dma semaphore(%run_scoped3A : memref<!tpu.dma_semaphore, #tpu.memory_space<semaphore_mem>>) src(%arg9 : memref<128x128xf32, #tpu.memory_space<vmem>>) dst(%dma_wait3A_79 : memref<10112x128xf32, #tpu.memory_space<vmem_shared>>)
        tpu.yield
      }) : () -> ()
      %add3A_54 = arith.constant 2 : i32
      %add3A_55 = arith.addi %mul3A_44, %add3A_54 : i32
      %lt3A_56 = arith.constant 39 : i32
      %lt3A_57 = arith.cmpi slt, %add3A_55, %lt3A_56 : i32
      %convert_element_type3A_58 = arith.extui %lt3A_57 : i1 to i32
      %cond3A_59 = arith.constant 0 : i32
      %cond3A_60 = arith.cmpi ne, %convert_element_type3A_58, %cond3A_59 : i32
      scf.if %cond3A_60 {
        %add3A_68 = arith.constant 2 : i32
        %add3A_69 = arith.addi %mul3A_44, %add3A_68 : i32
        %dma_start3A_70 = arith.constant 0 : i32
        %dma_start3A_71 = tpu.memref_slice %arg7[%add3A_69, %dma_start3A_70] : memref<40x128xi32, #tpu.memory_space<vmem>> -> memref<1x128xi32, #tpu.memory_space<vmem>>
        %dma_start3A_72 = tpu.memref_squeeze %dma_start3A_71 : memref<1x128xi32, #tpu.memory_space<vmem>> -> memref<128xi32, #tpu.memory_space<vmem>>
        %dma_start3A_73 = arith.constant 0 : i32
        %dma_start3A_74 = arith.constant 0 : i32
        %dma_start3A_75 = tpu.memref_slice %arg2[%dma_start3A_73, %dma_start3A_74] : memref<10112x128xf32, #tpu.memory_space<hbm>> -> memref<10112x128xf32, #tpu.memory_space<hbm>>
        tpu.enqueue_indirect_dma source(%dma_start3A_75 : memref<10112x128xf32, #tpu.memory_space<hbm>>) target(%arg9 : memref<128x128xf32, #tpu.memory_space<vmem>>) offsets(%dma_start3A_72 : memref<128xi32, #tpu.memory_space<vmem>>) semaphore(%arg12 : memref<!tpu.dma_semaphore, #tpu.memory_space<semaphore_mem>>)
      } else {
      }
      %add3A_61 = arith.constant 1 : i32
      %add3A_62 = arith.addi %mul3A_44, %add3A_61 : i32
      %lt3A_63 = arith.constant 39 : i32
      %lt3A_64 = arith.cmpi slt, %add3A_62, %lt3A_63 : i32
      %convert_element_type3A_65 = arith.extui %lt3A_64 : i1 to i32
      %cond3A_66 = arith.constant 0 : i32
      %cond3A_67 = arith.cmpi ne, %convert_element_type3A_65, %cond3A_66 : i32
      scf.if %cond3A_67 {
        %add3A_68 = arith.constant 1 : i32
        %add3A_69 = arith.addi %mul3A_44, %add3A_68 : i32
        %dma_wait3A_70 = arith.constant 0 : i32
        %dma_wait3A_71 = tpu.memref_slice %arg7[%add3A_69, %dma_wait3A_70] : memref<40x128xi32, #tpu.memory_space<vmem>> -> memref<1x128xi32, #tpu.memory_space<vmem>>
        %dma_wait3A_72 = tpu.memref_squeeze %dma_wait3A_71 : memref<1x128xi32, #tpu.memory_space<vmem>> -> memref<128xi32, #tpu.memory_space<vmem>>
        %dma_wait3A_73 = arith.constant 0 : i32
        %dma_wait3A_74 = arith.constant 0 : i32
        %dma_wait3A_75 = tpu.memref_slice %arg2[%dma_wait3A_73, %dma_wait3A_74] : memref<10112x128xf32, #tpu.memory_space<hbm>> -> memref<10112x128xf32, #tpu.memory_space<hbm>>
        tpu.wait_indirect_dma semaphore(%arg13 : memref<!tpu.dma_semaphore, #tpu.memory_space<semaphore_mem>>) src(%dma_wait3A_75 : memref<10112x128xf32, #tpu.memory_space<hbm>>) dst(%arg10 : memref<128x128xf32, #tpu.memory_space<vmem>>)
        %add3A_76 = arith.constant 1 : i32
        %add3A_77 = arith.addi %mul3A_44, %add3A_76 : i32
        "tpu.region"() ({
          %run_scoped3A = tpu.sem_alloc : memref<!tpu.dma_semaphore, #tpu.memory_space<semaphore_mem>>
          %dma_start3A_78 = arith.constant 0 : i32
          %dma_start3A_79 = tpu.memref_slice %arg8[%add3A_77, %dma_start3A_78] : memref<40x128xi32, #tpu.memory_space<vmem>> -> memref<1x128xi32, #tpu.memory_space<vmem>>
          %dma_start3A_80 = tpu.memref_squeeze %dma_start3A_79 : memref<1x128xi32, #tpu.memory_space<vmem>> -> memref<128xi32, #tpu.memory_space<vmem>>
          %dma_start3A_81 = arith.constant 0 : i32
          %dma_start3A_82 = arith.constant 0 : i32
          %dma_start3A_83 = tpu.memref_slice %arg11[%dma_start3A_81, %dma_start3A_82] : memref<10112x128xf32, #tpu.memory_space<vmem_shared>> -> memref<10112x128xf32, #tpu.memory_space<vmem_shared>>
          tpu.enqueue_indirect_dma source(%arg10 : memref<128x128xf32, #tpu.memory_space<vmem>>) target(%dma_start3A_83 : memref<10112x128xf32, #tpu.memory_space<vmem_shared>>) offsets(%dma_start3A_80 : memref<128xi32, #tpu.memory_space<vmem>>) semaphore(%run_scoped3A : memref<!tpu.dma_semaphore, #tpu.memory_space<semaphore_mem>>) {add = true}
          %dma_wait3A_84 = arith.constant 0 : i32
          %dma_wait3A_85 = tpu.memref_slice %arg8[%add3A_77, %dma_wait3A_84] : memref<40x128xi32, #tpu.memory_space<vmem>> -> memref<1x128xi32, #tpu.memory_space<vmem>>
          %dma_wait3A_86 = tpu.memref_squeeze %dma_wait3A_85 : memref<1x128xi32, #tpu.memory_space<vmem>> -> memref<128xi32, #tpu.memory_space<vmem>>
          %dma_wait3A_87 = arith.constant 0 : i32
          %dma_wait3A_88 = arith.constant 0 : i32
          %dma_wait3A_89 = tpu.memref_slice %arg11[%dma_wait3A_87, %dma_wait3A_88] : memref<10112x128xf32, #tpu.memory_space<vmem_shared>> -> memref<10112x128xf32, #tpu.memory_space<vmem_shared>>
          tpu.wait_indirect_dma semaphore(%run_scoped3A : memref<!tpu.dma_semaphore, #tpu.memory_space<semaphore_mem>>) src(%arg10 : memref<128x128xf32, #tpu.memory_space<vmem>>) dst(%dma_wait3A_89 : memref<10112x128xf32, #tpu.memory_space<vmem_shared>>)
          tpu.yield
        }) : () -> ()
      } else {
      }
    }
    %scan3A_36 = arith.constant 20 : i32
    %barrier3A_37 = arith.constant 0 : index
    tpu.barrier barrier_id(%barrier3A_37)
    %mul3A_38 = arith.constant 632 : i32
    %mul3A_39 = arith.muli %arg1, %mul3A_38 : i32
    %mul3A_40 = arith.constant 632 : i32
    %mul3A_41 = arith.muli %arg1, %mul3A_40 : i32
    "tpu.region"() ({
      %run_scoped3A = tpu.sem_alloc : memref<!tpu.dma_semaphore, #tpu.memory_space<semaphore_mem>>
      %dma_start3A_42 = arith.constant 0 : i32
      %dma_start3A_43 = arith.constant 0 : i32
      %dma_start3A_44 = tpu.memref_slice %arg6[%arg0, %dma_start3A_42, %dma_start3A_43] : memref<2x10112x128xf32, #tpu.memory_space<hbm>> -> memref<1x10112x128xf32, #tpu.memory_space<hbm>>
      %dma_start3A_45 = tpu.memref_squeeze %dma_start3A_44 : memref<1x10112x128xf32, #tpu.memory_space<hbm>> -> memref<10112x128xf32, #tpu.memory_space<hbm>>
      %dma_start3A_46 = arith.constant 0 : i32
      %dma_start3A_47 = tpu.memref_slice %dma_start3A_45[%mul3A_41, %dma_start3A_46] : memref<10112x128xf32, #tpu.memory_space<hbm>> -> memref<632x128xf32, #tpu.memory_space<hbm>>
      %dma_start3A_48 = arith.constant 0 : i32
      %dma_start3A_49 = tpu.memref_slice %arg11[%mul3A_39, %dma_start3A_48] : memref<10112x128xf32, #tpu.memory_space<vmem_shared>> -> memref<632x128xf32, #tpu.memory_space<vmem_shared>>
      tpu.enqueue_dma source(%dma_start3A_49 : memref<632x128xf32, #tpu.memory_space<vmem_shared>>) target(%dma_start3A_47 : memref<632x128xf32, #tpu.memory_space<hbm>>) target_semaphore(%run_scoped3A : memref<!tpu.dma_semaphore, #tpu.memory_space<semaphore_mem>>)
      %dma_wait3A = arith.constant 0 : i32
      %dma_wait3A_50 = arith.constant 0 : i32
      %dma_wait3A_51 = tpu.memref_slice %arg6[%arg0, %dma_wait3A, %dma_wait3A_50] : memref<2x10112x128xf32, #tpu.memory_space<hbm>> -> memref<1x10112x128xf32, #tpu.memory_space<hbm>>
      %dma_wait3A_52 = tpu.memref_squeeze %dma_wait3A_51 : memref<1x10112x128xf32, #tpu.memory_space<hbm>> -> memref<10112x128xf32, #tpu.memory_space<hbm>>
      %dma_wait3A_53 = arith.constant 0 : i32
      %dma_wait3A_54 = tpu.memref_slice %dma_wait3A_52[%mul3A_41, %dma_wait3A_53] : memref<10112x128xf32, #tpu.memory_space<hbm>> -> memref<632x128xf32, #tpu.memory_space<hbm>>
      %dma_wait3A_55 = arith.constant 0 : i32
      %dma_wait3A_56 = tpu.memref_slice %arg11[%mul3A_39, %dma_wait3A_55] : memref<10112x128xf32, #tpu.memory_space<vmem_shared>> -> memref<632x128xf32, #tpu.memory_space<vmem_shared>>
      tpu.wait_dma2 semaphore(%run_scoped3A : memref<!tpu.dma_semaphore, #tpu.memory_space<semaphore_mem>>) src(%dma_wait3A_56 : memref<632x128xf32, #tpu.memory_space<vmem_shared>>) dst(%dma_wait3A_54 : memref<632x128xf32, #tpu.memory_space<hbm>>)
      tpu.yield
    }) : () -> ()
    return
  }
}

#map = affine_map<(d0, d1) -> (0, 0)>
#map1 = affine_map<(d0, d1) -> (0, 0, 0)>
module attributes {stable_mosaic.version = 14 : i64} {
  func.func @pool_kernel(%arg0: i32, %arg1: i32, %arg2: memref<10112x128xf32, #tpu.memory_space<hbm>>, %arg3: memref<32x3x128xi32, #tpu.memory_space<hbm>>, %arg4: memref<32x3x128xi32, #tpu.memory_space<hbm>>, %arg5: memref<128x128xf32, #tpu.memory_space<hbm>>, %arg6: memref<2x384x128xf32, #tpu.memory_space<hbm>>, %arg7: memref<3x128xi32, #tpu.memory_space<vmem>>, %arg8: memref<3x128xi32, #tpu.memory_space<vmem>>, %arg9: memref<128x128xf32, #tpu.memory_space<vmem>>, %arg10: memref<384x128xf32, #tpu.memory_space<vmem_shared>>) attributes {dimension_semantics = [#tpu.dimension_semantics<core_parallel>, #tpu.dimension_semantics<subcore_parallel>], iteration_bounds = array<i64: 2, 16>, scalar_prefetch = 0 : i64, scratch_operands = 4 : i64, tpu.core_type = #tpu.core_type<sc_vector_subcore>, window_params = [{transform_indices = #map}, {transform_indices = #map1}, {transform_indices = #map1}, {transform_indices = #map}, {transform_indices = #map1}]} {
    %mul3A = arith.constant 2 : i32
    %mul3A_0 = arith.muli %arg1, %mul3A : i32
    %add3A = arith.addi %mul3A_0, %arg0 : i32
    "tpu.region"() ({
      %run_scoped3A_15 = tpu.sem_alloc : memref<!tpu.dma_semaphore, #tpu.memory_space<semaphore_mem>>
      %dma_start3A = arith.constant 0 : i32
      %dma_start3A_16 = arith.constant 0 : i32
      %dma_start3A_17 = tpu.memref_slice %arg3[%add3A, %dma_start3A, %dma_start3A_16] : memref<32x3x128xi32, #tpu.memory_space<hbm>> -> memref<1x3x128xi32, #tpu.memory_space<hbm>>
      %dma_start3A_18 = tpu.memref_squeeze %dma_start3A_17 : memref<1x3x128xi32, #tpu.memory_space<hbm>> -> memref<3x128xi32, #tpu.memory_space<hbm>>
      %dma_start3A_19 = arith.constant 0 : i32
      %dma_start3A_20 = arith.constant 0 : i32
      %dma_start3A_21 = tpu.memref_slice %arg3[%add3A, %dma_start3A_19, %dma_start3A_20] : memref<32x3x128xi32, #tpu.memory_space<hbm>> -> memref<1x3x128xi32, #tpu.memory_space<hbm>>
      %dma_start3A_22 = tpu.memref_squeeze %dma_start3A_21 : memref<1x3x128xi32, #tpu.memory_space<hbm>> -> memref<3x128xi32, #tpu.memory_space<hbm>>
      tpu.enqueue_dma source(%dma_start3A_22 : memref<3x128xi32, #tpu.memory_space<hbm>>) target(%arg7 : memref<3x128xi32, #tpu.memory_space<vmem>>) target_semaphore(%run_scoped3A_15 : memref<!tpu.dma_semaphore, #tpu.memory_space<semaphore_mem>>)
      %dma_wait3A = arith.constant 0 : i32
      %dma_wait3A_23 = arith.constant 0 : i32
      %dma_wait3A_24 = tpu.memref_slice %arg3[%add3A, %dma_wait3A, %dma_wait3A_23] : memref<32x3x128xi32, #tpu.memory_space<hbm>> -> memref<1x3x128xi32, #tpu.memory_space<hbm>>
      %dma_wait3A_25 = tpu.memref_squeeze %dma_wait3A_24 : memref<1x3x128xi32, #tpu.memory_space<hbm>> -> memref<3x128xi32, #tpu.memory_space<hbm>>
      %dma_wait3A_26 = arith.constant 0 : i32
      %dma_wait3A_27 = arith.constant 0 : i32
      %dma_wait3A_28 = tpu.memref_slice %arg3[%add3A, %dma_wait3A_26, %dma_wait3A_27] : memref<32x3x128xi32, #tpu.memory_space<hbm>> -> memref<1x3x128xi32, #tpu.memory_space<hbm>>
      %dma_wait3A_29 = tpu.memref_squeeze %dma_wait3A_28 : memref<1x3x128xi32, #tpu.memory_space<hbm>> -> memref<3x128xi32, #tpu.memory_space<hbm>>
      tpu.wait_dma2 semaphore(%run_scoped3A_15 : memref<!tpu.dma_semaphore, #tpu.memory_space<semaphore_mem>>) src(%dma_wait3A_29 : memref<3x128xi32, #tpu.memory_space<hbm>>) dst(%arg7 : memref<3x128xi32, #tpu.memory_space<vmem>>)
      tpu.yield
    }) : () -> ()
    "tpu.region"() ({
      %run_scoped3A_15 = tpu.sem_alloc : memref<!tpu.dma_semaphore, #tpu.memory_space<semaphore_mem>>
      %dma_start3A = arith.constant 0 : i32
      %dma_start3A_16 = arith.constant 0 : i32
      %dma_start3A_17 = tpu.memref_slice %arg4[%add3A, %dma_start3A, %dma_start3A_16] : memref<32x3x128xi32, #tpu.memory_space<hbm>> -> memref<1x3x128xi32, #tpu.memory_space<hbm>>
      %dma_start3A_18 = tpu.memref_squeeze %dma_start3A_17 : memref<1x3x128xi32, #tpu.memory_space<hbm>> -> memref<3x128xi32, #tpu.memory_space<hbm>>
      %dma_start3A_19 = arith.constant 0 : i32
      %dma_start3A_20 = arith.constant 0 : i32
      %dma_start3A_21 = tpu.memref_slice %arg4[%add3A, %dma_start3A_19, %dma_start3A_20] : memref<32x3x128xi32, #tpu.memory_space<hbm>> -> memref<1x3x128xi32, #tpu.memory_space<hbm>>
      %dma_start3A_22 = tpu.memref_squeeze %dma_start3A_21 : memref<1x3x128xi32, #tpu.memory_space<hbm>> -> memref<3x128xi32, #tpu.memory_space<hbm>>
      tpu.enqueue_dma source(%dma_start3A_22 : memref<3x128xi32, #tpu.memory_space<hbm>>) target(%arg8 : memref<3x128xi32, #tpu.memory_space<vmem>>) target_semaphore(%run_scoped3A_15 : memref<!tpu.dma_semaphore, #tpu.memory_space<semaphore_mem>>)
      %dma_wait3A = arith.constant 0 : i32
      %dma_wait3A_23 = arith.constant 0 : i32
      %dma_wait3A_24 = tpu.memref_slice %arg4[%add3A, %dma_wait3A, %dma_wait3A_23] : memref<32x3x128xi32, #tpu.memory_space<hbm>> -> memref<1x3x128xi32, #tpu.memory_space<hbm>>
      %dma_wait3A_25 = tpu.memref_squeeze %dma_wait3A_24 : memref<1x3x128xi32, #tpu.memory_space<hbm>> -> memref<3x128xi32, #tpu.memory_space<hbm>>
      %dma_wait3A_26 = arith.constant 0 : i32
      %dma_wait3A_27 = arith.constant 0 : i32
      %dma_wait3A_28 = tpu.memref_slice %arg4[%add3A, %dma_wait3A_26, %dma_wait3A_27] : memref<32x3x128xi32, #tpu.memory_space<hbm>> -> memref<1x3x128xi32, #tpu.memory_space<hbm>>
      %dma_wait3A_29 = tpu.memref_squeeze %dma_wait3A_28 : memref<1x3x128xi32, #tpu.memory_space<hbm>> -> memref<3x128xi32, #tpu.memory_space<hbm>>
      tpu.wait_dma2 semaphore(%run_scoped3A_15 : memref<!tpu.dma_semaphore, #tpu.memory_space<semaphore_mem>>) src(%dma_wait3A_29 : memref<3x128xi32, #tpu.memory_space<hbm>>) dst(%arg8 : memref<3x128xi32, #tpu.memory_space<vmem>>)
      tpu.yield
    }) : () -> ()
    "tpu.region"() ({
      %run_scoped3A_15 = tpu.sem_alloc : memref<!tpu.dma_semaphore, #tpu.memory_space<semaphore_mem>>
      tpu.enqueue_dma source(%arg5 : memref<128x128xf32, #tpu.memory_space<hbm>>) target(%arg9 : memref<128x128xf32, #tpu.memory_space<vmem>>) target_semaphore(%run_scoped3A_15 : memref<!tpu.dma_semaphore, #tpu.memory_space<semaphore_mem>>)
      tpu.wait_dma2 semaphore(%run_scoped3A_15 : memref<!tpu.dma_semaphore, #tpu.memory_space<semaphore_mem>>) src(%arg5 : memref<128x128xf32, #tpu.memory_space<hbm>>) dst(%arg9 : memref<128x128xf32, #tpu.memory_space<vmem>>)
      tpu.yield
    }) : () -> ()
    %mul3A_1 = arith.constant 24 : i32
    %mul3A_2 = arith.muli %arg1, %mul3A_1 : i32
    %add3A_3 = arith.constant 0 : i32
    %add3A_4 = arith.addi %mul3A_2, %add3A_3 : i32
    "tpu.region"() ({
      %run_scoped3A_15 = tpu.sem_alloc : memref<!tpu.dma_semaphore, #tpu.memory_space<semaphore_mem>>
      %dma_start3A = arith.constant 0 : i32
      %dma_start3A_16 = arith.constant 0 : i32
      %dma_start3A_17 = tpu.memref_slice %arg9[%dma_start3A, %dma_start3A_16] : memref<128x128xf32, #tpu.memory_space<vmem>> -> memref<24x128xf32, #tpu.memory_space<vmem>>
      %dma_start3A_18 = arith.constant 0 : i32
      %dma_start3A_19 = tpu.memref_slice %arg10[%add3A_4, %dma_start3A_18] : memref<384x128xf32, #tpu.memory_space<vmem_shared>> -> memref<24x128xf32, #tpu.memory_space<vmem_shared>>
      %dma_start3A_20 = arith.constant 0 : i32
      %dma_start3A_21 = tpu.memref_slice %arg10[%add3A_4, %dma_start3A_20] : memref<384x128xf32, #tpu.memory_space<vmem_shared>> -> memref<24x128xf32, #tpu.memory_space<vmem_shared>>
      %dma_start3A_22 = arith.constant 0 : i32
      %dma_start3A_23 = arith.constant 0 : i32
      %dma_start3A_24 = tpu.memref_slice %arg9[%dma_start3A_22, %dma_start3A_23] : memref<128x128xf32, #tpu.memory_space<vmem>> -> memref<24x128xf32, #tpu.memory_space<vmem>>
      tpu.enqueue_dma source(%dma_start3A_24 : memref<24x128xf32, #tpu.memory_space<vmem>>) target(%dma_start3A_21 : memref<24x128xf32, #tpu.memory_space<vmem_shared>>) target_semaphore(%run_scoped3A_15 : memref<!tpu.dma_semaphore, #tpu.memory_space<semaphore_mem>>)
      %dma_wait3A = arith.constant 0 : i32
      %dma_wait3A_25 = arith.constant 0 : i32
      %dma_wait3A_26 = tpu.memref_slice %arg9[%dma_wait3A, %dma_wait3A_25] : memref<128x128xf32, #tpu.memory_space<vmem>> -> memref<24x128xf32, #tpu.memory_space<vmem>>
      %dma_wait3A_27 = arith.constant 0 : i32
      %dma_wait3A_28 = tpu.memref_slice %arg10[%add3A_4, %dma_wait3A_27] : memref<384x128xf32, #tpu.memory_space<vmem_shared>> -> memref<24x128xf32, #tpu.memory_space<vmem_shared>>
      %dma_wait3A_29 = arith.constant 0 : i32
      %dma_wait3A_30 = tpu.memref_slice %arg10[%add3A_4, %dma_wait3A_29] : memref<384x128xf32, #tpu.memory_space<vmem_shared>> -> memref<24x128xf32, #tpu.memory_space<vmem_shared>>
      %dma_wait3A_31 = arith.constant 0 : i32
      %dma_wait3A_32 = arith.constant 0 : i32
      %dma_wait3A_33 = tpu.memref_slice %arg9[%dma_wait3A_31, %dma_wait3A_32] : memref<128x128xf32, #tpu.memory_space<vmem>> -> memref<24x128xf32, #tpu.memory_space<vmem>>
      tpu.wait_dma2 semaphore(%run_scoped3A_15 : memref<!tpu.dma_semaphore, #tpu.memory_space<semaphore_mem>>) src(%dma_wait3A_33 : memref<24x128xf32, #tpu.memory_space<vmem>>) dst(%dma_wait3A_30 : memref<24x128xf32, #tpu.memory_space<vmem_shared>>)
      tpu.yield
    }) : () -> ()
    %barrier3A = arith.constant 0 : index
    tpu.barrier barrier_id(%barrier3A)
    %run_scoped3A = arith.constant 0 : i32
    "tpu.region"() ({
      %run_scoped3A_15 = tpu.sem_alloc : memref<!tpu.dma_semaphore, #tpu.memory_space<semaphore_mem>>
      %dma_start3A = arith.constant 0 : i32
      %dma_start3A_16 = tpu.memref_slice %arg7[%run_scoped3A, %dma_start3A] : memref<3x128xi32, #tpu.memory_space<vmem>> -> memref<1x128xi32, #tpu.memory_space<vmem>>
      %dma_start3A_17 = tpu.memref_squeeze %dma_start3A_16 : memref<1x128xi32, #tpu.memory_space<vmem>> -> memref<128xi32, #tpu.memory_space<vmem>>
      %dma_start3A_18 = arith.constant 0 : i32
      %dma_start3A_19 = arith.constant 0 : i32
      %dma_start3A_20 = tpu.memref_slice %arg2[%dma_start3A_18, %dma_start3A_19] : memref<10112x128xf32, #tpu.memory_space<hbm>> -> memref<10112x128xf32, #tpu.memory_space<hbm>>
      tpu.enqueue_indirect_dma source(%dma_start3A_20 : memref<10112x128xf32, #tpu.memory_space<hbm>>) target(%arg9 : memref<128x128xf32, #tpu.memory_space<vmem>>) offsets(%dma_start3A_17 : memref<128xi32, #tpu.memory_space<vmem>>) semaphore(%run_scoped3A_15 : memref<!tpu.dma_semaphore, #tpu.memory_space<semaphore_mem>>)
      %dma_wait3A = arith.constant 0 : i32
      %dma_wait3A_21 = tpu.memref_slice %arg7[%run_scoped3A, %dma_wait3A] : memref<3x128xi32, #tpu.memory_space<vmem>> -> memref<1x128xi32, #tpu.memory_space<vmem>>
      %dma_wait3A_22 = tpu.memref_squeeze %dma_wait3A_21 : memref<1x128xi32, #tpu.memory_space<vmem>> -> memref<128xi32, #tpu.memory_space<vmem>>
      %dma_wait3A_23 = arith.constant 0 : i32
      %dma_wait3A_24 = arith.constant 0 : i32
      %dma_wait3A_25 = tpu.memref_slice %arg2[%dma_wait3A_23, %dma_wait3A_24] : memref<10112x128xf32, #tpu.memory_space<hbm>> -> memref<10112x128xf32, #tpu.memory_space<hbm>>
      tpu.wait_indirect_dma semaphore(%run_scoped3A_15 : memref<!tpu.dma_semaphore, #tpu.memory_space<semaphore_mem>>) src(%dma_wait3A_25 : memref<10112x128xf32, #tpu.memory_space<hbm>>) dst(%arg9 : memref<128x128xf32, #tpu.memory_space<vmem>>)
      tpu.yield
    }) : () -> ()
    %run_scoped3A_5 = arith.constant 0 : i32
    "tpu.region"() ({
      %run_scoped3A_15 = tpu.sem_alloc : memref<!tpu.dma_semaphore, #tpu.memory_space<semaphore_mem>>
      %dma_start3A = arith.constant 0 : i32
      %dma_start3A_16 = tpu.memref_slice %arg8[%run_scoped3A_5, %dma_start3A] : memref<3x128xi32, #tpu.memory_space<vmem>> -> memref<1x128xi32, #tpu.memory_space<vmem>>
      %dma_start3A_17 = tpu.memref_squeeze %dma_start3A_16 : memref<1x128xi32, #tpu.memory_space<vmem>> -> memref<128xi32, #tpu.memory_space<vmem>>
      %dma_start3A_18 = arith.constant 0 : i32
      %dma_start3A_19 = arith.constant 0 : i32
      %dma_start3A_20 = tpu.memref_slice %arg10[%dma_start3A_18, %dma_start3A_19] : memref<384x128xf32, #tpu.memory_space<vmem_shared>> -> memref<384x128xf32, #tpu.memory_space<vmem_shared>>
      tpu.enqueue_indirect_dma source(%arg9 : memref<128x128xf32, #tpu.memory_space<vmem>>) target(%dma_start3A_20 : memref<384x128xf32, #tpu.memory_space<vmem_shared>>) offsets(%dma_start3A_17 : memref<128xi32, #tpu.memory_space<vmem>>) semaphore(%run_scoped3A_15 : memref<!tpu.dma_semaphore, #tpu.memory_space<semaphore_mem>>) {add = true}
      %dma_wait3A = arith.constant 0 : i32
      %dma_wait3A_21 = tpu.memref_slice %arg8[%run_scoped3A_5, %dma_wait3A] : memref<3x128xi32, #tpu.memory_space<vmem>> -> memref<1x128xi32, #tpu.memory_space<vmem>>
      %dma_wait3A_22 = tpu.memref_squeeze %dma_wait3A_21 : memref<1x128xi32, #tpu.memory_space<vmem>> -> memref<128xi32, #tpu.memory_space<vmem>>
      %dma_wait3A_23 = arith.constant 0 : i32
      %dma_wait3A_24 = arith.constant 0 : i32
      %dma_wait3A_25 = tpu.memref_slice %arg10[%dma_wait3A_23, %dma_wait3A_24] : memref<384x128xf32, #tpu.memory_space<vmem_shared>> -> memref<384x128xf32, #tpu.memory_space<vmem_shared>>
      tpu.wait_indirect_dma semaphore(%run_scoped3A_15 : memref<!tpu.dma_semaphore, #tpu.memory_space<semaphore_mem>>) src(%arg9 : memref<128x128xf32, #tpu.memory_space<vmem>>) dst(%dma_wait3A_25 : memref<384x128xf32, #tpu.memory_space<vmem_shared>>)
      tpu.yield
    }) : () -> ()
    %run_scoped3A_6 = arith.constant 1 : i32
    "tpu.region"() ({
      %run_scoped3A_15 = tpu.sem_alloc : memref<!tpu.dma_semaphore, #tpu.memory_space<semaphore_mem>>
      %dma_start3A = arith.constant 0 : i32
      %dma_start3A_16 = tpu.memref_slice %arg7[%run_scoped3A_6, %dma_start3A] : memref<3x128xi32, #tpu.memory_space<vmem>> -> memref<1x128xi32, #tpu.memory_space<vmem>>
      %dma_start3A_17 = tpu.memref_squeeze %dma_start3A_16 : memref<1x128xi32, #tpu.memory_space<vmem>> -> memref<128xi32, #tpu.memory_space<vmem>>
      %dma_start3A_18 = arith.constant 0 : i32
      %dma_start3A_19 = arith.constant 0 : i32
      %dma_start3A_20 = tpu.memref_slice %arg2[%dma_start3A_18, %dma_start3A_19] : memref<10112x128xf32, #tpu.memory_space<hbm>> -> memref<10112x128xf32, #tpu.memory_space<hbm>>
      tpu.enqueue_indirect_dma source(%dma_start3A_20 : memref<10112x128xf32, #tpu.memory_space<hbm>>) target(%arg9 : memref<128x128xf32, #tpu.memory_space<vmem>>) offsets(%dma_start3A_17 : memref<128xi32, #tpu.memory_space<vmem>>) semaphore(%run_scoped3A_15 : memref<!tpu.dma_semaphore, #tpu.memory_space<semaphore_mem>>)
      %dma_wait3A = arith.constant 0 : i32
      %dma_wait3A_21 = tpu.memref_slice %arg7[%run_scoped3A_6, %dma_wait3A] : memref<3x128xi32, #tpu.memory_space<vmem>> -> memref<1x128xi32, #tpu.memory_space<vmem>>
      %dma_wait3A_22 = tpu.memref_squeeze %dma_wait3A_21 : memref<1x128xi32, #tpu.memory_space<vmem>> -> memref<128xi32, #tpu.memory_space<vmem>>
      %dma_wait3A_23 = arith.constant 0 : i32
      %dma_wait3A_24 = arith.constant 0 : i32
      %dma_wait3A_25 = tpu.memref_slice %arg2[%dma_wait3A_23, %dma_wait3A_24] : memref<10112x128xf32, #tpu.memory_space<hbm>> -> memref<10112x128xf32, #tpu.memory_space<hbm>>
      tpu.wait_indirect_dma semaphore(%run_scoped3A_15 : memref<!tpu.dma_semaphore, #tpu.memory_space<semaphore_mem>>) src(%dma_wait3A_25 : memref<10112x128xf32, #tpu.memory_space<hbm>>) dst(%arg9 : memref<128x128xf32, #tpu.memory_space<vmem>>)
      tpu.yield
    }) : () -> ()
    %run_scoped3A_7 = arith.constant 1 : i32
    "tpu.region"() ({
      %run_scoped3A_15 = tpu.sem_alloc : memref<!tpu.dma_semaphore, #tpu.memory_space<semaphore_mem>>
      %dma_start3A = arith.constant 0 : i32
      %dma_start3A_16 = tpu.memref_slice %arg8[%run_scoped3A_7, %dma_start3A] : memref<3x128xi32, #tpu.memory_space<vmem>> -> memref<1x128xi32, #tpu.memory_space<vmem>>
      %dma_start3A_17 = tpu.memref_squeeze %dma_start3A_16 : memref<1x128xi32, #tpu.memory_space<vmem>> -> memref<128xi32, #tpu.memory_space<vmem>>
      %dma_start3A_18 = arith.constant 0 : i32
      %dma_start3A_19 = arith.constant 0 : i32
      %dma_start3A_20 = tpu.memref_slice %arg10[%dma_start3A_18, %dma_start3A_19] : memref<384x128xf32, #tpu.memory_space<vmem_shared>> -> memref<384x128xf32, #tpu.memory_space<vmem_shared>>
      tpu.enqueue_indirect_dma source(%arg9 : memref<128x128xf32, #tpu.memory_space<vmem>>) target(%dma_start3A_20 : memref<384x128xf32, #tpu.memory_space<vmem_shared>>) offsets(%dma_start3A_17 : memref<128xi32, #tpu.memory_space<vmem>>) semaphore(%run_scoped3A_15 : memref<!tpu.dma_semaphore, #tpu.memory_space<semaphore_mem>>) {add = true}
      %dma_wait3A = arith.constant 0 : i32
      %dma_wait3A_21 = tpu.memref_slice %arg8[%run_scoped3A_7, %dma_wait3A] : memref<3x128xi32, #tpu.memory_space<vmem>> -> memref<1x128xi32, #tpu.memory_space<vmem>>
      %dma_wait3A_22 = tpu.memref_squeeze %dma_wait3A_21 : memref<1x128xi32, #tpu.memory_space<vmem>> -> memref<128xi32, #tpu.memory_space<vmem>>
      %dma_wait3A_23 = arith.constant 0 : i32
      %dma_wait3A_24 = arith.constant 0 : i32
      %dma_wait3A_25 = tpu.memref_slice %arg10[%dma_wait3A_23, %dma_wait3A_24] : memref<384x128xf32, #tpu.memory_space<vmem_shared>> -> memref<384x128xf32, #tpu.memory_space<vmem_shared>>
      tpu.wait_indirect_dma semaphore(%run_scoped3A_15 : memref<!tpu.dma_semaphore, #tpu.memory_space<semaphore_mem>>) src(%arg9 : memref<128x128xf32, #tpu.memory_space<vmem>>) dst(%dma_wait3A_25 : memref<384x128xf32, #tpu.memory_space<vmem_shared>>)
      tpu.yield
    }) : () -> ()
    %run_scoped3A_8 = arith.constant 2 : i32
    "tpu.region"() ({
      %run_scoped3A_15 = tpu.sem_alloc : memref<!tpu.dma_semaphore, #tpu.memory_space<semaphore_mem>>
      %dma_start3A = arith.constant 0 : i32
      %dma_start3A_16 = tpu.memref_slice %arg7[%run_scoped3A_8, %dma_start3A] : memref<3x128xi32, #tpu.memory_space<vmem>> -> memref<1x128xi32, #tpu.memory_space<vmem>>
      %dma_start3A_17 = tpu.memref_squeeze %dma_start3A_16 : memref<1x128xi32, #tpu.memory_space<vmem>> -> memref<128xi32, #tpu.memory_space<vmem>>
      %dma_start3A_18 = arith.constant 0 : i32
      %dma_start3A_19 = arith.constant 0 : i32
      %dma_start3A_20 = tpu.memref_slice %arg2[%dma_start3A_18, %dma_start3A_19] : memref<10112x128xf32, #tpu.memory_space<hbm>> -> memref<10112x128xf32, #tpu.memory_space<hbm>>
      tpu.enqueue_indirect_dma source(%dma_start3A_20 : memref<10112x128xf32, #tpu.memory_space<hbm>>) target(%arg9 : memref<128x128xf32, #tpu.memory_space<vmem>>) offsets(%dma_start3A_17 : memref<128xi32, #tpu.memory_space<vmem>>) semaphore(%run_scoped3A_15 : memref<!tpu.dma_semaphore, #tpu.memory_space<semaphore_mem>>)
      %dma_wait3A = arith.constant 0 : i32
      %dma_wait3A_21 = tpu.memref_slice %arg7[%run_scoped3A_8, %dma_wait3A] : memref<3x128xi32, #tpu.memory_space<vmem>> -> memref<1x128xi32, #tpu.memory_space<vmem>>
      %dma_wait3A_22 = tpu.memref_squeeze %dma_wait3A_21 : memref<1x128xi32, #tpu.memory_space<vmem>> -> memref<128xi32, #tpu.memory_space<vmem>>
      %dma_wait3A_23 = arith.constant 0 : i32
      %dma_wait3A_24 = arith.constant 0 : i32
      %dma_wait3A_25 = tpu.memref_slice %arg2[%dma_wait3A_23, %dma_wait3A_24] : memref<10112x128xf32, #tpu.memory_space<hbm>> -> memref<10112x128xf32, #tpu.memory_space<hbm>>
      tpu.wait_indirect_dma semaphore(%run_scoped3A_15 : memref<!tpu.dma_semaphore, #tpu.memory_space<semaphore_mem>>) src(%dma_wait3A_25 : memref<10112x128xf32, #tpu.memory_space<hbm>>) dst(%arg9 : memref<128x128xf32, #tpu.memory_space<vmem>>)
      tpu.yield
    }) : () -> ()
    %run_scoped3A_9 = arith.constant 2 : i32
    "tpu.region"() ({
      %run_scoped3A_15 = tpu.sem_alloc : memref<!tpu.dma_semaphore, #tpu.memory_space<semaphore_mem>>
      %dma_start3A = arith.constant 0 : i32
      %dma_start3A_16 = tpu.memref_slice %arg8[%run_scoped3A_9, %dma_start3A] : memref<3x128xi32, #tpu.memory_space<vmem>> -> memref<1x128xi32, #tpu.memory_space<vmem>>
      %dma_start3A_17 = tpu.memref_squeeze %dma_start3A_16 : memref<1x128xi32, #tpu.memory_space<vmem>> -> memref<128xi32, #tpu.memory_space<vmem>>
      %dma_start3A_18 = arith.constant 0 : i32
      %dma_start3A_19 = arith.constant 0 : i32
      %dma_start3A_20 = tpu.memref_slice %arg10[%dma_start3A_18, %dma_start3A_19] : memref<384x128xf32, #tpu.memory_space<vmem_shared>> -> memref<384x128xf32, #tpu.memory_space<vmem_shared>>
      tpu.enqueue_indirect_dma source(%arg9 : memref<128x128xf32, #tpu.memory_space<vmem>>) target(%dma_start3A_20 : memref<384x128xf32, #tpu.memory_space<vmem_shared>>) offsets(%dma_start3A_17 : memref<128xi32, #tpu.memory_space<vmem>>) semaphore(%run_scoped3A_15 : memref<!tpu.dma_semaphore, #tpu.memory_space<semaphore_mem>>) {add = true}
      %dma_wait3A = arith.constant 0 : i32
      %dma_wait3A_21 = tpu.memref_slice %arg8[%run_scoped3A_9, %dma_wait3A] : memref<3x128xi32, #tpu.memory_space<vmem>> -> memref<1x128xi32, #tpu.memory_space<vmem>>
      %dma_wait3A_22 = tpu.memref_squeeze %dma_wait3A_21 : memref<1x128xi32, #tpu.memory_space<vmem>> -> memref<128xi32, #tpu.memory_space<vmem>>
      %dma_wait3A_23 = arith.constant 0 : i32
      %dma_wait3A_24 = arith.constant 0 : i32
      %dma_wait3A_25 = tpu.memref_slice %arg10[%dma_wait3A_23, %dma_wait3A_24] : memref<384x128xf32, #tpu.memory_space<vmem_shared>> -> memref<384x128xf32, #tpu.memory_space<vmem_shared>>
      tpu.wait_indirect_dma semaphore(%run_scoped3A_15 : memref<!tpu.dma_semaphore, #tpu.memory_space<semaphore_mem>>) src(%arg9 : memref<128x128xf32, #tpu.memory_space<vmem>>) dst(%dma_wait3A_25 : memref<384x128xf32, #tpu.memory_space<vmem_shared>>)
      tpu.yield
    }) : () -> ()
    %barrier3A_10 = arith.constant 0 : index
    tpu.barrier barrier_id(%barrier3A_10)
    %mul3A_11 = arith.constant 24 : i32
    %mul3A_12 = arith.muli %arg1, %mul3A_11 : i32
    %mul3A_13 = arith.constant 24 : i32
    %mul3A_14 = arith.muli %arg1, %mul3A_13 : i32
    "tpu.region"() ({
      %run_scoped3A_15 = tpu.sem_alloc : memref<!tpu.dma_semaphore, #tpu.memory_space<semaphore_mem>>
      %dma_start3A = arith.constant 0 : i32
      %dma_start3A_16 = arith.constant 0 : i32
      %dma_start3A_17 = tpu.memref_slice %arg6[%arg0, %dma_start3A, %dma_start3A_16] : memref<2x384x128xf32, #tpu.memory_space<hbm>> -> memref<1x384x128xf32, #tpu.memory_space<hbm>>
      %dma_start3A_18 = tpu.memref_squeeze %dma_start3A_17 : memref<1x384x128xf32, #tpu.memory_space<hbm>> -> memref<384x128xf32, #tpu.memory_space<hbm>>
      %dma_start3A_19 = arith.constant 0 : i32
      %dma_start3A_20 = tpu.memref_slice %dma_start3A_18[%mul3A_14, %dma_start3A_19] : memref<384x128xf32, #tpu.memory_space<hbm>> -> memref<24x128xf32, #tpu.memory_space<hbm>>
      %dma_start3A_21 = arith.constant 0 : i32
      %dma_start3A_22 = tpu.memref_slice %arg10[%mul3A_12, %dma_start3A_21] : memref<384x128xf32, #tpu.memory_space<vmem_shared>> -> memref<24x128xf32, #tpu.memory_space<vmem_shared>>
      tpu.enqueue_dma source(%dma_start3A_22 : memref<24x128xf32, #tpu.memory_space<vmem_shared>>) target(%dma_start3A_20 : memref<24x128xf32, #tpu.memory_space<hbm>>) target_semaphore(%run_scoped3A_15 : memref<!tpu.dma_semaphore, #tpu.memory_space<semaphore_mem>>)
      %dma_wait3A = arith.constant 0 : i32
      %dma_wait3A_23 = arith.constant 0 : i32
      %dma_wait3A_24 = tpu.memref_slice %arg6[%arg0, %dma_wait3A, %dma_wait3A_23] : memref<2x384x128xf32, #tpu.memory_space<hbm>> -> memref<1x384x128xf32, #tpu.memory_space<hbm>>
      %dma_wait3A_25 = tpu.memref_squeeze %dma_wait3A_24 : memref<1x384x128xf32, #tpu.memory_space<hbm>> -> memref<384x128xf32, #tpu.memory_space<hbm>>
      %dma_wait3A_26 = arith.constant 0 : i32
      %dma_wait3A_27 = tpu.memref_slice %dma_wait3A_25[%mul3A_14, %dma_wait3A_26] : memref<384x128xf32, #tpu.memory_space<hbm>> -> memref<24x128xf32, #tpu.memory_space<hbm>>
      %dma_wait3A_28 = arith.constant 0 : i32
      %dma_wait3A_29 = tpu.memref_slice %arg10[%mul3A_12, %dma_wait3A_28] : memref<384x128xf32, #tpu.memory_space<vmem_shared>> -> memref<24x128xf32, #tpu.memory_space<vmem_shared>>
      tpu.wait_dma2 semaphore(%run_scoped3A_15 : memref<!tpu.dma_semaphore, #tpu.memory_space<semaphore_mem>>) src(%dma_wait3A_29 : memref<24x128xf32, #tpu.memory_space<vmem_shared>>) dst(%dma_wait3A_27 : memref<24x128xf32, #tpu.memory_space<hbm>>)
      tpu.yield
    }) : () -> ()
    return
  }
}

module attributes {stable_mosaic.version = 14 : i64} {
  func.func @_t_in_body(%arg0: i32, %arg1: memref<2528x128xf32, #tpu.memory_space<vmem>>, %arg2: memref<2528x8xf32, #tpu.memory_space<vmem>>, %arg3: memref<2528x8xf32, #tpu.memory_space<vmem>>, %arg4: memref<128x128xf32, #tpu.memory_space<vmem>>, %arg5: memref<2528x128xf32, #tpu.memory_space<vmem>>) attributes {dimension_semantics = [#tpu.dimension_semantics<arbitrary>], iteration_bounds = array<i64: 4>, scalar_prefetch = 0 : i64, scratch_operands = 0 : i64, tpu.core_type = #tpu.core_type<tc>, window_params = [{transform_indices = @transform_0, window_bounds = array<i64: 2528, 128>}, {transform_indices = @transform_1, window_bounds = array<i64: 2528, 8>}, {transform_indices = @transform_2, window_bounds = array<i64: 2528, 8>}, {pipeline_mode = #tpu.pipeline_mode<synchronous>, transform_indices = @transform_3, window_bounds = array<i64: 128, 128>}, {transform_indices = @transform_4, window_bounds = array<i64: 2528, 128>}]} {
    %get3A = arith.constant 0 : index
    %get3A_0 = arith.constant 0 : index
    %get3A_1 = vector.load %arg2[%get3A, %get3A_0] : memref<2528x8xf32, #tpu.memory_space<vmem>>, vector<2528x8xf32>
    %get3A_2 = arith.constant 0 : index
    %get3A_3 = arith.constant 0 : index
    %get3A_4 = vector.load %arg3[%get3A_2, %get3A_3] : memref<2528x8xf32, #tpu.memory_space<vmem>>, vector<2528x8xf32>
    %slice3A = vector.extract_strided_slice %get3A_1 {offsets = [0, 0], sizes = [2528, 1], strides = [1, 1]} : vector<2528x8xf32> to vector<2528x1xf32>
    %add3A = arith.constant 1.000000e+00 : f32
    %add3A_5 = vector.broadcast %add3A : f32 to vector<2528x1xf32>
    %add3A_6 = arith.addf %add3A_5, %slice3A : vector<2528x1xf32>
    %slice3A_7 = vector.extract_strided_slice %get3A_4 {offsets = [0, 0], sizes = [2528, 1], strides = [1, 1]} : vector<2528x8xf32> to vector<2528x1xf32>
    %add3A_8 = arith.addf %add3A_6, %slice3A_7 : vector<2528x1xf32>
    %rsqrt3A = math.rsqrt %add3A_8 : vector<2528x1xf32>
    %get3A_9 = arith.constant 0 : index
    %get3A_10 = arith.constant 0 : index
    %get3A_11 = vector.load %arg1[%get3A_9, %get3A_10] : memref<2528x128xf32, #tpu.memory_space<vmem>>, vector<2528x128xf32>
    %get3A_12 = arith.constant 0 : index
    %get3A_13 = arith.constant 0 : index
    %get3A_14 = vector.load %arg4[%get3A_12, %get3A_13] : memref<128x128xf32, #tpu.memory_space<vmem>>, vector<128x128xf32>
    %dot_general3A = arith.constant dense<0.000000e+00> : vector<2528x128xf32>
    %dot_general3A_15 = tpu.matmul %get3A_11, %get3A_14, %dot_general3A {dimension_numbers = #tpu.dot_dimension_numbers<[1], [0], [0], [1], [0, 0, 1, 1], [], []>, transpose_lhs_hint = false} : vector<2528x128xf32>, vector<128x128xf32>, vector<2528x128xf32> -> vector<2528x128xf32>
    %mul3A = vector.broadcast %rsqrt3A : vector<2528x1xf32> to vector<2528x128xf32>
    %mul3A_16 = arith.mulf %mul3A, %dot_general3A_15 : vector<2528x128xf32>
    %swap3A = arith.constant 0 : index
    %swap3A_17 = arith.constant 0 : index
    %swap3A_18 = vector.load %arg5[%swap3A, %swap3A_17] : memref<2528x128xf32, #tpu.memory_space<vmem>>, vector<2528x128xf32>
    tpu.vector_store %arg5[%swap3A, %swap3A_17], %mul3A_16 {strides = array<i32>} : memref<2528x128xf32, #tpu.memory_space<vmem>>, vector<2528x128xf32>,
    return
  }
  func.func @transform_0(%arg0: i32) -> (i32, i32) {
    %c0_i32 = arith.constant 0 : i32
    %c0_i32_0 = arith.constant 0 : i32
    return %arg0, %c0_i32 : i32, i32
  }
  func.func @transform_1(%arg0: i32) -> (i32, i32) {
    %c0_i32 = arith.constant 0 : i32
    %c0_i32_0 = arith.constant 0 : i32
    return %arg0, %c0_i32 : i32, i32
  }
  func.func @transform_2(%arg0: i32) -> (i32, i32) {
    %c0_i32 = arith.constant 0 : i32
    %c0_i32_0 = arith.constant 0 : i32
    return %arg0, %c0_i32 : i32, i32
  }
  func.func @transform_3(%arg0: i32) -> (i32, i32) {
    %c0_i32 = arith.constant 0 : i32
    %c0_i32_0 = arith.constant 0 : i32
    %c0_i32_1 = arith.constant 0 : i32
    return %c0_i32, %c0_i32_0 : i32, i32
  }
  func.func @transform_4(%arg0: i32) -> (i32, i32) {
    %c0_i32 = arith.constant 0 : i32
    %c0_i32_0 = arith.constant 0 : i32
    return %arg0, %c0_i32 : i32, i32
  }
}

module attributes {stable_mosaic.version = 14 : i64} {
  func.func @_t_mid_body(%arg0: i32, %arg1: memref<2528x128xf32, #tpu.memory_space<vmem>>, %arg2: memref<2528x128xf32, #tpu.memory_space<vmem>>, %arg3: memref<2528x128xf32, #tpu.memory_space<vmem>>, %arg4: memref<2528x8xf32, #tpu.memory_space<vmem>>, %arg5: memref<2528x8xf32, #tpu.memory_space<vmem>>, %arg6: memref<1x128xf32, #tpu.memory_space<vmem>>, %arg7: memref<128x128xf32, #tpu.memory_space<vmem>>, %arg8: memref<2528x128xf32, #tpu.memory_space<vmem>>) attributes {dimension_semantics = [#tpu.dimension_semantics<arbitrary>], iteration_bounds = array<i64: 4>, scalar_prefetch = 0 : i64, scratch_operands = 0 : i64, tpu.core_type = #tpu.core_type<tc>, window_params = [{transform_indices = @transform_0, window_bounds = array<i64: 2528, 128>}, {transform_indices = @transform_1, window_bounds = array<i64: 2528, 128>}, {transform_indices = @transform_2, window_bounds = array<i64: 2528, 128>}, {transform_indices = @transform_3, window_bounds = array<i64: 2528, 8>}, {transform_indices = @transform_4, window_bounds = array<i64: 2528, 8>}, {pipeline_mode = #tpu.pipeline_mode<synchronous>, transform_indices = @transform_5, window_bounds = array<i64: 1, 128>}, {pipeline_mode = #tpu.pipeline_mode<synchronous>, transform_indices = @transform_6, window_bounds = array<i64: 128, 128>}, {transform_indices = @transform_7, window_bounds = array<i64: 2528, 128>}]} {
    %get3A = arith.constant 0 : index
    %get3A_0 = arith.constant 0 : index
    %get3A_1 = vector.load %arg4[%get3A, %get3A_0] : memref<2528x8xf32, #tpu.memory_space<vmem>>, vector<2528x8xf32>
    %get3A_2 = arith.constant 0 : index
    %get3A_3 = arith.constant 0 : index
    %get3A_4 = vector.load %arg5[%get3A_2, %get3A_3] : memref<2528x8xf32, #tpu.memory_space<vmem>>, vector<2528x8xf32>
    %slice3A = vector.extract_strided_slice %get3A_1 {offsets = [0, 0], sizes = [2528, 1], strides = [1, 1]} : vector<2528x8xf32> to vector<2528x1xf32>
    %add3A = arith.constant 1.000000e+00 : f32
    %add3A_5 = vector.broadcast %add3A : f32 to vector<2528x1xf32>
    %add3A_6 = arith.addf %add3A_5, %slice3A : vector<2528x1xf32>
    %slice3A_7 = vector.extract_strided_slice %get3A_4 {offsets = [0, 0], sizes = [2528, 1], strides = [1, 1]} : vector<2528x8xf32> to vector<2528x1xf32>
    %add3A_8 = arith.addf %add3A_6, %slice3A_7 : vector<2528x1xf32>
    %rsqrt3A = math.rsqrt %add3A_8 : vector<2528x1xf32>
    %get3A_9 = arith.constant 0 : index
    %get3A_10 = arith.constant 0 : index
    %get3A_11 = vector.load %arg1[%get3A_9, %get3A_10] : memref<2528x128xf32, #tpu.memory_space<vmem>>, vector<2528x128xf32>
    %get3A_12 = arith.constant 0 : index
    %get3A_13 = arith.constant 0 : index
    %get3A_14 = vector.load %arg2[%get3A_12, %get3A_13] : memref<2528x128xf32, #tpu.memory_space<vmem>>, vector<2528x128xf32>
    %add3A_15 = arith.addf %get3A_11, %get3A_14 : vector<2528x128xf32>
    %get3A_16 = arith.constant 0 : index
    %get3A_17 = arith.constant 0 : index
    %get3A_18 = vector.load %arg3[%get3A_16, %get3A_17] : memref<2528x128xf32, #tpu.memory_space<vmem>>, vector<2528x128xf32>
    %add3A_19 = arith.addf %add3A_15, %get3A_18 : vector<2528x128xf32>
    %mul3A = vector.broadcast %rsqrt3A : vector<2528x1xf32> to vector<2528x128xf32>
    %mul3A_20 = arith.mulf %mul3A, %add3A_19 : vector<2528x128xf32>
    %get3A_21 = arith.constant 0 : index
    %get3A_22 = arith.constant 0 : index
    %get3A_23 = vector.load %arg6[%get3A_21, %get3A_22] : memref<1x128xf32, #tpu.memory_space<vmem>>, vector<1x128xf32>
    %add3A_24 = vector.broadcast %get3A_23 : vector<1x128xf32> to vector<2528x128xf32>
    %add3A_25 = arith.addf %mul3A_20, %add3A_24 : vector<2528x128xf32>
    %max3A = arith.constant 0.000000e+00 : f32
    %max3A_26 = vector.broadcast %max3A : f32 to vector<2528x128xf32>
    %max3A_27 = arith.maximumf %add3A_25, %max3A_26 : vector<2528x128xf32>
    %get3A_28 = arith.constant 0 : index
    %get3A_29 = arith.constant 0 : index
    %get3A_30 = vector.load %arg7[%get3A_28, %get3A_29] : memref<128x128xf32, #tpu.memory_space<vmem>>, vector<128x128xf32>
    %dot_general3A = arith.constant dense<0.000000e+00> : vector<2528x128xf32>
    %dot_general3A_31 = tpu.matmul %max3A_27, %get3A_30, %dot_general3A {dimension_numbers = #tpu.dot_dimension_numbers<[1], [0], [0], [1], [0, 0, 1, 1], [], []>, transpose_lhs_hint = false} : vector<2528x128xf32>, vector<128x128xf32>, vector<2528x128xf32> -> vector<2528x128xf32>
    %mul3A_32 = vector.broadcast %rsqrt3A : vector<2528x1xf32> to vector<2528x128xf32>
    %mul3A_33 = arith.mulf %mul3A_32, %dot_general3A_31 : vector<2528x128xf32>
    %swap3A = arith.constant 0 : index
    %swap3A_34 = arith.constant 0 : index
    %swap3A_35 = vector.load %arg8[%swap3A, %swap3A_34] : memref<2528x128xf32, #tpu.memory_space<vmem>>, vector<2528x128xf32>
    tpu.vector_store %arg8[%swap3A, %swap3A_34], %mul3A_33 {strides = array<i32>} : memref<2528x128xf32, #tpu.memory_space<vmem>>, vector<2528x128xf32>,
    return
  }
  func.func @transform_0(%arg0: i32) -> (i32, i32) {
    %c0_i32 = arith.constant 0 : i32
    %c0_i32_0 = arith.constant 0 : i32
    return %arg0, %c0_i32 : i32, i32
  }
  func.func @transform_1(%arg0: i32) -> (i32, i32) {
    %c0_i32 = arith.constant 0 : i32
    %c0_i32_0 = arith.constant 0 : i32
    return %arg0, %c0_i32 : i32, i32
  }
  func.func @transform_2(%arg0: i32) -> (i32, i32) {
    %c0_i32 = arith.constant 0 : i32
    %c0_i32_0 = arith.constant 0 : i32
    return %arg0, %c0_i32 : i32, i32
  }
  func.func @transform_3(%arg0: i32) -> (i32, i32) {
    %c0_i32 = arith.constant 0 : i32
    %c0_i32_0 = arith.constant 0 : i32
    return %arg0, %c0_i32 : i32, i32
  }
  func.func @transform_4(%arg0: i32) -> (i32, i32) {
    %c0_i32 = arith.constant 0 : i32
    %c0_i32_0 = arith.constant 0 : i32
    return %arg0, %c0_i32 : i32, i32
  }
  func.func @transform_5(%arg0: i32) -> (i32, i32) {
    %c0_i32 = arith.constant 0 : i32
    %c0_i32_0 = arith.constant 0 : i32
    %c0_i32_1 = arith.constant 0 : i32
    return %c0_i32, %c0_i32_0 : i32, i32
  }
  func.func @transform_6(%arg0: i32) -> (i32, i32) {
    %c0_i32 = arith.constant 0 : i32
    %c0_i32_0 = arith.constant 0 : i32
    %c0_i32_1 = arith.constant 0 : i32
    return %c0_i32, %c0_i32_0 : i32, i32
  }
  func.func @transform_7(%arg0: i32) -> (i32, i32) {
    %c0_i32 = arith.constant 0 : i32
    %c0_i32_0 = arith.constant 0 : i32
    return %arg0, %c0_i32 : i32, i32
  }
}

module attributes {stable_mosaic.version = 14 : i64} {
  func.func @_t_last_body(%arg0: i32, %arg1: memref<2528x128xf32, #tpu.memory_space<vmem>>, %arg2: memref<2528x128xf32, #tpu.memory_space<vmem>>, %arg3: memref<2528x128xf32, #tpu.memory_space<vmem>>, %arg4: memref<2528x8xf32, #tpu.memory_space<vmem>>, %arg5: memref<2528x8xf32, #tpu.memory_space<vmem>>, %arg6: memref<1x128xf32, #tpu.memory_space<vmem>>, %arg7: memref<2528x128xf32, #tpu.memory_space<vmem>>) attributes {dimension_semantics = [#tpu.dimension_semantics<arbitrary>], iteration_bounds = array<i64: 4>, scalar_prefetch = 0 : i64, scratch_operands = 0 : i64, tpu.core_type = #tpu.core_type<tc>, window_params = [{transform_indices = @transform_0, window_bounds = array<i64: 2528, 128>}, {transform_indices = @transform_1, window_bounds = array<i64: 2528, 128>}, {transform_indices = @transform_2, window_bounds = array<i64: 2528, 128>}, {transform_indices = @transform_3, window_bounds = array<i64: 2528, 8>}, {transform_indices = @transform_4, window_bounds = array<i64: 2528, 8>}, {pipeline_mode = #tpu.pipeline_mode<synchronous>, transform_indices = @transform_5, window_bounds = array<i64: 1, 128>}, {transform_indices = @transform_6, window_bounds = array<i64: 2528, 128>}]} {
    %get3A = arith.constant 0 : index
    %get3A_0 = arith.constant 0 : index
    %get3A_1 = vector.load %arg4[%get3A, %get3A_0] : memref<2528x8xf32, #tpu.memory_space<vmem>>, vector<2528x8xf32>
    %get3A_2 = arith.constant 0 : index
    %get3A_3 = arith.constant 0 : index
    %get3A_4 = vector.load %arg5[%get3A_2, %get3A_3] : memref<2528x8xf32, #tpu.memory_space<vmem>>, vector<2528x8xf32>
    %slice3A = vector.extract_strided_slice %get3A_1 {offsets = [0, 0], sizes = [2528, 1], strides = [1, 1]} : vector<2528x8xf32> to vector<2528x1xf32>
    %add3A = arith.constant 1.000000e+00 : f32
    %add3A_5 = vector.broadcast %add3A : f32 to vector<2528x1xf32>
    %add3A_6 = arith.addf %add3A_5, %slice3A : vector<2528x1xf32>
    %slice3A_7 = vector.extract_strided_slice %get3A_4 {offsets = [0, 0], sizes = [2528, 1], strides = [1, 1]} : vector<2528x8xf32> to vector<2528x1xf32>
    %add3A_8 = arith.addf %add3A_6, %slice3A_7 : vector<2528x1xf32>
    %rsqrt3A = math.rsqrt %add3A_8 : vector<2528x1xf32>
    %get3A_9 = arith.constant 0 : index
    %get3A_10 = arith.constant 0 : index
    %get3A_11 = vector.load %arg1[%get3A_9, %get3A_10] : memref<2528x128xf32, #tpu.memory_space<vmem>>, vector<2528x128xf32>
    %get3A_12 = arith.constant 0 : index
    %get3A_13 = arith.constant 0 : index
    %get3A_14 = vector.load %arg2[%get3A_12, %get3A_13] : memref<2528x128xf32, #tpu.memory_space<vmem>>, vector<2528x128xf32>
    %add3A_15 = arith.addf %get3A_11, %get3A_14 : vector<2528x128xf32>
    %get3A_16 = arith.constant 0 : index
    %get3A_17 = arith.constant 0 : index
    %get3A_18 = vector.load %arg3[%get3A_16, %get3A_17] : memref<2528x128xf32, #tpu.memory_space<vmem>>, vector<2528x128xf32>
    %add3A_19 = arith.addf %add3A_15, %get3A_18 : vector<2528x128xf32>
    %mul3A = vector.broadcast %rsqrt3A : vector<2528x1xf32> to vector<2528x128xf32>
    %mul3A_20 = arith.mulf %mul3A, %add3A_19 : vector<2528x128xf32>
    %get3A_21 = arith.constant 0 : index
    %get3A_22 = arith.constant 0 : index
    %get3A_23 = vector.load %arg6[%get3A_21, %get3A_22] : memref<1x128xf32, #tpu.memory_space<vmem>>, vector<1x128xf32>
    %add3A_24 = vector.broadcast %get3A_23 : vector<1x128xf32> to vector<2528x128xf32>
    %add3A_25 = arith.addf %mul3A_20, %add3A_24 : vector<2528x128xf32>
    %max3A = arith.constant 0.000000e+00 : f32
    %max3A_26 = vector.broadcast %max3A : f32 to vector<2528x128xf32>
    %max3A_27 = arith.maximumf %add3A_25, %max3A_26 : vector<2528x128xf32>
    %swap3A = arith.constant 0 : index
    %swap3A_28 = arith.constant 0 : index
    %swap3A_29 = vector.load %arg7[%swap3A, %swap3A_28] : memref<2528x128xf32, #tpu.memory_space<vmem>>, vector<2528x128xf32>
    tpu.vector_store %arg7[%swap3A, %swap3A_28], %max3A_27 {strides = array<i32>} : memref<2528x128xf32, #tpu.memory_space<vmem>>, vector<2528x128xf32>,
    return
  }
  func.func @transform_0(%arg0: i32) -> (i32, i32) {
    %c0_i32 = arith.constant 0 : i32
    %c0_i32_0 = arith.constant 0 : i32
    return %arg0, %c0_i32 : i32, i32
  }
  func.func @transform_1(%arg0: i32) -> (i32, i32) {
    %c0_i32 = arith.constant 0 : i32
    %c0_i32_0 = arith.constant 0 : i32
    return %arg0, %c0_i32 : i32, i32
  }
  func.func @transform_2(%arg0: i32) -> (i32, i32) {
    %c0_i32 = arith.constant 0 : i32
    %c0_i32_0 = arith.constant 0 : i32
    return %arg0, %c0_i32 : i32, i32
  }
  func.func @transform_3(%arg0: i32) -> (i32, i32) {
    %c0_i32 = arith.constant 0 : i32
    %c0_i32_0 = arith.constant 0 : i32
    return %arg0, %c0_i32 : i32, i32
  }
  func.func @transform_4(%arg0: i32) -> (i32, i32) {
    %c0_i32 = arith.constant 0 : i32
    %c0_i32_0 = arith.constant 0 : i32
    return %arg0, %c0_i32 : i32, i32
  }
  func.func @transform_5(%arg0: i32) -> (i32, i32) {
    %c0_i32 = arith.constant 0 : i32
    %c0_i32_0 = arith.constant 0 : i32
    %c0_i32_1 = arith.constant 0 : i32
    return %c0_i32, %c0_i32_0 : i32, i32
  }
  func.func @transform_6(%arg0: i32) -> (i32, i32) {
    %c0_i32 = arith.constant 0 : i32
    %c0_i32_0 = arith.constant 0 : i32
    return %arg0, %c0_i32 : i32, i32
  }
}

module attributes {stable_mosaic.version = 14 : i64} {
  func.func @_t_head_body(%arg0: i32, %arg1: memref<384x128xf32, #tpu.memory_space<vmem>>, %arg2: memref<384x128xf32, #tpu.memory_space<vmem>>, %arg3: memref<384x8xf32, #tpu.memory_space<vmem>>, %arg4: memref<384x8xf32, #tpu.memory_space<vmem>>, %arg5: memref<32x16xf32, #tpu.memory_space<vmem>>, %arg6: memref<1x16xf32, #tpu.memory_space<vmem>>, %arg7: memref<16x1xf32, #tpu.memory_space<vmem>>, %arg8: memref<1x1xf32, #tpu.memory_space<vmem>>, %arg9: memref<256x1xf32, #tpu.memory_space<vmem>>) attributes {dimension_semantics = [#tpu.dimension_semantics<arbitrary>], iteration_bounds = array<i64: 1>, scalar_prefetch = 0 : i64, scratch_operands = 0 : i64, tpu.core_type = #tpu.core_type<tc>, window_params = [{pipeline_mode = #tpu.pipeline_mode<synchronous>, transform_indices = @transform_0, window_bounds = array<i64: 384, 128>}, {pipeline_mode = #tpu.pipeline_mode<synchronous>, transform_indices = @transform_1, window_bounds = array<i64: 384, 128>}, {pipeline_mode = #tpu.pipeline_mode<synchronous>, transform_indices = @transform_2, window_bounds = array<i64: 384, 8>}, {pipeline_mode = #tpu.pipeline_mode<synchronous>, transform_indices = @transform_3, window_bounds = array<i64: 384, 8>}, {pipeline_mode = #tpu.pipeline_mode<synchronous>, transform_indices = @transform_4, window_bounds = array<i64: 32, 16>}, {pipeline_mode = #tpu.pipeline_mode<synchronous>, transform_indices = @transform_5, window_bounds = array<i64: 1, 16>}, {pipeline_mode = #tpu.pipeline_mode<synchronous>, transform_indices = @transform_6, window_bounds = array<i64: 16, 1>}, {pipeline_mode = #tpu.pipeline_mode<synchronous>, transform_indices = @transform_7, window_bounds = array<i64: 1, 1>}, {pipeline_mode = #tpu.pipeline_mode<synchronous>, transform_indices = @transform_8, window_bounds = array<i64: 256, 1>}]} {
    %get3A = arith.constant 0 : index
    %get3A_0 = arith.constant 0 : index
    %get3A_1 = vector.load %arg3[%get3A, %get3A_0] : memref<384x8xf32, #tpu.memory_space<vmem>>, vector<384x1xf32>
    %get3A_2 = arith.constant 0 : index
    %get3A_3 = arith.constant 0 : index
    %get3A_4 = vector.load %arg4[%get3A_2, %get3A_3] : memref<384x8xf32, #tpu.memory_space<vmem>>, vector<384x1xf32>
    %add3A = arith.addf %get3A_1, %get3A_4 : vector<384x1xf32>
    %max3A = arith.constant 1.000000e+00 : f32
    %max3A_5 = vector.broadcast %max3A : f32 to vector<384x1xf32>
    %max3A_6 = arith.maximumf %add3A, %max3A_5 : vector<384x1xf32>
    %get3A_7 = arith.constant 0 : index
    %get3A_8 = arith.constant 0 : index
    %get3A_9 = vector.load %arg1[%get3A_7, %get3A_8] : memref<384x128xf32, #tpu.memory_space<vmem>>, vector<384x32xf32>
    %get3A_10 = arith.constant 0 : index
    %get3A_11 = arith.constant 0 : index
    %get3A_12 = vector.load %arg2[%get3A_10, %get3A_11] : memref<384x128xf32, #tpu.memory_space<vmem>>, vector<384x32xf32>
    %add3A_13 = arith.addf %get3A_9, %get3A_12 : vector<384x32xf32>
    %div3A = vector.broadcast %max3A_6 : vector<384x1xf32> to vector<384x32xf32>
    %div3A_14 = arith.divf %add3A_13, %div3A : vector<384x32xf32>
    %get3A_15 = arith.constant 0 : index
    %get3A_16 = arith.constant 0 : index
    %get3A_17 = vector.load %arg5[%get3A_15, %get3A_16] : memref<32x16xf32, #tpu.memory_space<vmem>>, vector<32x16xf32>
    %dot_general3A = arith.constant dense<0.000000e+00> : vector<384x16xf32>
    %dot_general3A_18 = tpu.matmul %div3A_14, %get3A_17, %dot_general3A {dimension_numbers = #tpu.dot_dimension_numbers<[1], [0], [0], [1], [0, 0, 1, 1], [], []>, transpose_lhs_hint = false} : vector<384x32xf32>, vector<32x16xf32>, vector<384x16xf32> -> vector<384x16xf32>
    %get3A_19 = arith.constant 0 : index
    %get3A_20 = arith.constant 0 : index
    %get3A_21 = vector.load %arg6[%get3A_19, %get3A_20] : memref<1x16xf32, #tpu.memory_space<vmem>>, vector<1x16xf32>
    %add3A_22 = vector.broadcast %get3A_21 : vector<1x16xf32> to vector<384x16xf32>
    %add3A_23 = arith.addf %dot_general3A_18, %add3A_22 : vector<384x16xf32>
    %max3A_24 = arith.constant 0.000000e+00 : f32
    %max3A_25 = vector.broadcast %max3A_24 : f32 to vector<384x16xf32>
    %max3A_26 = arith.maximumf %add3A_23, %max3A_25 : vector<384x16xf32>
    %get3A_27 = arith.constant 0 : index
    %get3A_28 = arith.constant 0 : index
    %get3A_29 = vector.load %arg7[%get3A_27, %get3A_28] : memref<16x1xf32, #tpu.memory_space<vmem>>, vector<16x1xf32>
    %dot_general3A_30 = arith.constant dense<0.000000e+00> : vector<384x1xf32>
    %dot_general3A_31 = tpu.matmul %max3A_26, %get3A_29, %dot_general3A_30 {dimension_numbers = #tpu.dot_dimension_numbers<[1], [0], [0], [1], [0, 0, 1, 1], [], []>, transpose_lhs_hint = false} : vector<384x16xf32>, vector<16x1xf32>, vector<384x1xf32> -> vector<384x1xf32>
    %get3A_32 = arith.constant 0 : index
    %get3A_33 = arith.constant 0 : index
    %get3A_34 = vector.load %arg8[%get3A_32, %get3A_33] : memref<1x1xf32, #tpu.memory_space<vmem>>, vector<1x1xf32>
    %add3A_35 = vector.broadcast %get3A_34 : vector<1x1xf32> to vector<384x1xf32>
    %add3A_36 = arith.addf %dot_general3A_31, %add3A_35 : vector<384x1xf32>
    %slice3A = vector.extract_strided_slice %add3A_36 {offsets = [0, 0], sizes = [256, 1], strides = [1, 1]} : vector<384x1xf32> to vector<256x1xf32>
    %swap3A = arith.constant 0 : index
    %swap3A_37 = arith.constant 0 : index
    %swap3A_38 = vector.load %arg9[%swap3A, %swap3A_37] : memref<256x1xf32, #tpu.memory_space<vmem>>, vector<256x1xf32>
    tpu.vector_store %arg9[%swap3A, %swap3A_37], %slice3A {strides = array<i32>} : memref<256x1xf32, #tpu.memory_space<vmem>>, vector<256x1xf32>,
    return
  }
  func.func @transform_0(%arg0: i32) -> (i32, i32) {
    %c0_i32 = arith.constant 0 : i32
    %c0_i32_0 = arith.constant 0 : i32
    %c0_i32_1 = arith.constant 0 : i32
    return %c0_i32, %c0_i32_0 : i32, i32
  }
  func.func @transform_1(%arg0: i32) -> (i32, i32) {
    %c0_i32 = arith.constant 0 : i32
    %c0_i32_0 = arith.constant 0 : i32
    %c0_i32_1 = arith.constant 0 : i32
    return %c0_i32, %c0_i32_0 : i32, i32
  }
  func.func @transform_2(%arg0: i32) -> (i32, i32) {
    %c0_i32 = arith.constant 0 : i32
    %c0_i32_0 = arith.constant 0 : i32
    %c0_i32_1 = arith.constant 0 : i32
    return %c0_i32, %c0_i32_0 : i32, i32
  }
  func.func @transform_3(%arg0: i32) -> (i32, i32) {
    %c0_i32 = arith.constant 0 : i32
    %c0_i32_0 = arith.constant 0 : i32
    %c0_i32_1 = arith.constant 0 : i32
    return %c0_i32, %c0_i32_0 : i32, i32
  }
  func.func @transform_4(%arg0: i32) -> (i32, i32) {
    %c0_i32 = arith.constant 0 : i32
    %c0_i32_0 = arith.constant 0 : i32
    %c0_i32_1 = arith.constant 0 : i32
    return %c0_i32, %c0_i32_0 : i32, i32
  }
  func.func @transform_5(%arg0: i32) -> (i32, i32) {
    %c0_i32 = arith.constant 0 : i32
    %c0_i32_0 = arith.constant 0 : i32
    %c0_i32_1 = arith.constant 0 : i32
    return %c0_i32, %c0_i32_0 : i32, i32
  }
  func.func @transform_6(%arg0: i32) -> (i32, i32) {
    %c0_i32 = arith.constant 0 : i32
    %c0_i32_0 = arith.constant 0 : i32
    %c0_i32_1 = arith.constant 0 : i32
    return %c0_i32, %c0_i32_0 : i32, i32
  }
  func.func @transform_7(%arg0: i32) -> (i32, i32) {
    %c0_i32 = arith.constant 0 : i32
    %c0_i32_0 = arith.constant 0 : i32
    %c0_i32_1 = arith.constant 0 : i32
    return %c0_i32, %c0_i32_0 : i32, i32
  }
  func.func @transform_8(%arg0: i32) -> (i32, i32) {
    %c0_i32 = arith.constant 0 : i32
    %c0_i32_0 = arith.constant 0 : i32
    %c0_i32_1 = arith.constant 0 : i32
    return %c0_i32, %c0_i32_0 : i32, i32
  }
}

</mosaic_0001>

<sc_bundles>
// kernel: kernel.12.cloned.1.call-start
scs
__scs_entry_jumppad:
0x0: {  	(pc) =	sbr.rel $0x88, $3  }
0x1: {  	(tag) =	ssettag $0x0;
	lr =	simm.s32 $0x1  }
0x2: {  	[smem:$0x3F94] =	sst lr;
	_ =	strace $0xD0000000  }
0x3: {  	_ = 	snop  }
0x4: {  	_ = 	snop  }
0x5: {  	_ = 	snop  }
0x6: {  	_ = 	snop  }
0x7: {  	_ = 	snop  }
__scs_overlays_trampoline_lowered:
0x8: {  	[smem:$0x3FA3] =	sst s0  }
0x9: {  	[smem:$0x3FA4] =	sst s1  }
0xa: {  	[smem:$0x3FA5] =	sst s2  }
0xb: {  	[smem:$0x3FA6] =	sst s3  }
0xc: {  	[smem:$0x3FA7] =	sst s4  }
0xd: {  	[smem:$0x3FA8] =	sst s5  }
0xe: {  	[smem:$0x3FA9] =	sst s6  }
0xf: {  	[smem:$0x3FAA] =	sst s7  }
0x10: {  	[smem:$0x3FAB] =	sst s8  }
0x11: {  	[smem:$0x3FAC] =	sst s9;
	s0 =	simm.s32 @!p0 $0x0  }
0x12: {  	s1 =	sld [smem:$0x3F92];
	s0 =	simm.s32 @p0 $0x1  }
0x13: {  	[smem:$0x3FAD] =	sst s0;
	s0 =	simm.s32 @!p1 $0x0  }
0x14: {  	s2 =	sld [smem:$0x3F91];
	s0 =	simm.s32 @p1 $0x1  }
0x15: {  	[smem:$0x3FAE] =	sst s0;
	s0 =	simm.s32 @!p2 $0x0  }
0x16: {  	s3 =	sld [smem:$0x3FDB];
	s0 =	simm.s32 @p2 $0x1  }
0x17: {  	s4 =	simm.s32 $0x1BF5;
	[smem:$0x3FB0] =	sst s0  }
0x18: {  	s0 =	sld [smem:$0x3F93];
	_ =	swait.ge [sflag:s4], $0x0  }
0x19: {  	s7 =	sld [smem:$0x3F94]  }
0x1a: {  	s8 =	sadd.s32 $0xFFFFE003, lr  }
0x1b: {  	s9 =	sadd.s32 $0xFFFFFEF7, lr;
	s5 =	simm.s32 $0xFFFFFFFF;
	p2 =	slt.u32 s8, $0xFFFFF086  }
0x1c: {  	p1 =	slt.u32 s9, $0xF7A;
	s5 =	simm.s32 @!p2 $0x0  }
0x1d: {  	s5 =	simm.s32 @p1 $0x1;
	p0 =	seq.s32 s7, s2  }
0x1e: {  	s7 =	smul.u32 @!p0 $0xF7A, s2;
	p2 =	seq.s32 @!p0 s5, $0x0  }
0x1f: {  	s9 =	smul.u32 $0xF7A, s1;
	s8 =	simm.s32 @!p0 $0x1BF5;
	p2 =	por !p2, p0  }
0x20: {  	[sflag:s8] =	ssyncset.s32 @!p0 $0xFFFFF086;
	s6 =	sadd.s32 @!p0 s3, s7;
	s7 =	simm.s32 @!p0 $0x108  }
0x21: {  	s3 =	sadd.s32 s3, s9;
	s6 =	sadd.s32 @!p0 $0x88, s6;
	s7 =	simm.s32 @p2 $0x1082  }
0x22: {  	[simem:s7], [sflag:s8] =	dma.local @!p0 [hbm:s6], $0xF7A  }
0x23: {  	s9 =	sor.u32 $0xD0000000, s2;
	s6 =	simm.s32 $0x108;
	_ =	swait.ge @!p0 [sflag:s8], $0x0  }
0x24: {  	s3 =	sadd.s32 $0x88, s3;
	s6 =	simm.s32 @!p1 $0x1082;
	[sflag:s4] =	ssyncset.s32 $0xFFFFF086  }
0x25: {  	[simem:s6], [sflag:s4] =	dma.local [hbm:s3], $0xF7A  }
0x26: {  	[smem:$0x3F94] =	sst s1;
	(tag) =	ssettag s2;
	_ =	strace s9  }
0x27: {  	s1 =	sld [smem:$0x3FA4]  }
0x28: {  	s2 =	sld [smem:$0x3FA5]  }
0x29: {  	s4 =	sld [smem:$0x3FA7]  }
0x2a: {  	p0 =	seq.s32 s5, $0x0;
	s5 =	sld [smem:$0x3FA8]  }
0x2b: {  	s6 =	sld [smem:$0x3FA9]  }
0x2c: {  	s7 =	sld [smem:$0x3FAA]  }
0x2d: {  	s3 =	simm.s32 $0x108;
	s8 =	sld [smem:$0x3FAB]  }
0x2e: {  	s3 =	simm.s32 @!p0 $0x1082;
	s9 =	sld [smem:$0x3FAC]  }
0x2f: {  	lr =	sadd.s32 s0, s3;
	s0 =	sld [smem:$0x3FA3]  }
0x30: {  	s3 =	sld [smem:$0x3FA6]  }
0x31: {  	[smem:$0x3FAF] =	sst s10  }
0x32: {  	s10 =	sld [smem:$0x3FAD];
	_ =	sdelay $0x3  }
0x33: {  	p0 =	seq.s32 s10, $0x1;
	s10 =	sld [smem:$0x3FAF];
	_ =	sdelay $0x3  }
0x34: {  	[smem:$0x3FAF] =	sst s10  }
0x35: {  	s10 =	sld [smem:$0x3FAE];
	_ =	sdelay $0x3  }
0x36: {  	p1 =	seq.s32 s10, $0x1;
	s10 =	sld [smem:$0x3FAF];
	_ =	sdelay $0x3  }
0x37: {  	[smem:$0x3FAF] =	sst s10  }
0x38: {  	s10 =	sld [smem:$0x3FB0]  }
0x39: {  	_ = 	snop;
	(pc) =	sbr.ind lr, $3  }
0x3a: {  	_ = 	snop  }
0x3b: {  	_ = 	snop  }
0x3c: {  	p2 =	seq.s32 s10, $0x1;
	s10 =	sld [smem:$0x3FAF]  }
0x3d: {  	_ =	shalt  }
0x3e: {  	_ =	shalt  }
0x3f: {  	_ =	shalt  }
0x40: {  	_ =	shalt  }
0x41: {  	_ =	shalt  }
0x42: {  	_ =	shalt  }
0x43: {  	_ =	shalt  }
0x44: {  	_ =	shalt  }
0x45: {  	_ =	shalt  }
0x46: {  	_ =	shalt  }
0x47: {  	_ =	shalt  }
0x48: {  	_ =	shalt  }
0x49: {  	_ =	shalt  }
0x4a: {  	_ =	shalt  }
0x4b: {  	_ =	shalt  }
0x4c: {  	_ =	shalt  }
0x4d: {  	_ =	shalt  }
0x4e: {  	_ =	shalt  }
0x4f: {  	_ =	shalt  }
0x50: {  	_ =	shalt  }
0x51: {  	_ =	shalt  }
0x52: {  	_ =	shalt  }
0x53: {  	_ =	shalt  }
0x54: {  	_ =	shalt  }
0x55: {  	_ =	shalt  }
0x56: {  	_ =	shalt  }
0x57: {  	_ =	shalt  }
0x58: {  	_ =	shalt  }
0x59: {  	_ =	shalt  }
0x5a: {  	_ =	shalt  }
0x5b: {  	_ =	shalt  }
0x5c: {  	_ =	shalt  }
0x5d: {  	_ =	shalt  }
0x5e: {  	_ =	shalt  }
0x5f: {  	_ =	shalt  }
0x60: {  	_ =	shalt  }
0x61: {  	_ =	shalt  }
0x62: {  	_ =	shalt  }
0x63: {  	_ =	shalt  }
0x64: {  	_ =	shalt  }
0x65: {  	_ =	shalt  }
0x66: {  	_ =	shalt  }
0x67: {  	_ =	shalt  }
0x68: {  	_ =	shalt  }
0x69: {  	_ =	shalt  }
0x6a: {  	_ =	shalt  }
0x6b: {  	_ =	shalt  }
0x6c: {  	_ =	shalt  }
0x6d: {  	_ =	shalt  }
0x6e: {  	_ =	shalt  }
0x6f: {  	_ =	shalt  }
0x70: {  	_ =	shalt  }
0x71: {  	_ =	shalt  }
0x72: {  	_ =	shalt  }
0x73: {  	_ =	shalt  }
0x74: {  	_ =	shalt  }
0x75: {  	_ =	shalt  }
0x76: {  	_ =	shalt  }
0x77: {  	_ =	shalt  }
0x78: {  	_ =	shalt  }
0x79: {  	_ =	shalt  }
0x7a: {  	_ =	shalt  }
0x7b: {  	_ =	shalt  }
0x7c: {  	_ =	shalt  }
0x7d: {  	_ =	shalt  }
0x7e: {  	_ =	shalt  }
0x7f: {  	_ =	shalt  }
0x80: {  	_ =	shalt  }
0x81: {  	_ =	shalt  }
0x82: {  	_ =	shalt  }
0x83: {  	_ =	shalt  }
0x84: {  	_ =	shalt  }
0x85: {  	_ =	shalt  }
0x86: {  	_ =	shalt  }
0x87: {  	_ =	shalt  }
.Lfunc_end0:
.L_simem_size_0:
called_computation_lowered:
.L_overlay_start_0:
0x88: {  	s2 =	sld [smem:$0x3FD9]  }
0x89: {  	s3 =	sld [smem:$0x3FFE];
	_ =	sdelay $0x1  }
0x8a: {  	s1 =	srdreg.scid  }
0x8b: {  	s0 =	sand.u32 $0x1, s1  }
0x8c: {  	s16 =	sshll.u32 s0, $0xA;
	s2 =	sadd.s32 s3, s2  }
0x8d: {  	s2 =	sadd.s32 s2, s16  }
0x8e: {  	[smem:$0x3FBB] =	sst s2  }
0x8f: {  	_ = 	snop  }
0x90: {  	(tm) =	ssettm $0x1  }
0x91: {  	s17 =	sld [smem:$0x3FFB];
	_ =	sdelay $0x3  }
0x92: {  	_ =	strace s17  }
0x93: {  	s2 =	sld [smem:$0x3FFC];
	_ =	sdelay $0x3  }
0x94: {  	_ =	strace s2  }
0x95: {  	s2 =	sld [smem:$0x3FFD];
	_ =	sdelay $0x3  }
0x96: {  	_ =	strace s2  }
0x97: {  	_ =	strace $0x8FFFFFFF  }
0x98: {  	s18 =	sld [smem:$0x3FDB];
	_ =	sdelay $0x1  }
0x99: {  	s19 =	simm.s32 $_scs_section_size  }
0x9a: {  	s4 =	simm.s32 $_size__tile_overlayer_lowered;
	s5 =	simm.s32 $_tile_overlayer_lowered  }
0x9b: {  	s22 =	simm.s32 $0x1BFF;
	s21 =	sshll.u32 s5, $0x1;
	s2 =	sadd.s32 s19, s18  }
0x9c: {  	s6 =	simm.s32 $0x0;
	s20 =	sshll.u32 s4, $0x1;
	s4 =	sadd.s32 s21, s2  }
0x9d: {  	[timem:s6], [sflag:s22] =	dma.local [hbm:s4], s20  }
0x9e: {  	_ =	swait.ge [sflag:s22], s20  }
0x9f: {  	s3 =	ssub.s32 $0x0, s20;
	[sflag:s22] =	ssyncset.done $0x0  }
0xa0: {  	[sflag:s22] =	ssyncadd.s32 s3;
	_ =	sdelay $0x1  }
0xa1: {  	s23 =	simm.s32 $0x1B8B  }
0xa2: {  	_ =	swait.ge [sflag:s23], $0x1  }
0xa3: {  	[sflag:s23] =	ssyncset.done $0x0  }
0xa4: {  	s25 =	simm.s32 $0x1B8E;
	s24 =	sld [smem:$0x3FFE];
	[sflag:s23] =	ssyncadd.s32 $0xFFFFFFFF  }
0xa5: {  	s26 =	simm.s32 $execute0_lowered;
	[smem:$0x3FD2] =	sst s25  }
0xa6: {  	s4 =	sshll.u32 s26, $0x1;
	_ =	strace $0x80000046;
	[dreg:$0x1] =	wrdreg $0xFFFFFFFF  }
0xa7: {  	s28 =	simm.s32 $_size_execute0_lowered;
	s2 =	sadd.s32 s2, s4;
	[dreg:$0x0] =	wrdreg $0x0  }
0xa8: {  	s4 =	sshll.u32 s28, $0x1;
	[dreg:$0x2] =	wrdreg s2  }
0xa9: {  	[dreg:$0x3] =	wrdreg s4  }
0xaa: {  	[dreg:$0x4] =	wrdreg $0xC0  }
0xab: {  	_ =	task [dreg:s6], $0x5FFFF  }
0xac: {  	[dreg:$0x1] =	wrdreg $0xFFFFFFFF  }
0xad: {  	[dreg:$0x0] =	wrdreg $0x60  }
0xae: {  	[dreg:$0x2] =	wrdreg s24  }
0xaf: {  	[dreg:$0x3] =	wrdreg $0x6A000  }
0xb0: {  	[dreg:$0x4] =	wrdreg $0x1A6000  }
0xb1: {  	[dreg:$0x5] =	wrdreg $0x9  }
0xb2: {  	_ =	task.clear_ibuf [dreg:s6], $0x6FFFF;
	_ =	strace $0x90000046  }
0xb3: {  	s29 =	simm.s32 $0x9;
	_ =	strace $0x80000048  }
0xb4: {  	_ =	swait.ge [sflag:s29], $0x1  }
0xb5: {  	[sflag:s29] =	ssyncadd.s32 $0xFFFFFFFF  }
0xb6: {  	_ =	strace $0x90000048  }
0xb7: {  	_ =	sfence  }
0xb8: {  	s30 =	sld [smem:$0x0];
	_ =	sdelay $0x2  }
0xb9: {  	s31 =	sshll.u32 s1, $0xD;
	s1 =	sshrl.u32 s1, $0x2  }
0xba: {  	s3 =	sand.u32 $0x4000, s31;
	s1 =	sadd.s32 s1, s30  }
0xbb: {  	s0 =	sor.u32 s3, s0;
	s1 =	sshll.u32 s1, $0x11  }
0xbc: {  	s0 =	sor.u32 s1, s0  }
0xbd: {  	s0 =	sadd.s32 $0x8F2B, s0  }
0xbe: {  	[sflag:s0] =	ssyncadd.remote.s32 $0x1  }
0xbf: {  	_ =	sfence.sel $0xFFFF  }
0xc0: {  	[dreg:$0x0] =	wrdreg $0xFFFFFFFF;
	(pc) =	sbr.abs _section_cstart, $3  }
0xc1: {  	[dreg:$0x1] =	wrdreg $0xFFFFFFFF  }
0xc2: {  	_ =	task.clear_ibuf [dreg:s6], $0x2FFFF;
	_ =	strace $0x9FFFFFFF  }
0xc3: {  	(tm) =	ssettm $0x7FFFFFFF  }
tec
execute0_lowered:
.L_overlay_start_1:
0x0: {  	(tag) =	ssettag $0x1  }
0x1: {  	s7 =	rddreg [dreg:$0x0]  }
0x2: {  	s2 =	rddreg [dreg:$0x1]  }
0x3: {  	s1 =	srdreg.scid;
	s0 =	stileid.u32  }
0x4: {  	s3 =	rddreg [dreg:$0x2];
	s4 =	simm.s32 $0x0;
	s18 =	simm.s32 $0x2A00  }
0x5: {  	s19 =	simm.s32 $0x80;
	s20 =	simm.s32 $0x2880;
	s13 =	smul.u32 $0x4F000, s0  }
0x6: {  	s28 =	simm.s32 $0x0;
	s8 =	sand.u32 $0x1, s1;
	s31 =	smul.u32 $0x3000, s0  }
0x7: {  	s5 =	sshll.u32 s0, $0x1;
	s1 =	rddreg [dreg:$0x3];
	s22 =	smul.u32 $0x2780, s0  }
0x8: {  	[smem:$0x7FF] =	sst s4;
	s25 =	smul.u32 $0x180, s0;
	s23 =	sshll.u32 s0, $0x6  }
0x9: {  	s5 =	sor.u32 s8, s5;
	_ =	strace $0x80000047;
	s10 =	smul.u32 $0x27800, s8  }
0xa: {  	s12 =	smul.u32 $0x1800, s8;
	s8 =	ssub.s32 $0x2, s8;
	s23 =	sor.u32 $0x1C01, s23  }
0xb: {  	s6 =	smul.u32 $0x500, s5;
	s5 =	sshll.u32 s5, $0x6;
	s29 =	sshrl.u32 s8, $0x1  }
0xc: {  	s30 =	sshrl.u32 s13, $0x2;
	s14 =	sshrl.u32 s31, $0x2;
	s11 =	sadd.s32 s5, s7  }
0xd: {  	s5 =	sadd.s32 $0x10600, s7;
	s15 =	sadd.s32 s10, s7;
	s16 =	sadd.s32 s12, s7  }
0xe: {  	s17 =	ssub.s32 s8, s29;
	s14 =	sadd.s32 s14, s3;
	s9 =	sadd.s32 s6, s7  }
0xf: {  	s6 =	sadd.s32 $0xFE00, s7;
	s8 =	sadd.s32 $0xF600, s11;
	s21 =	sadd.s32 $0x10E00, s15  }
0x10: {  	s24 =	sadd.s32 $0x5FE00, s16;
	s15 =	smax.u32 s17, $0x1;
	s16 =	simm.s32 $0x1  }
0x11: {  	s17 =	simm.s32 $0x2800;
	s26 =	sshrl.u32 s14, $0x3;
	s7 =	sadd.s32 $0x5600, s9  }
0x12: {  	s9 =	sadd.s32 s30, s2;
	s21 =	sadd.s32 s22, s21;
	s22 =	simm.s32 $0x2900  }
0x13: {  	s24 =	sadd.s32 s25, s24;
	s10 =	sadd.s32 $0x4000, s9;
	s11 =	sadd.s32 $0x8000, s9  }
0x14: {  	s12 =	sadd.s32 $0xC000, s9;
	s13 =	sadd.s32 $0x10000, s9;
	s25 =	sshrl.u32 s9, $0x3  }
.LBB2_1:
0x15: {  	[tilespmem:s4], [sflag:$0x1] =	stream.linear.gather [hbm4b:s7+s4], $0x2780, $0x38;
	[tilespmem:$0x1B200] =	vst v63  }
0x16: {  	_ =	swait.ge [sflag:s16], $0x2780  }
0x17: {  	[sflag:s16] =	ssyncset.done $0x0  }
0x18: {  	[sflag:s16] =	ssyncadd.s32 $0xFFFFD880  }
0x19: {  	[tilespmem:s17], [sflag:$0x1] =	stream.linear.gather [hbm4b:s8+s4], $0x180, $0x38;
	[tilespmem:$0x1B200] =	vst v63  }
0x1a: {  	_ =	swait.ge [sflag:s16], $0x180  }
0x1b: {  	[sflag:s16] =	ssyncset.done $0x0  }
0x1c: {  	[sflag:s16] =	ssyncadd.s32 $0xFFFFFE80  }
0x1d: {  	[tilespmem:s18], [sflag:$0x1] =	stream.linear.gather [hbm4b:s6+s4], $0x4000, $0x38;
	[tilespmem:$0x1B200] =	vst v63  }
0x1e: {  	_ =	swait.ge [sflag:s16], $0x4000  }
0x1f: {  	[sflag:s16] =	ssyncset.done $0x0  }
0x20: {  	[sflag:s16] =	ssyncadd.s32 $0xFFFFC000  }
0x21: {  	[spmem:s9] =	stream.linear.scatter [tilespmem:s18], [sflag:$0x1], $0x4000, $0x38;
	[tilespmem:$0x1B200] =	vst v63  }
0x22: {  	_ =	swait.ge [sflag:s16], $0x4000  }
0x23: {  	[sflag:s16] =	ssyncset.done $0x0  }
0x24: {  	[sflag:s16] =	ssyncadd.s32 $0xFFFFC000  }
0x25: {  	[spmem:s10] =	stream.linear.scatter [tilespmem:s18], [sflag:$0x1], $0x4000, $0x38;
	[tilespmem:$0x1B200] =	vst v63  }
0x26: {  	_ =	swait.ge [sflag:s16], $0x4000  }
0x27: {  	[sflag:s16] =	ssyncset.done $0x0  }
0x28: {  	[sflag:s16] =	ssyncadd.s32 $0xFFFFC000  }
0x29: {  	[spmem:s11] =	stream.linear.scatter [tilespmem:s18], [sflag:$0x1], $0x4000, $0x38;
	[tilespmem:$0x1B200] =	vst v63  }
0x2a: {  	_ =	swait.ge [sflag:s16], $0x4000  }
0x2b: {  	[sflag:s16] =	ssyncset.done $0x0  }
0x2c: {  	[sflag:s16] =	ssyncadd.s32 $0xFFFFC000  }
0x2d: {  	[spmem:s12] =	stream.linear.scatter [tilespmem:s18], [sflag:$0x1], $0x4000, $0x38;
	[tilespmem:$0x1B200] =	vst v63  }
0x2e: {  	_ =	swait.ge [sflag:s16], $0x4000  }
0x2f: {  	[sflag:s16] =	ssyncset.done $0x0  }
0x30: {  	[sflag:s16] =	ssyncadd.s32 $0xFFFFC000  }
0x31: {  	[spmem:s13] =	stream.linear.scatter [tilespmem:s18], [sflag:$0x1], $0x3C00, $0x38;
	[tilespmem:$0x1B200] =	vst v63  }
0x32: {  	_ =	swait.ge [sflag:s16], $0x3C00  }
0x33: {  	[sflag:s16] =	ssyncset.done $0x0  }
0x34: {  	[sflag:s16] =	ssyncadd.s32 $0xFFFFC400  }
0x35: {  	[spmem:s14] =	stream.linear.scatter [tilespmem:s18], [sflag:$0x1], $0xC00, $0x38;
	[tilespmem:$0x1B200] =	vst v63  }
0x36: {  	_ =	swait.ge [sflag:s16], $0xC00  }
0x37: {  	[sflag:s16] =	ssyncset.done $0x0  }
0x38: {  	[sflag:s16] =	ssyncadd.s32 $0xFFFFF400  }
0x39: {  	[tilespmem:s18], [sflag:$0x1] =	stream.linear.gather [hbm4b:s5+s4], $0x4000, $0x38;
	[tilespmem:$0x1B200] =	vst v63  }
0x3a: {  	_ =	swait.ge [sflag:s16], $0x4000  }
0x3b: {  	[sflag:s16] =	ssyncset.done $0x0  }
0x3c: {  	[sflag:s16] =	ssyncadd.s32 $0xFFFFC000  }
0x3d: {  	s29 =	simm.s32 $0x0;
	[bflag:$0x0] =	sbarrier.arrive $0xFFFF  }
0x3e: {  	[spmem:s2] =	stream.indirect.scatter.add.f32 [tilespmem:s18], [sflag:$0x1], $0x80, s29, s19, $0xb8;
	[tilespmem:$0x1B200] =	vst v63  }
0x3f: {  	_ =	swait.ge [sflag:s16], $0x4000  }
0x40: {  	s29 =	simm.s32 $0x200;
	[sflag:s16] =	ssyncset.done $0x0  }
.LBB2_2:
0x41: {  	s30 =	sshra.s32 s29, $0x2;
	[sflag:s16] =	ssyncadd.s32 $0xFFFFC000;
	p0 =	sne.s32 s29, $0x9C00  }
0x42: {  	[spmem:s2] =	stream.indirect.scatter.add.f32 [tilespmem:s18], [sflag:$0x1], $0x80, s30, s19, $0xb8;
	[tilespmem:$0x1B200] =	vst v63  }
.Ltmp0:
0x43: {  	_ = 	snop;
	(pc) =	sbr.rel @p0 .LBB2_2-.Ltmp0, $4  }
0x44: {  	_ = 	snop  }
0x45: {  	s29 =	sadd.s32 $0x200, s29  }
0x46: {  	_ =	swait.ge [sflag:s16], $0x4000  }
0x47: {  	[sflag:s16] =	ssyncset.done $0x0  }
0x48: {  	[sflag:s16] =	ssyncadd.s32 $0xFFFFC000  }
0x49: {  	[spmem:s3] =	stream.indirect.scatter.add.f32 [tilespmem:s18], [sflag:$0x1], $0x80, s17, s19, $0xb8;
	[tilespmem:$0x1B200] =	vst v63  }
0x4a: {  	_ =	swait.ge [sflag:s16], $0x4000  }
0x4b: {  	[sflag:s16] =	ssyncset.done $0x0  }
0x4c: {  	[sflag:s16] =	ssyncadd.s32 $0xFFFFC000  }
0x4d: {  	[spmem:s3] =	stream.indirect.scatter.add.f32 [tilespmem:s18], [sflag:$0x1], $0x80, s20, s19, $0xb8;
	[tilespmem:$0x1B200] =	vst v63  }
0x4e: {  	_ =	swait.ge [sflag:s16], $0x4000  }
0x4f: {  	[sflag:s16] =	ssyncset.done $0x0  }
0x50: {  	[sflag:s16] =	ssyncadd.s32 $0xFFFFC000  }
0x51: {  	[spmem:s3] =	stream.indirect.scatter.add.f32 [tilespmem:s18], [sflag:$0x1], $0x80, s22, s19, $0xb8;
	[tilespmem:$0x1B200] =	vst v63  }
0x52: {  	_ =	swait.ge [sflag:s16], $0x4000  }
0x53: {  	[sflag:s16] =	ssyncset.done $0x0  }
0x54: {  	[sflag:s16] =	ssyncadd.s32 $0xFFFFC000  }
0x55: {  	[bflag:$0x0] =	sbarrier.arrive $0xFFFF  }
0x56: {  	[hbm:s21], [sflag:s23] =	dma.local [spmem:s25], $0x2780  }
0x57: {  	s28 =	sadd.s32 $0x1, s28;
	_ =	swait.ge [sflag:s16], $0x2780  }
0x58: {  	p0 =	sne.s32 s28, s15;
	[sflag:s16] =	ssyncset.done $0x0  }
.Ltmp1:
0x59: {  	[sflag:s16] =	ssyncadd.s32 $0xFFFFD880;
	(pc) =	sbr.rel @p0 .LBB2_1-.Ltmp1, $4  }
0x5a: {  	[hbm:s24], [sflag:s23] =	dma.local [spmem:s26], $0x180  }
0x5b: {  	_ =	swait.ge [sflag:s16], $0x180  }
0x5c: {  	[sflag:s16] =	ssyncset.done $0x0  }
0x5d: {  	[sflag:s16] =	ssyncadd.s32 $0xFFFFFE80  }
0x5e: {  	_ =	sfence.sel $0x180000  }
0x5f: {  	[bflag:$0x0] =	sbarrier.arrive $0xFFFF  }
0x60: {  	p0 =	sne.s32 s0, $0x0;
	_ =	strace $0x90000047  }
0x61: {  	s0 =	sadd.s32 @!p0 $0x100000, s1;
	[bflag:$0x2] =	sbarrier.arrive $0xFFFF  }
0x62: {  	[sflag:s0] =	ssyncadd.tile.s32 @!p0 $0x1;
	_ =	shalt  }
.Lfunc_end2:
_tile_overlayer_lowered:
.L_overlay_start_2:
0x63: {  	(tag) =	ssettag $0x2  }
0x64: {  	s0 =	rddreg [dreg:$0x0];
	s2 =	stileid.u32  }
0x65: {  	s1 =	rddreg [dreg:$0x1];
	p0 =	sne.s32 s2, $0x0  }
0x66: {  	s3 =	rddreg [dreg:$0x2];
	[bflag:$0x3] =	sbarrier.arrive $0xFFFF;
	s2 =	simm.s32 @!p0 $0x1C01  }
0x67: {  	[timem:s3], [sflag:s2] =	dma.local @!p0 [hbm:s0], s1  }
0x68: {  	s0 =	simm.s32 @!p0 $0x1  }
0x69: {  	_ =	swait.ge @!p0 [sflag:s0], s1  }
0x6a: {  	s1 =	ssub.s32 @!p0 $0x0, s1;
	[sflag:s0] =	ssyncset.done @!p0 $0x0  }
0x6b: {  	[sflag:s0] =	ssyncadd.s32 @!p0 s1  }
0x6c: {  	[bflag:$0x3] =	sbarrier.arrive $0xFFFF  }
0x6d: {  	_ =	shalt  }

// kernel: kernel.15.cloned.1.call-start
scs
__scs_entry_jumppad:
0x0: {  	(pc) =	sbr.rel $0x88, $3  }
0x1: {  	(tag) =	ssettag $0x0;
	lr =	simm.s32 $0x1  }
0x2: {  	[smem:$0x3F94] =	sst lr;
	_ =	strace $0xD0000000  }
0x3: {  	_ = 	snop  }
0x4: {  	_ = 	snop  }
0x5: {  	_ = 	snop  }
0x6: {  	_ = 	snop  }
0x7: {  	_ = 	snop  }
__scs_overlays_trampoline_lowered:
0x8: {  	[smem:$0x3FA3] =	sst s0  }
0x9: {  	[smem:$0x3FA4] =	sst s1  }
0xa: {  	[smem:$0x3FA5] =	sst s2  }
0xb: {  	[smem:$0x3FA6] =	sst s3  }
0xc: {  	[smem:$0x3FA7] =	sst s4  }
0xd: {  	[smem:$0x3FA8] =	sst s5  }
0xe: {  	[smem:$0x3FA9] =	sst s6  }
0xf: {  	[smem:$0x3FAA] =	sst s7  }
0x10: {  	[smem:$0x3FAB] =	sst s8  }
0x11: {  	[smem:$0x3FAC] =	sst s9;
	s0 =	simm.s32 @!p0 $0x0  }
0x12: {  	s1 =	sld [smem:$0x3F92];
	s0 =	simm.s32 @p0 $0x1  }
0x13: {  	[smem:$0x3FAD] =	sst s0;
	s0 =	simm.s32 @!p1 $0x0  }
0x14: {  	s2 =	sld [smem:$0x3F91];
	s0 =	simm.s32 @p1 $0x1  }
0x15: {  	[smem:$0x3FAE] =	sst s0;
	s0 =	simm.s32 @!p2 $0x0  }
0x16: {  	s3 =	sld [smem:$0x3FDB];
	s0 =	simm.s32 @p2 $0x1  }
0x17: {  	s4 =	simm.s32 $0x1BF5;
	[smem:$0x3FB0] =	sst s0  }
0x18: {  	s0 =	sld [smem:$0x3F93];
	_ =	swait.ge [sflag:s4], $0x0  }
0x19: {  	s7 =	sld [smem:$0x3F94]  }
0x1a: {  	s8 =	sadd.s32 $0xFFFFE003, lr  }
0x1b: {  	s9 =	sadd.s32 $0xFFFFFEF7, lr;
	s5 =	simm.s32 $0xFFFFFFFF;
	p2 =	slt.u32 s8, $0xFFFFF086  }
0x1c: {  	p1 =	slt.u32 s9, $0xF7A;
	s5 =	simm.s32 @!p2 $0x0  }
0x1d: {  	s5 =	simm.s32 @p1 $0x1;
	p0 =	seq.s32 s7, s2  }
0x1e: {  	s7 =	smul.u32 @!p0 $0xF7A, s2;
	p2 =	seq.s32 @!p0 s5, $0x0  }
0x1f: {  	s9 =	smul.u32 $0xF7A, s1;
	s8 =	simm.s32 @!p0 $0x1BF5;
	p2 =	por !p2, p0  }
0x20: {  	[sflag:s8] =	ssyncset.s32 @!p0 $0xFFFFF086;
	s6 =	sadd.s32 @!p0 s3, s7;
	s7 =	simm.s32 @!p0 $0x108  }
0x21: {  	s3 =	sadd.s32 s3, s9;
	s6 =	sadd.s32 @!p0 $0x88, s6;
	s7 =	simm.s32 @p2 $0x1082  }
0x22: {  	[simem:s7], [sflag:s8] =	dma.local @!p0 [hbm:s6], $0xF7A  }
0x23: {  	s9 =	sor.u32 $0xD0000000, s2;
	s6 =	simm.s32 $0x108;
	_ =	swait.ge @!p0 [sflag:s8], $0x0  }
0x24: {  	s3 =	sadd.s32 $0x88, s3;
	s6 =	simm.s32 @!p1 $0x1082;
	[sflag:s4] =	ssyncset.s32 $0xFFFFF086  }
0x25: {  	[simem:s6], [sflag:s4] =	dma.local [hbm:s3], $0xF7A  }
0x26: {  	[smem:$0x3F94] =	sst s1;
	(tag) =	ssettag s2;
	_ =	strace s9  }
0x27: {  	s1 =	sld [smem:$0x3FA4]  }
0x28: {  	s2 =	sld [smem:$0x3FA5]  }
0x29: {  	s4 =	sld [smem:$0x3FA7]  }
0x2a: {  	p0 =	seq.s32 s5, $0x0;
	s5 =	sld [smem:$0x3FA8]  }
0x2b: {  	s6 =	sld [smem:$0x3FA9]  }
0x2c: {  	s7 =	sld [smem:$0x3FAA]  }
0x2d: {  	s3 =	simm.s32 $0x108;
	s8 =	sld [smem:$0x3FAB]  }
0x2e: {  	s3 =	simm.s32 @!p0 $0x1082;
	s9 =	sld [smem:$0x3FAC]  }
0x2f: {  	lr =	sadd.s32 s0, s3;
	s0 =	sld [smem:$0x3FA3]  }
0x30: {  	s3 =	sld [smem:$0x3FA6]  }
0x31: {  	[smem:$0x3FAF] =	sst s10  }
0x32: {  	s10 =	sld [smem:$0x3FAD];
	_ =	sdelay $0x3  }
0x33: {  	p0 =	seq.s32 s10, $0x1;
	s10 =	sld [smem:$0x3FAF];
	_ =	sdelay $0x3  }
0x34: {  	[smem:$0x3FAF] =	sst s10  }
0x35: {  	s10 =	sld [smem:$0x3FAE];
	_ =	sdelay $0x3  }
0x36: {  	p1 =	seq.s32 s10, $0x1;
	s10 =	sld [smem:$0x3FAF];
	_ =	sdelay $0x3  }
0x37: {  	[smem:$0x3FAF] =	sst s10  }
0x38: {  	s10 =	sld [smem:$0x3FB0]  }
0x39: {  	_ = 	snop;
	(pc) =	sbr.ind lr, $3  }
0x3a: {  	_ = 	snop  }
0x3b: {  	_ = 	snop  }
0x3c: {  	p2 =	seq.s32 s10, $0x1;
	s10 =	sld [smem:$0x3FAF]  }
0x3d: {  	_ =	shalt  }
0x3e: {  	_ =	shalt  }
0x3f: {  	_ =	shalt  }
0x40: {  	_ =	shalt  }
0x41: {  	_ =	shalt  }
0x42: {  	_ =	shalt  }
0x43: {  	_ =	shalt  }
0x44: {  	_ =	shalt  }
0x45: {  	_ =	shalt  }
0x46: {  	_ =	shalt  }
0x47: {  	_ =	shalt  }
0x48: {  	_ =	shalt  }
0x49: {  	_ =	shalt  }
0x4a: {  	_ =	shalt  }
0x4b: {  	_ =	shalt  }
0x4c: {  	_ =	shalt  }
0x4d: {  	_ =	shalt  }
0x4e: {  	_ =	shalt  }
0x4f: {  	_ =	shalt  }
0x50: {  	_ =	shalt  }
0x51: {  	_ =	shalt  }
0x52: {  	_ =	shalt  }
0x53: {  	_ =	shalt  }
0x54: {  	_ =	shalt  }
0x55: {  	_ =	shalt  }
0x56: {  	_ =	shalt  }
0x57: {  	_ =	shalt  }
0x58: {  	_ =	shalt  }
0x59: {  	_ =	shalt  }
0x5a: {  	_ =	shalt  }
0x5b: {  	_ =	shalt  }
0x5c: {  	_ =	shalt  }
0x5d: {  	_ =	shalt  }
0x5e: {  	_ =	shalt  }
0x5f: {  	_ =	shalt  }
0x60: {  	_ =	shalt  }
0x61: {  	_ =	shalt  }
0x62: {  	_ =	shalt  }
0x63: {  	_ =	shalt  }
0x64: {  	_ =	shalt  }
0x65: {  	_ =	shalt  }
0x66: {  	_ =	shalt  }
0x67: {  	_ =	shalt  }
0x68: {  	_ =	shalt  }
0x69: {  	_ =	shalt  }
0x6a: {  	_ =	shalt  }
0x6b: {  	_ =	shalt  }
0x6c: {  	_ =	shalt  }
0x6d: {  	_ =	shalt  }
0x6e: {  	_ =	shalt  }
0x6f: {  	_ =	shalt  }
0x70: {  	_ =	shalt  }
0x71: {  	_ =	shalt  }
0x72: {  	_ =	shalt  }
0x73: {  	_ =	shalt  }
0x74: {  	_ =	shalt  }
0x75: {  	_ =	shalt  }
0x76: {  	_ =	shalt  }
0x77: {  	_ =	shalt  }
0x78: {  	_ =	shalt  }
0x79: {  	_ =	shalt  }
0x7a: {  	_ =	shalt  }
0x7b: {  	_ =	shalt  }
0x7c: {  	_ =	shalt  }
0x7d: {  	_ =	shalt  }
0x7e: {  	_ =	shalt  }
0x7f: {  	_ =	shalt  }
0x80: {  	_ =	shalt  }
0x81: {  	_ =	shalt  }
0x82: {  	_ =	shalt  }
0x83: {  	_ =	shalt  }
0x84: {  	_ =	shalt  }
0x85: {  	_ =	shalt  }
0x86: {  	_ =	shalt  }
0x87: {  	_ =	shalt  }
.Lfunc_end0:
.L_simem_size_0:
called_computation.1_lowered:
.L_overlay_start_0:
0x88: {  	s2 =	sld [smem:$0x3FD9]  }
0x89: {  	s3 =	sld [smem:$0x3FFE];
	_ =	sdelay $0x1  }
0x8a: {  	s1 =	srdreg.scid  }
0x8b: {  	s0 =	sand.u32 $0x1, s1  }
0x8c: {  	s16 =	sshll.u32 s0, $0xA;
	s2 =	sadd.s32 s3, s2  }
0x8d: {  	s2 =	sadd.s32 s2, s16  }
0x8e: {  	[smem:$0x3FBB] =	sst s2  }
0x8f: {  	_ = 	snop  }
0x90: {  	(tm) =	ssettm $0x1  }
0x91: {  	s17 =	sld [smem:$0x3FFB];
	_ =	sdelay $0x3  }
0x92: {  	_ =	strace s17  }
0x93: {  	s2 =	sld [smem:$0x3FFC];
	_ =	sdelay $0x3  }
0x94: {  	_ =	strace s2  }
0x95: {  	s2 =	sld [smem:$0x3FFD];
	_ =	sdelay $0x3  }
0x96: {  	_ =	strace s2  }
0x97: {  	_ =	strace $0x8FFFFFFF  }
0x98: {  	s18 =	sld [smem:$0x3FDB];
	_ =	sdelay $0x1  }
0x99: {  	s19 =	simm.s32 $_scs_section_size  }
0x9a: {  	s4 =	simm.s32 $_size__tile_overlayer_lowered;
	s5 =	simm.s32 $_tile_overlayer_lowered  }
0x9b: {  	s22 =	simm.s32 $0x1BFF;
	s21 =	sshll.u32 s5, $0x1;
	s2 =	sadd.s32 s19, s18  }
0x9c: {  	s6 =	simm.s32 $0x0;
	s20 =	sshll.u32 s4, $0x1;
	s4 =	sadd.s32 s21, s2  }
0x9d: {  	[timem:s6], [sflag:s22] =	dma.local [hbm:s4], s20  }
0x9e: {  	_ =	swait.ge [sflag:s22], s20  }
0x9f: {  	s3 =	ssub.s32 $0x0, s20;
	[sflag:s22] =	ssyncset.done $0x0  }
0xa0: {  	[sflag:s22] =	ssyncadd.s32 s3;
	_ =	sdelay $0x1  }
0xa1: {  	s23 =	simm.s32 $0x1B8B  }
0xa2: {  	_ =	swait.ge [sflag:s23], $0x1  }
0xa3: {  	[sflag:s23] =	ssyncset.done $0x0  }
0xa4: {  	s25 =	simm.s32 $0x1B8E;
	s24 =	sld [smem:$0x3FFE];
	[sflag:s23] =	ssyncadd.s32 $0xFFFFFFFF  }
0xa5: {  	s26 =	simm.s32 $execute0_lowered;
	[smem:$0x3FD2] =	sst s25  }
0xa6: {  	s4 =	sshll.u32 s26, $0x1;
	_ =	strace $0x80000049;
	[dreg:$0x1] =	wrdreg $0xFFFFFFFF  }
0xa7: {  	s28 =	simm.s32 $_size_execute0_lowered;
	s2 =	sadd.s32 s2, s4;
	[dreg:$0x0] =	wrdreg $0x0  }
0xa8: {  	s4 =	sshll.u32 s28, $0x1;
	[dreg:$0x2] =	wrdreg s2  }
0xa9: {  	[dreg:$0x3] =	wrdreg s4  }
0xaa: {  	[dreg:$0x4] =	wrdreg $0xC0  }
0xab: {  	_ =	task [dreg:s6], $0x5FFFF  }
0xac: {  	[dreg:$0x1] =	wrdreg $0xFFFFFFFF  }
0xad: {  	[dreg:$0x0] =	wrdreg $0x60  }
0xae: {  	[dreg:$0x2] =	wrdreg s24  }
0xaf: {  	[dreg:$0x3] =	wrdreg $0xA8000  }
0xb0: {  	[dreg:$0x4] =	wrdreg $0x9  }
0xb1: {  	_ =	task.clear_ibuf [dreg:s6], $0x5FFFF;
	_ =	strace $0x90000049  }
0xb2: {  	s29 =	simm.s32 $0x9;
	_ =	strace $0x8000004B  }
0xb3: {  	_ =	swait.ge [sflag:s29], $0x1  }
0xb4: {  	[sflag:s29] =	ssyncadd.s32 $0xFFFFFFFF  }
0xb5: {  	_ =	strace $0x9000004B  }
0xb6: {  	_ =	sfence  }
0xb7: {  	s30 =	sld [smem:$0x0];
	_ =	sdelay $0x2  }
0xb8: {  	s31 =	sshll.u32 s1, $0xD;
	s1 =	sshrl.u32 s1, $0x2  }
0xb9: {  	s3 =	sand.u32 $0x4000, s31;
	s1 =	sadd.s32 s1, s30  }
0xba: {  	s0 =	sor.u32 s3, s0;
	s1 =	sshll.u32 s1, $0x11  }
0xbb: {  	s0 =	sor.u32 s1, s0  }
0xbc: {  	s0 =	sadd.s32 $0x8F2B, s0  }
0xbd: {  	[sflag:s0] =	ssyncadd.remote.s32 $0x1  }
0xbe: {  	_ =	sfence.sel $0xFFFF  }
0xbf: {  	[dreg:$0x0] =	wrdreg $0xFFFFFFFF;
	(pc) =	sbr.abs _section_cstart, $3  }
0xc0: {  	[dreg:$0x1] =	wrdreg $0xFFFFFFFF  }
0xc1: {  	_ =	task.clear_ibuf [dreg:s6], $0x2FFFF;
	_ =	strace $0x9FFFFFFF  }
0xc2: {  	(tm) =	ssettm $0x7FFFFFFF  }
0xc3: {  	_ =	shalt  }
tec
execute0_lowered:
.L_overlay_start_1:
0x0: {  	(tag) =	ssettag $0x1  }
0x1: {  	s6 =	rddreg [dreg:$0x0];
	s1 =	srdreg.scid  }
0x2: {  	s0 =	stileid.u32;
	s2 =	rddreg [dreg:$0x1]  }
0x3: {  	s3 =	simm.s32 $0x0;
	s15 =	simm.s32 $0x3;
	s16 =	simm.s32 $0x1400  }
0x4: {  	s17 =	simm.s32 $0x80;
	s18 =	simm.s32 $0x6800;
	s19 =	simm.s32 $0x1  }
0x5: {  	s20 =	simm.s32 $0x4;
	s21 =	simm.s32 $0x2;
	s22 =	simm.s32 $0x1380  }
0x6: {  	s23 =	simm.s32 $0x2700;
	s26 =	simm.s32 $0x2780;
	s28 =	simm.s32 $0x0  }
0x7: {  	s5 =	sand.u32 $0x1, s1;
	s4 =	sshll.u32 s0, $0x1;
	s8 =	smul.u32 $0x4F000, s0  }
0x8: {  	[smem:$0x7FF] =	sst s3;
	s25 =	smul.u32 $0x2780, s0;
	s31 =	sshll.u32 s0, $0x6  }
0x9: {  	s4 =	sor.u32 s5, s4;
	_ =	strace $0x8000004A;
	s30 =	smul.u32 $0x27800, s5  }
0xa: {  	s9 =	ssub.s32 $0x2, s5;
	s5 =	sadd.s32 $0xFE00, s6;
	s7 =	smul.u32 $0x500, s4  }
0xb: {  	s4 =	sadd.s32 $0x6CE00, s6;
	s10 =	sshrl.u32 s9, $0x1;
	s8 =	sshrl.u32 s8, $0x2  }
0xc: {  	s13 =	sadd.s32 s30, s6;
	s14 =	ssub.s32 s9, s10;
	s12 =	sadd.s32 s7, s6  }
0xd: {  	s6 =	sadd.s32 s8, s2;
	s24 =	sadd.s32 $0x94600, s13;
	s13 =	smax.u32 s14, $0x1  }
0xe: {  	s14 =	simm.s32 $0x2800;
	s7 =	sadd.s32 $0x4000, s6;
	s8 =	sadd.s32 $0x8000, s6  }
0xf: {  	s9 =	sadd.s32 $0xC000, s6;
	s10 =	sadd.s32 $0x10000, s6;
	s11 =	sadd.s32 $0x62E00, s12  }
0x10: {  	s12 =	sadd.s32 $0x5600, s12;
	s24 =	sadd.s32 s25, s24;
	s25 =	sor.u32 $0x1C03, s31  }
.LBB2_1:
0x11: {  	[tilespmem:s14], [sflag:$0x3] =	stream.linear.gather [hbm4b:s5+s3], $0x4000, $0x38;
	[tilespmem:$0x1E400] =	vst v63  }
0x12: {  	_ =	swait.ge [sflag:s15], $0x4000  }
0x13: {  	[sflag:s15] =	ssyncset.done $0x0  }
0x14: {  	[sflag:s15] =	ssyncadd.s32 $0xFFFFC000  }
0x15: {  	[spmem:s6] =	stream.linear.scatter [tilespmem:s14], [sflag:$0x3], $0x4000, $0x38;
	[tilespmem:$0x1E400] =	vst v63  }
0x16: {  	_ =	swait.ge [sflag:s15], $0x4000  }
0x17: {  	[sflag:s15] =	ssyncset.done $0x0  }
0x18: {  	[sflag:s15] =	ssyncadd.s32 $0xFFFFC000  }
0x19: {  	[spmem:s7] =	stream.linear.scatter [tilespmem:s14], [sflag:$0x3], $0x4000, $0x38;
	[tilespmem:$0x1E400] =	vst v63  }
0x1a: {  	_ =	swait.ge [sflag:s15], $0x4000  }
0x1b: {  	[sflag:s15] =	ssyncset.done $0x0  }
0x1c: {  	[sflag:s15] =	ssyncadd.s32 $0xFFFFC000  }
0x1d: {  	[spmem:s8] =	stream.linear.scatter [tilespmem:s14], [sflag:$0x3], $0x4000, $0x38;
	[tilespmem:$0x1E400] =	vst v63  }
0x1e: {  	_ =	swait.ge [sflag:s15], $0x4000  }
0x1f: {  	[sflag:s15] =	ssyncset.done $0x0  }
0x20: {  	[sflag:s15] =	ssyncadd.s32 $0xFFFFC000  }
0x21: {  	[spmem:s9] =	stream.linear.scatter [tilespmem:s14], [sflag:$0x3], $0x4000, $0x38;
	[tilespmem:$0x1E400] =	vst v63  }
0x22: {  	_ =	swait.ge [sflag:s15], $0x4000  }
0x23: {  	[sflag:s15] =	ssyncset.done $0x0  }
0x24: {  	[sflag:s15] =	ssyncadd.s32 $0xFFFFC000  }
0x25: {  	[spmem:s10] =	stream.linear.scatter [tilespmem:s14], [sflag:$0x3], $0x3C00, $0x38;
	[tilespmem:$0x1E400] =	vst v63  }
0x26: {  	_ =	swait.ge [sflag:s15], $0x3C00  }
0x27: {  	[sflag:s15] =	ssyncset.done $0x0  }
0x28: {  	[sflag:s15] =	ssyncadd.s32 $0xFFFFC400  }
0x29: {  	[bflag:$0x0] =	sbarrier.arrive $0xFFFF  }
0x2a: {  	[tilespmem:s3], [sflag:$0x3] =	stream.linear.gather [hbm4b:s11+s3], $0x1400, $0x38;
	[tilespmem:$0x1E400] =	vst v63  }
0x2b: {  	_ =	swait.ge [sflag:s15], $0x1400  }
0x2c: {  	[sflag:s15] =	ssyncset.done $0x0  }
0x2d: {  	[sflag:s15] =	ssyncadd.s32 $0xFFFFEC00  }
0x2e: {  	[tilespmem:s16], [sflag:$0x3] =	stream.linear.gather [hbm4b:s12+s3], $0x1400, $0x38;
	[tilespmem:$0x1E400] =	vst v63  }
0x2f: {  	_ =	swait.ge [sflag:s15], $0x1400  }
0x30: {  	[sflag:s15] =	ssyncset.done $0x0  }
0x31: {  	[sflag:s15] =	ssyncadd.s32 $0xFFFFEC00  }
0x32: {  	[tilespmem:s14], [sflag:$0x1] =	stream.indirect.gather [hbm4b:s4+s17], $0x80, s3, s17, $0xb8;
	[tilespmem:$0x1E400] =	vst v63  }
0x33: {  	s29 =	simm.s32 $0x80  }
0x34: {  	[tilespmem:s18], [sflag:$0x2] =	stream.indirect.gather [hbm4b:s4+s17], $0x80, s29, s17, $0xb8;
	[tilespmem:$0x1E400] =	vst v63  }
0x35: {  	_ =	swait.ge [sflag:s19], $0x4000  }
0x36: {  	[sflag:s19] =	ssyncset.done $0x0  }
0x37: {  	s29 =	simm.s32 $0x1400;
	[sflag:s19] =	ssyncadd.s32 $0xFFFFC000  }
0x38: {  	[spmem:s2] =	stream.indirect.scatter.add.f32 [tilespmem:s14], [sflag:$0x4], $0x80, s29, s17, $0xb8;
	[tilespmem:$0x1E400] =	vst v63  }
0x39: {  	_ =	swait.ge [sflag:s20], $0x4000  }
0x3a: {  	[sflag:s20] =	ssyncset.done $0x0  }
0x3b: {  	s29 =	simm.s32 $0x100;
	[sflag:s20] =	ssyncadd.s32 $0xFFFFC000  }
0x3c: {  	[tilespmem:s14], [sflag:$0x1] =	stream.indirect.gather [hbm4b:s4+s17], $0x80, s29, s17, $0xb8;
	[tilespmem:$0x1E400] =	vst v63  }
0x3d: {  	_ =	swait.ge [sflag:s21], $0x4000  }
0x3e: {  	[sflag:s21] =	ssyncset.done $0x0  }
0x3f: {  	s29 =	simm.s32 $0x1480;
	[sflag:s21] =	ssyncadd.s32 $0xFFFFC000  }
0x40: {  	[spmem:s2] =	stream.indirect.scatter.add.f32 [tilespmem:s18], [sflag:$0x3], $0x80, s29, s17, $0xb8;
	[tilespmem:$0x1E400] =	vst v63  }
0x41: {  	_ =	swait.ge [sflag:s15], $0x4000  }
0x42: {  	s30 =	simm.s32 $0x800;
	s29 =	simm.s32 $0x100;
	[sflag:s15] =	ssyncset.done $0x0  }
.LBB2_2:
0x43: {  	s31 =	sadd.s32 $0x80, s29  }
0x44: {  	[sflag:s15] =	ssyncadd.s32 $0xFFFFC000;
	s1 =	smov.u32 s30;
	s0 =	sadd.s32 $0x400, s30  }
0x45: {  	[tilespmem:s18], [sflag:$0x2] =	stream.indirect.gather [hbm4b:s4+s17], $0x80, s31, s17, $0xb8;
	[tilespmem:$0x1E400] =	vst v63  }
0x46: {  	p0 =	sne.s32 s30, $0x4800;
	_ =	swait.ge [sflag:s19], $0x4000  }
0x47: {  	[sflag:s19] =	ssyncset.done $0x0  }
0x48: {  	s30 =	sadd.s32 $0x1400, s29;
	[sflag:s19] =	ssyncadd.s32 $0xFFFFC000  }
0x49: {  	[spmem:s2] =	stream.indirect.scatter.add.f32 [tilespmem:s14], [sflag:$0x4], $0x80, s30, s17, $0xb8;
	[tilespmem:$0x1E400] =	vst v63  }
0x4a: {  	_ =	swait.ge [sflag:s20], $0x4000  }
0x4b: {  	[sflag:s20] =	ssyncset.done $0x0  }
0x4c: {  	s30 =	sadd.s32 $0x100, s29;
	[sflag:s20] =	ssyncadd.s32 $0xFFFFC000  }
0x4d: {  	[tilespmem:s14], [sflag:$0x1] =	stream.indirect.gather [hbm4b:s4+s17], $0x80, s30, s17, $0xb8;
	[tilespmem:$0x1E400] =	vst v63  }
0x4e: {  	_ =	swait.ge [sflag:s21], $0x4000  }
.Ltmp0:
0x4f: {  	[sflag:s21] =	ssyncset.done $0x0;
	(pc) =	sbr.rel @p0 .LBB2_2-.Ltmp0, $4  }
0x50: {  	s29 =	sadd.s32 $0x1480, s29;
	[sflag:s21] =	ssyncadd.s32 $0xFFFFC000  }
0x51: {  	[spmem:s2] =	stream.indirect.scatter.add.f32 [tilespmem:s18], [sflag:$0x3], $0x80, s29, s17, $0xb8;
	[tilespmem:$0x1E400] =	vst v63  }
0x52: {  	_ =	swait.ge [sflag:s15], $0x4000  }
0x53: {  	s30 =	smov.u32 s0;
	s29 =	sshra.s32 s1, $0x2;
	[sflag:s15] =	ssyncset.done $0x0  }
0x54: {  	s0 =	sadd.s32 $0x80, s29;
	[sflag:s15] =	ssyncadd.s32 $0xFFFFC000  }
0x55: {  	[tilespmem:s18], [sflag:$0x2] =	stream.indirect.gather [hbm4b:s4+s17], $0x80, s0, s17, $0xb8;
	[tilespmem:$0x1E400] =	vst v63  }
0x56: {  	_ =	swait.ge [sflag:s19], $0x4000  }
0x57: {  	[sflag:s19] =	ssyncset.done $0x0  }
0x58: {  	s1 =	sadd.s32 $0x1400, s29;
	[sflag:s19] =	ssyncadd.s32 $0xFFFFC000  }
0x59: {  	[spmem:s2] =	stream.indirect.scatter.add.f32 [tilespmem:s14], [sflag:$0x4], $0x80, s1, s17, $0xb8;
	[tilespmem:$0x1E400] =	vst v63  }
0x5a: {  	_ =	swait.ge [sflag:s20], $0x4000  }
0x5b: {  	[sflag:s20] =	ssyncset.done $0x0  }
0x5c: {  	s31 =	sadd.s32 $0x100, s29;
	[sflag:s20] =	ssyncadd.s32 $0xFFFFC000  }
0x5d: {  	[tilespmem:s14], [sflag:$0x1] =	stream.indirect.gather [hbm4b:s4+s17], $0x80, s31, s17, $0xb8;
	[tilespmem:$0x1E400] =	vst v63  }
0x5e: {  	_ =	swait.ge [sflag:s21], $0x4000  }
0x5f: {  	[sflag:s21] =	ssyncset.done $0x0  }
0x60: {  	s1 =	sadd.s32 $0x1480, s29;
	[sflag:s21] =	ssyncadd.s32 $0xFFFFC000  }
0x61: {  	[spmem:s2] =	stream.indirect.scatter.add.f32 [tilespmem:s18], [sflag:$0x3], $0x80, s1, s17, $0xb8;
	[tilespmem:$0x1E400] =	vst v63  }
0x62: {  	_ =	swait.ge [sflag:s15], $0x4000  }
0x63: {  	[sflag:s15] =	ssyncset.done $0x0  }
0x64: {  	[sflag:s15] =	ssyncadd.s32 $0xFFFFC000  }
0x65: {  	[tilespmem:s18], [sflag:$0x2] =	stream.indirect.gather [hbm4b:s4+s17], $0x80, s22, s17, $0xb8;
	[tilespmem:$0x1E400] =	vst v63  }
0x66: {  	_ =	swait.ge [sflag:s19], $0x4000  }
0x67: {  	[sflag:s19] =	ssyncset.done $0x0  }
0x68: {  	[sflag:s19] =	ssyncadd.s32 $0xFFFFC000  }
0x69: {  	[spmem:s2] =	stream.indirect.scatter.add.f32 [tilespmem:s14], [sflag:$0x4], $0x80, s23, s17, $0xb8;
	[tilespmem:$0x1E400] =	vst v63  }
0x6a: {  	_ =	swait.ge [sflag:s20], $0x4000  }
0x6b: {  	[sflag:s20] =	ssyncset.done $0x0  }
0x6c: {  	[sflag:s20] =	ssyncadd.s32 $0xFFFFC000  }
0x6d: {  	_ =	swait.ge [sflag:s21], $0x4000  }
0x6e: {  	[sflag:s21] =	ssyncset.done $0x0  }
0x6f: {  	[sflag:s21] =	ssyncadd.s32 $0xFFFFC000  }
0x70: {  	[spmem:s2] =	stream.indirect.scatter.add.f32 [tilespmem:s18], [sflag:$0x3], $0x80, s26, s17, $0xb8;
	[tilespmem:$0x1E400] =	vst v63  }
0x71: {  	_ =	swait.ge [sflag:s15], $0x4000  }
0x72: {  	[sflag:s15] =	ssyncset.done $0x0  }
0x73: {  	s31 =	sadd.s32 $0x280, s11;
	s1 =	simm.s32 $0x0;
	[sflag:s15] =	ssyncadd.s32 $0xFFFFC000  }
0x74: {  	[tilespmem:s1], [sflag:$0x3] =	stream.linear.gather [hbm4b:s31+s1], $0x1380, $0x38;
	[tilespmem:$0x1E400] =	vst v63  }
0x75: {  	_ =	swait.ge [sflag:s15], $0x1380  }
0x76: {  	[sflag:s15] =	ssyncset.done $0x0  }
0x77: {  	s31 =	sadd.s32 $0x280, s12;
	[sflag:s15] =	ssyncadd.s32 $0xFFFFEC80  }
0x78: {  	[tilespmem:s16], [sflag:$0x3] =	stream.linear.gather [hbm4b:s31+s1], $0x1380, $0x38;
	[tilespmem:$0x1E400] =	vst v63  }
0x79: {  	_ =	swait.ge [sflag:s15], $0x1380  }
0x7a: {  	[sflag:s15] =	ssyncset.done $0x0  }
0x7b: {  	[sflag:s15] =	ssyncadd.s32 $0xFFFFEC80  }
0x7c: {  	[tilespmem:s14], [sflag:$0x1] =	stream.indirect.gather [hbm4b:s4+s17], $0x80, s1, s17, $0xb8;
	[tilespmem:$0x1E400] =	vst v63  }
0x7d: {  	s1 =	simm.s32 $0x80  }
0x7e: {  	[tilespmem:s18], [sflag:$0x2] =	stream.indirect.gather [hbm4b:s4+s17], $0x80, s1, s17, $0xb8;
	[tilespmem:$0x1E400] =	vst v63  }
0x7f: {  	_ =	swait.ge [sflag:s19], $0x4000  }
0x80: {  	[sflag:s19] =	ssyncset.done $0x0  }
0x81: {  	s31 =	simm.s32 $0x1400;
	[sflag:s19] =	ssyncadd.s32 $0xFFFFC000  }
0x82: {  	[spmem:s2] =	stream.indirect.scatter.add.f32 [tilespmem:s14], [sflag:$0x4], $0x80, s31, s17, $0xb8;
	[tilespmem:$0x1E400] =	vst v63  }
0x83: {  	_ =	swait.ge [sflag:s20], $0x4000  }
0x84: {  	[sflag:s20] =	ssyncset.done $0x0  }
0x85: {  	s1 =	simm.s32 $0x100;
	[sflag:s20] =	ssyncadd.s32 $0xFFFFC000  }
0x86: {  	[tilespmem:s14], [sflag:$0x1] =	stream.indirect.gather [hbm4b:s4+s17], $0x80, s1, s17, $0xb8;
	[tilespmem:$0x1E400] =	vst v63  }
0x87: {  	_ =	swait.ge [sflag:s21], $0x4000  }
0x88: {  	[sflag:s21] =	ssyncset.done $0x0  }
0x89: {  	s31 =	simm.s32 $0x1480;
	[sflag:s21] =	ssyncadd.s32 $0xFFFFC000  }
0x8a: {  	[spmem:s2] =	stream.indirect.scatter.add.f32 [tilespmem:s18], [sflag:$0x3], $0x80, s31, s17, $0xb8;
	[tilespmem:$0x1E400] =	vst v63  }
0x8b: {  	_ =	swait.ge [sflag:s15], $0x4000  }
0x8c: {  	s30 =	simm.s32 $0x800;
	s29 =	simm.s32 $0x100;
	[sflag:s15] =	ssyncset.done $0x0  }
.LBB2_4:
0x8d: {  	s0 =	sadd.s32 $0x80, s29  }
0x8e: {  	[sflag:s15] =	ssyncadd.s32 $0xFFFFC000;
	s1 =	smov.u32 s30;
	s31 =	sadd.s32 $0x400, s30  }
0x8f: {  	[tilespmem:s18], [sflag:$0x2] =	stream.indirect.gather [hbm4b:s4+s17], $0x80, s0, s17, $0xb8;
	[tilespmem:$0x1E400] =	vst v63  }
0x90: {  	p0 =	sne.s32 s30, $0x4800;
	_ =	swait.ge [sflag:s19], $0x4000  }
0x91: {  	[sflag:s19] =	ssyncset.done $0x0  }
0x92: {  	s0 =	sadd.s32 $0x1400, s29;
	[sflag:s19] =	ssyncadd.s32 $0xFFFFC000  }
0x93: {  	[spmem:s2] =	stream.indirect.scatter.add.f32 [tilespmem:s14], [sflag:$0x4], $0x80, s0, s17, $0xb8;
	[tilespmem:$0x1E400] =	vst v63  }
0x94: {  	_ =	swait.ge [sflag:s20], $0x4000  }
0x95: {  	[sflag:s20] =	ssyncset.done $0x0  }
0x96: {  	s0 =	sadd.s32 $0x100, s29;
	[sflag:s20] =	ssyncadd.s32 $0xFFFFC000  }
0x97: {  	[tilespmem:s14], [sflag:$0x1] =	stream.indirect.gather [hbm4b:s4+s17], $0x80, s0, s17, $0xb8;
	[tilespmem:$0x1E400] =	vst v63  }
0x98: {  	_ =	swait.ge [sflag:s21], $0x4000  }
.Ltmp1:
0x99: {  	[sflag:s21] =	ssyncset.done $0x0;
	(pc) =	sbr.rel @p0 .LBB2_4-.Ltmp1, $4  }
0x9a: {  	s0 =	sadd.s32 $0x1480, s29;
	[sflag:s21] =	ssyncadd.s32 $0xFFFFC000  }
0x9b: {  	[spmem:s2] =	stream.indirect.scatter.add.f32 [tilespmem:s18], [sflag:$0x3], $0x80, s0, s17, $0xb8;
	[tilespmem:$0x1E400] =	vst v63  }
0x9c: {  	_ =	swait.ge [sflag:s15], $0x4000  }
0x9d: {  	s30 =	smov.u32 s31;
	s29 =	sshra.s32 s1, $0x2;
	[sflag:s15] =	ssyncset.done $0x0  }
0x9e: {  	s0 =	sadd.s32 $0x80, s29;
	[sflag:s15] =	ssyncadd.s32 $0xFFFFC000  }
0x9f: {  	[tilespmem:s18], [sflag:$0x2] =	stream.indirect.gather [hbm4b:s4+s17], $0x80, s0, s17, $0xb8;
	[tilespmem:$0x1E400] =	vst v63  }
0xa0: {  	_ =	swait.ge [sflag:s19], $0x4000  }
0xa1: {  	[sflag:s19] =	ssyncset.done $0x0  }
0xa2: {  	s31 =	sadd.s32 $0x1400, s29;
	[sflag:s19] =	ssyncadd.s32 $0xFFFFC000  }
0xa3: {  	[spmem:s2] =	stream.indirect.scatter.add.f32 [tilespmem:s14], [sflag:$0x4], $0x80, s31, s17, $0xb8;
	[tilespmem:$0x1E400] =	vst v63  }
0xa4: {  	_ =	swait.ge [sflag:s20], $0x4000  }
0xa5: {  	[sflag:s20] =	ssyncset.done $0x0  }
0xa6: {  	s1 =	sadd.s32 $0x100, s29;
	[sflag:s20] =	ssyncadd.s32 $0xFFFFC000  }
0xa7: {  	[tilespmem:s14], [sflag:$0x1] =	stream.indirect.gather [hbm4b:s4+s17], $0x80, s1, s17, $0xb8;
	[tilespmem:$0x1E400] =	vst v63  }
0xa8: {  	_ =	swait.ge [sflag:s21], $0x4000  }
0xa9: {  	[sflag:s21] =	ssyncset.done $0x0  }
0xaa: {  	s30 =	sadd.s32 $0x1480, s29;
	[sflag:s21] =	ssyncadd.s32 $0xFFFFC000  }
0xab: {  	[spmem:s2] =	stream.indirect.scatter.add.f32 [tilespmem:s18], [sflag:$0x3], $0x80, s30, s17, $0xb8;
	[tilespmem:$0x1E400] =	vst v63  }
0xac: {  	_ =	swait.ge [sflag:s15], $0x4000  }
0xad: {  	[sflag:s15] =	ssyncset.done $0x0  }
0xae: {  	[sflag:s15] =	ssyncadd.s32 $0xFFFFC000  }
0xaf: {  	_ =	swait.ge [sflag:s19], $0x4000  }
0xb0: {  	[sflag:s19] =	ssyncset.done $0x0  }
0xb1: {  	[sflag:s19] =	ssyncadd.s32 $0xFFFFC000  }
0xb2: {  	[spmem:s2] =	stream.indirect.scatter.add.f32 [tilespmem:s14], [sflag:$0x4], $0x80, s23, s17, $0xb8;
	[tilespmem:$0x1E400] =	vst v63  }
0xb3: {  	_ =	swait.ge [sflag:s20], $0x4000  }
0xb4: {  	s28 =	sadd.s32 $0x1, s28;
	[sflag:s20] =	ssyncset.done $0x0  }
0xb5: {  	p0 =	sne.s32 s28, s13;
	[sflag:s20] =	ssyncadd.s32 $0xFFFFC000  }
.Ltmp2:
0xb6: {  	s31 =	sshrl.u32 s6, $0x3;
	[bflag:$0x0] =	sbarrier.arrive $0xFFFF;
	(pc) =	sbr.rel @p0 .LBB2_1-.Ltmp2, $4  }
0xb7: {  	[hbm:s24], [sflag:s25] =	dma.local [spmem:s31], $0x2780  }
0xb8: {  	_ =	swait.ge [sflag:s15], $0x2780  }
0xb9: {  	[sflag:s15] =	ssyncset.done $0x0  }
0xba: {  	[sflag:s15] =	ssyncadd.s32 $0xFFFFD880  }
0xbb: {  	_ =	sfence.sel $0x180000  }
0xbc: {  	[bflag:$0x0] =	sbarrier.arrive $0xFFFF  }
0xbd: {  	_ =	strace $0x9000004A  }
0xbe: {  	s0 =	stileid.u32;
	[bflag:$0x2] =	sbarrier.arrive $0xFFFF  }
0xbf: {  	p0 =	sne.s32 s0, $0x0;
	s0 =	rddreg [dreg:$0x2]  }
0xc0: {  	s0 =	sadd.s32 @!p0 $0x100000, s0  }
0xc1: {  	[sflag:s0] =	ssyncadd.tile.s32 @!p0 $0x1;
	_ =	shalt  }
.Lfunc_end2:
_tile_overlayer_lowered:
.L_overlay_start_2:
0xc2: {  	(tag) =	ssettag $0x2  }
0xc3: {  	s0 =	rddreg [dreg:$0x0];
	s2 =	stileid.u32  }
0xc4: {  	s1 =	rddreg [dreg:$0x1];
	p0 =	sne.s32 s2, $0x0  }
0xc5: {  	s3 =	rddreg [dreg:$0x2];
	[bflag:$0x3] =	sbarrier.arrive $0xFFFF;
	s2 =	simm.s32 @!p0 $0x1C03  }
0xc6: {  	[timem:s3], [sflag:s2] =	dma.local @!p0 [hbm:s0], s1  }
0xc7: {  	s0 =	simm.s32 @!p0 $0x3  }
0xc8: {  	_ =	swait.ge @!p0 [sflag:s0], s1  }
0xc9: {  	s1 =	ssub.s32 @!p0 $0x0, s1;
	[sflag:s0] =	ssyncset.done @!p0 $0x0  }
0xca: {  	[sflag:s0] =	ssyncadd.s32 @!p0 s1  }
0xcb: {  	[bflag:$0x3] =	sbarrier.arrive $0xFFFF  }
0xcc: {  	_ =	shalt  }

// kernel: kernel.18.cloned.1.call-start
scs
__scs_entry_jumppad:
0x0: {  	(pc) =	sbr.rel $0x88, $3  }
0x1: {  	(tag) =	ssettag $0x0;
	lr =	simm.s32 $0x1  }
0x2: {  	[smem:$0x3F94] =	sst lr;
	_ =	strace $0xD0000000  }
0x3: {  	_ = 	snop  }
0x4: {  	_ = 	snop  }
0x5: {  	_ = 	snop  }
0x6: {  	_ = 	snop  }
0x7: {  	_ = 	snop  }
__scs_overlays_trampoline_lowered:
0x8: {  	[smem:$0x3FA3] =	sst s0  }
0x9: {  	[smem:$0x3FA4] =	sst s1  }
0xa: {  	[smem:$0x3FA5] =	sst s2  }
0xb: {  	[smem:$0x3FA6] =	sst s3  }
0xc: {  	[smem:$0x3FA7] =	sst s4  }
0xd: {  	[smem:$0x3FA8] =	sst s5  }
0xe: {  	[smem:$0x3FA9] =	sst s6  }
0xf: {  	[smem:$0x3FAA] =	sst s7  }
0x10: {  	[smem:$0x3FAB] =	sst s8  }
0x11: {  	[smem:$0x3FAC] =	sst s9;
	s0 =	simm.s32 @!p0 $0x0  }
0x12: {  	s1 =	sld [smem:$0x3F92];
	s0 =	simm.s32 @p0 $0x1  }
0x13: {  	[smem:$0x3FAD] =	sst s0;
	s0 =	simm.s32 @!p1 $0x0  }
0x14: {  	s2 =	sld [smem:$0x3F91];
	s0 =	simm.s32 @p1 $0x1  }
0x15: {  	[smem:$0x3FAE] =	sst s0;
	s0 =	simm.s32 @!p2 $0x0  }
0x16: {  	s3 =	sld [smem:$0x3FDB];
	s0 =	simm.s32 @p2 $0x1  }
0x17: {  	s4 =	simm.s32 $0x1BF5;
	[smem:$0x3FB0] =	sst s0  }
0x18: {  	s0 =	sld [smem:$0x3F93];
	_ =	swait.ge [sflag:s4], $0x0  }
0x19: {  	s7 =	sld [smem:$0x3F94]  }
0x1a: {  	s8 =	sadd.s32 $0xFFFFE003, lr  }
0x1b: {  	s9 =	sadd.s32 $0xFFFFFEF7, lr;
	s5 =	simm.s32 $0xFFFFFFFF;
	p2 =	slt.u32 s8, $0xFFFFF086  }
0x1c: {  	p1 =	slt.u32 s9, $0xF7A;
	s5 =	simm.s32 @!p2 $0x0  }
0x1d: {  	s5 =	simm.s32 @p1 $0x1;
	p0 =	seq.s32 s7, s2  }
0x1e: {  	s7 =	smul.u32 @!p0 $0xF7A, s2;
	p2 =	seq.s32 @!p0 s5, $0x0  }
0x1f: {  	s9 =	smul.u32 $0xF7A, s1;
	s8 =	simm.s32 @!p0 $0x1BF5;
	p2 =	por !p2, p0  }
0x20: {  	[sflag:s8] =	ssyncset.s32 @!p0 $0xFFFFF086;
	s6 =	sadd.s32 @!p0 s3, s7;
	s7 =	simm.s32 @!p0 $0x108  }
0x21: {  	s3 =	sadd.s32 s3, s9;
	s6 =	sadd.s32 @!p0 $0x88, s6;
	s7 =	simm.s32 @p2 $0x1082  }
0x22: {  	[simem:s7], [sflag:s8] =	dma.local @!p0 [hbm:s6], $0xF7A  }
0x23: {  	s9 =	sor.u32 $0xD0000000, s2;
	s6 =	simm.s32 $0x108;
	_ =	swait.ge @!p0 [sflag:s8], $0x0  }
0x24: {  	s3 =	sadd.s32 $0x88, s3;
	s6 =	simm.s32 @!p1 $0x1082;
	[sflag:s4] =	ssyncset.s32 $0xFFFFF086  }
0x25: {  	[simem:s6], [sflag:s4] =	dma.local [hbm:s3], $0xF7A  }
0x26: {  	[smem:$0x3F94] =	sst s1;
	(tag) =	ssettag s2;
	_ =	strace s9  }
0x27: {  	s1 =	sld [smem:$0x3FA4]  }
0x28: {  	s2 =	sld [smem:$0x3FA5]  }
0x29: {  	s4 =	sld [smem:$0x3FA7]  }
0x2a: {  	p0 =	seq.s32 s5, $0x0;
	s5 =	sld [smem:$0x3FA8]  }
0x2b: {  	s6 =	sld [smem:$0x3FA9]  }
0x2c: {  	s7 =	sld [smem:$0x3FAA]  }
0x2d: {  	s3 =	simm.s32 $0x108;
	s8 =	sld [smem:$0x3FAB]  }
0x2e: {  	s3 =	simm.s32 @!p0 $0x1082;
	s9 =	sld [smem:$0x3FAC]  }
0x2f: {  	lr =	sadd.s32 s0, s3;
	s0 =	sld [smem:$0x3FA3]  }
0x30: {  	s3 =	sld [smem:$0x3FA6]  }
0x31: {  	[smem:$0x3FAF] =	sst s10  }
0x32: {  	s10 =	sld [smem:$0x3FAD];
	_ =	sdelay $0x3  }
0x33: {  	p0 =	seq.s32 s10, $0x1;
	s10 =	sld [smem:$0x3FAF];
	_ =	sdelay $0x3  }
0x34: {  	[smem:$0x3FAF] =	sst s10  }
0x35: {  	s10 =	sld [smem:$0x3FAE];
	_ =	sdelay $0x3  }
0x36: {  	p1 =	seq.s32 s10, $0x1;
	s10 =	sld [smem:$0x3FAF];
	_ =	sdelay $0x3  }
0x37: {  	[smem:$0x3FAF] =	sst s10  }
0x38: {  	s10 =	sld [smem:$0x3FB0]  }
0x39: {  	_ = 	snop;
	(pc) =	sbr.ind lr, $3  }
0x3a: {  	_ = 	snop  }
0x3b: {  	_ = 	snop  }
0x3c: {  	p2 =	seq.s32 s10, $0x1;
	s10 =	sld [smem:$0x3FAF]  }
0x3d: {  	_ =	shalt  }
0x3e: {  	_ =	shalt  }
0x3f: {  	_ =	shalt  }
0x40: {  	_ =	shalt  }
0x41: {  	_ =	shalt  }
0x42: {  	_ =	shalt  }
0x43: {  	_ =	shalt  }
0x44: {  	_ =	shalt  }
0x45: {  	_ =	shalt  }
0x46: {  	_ =	shalt  }
0x47: {  	_ =	shalt  }
0x48: {  	_ =	shalt  }
0x49: {  	_ =	shalt  }
0x4a: {  	_ =	shalt  }
0x4b: {  	_ =	shalt  }
0x4c: {  	_ =	shalt  }
0x4d: {  	_ =	shalt  }
0x4e: {  	_ =	shalt  }
0x4f: {  	_ =	shalt  }
0x50: {  	_ =	shalt  }
0x51: {  	_ =	shalt  }
0x52: {  	_ =	shalt  }
0x53: {  	_ =	shalt  }
0x54: {  	_ =	shalt  }
0x55: {  	_ =	shalt  }
0x56: {  	_ =	shalt  }
0x57: {  	_ =	shalt  }
0x58: {  	_ =	shalt  }
0x59: {  	_ =	shalt  }
0x5a: {  	_ =	shalt  }
0x5b: {  	_ =	shalt  }
0x5c: {  	_ =	shalt  }
0x5d: {  	_ =	shalt  }
0x5e: {  	_ =	shalt  }
0x5f: {  	_ =	shalt  }
0x60: {  	_ =	shalt  }
0x61: {  	_ =	shalt  }
0x62: {  	_ =	shalt  }
0x63: {  	_ =	shalt  }
0x64: {  	_ =	shalt  }
0x65: {  	_ =	shalt  }
0x66: {  	_ =	shalt  }
0x67: {  	_ =	shalt  }
0x68: {  	_ =	shalt  }
0x69: {  	_ =	shalt  }
0x6a: {  	_ =	shalt  }
0x6b: {  	_ =	shalt  }
0x6c: {  	_ =	shalt  }
0x6d: {  	_ =	shalt  }
0x6e: {  	_ =	shalt  }
0x6f: {  	_ =	shalt  }
0x70: {  	_ =	shalt  }
0x71: {  	_ =	shalt  }
0x72: {  	_ =	shalt  }
0x73: {  	_ =	shalt  }
0x74: {  	_ =	shalt  }
0x75: {  	_ =	shalt  }
0x76: {  	_ =	shalt  }
0x77: {  	_ =	shalt  }
0x78: {  	_ =	shalt  }
0x79: {  	_ =	shalt  }
0x7a: {  	_ =	shalt  }
0x7b: {  	_ =	shalt  }
0x7c: {  	_ =	shalt  }
0x7d: {  	_ =	shalt  }
0x7e: {  	_ =	shalt  }
0x7f: {  	_ =	shalt  }
0x80: {  	_ =	shalt  }
0x81: {  	_ =	shalt  }
0x82: {  	_ =	shalt  }
0x83: {  	_ =	shalt  }
0x84: {  	_ =	shalt  }
0x85: {  	_ =	shalt  }
0x86: {  	_ =	shalt  }
0x87: {  	_ =	shalt  }
.Lfunc_end0:
.L_simem_size_0:
called_computation.2_lowered:
.L_overlay_start_0:
0x88: {  	s2 =	sld [smem:$0x3FD9]  }
0x89: {  	s3 =	sld [smem:$0x3FFE];
	_ =	sdelay $0x1  }
0x8a: {  	s1 =	srdreg.scid  }
0x8b: {  	s0 =	sand.u32 $0x1, s1  }
0x8c: {  	s16 =	sshll.u32 s0, $0xA;
	s2 =	sadd.s32 s3, s2  }
0x8d: {  	s2 =	sadd.s32 s2, s16  }
0x8e: {  	[smem:$0x3FBB] =	sst s2  }
0x8f: {  	_ = 	snop  }
0x90: {  	(tm) =	ssettm $0x1  }
0x91: {  	s17 =	sld [smem:$0x3FFB];
	_ =	sdelay $0x3  }
0x92: {  	_ =	strace s17  }
0x93: {  	s2 =	sld [smem:$0x3FFC];
	_ =	sdelay $0x3  }
0x94: {  	_ =	strace s2  }
0x95: {  	s2 =	sld [smem:$0x3FFD];
	_ =	sdelay $0x3  }
0x96: {  	_ =	strace s2  }
0x97: {  	_ =	strace $0x8FFFFFFF  }
0x98: {  	s18 =	sld [smem:$0x3FDB];
	_ =	sdelay $0x1  }
0x99: {  	s19 =	simm.s32 $_scs_section_size  }
0x9a: {  	s4 =	simm.s32 $_size__tile_overlayer_lowered;
	s5 =	simm.s32 $_tile_overlayer_lowered  }
0x9b: {  	s22 =	simm.s32 $0x1BFF;
	s21 =	sshll.u32 s5, $0x1;
	s2 =	sadd.s32 s19, s18  }
0x9c: {  	s6 =	simm.s32 $0x0;
	s20 =	sshll.u32 s4, $0x1;
	s4 =	sadd.s32 s21, s2  }
0x9d: {  	[timem:s6], [sflag:s22] =	dma.local [hbm:s4], s20  }
0x9e: {  	_ =	swait.ge [sflag:s22], s20  }
0x9f: {  	s3 =	ssub.s32 $0x0, s20;
	[sflag:s22] =	ssyncset.done $0x0  }
0xa0: {  	[sflag:s22] =	ssyncadd.s32 s3;
	_ =	sdelay $0x1  }
0xa1: {  	s23 =	simm.s32 $0x1B8B  }
0xa2: {  	_ =	swait.ge [sflag:s23], $0x1  }
0xa3: {  	[sflag:s23] =	ssyncset.done $0x0  }
0xa4: {  	s25 =	simm.s32 $0x1B8E;
	s24 =	sld [smem:$0x3FFE];
	[sflag:s23] =	ssyncadd.s32 $0xFFFFFFFF  }
0xa5: {  	s26 =	simm.s32 $execute0_lowered;
	[smem:$0x3FD2] =	sst s25  }
0xa6: {  	s4 =	sshll.u32 s26, $0x1;
	_ =	strace $0x8000004C;
	[dreg:$0x1] =	wrdreg $0xFFFFFFFF  }
0xa7: {  	s28 =	simm.s32 $_size_execute0_lowered;
	s2 =	sadd.s32 s2, s4;
	[dreg:$0x0] =	wrdreg $0x0  }
0xa8: {  	s4 =	sshll.u32 s28, $0x1;
	[dreg:$0x2] =	wrdreg s2  }
0xa9: {  	[dreg:$0x3] =	wrdreg s4  }
0xaa: {  	[dreg:$0x4] =	wrdreg $0xC0  }
0xab: {  	_ =	task [dreg:s6], $0x5FFFF  }
0xac: {  	[dreg:$0x1] =	wrdreg $0xFFFFFFFF  }
0xad: {  	[dreg:$0x0] =	wrdreg $0x60  }
0xae: {  	[dreg:$0x2] =	wrdreg s24  }
0xaf: {  	[dreg:$0x3] =	wrdreg $0xA8000  }
0xb0: {  	[dreg:$0x4] =	wrdreg $0x9  }
0xb1: {  	_ =	task.clear_ibuf [dreg:s6], $0x5FFFF;
	_ =	strace $0x9000004C  }
0xb2: {  	s29 =	simm.s32 $0x9;
	_ =	strace $0x8000004E  }
0xb3: {  	_ =	swait.ge [sflag:s29], $0x1  }
0xb4: {  	[sflag:s29] =	ssyncadd.s32 $0xFFFFFFFF  }
0xb5: {  	_ =	strace $0x9000004E  }
0xb6: {  	_ =	sfence  }
0xb7: {  	s30 =	sld [smem:$0x0];
	_ =	sdelay $0x2  }
0xb8: {  	s31 =	sshll.u32 s1, $0xD;
	s1 =	sshrl.u32 s1, $0x2  }
0xb9: {  	s3 =	sand.u32 $0x4000, s31;
	s1 =	sadd.s32 s1, s30  }
0xba: {  	s0 =	sor.u32 s3, s0;
	s1 =	sshll.u32 s1, $0x11  }
0xbb: {  	s0 =	sor.u32 s1, s0  }
0xbc: {  	s0 =	sadd.s32 $0x8F2B, s0  }
0xbd: {  	[sflag:s0] =	ssyncadd.remote.s32 $0x1  }
0xbe: {  	_ =	sfence.sel $0xFFFF  }
0xbf: {  	[dreg:$0x0] =	wrdreg $0xFFFFFFFF;
	(pc) =	sbr.abs _section_cstart, $3  }
0xc0: {  	[dreg:$0x1] =	wrdreg $0xFFFFFFFF  }
0xc1: {  	_ =	task.clear_ibuf [dreg:s6], $0x2FFFF;
	_ =	strace $0x9FFFFFFF  }
0xc2: {  	(tm) =	ssettm $0x7FFFFFFF  }
0xc3: {  	_ =	shalt  }
tec
execute0_lowered:
.L_overlay_start_1:
0x0: {  	(tag) =	ssettag $0x1  }
0x1: {  	s6 =	rddreg [dreg:$0x0];
	s1 =	srdreg.scid  }
0x2: {  	s0 =	stileid.u32;
	s2 =	rddreg [dreg:$0x1]  }
0x3: {  	s3 =	simm.s32 $0x0;
	s15 =	simm.s32 $0x3;
	s16 =	simm.s32 $0x1400  }
0x4: {  	s17 =	simm.s32 $0x80;
	s18 =	simm.s32 $0x6800;
	s19 =	simm.s32 $0x1  }
0x5: {  	s20 =	simm.s32 $0x4;
	s21 =	simm.s32 $0x2;
	s22 =	simm.s32 $0x1380  }
0x6: {  	s23 =	simm.s32 $0x2700;
	s26 =	simm.s32 $0x2780;
	s28 =	simm.s32 $0x0  }
0x7: {  	s5 =	sand.u32 $0x1, s1;
	s4 =	sshll.u32 s0, $0x1;
	s8 =	smul.u32 $0x4F000, s0  }
0x8: {  	[smem:$0x7FF] =	sst s3;
	s25 =	smul.u32 $0x2780, s0;
	s31 =	sshll.u32 s0, $0x6  }
0x9: {  	s4 =	sor.u32 s5, s4;
	_ =	strace $0x8000004D;
	s30 =	smul.u32 $0x27800, s5  }
0xa: {  	s9 =	ssub.s32 $0x2, s5;
	s5 =	sadd.s32 $0xFE00, s6;
	s7 =	smul.u32 $0x500, s4  }
0xb: {  	s4 =	sadd.s32 $0x6CE00, s6;
	s10 =	sshrl.u32 s9, $0x1;
	s8 =	sshrl.u32 s8, $0x2  }
0xc: {  	s13 =	sadd.s32 s30, s6;
	s14 =	ssub.s32 s9, s10;
	s12 =	sadd.s32 s7, s6  }
0xd: {  	s6 =	sadd.s32 s8, s2;
	s24 =	sadd.s32 $0x94600, s13;
	s13 =	smax.u32 s14, $0x1  }
0xe: {  	s14 =	simm.s32 $0x2800;
	s7 =	sadd.s32 $0x4000, s6;
	s8 =	sadd.s32 $0x8000, s6  }
0xf: {  	s9 =	sadd.s32 $0xC000, s6;
	s10 =	sadd.s32 $0x10000, s6;
	s11 =	sadd.s32 $0x62E00, s12  }
0x10: {  	s12 =	sadd.s32 $0x5600, s12;
	s24 =	sadd.s32 s25, s24;
	s25 =	sor.u32 $0x1C03, s31  }
.LBB2_1:
0x11: {  	[tilespmem:s14], [sflag:$0x3] =	stream.linear.gather [hbm4b:s5+s3], $0x4000, $0x38;
	[tilespmem:$0x1E400] =	vst v63  }
0x12: {  	_ =	swait.ge [sflag:s15], $0x4000  }
0x13: {  	[sflag:s15] =	ssyncset.done $0x0  }
0x14: {  	[sflag:s15] =	ssyncadd.s32 $0xFFFFC000  }
0x15: {  	[spmem:s6] =	stream.linear.scatter [tilespmem:s14], [sflag:$0x3], $0x4000, $0x38;
	[tilespmem:$0x1E400] =	vst v63  }
0x16: {  	_ =	swait.ge [sflag:s15], $0x4000  }
0x17: {  	[sflag:s15] =	ssyncset.done $0x0  }
0x18: {  	[sflag:s15] =	ssyncadd.s32 $0xFFFFC000  }
0x19: {  	[spmem:s7] =	stream.linear.scatter [tilespmem:s14], [sflag:$0x3], $0x4000, $0x38;
	[tilespmem:$0x1E400] =	vst v63  }
0x1a: {  	_ =	swait.ge [sflag:s15], $0x4000  }
0x1b: {  	[sflag:s15] =	ssyncset.done $0x0  }
0x1c: {  	[sflag:s15] =	ssyncadd.s32 $0xFFFFC000  }
0x1d: {  	[spmem:s8] =	stream.linear.scatter [tilespmem:s14], [sflag:$0x3], $0x4000, $0x38;
	[tilespmem:$0x1E400] =	vst v63  }
0x1e: {  	_ =	swait.ge [sflag:s15], $0x4000  }
0x1f: {  	[sflag:s15] =	ssyncset.done $0x0  }
0x20: {  	[sflag:s15] =	ssyncadd.s32 $0xFFFFC000  }
0x21: {  	[spmem:s9] =	stream.linear.scatter [tilespmem:s14], [sflag:$0x3], $0x4000, $0x38;
	[tilespmem:$0x1E400] =	vst v63  }
0x22: {  	_ =	swait.ge [sflag:s15], $0x4000  }
0x23: {  	[sflag:s15] =	ssyncset.done $0x0  }
0x24: {  	[sflag:s15] =	ssyncadd.s32 $0xFFFFC000  }
0x25: {  	[spmem:s10] =	stream.linear.scatter [tilespmem:s14], [sflag:$0x3], $0x3C00, $0x38;
	[tilespmem:$0x1E400] =	vst v63  }
0x26: {  	_ =	swait.ge [sflag:s15], $0x3C00  }
0x27: {  	[sflag:s15] =	ssyncset.done $0x0  }
0x28: {  	[sflag:s15] =	ssyncadd.s32 $0xFFFFC400  }
0x29: {  	[bflag:$0x0] =	sbarrier.arrive $0xFFFF  }
0x2a: {  	[tilespmem:s3], [sflag:$0x3] =	stream.linear.gather [hbm4b:s11+s3], $0x1400, $0x38;
	[tilespmem:$0x1E400] =	vst v63  }
0x2b: {  	_ =	swait.ge [sflag:s15], $0x1400  }
0x2c: {  	[sflag:s15] =	ssyncset.done $0x0  }
0x2d: {  	[sflag:s15] =	ssyncadd.s32 $0xFFFFEC00  }
0x2e: {  	[tilespmem:s16], [sflag:$0x3] =	stream.linear.gather [hbm4b:s12+s3], $0x1400, $0x38;
	[tilespmem:$0x1E400] =	vst v63  }
0x2f: {  	_ =	swait.ge [sflag:s15], $0x1400  }
0x30: {  	[sflag:s15] =	ssyncset.done $0x0  }
0x31: {  	[sflag:s15] =	ssyncadd.s32 $0xFFFFEC00  }
0x32: {  	[tilespmem:s14], [sflag:$0x1] =	stream.indirect.gather [hbm4b:s4+s17], $0x80, s3, s17, $0xb8;
	[tilespmem:$0x1E400] =	vst v63  }
0x33: {  	s29 =	simm.s32 $0x80  }
0x34: {  	[tilespmem:s18], [sflag:$0x2] =	stream.indirect.gather [hbm4b:s4+s17], $0x80, s29, s17, $0xb8;
	[tilespmem:$0x1E400] =	vst v63  }
0x35: {  	_ =	swait.ge [sflag:s19], $0x4000  }
0x36: {  	[sflag:s19] =	ssyncset.done $0x0  }
0x37: {  	s29 =	simm.s32 $0x1400;
	[sflag:s19] =	ssyncadd.s32 $0xFFFFC000  }
0x38: {  	[spmem:s2] =	stream.indirect.scatter.add.f32 [tilespmem:s14], [sflag:$0x4], $0x80, s29, s17, $0xb8;
	[tilespmem:$0x1E400] =	vst v63  }
0x39: {  	_ =	swait.ge [sflag:s20], $0x4000  }
0x3a: {  	[sflag:s20] =	ssyncset.done $0x0  }
0x3b: {  	s29 =	simm.s32 $0x100;
	[sflag:s20] =	ssyncadd.s32 $0xFFFFC000  }
0x3c: {  	[tilespmem:s14], [sflag:$0x1] =	stream.indirect.gather [hbm4b:s4+s17], $0x80, s29, s17, $0xb8;
	[tilespmem:$0x1E400] =	vst v63  }
0x3d: {  	_ =	swait.ge [sflag:s21], $0x4000  }
0x3e: {  	[sflag:s21] =	ssyncset.done $0x0  }
0x3f: {  	s29 =	simm.s32 $0x1480;
	[sflag:s21] =	ssyncadd.s32 $0xFFFFC000  }
0x40: {  	[spmem:s2] =	stream.indirect.scatter.add.f32 [tilespmem:s18], [sflag:$0x3], $0x80, s29, s17, $0xb8;
	[tilespmem:$0x1E400] =	vst v63  }
0x41: {  	_ =	swait.ge [sflag:s15], $0x4000  }
0x42: {  	s30 =	simm.s32 $0x800;
	s29 =	simm.s32 $0x100;
	[sflag:s15] =	ssyncset.done $0x0  }
.LBB2_2:
0x43: {  	s31 =	sadd.s32 $0x80, s29  }
0x44: {  	[sflag:s15] =	ssyncadd.s32 $0xFFFFC000;
	s1 =	smov.u32 s30;
	s0 =	sadd.s32 $0x400, s30  }
0x45: {  	[tilespmem:s18], [sflag:$0x2] =	stream.indirect.gather [hbm4b:s4+s17], $0x80, s31, s17, $0xb8;
	[tilespmem:$0x1E400] =	vst v63  }
0x46: {  	p0 =	sne.s32 s30, $0x4800;
	_ =	swait.ge [sflag:s19], $0x4000  }
0x47: {  	[sflag:s19] =	ssyncset.done $0x0  }
0x48: {  	s30 =	sadd.s32 $0x1400, s29;
	[sflag:s19] =	ssyncadd.s32 $0xFFFFC000  }
0x49: {  	[spmem:s2] =	stream.indirect.scatter.add.f32 [tilespmem:s14], [sflag:$0x4], $0x80, s30, s17, $0xb8;
	[tilespmem:$0x1E400] =	vst v63  }
0x4a: {  	_ =	swait.ge [sflag:s20], $0x4000  }
0x4b: {  	[sflag:s20] =	ssyncset.done $0x0  }
0x4c: {  	s30 =	sadd.s32 $0x100, s29;
	[sflag:s20] =	ssyncadd.s32 $0xFFFFC000  }
0x4d: {  	[tilespmem:s14], [sflag:$0x1] =	stream.indirect.gather [hbm4b:s4+s17], $0x80, s30, s17, $0xb8;
	[tilespmem:$0x1E400] =	vst v63  }
0x4e: {  	_ =	swait.ge [sflag:s21], $0x4000  }
.Ltmp0:
0x4f: {  	[sflag:s21] =	ssyncset.done $0x0;
	(pc) =	sbr.rel @p0 .LBB2_2-.Ltmp0, $4  }
0x50: {  	s29 =	sadd.s32 $0x1480, s29;
	[sflag:s21] =	ssyncadd.s32 $0xFFFFC000  }
0x51: {  	[spmem:s2] =	stream.indirect.scatter.add.f32 [tilespmem:s18], [sflag:$0x3], $0x80, s29, s17, $0xb8;
	[tilespmem:$0x1E400] =	vst v63  }
0x52: {  	_ =	swait.ge [sflag:s15], $0x4000  }
0x53: {  	s30 =	smov.u32 s0;
	s29 =	sshra.s32 s1, $0x2;
	[sflag:s15] =	ssyncset.done $0x0  }
0x54: {  	s0 =	sadd.s32 $0x80, s29;
	[sflag:s15] =	ssyncadd.s32 $0xFFFFC000  }
0x55: {  	[tilespmem:s18], [sflag:$0x2] =	stream.indirect.gather [hbm4b:s4+s17], $0x80, s0, s17, $0xb8;
	[tilespmem:$0x1E400] =	vst v63  }
0x56: {  	_ =	swait.ge [sflag:s19], $0x4000  }
0x57: {  	[sflag:s19] =	ssyncset.done $0x0  }
0x58: {  	s1 =	sadd.s32 $0x1400, s29;
	[sflag:s19] =	ssyncadd.s32 $0xFFFFC000  }
0x59: {  	[spmem:s2] =	stream.indirect.scatter.add.f32 [tilespmem:s14], [sflag:$0x4], $0x80, s1, s17, $0xb8;
	[tilespmem:$0x1E400] =	vst v63  }
0x5a: {  	_ =	swait.ge [sflag:s20], $0x4000  }
0x5b: {  	[sflag:s20] =	ssyncset.done $0x0  }
0x5c: {  	s31 =	sadd.s32 $0x100, s29;
	[sflag:s20] =	ssyncadd.s32 $0xFFFFC000  }
0x5d: {  	[tilespmem:s14], [sflag:$0x1] =	stream.indirect.gather [hbm4b:s4+s17], $0x80, s31, s17, $0xb8;
	[tilespmem:$0x1E400] =	vst v63  }
0x5e: {  	_ =	swait.ge [sflag:s21], $0x4000  }
0x5f: {  	[sflag:s21] =	ssyncset.done $0x0  }
0x60: {  	s1 =	sadd.s32 $0x1480, s29;
	[sflag:s21] =	ssyncadd.s32 $0xFFFFC000  }
0x61: {  	[spmem:s2] =	stream.indirect.scatter.add.f32 [tilespmem:s18], [sflag:$0x3], $0x80, s1, s17, $0xb8;
	[tilespmem:$0x1E400] =	vst v63  }
0x62: {  	_ =	swait.ge [sflag:s15], $0x4000  }
0x63: {  	[sflag:s15] =	ssyncset.done $0x0  }
0x64: {  	[sflag:s15] =	ssyncadd.s32 $0xFFFFC000  }
0x65: {  	[tilespmem:s18], [sflag:$0x2] =	stream.indirect.gather [hbm4b:s4+s17], $0x80, s22, s17, $0xb8;
	[tilespmem:$0x1E400] =	vst v63  }
0x66: {  	_ =	swait.ge [sflag:s19], $0x4000  }
0x67: {  	[sflag:s19] =	ssyncset.done $0x0  }
0x68: {  	[sflag:s19] =	ssyncadd.s32 $0xFFFFC000  }
0x69: {  	[spmem:s2] =	stream.indirect.scatter.add.f32 [tilespmem:s14], [sflag:$0x4], $0x80, s23, s17, $0xb8;
	[tilespmem:$0x1E400] =	vst v63  }
0x6a: {  	_ =	swait.ge [sflag:s20], $0x4000  }
0x6b: {  	[sflag:s20] =	ssyncset.done $0x0  }
0x6c: {  	[sflag:s20] =	ssyncadd.s32 $0xFFFFC000  }
0x6d: {  	_ =	swait.ge [sflag:s21], $0x4000  }
0x6e: {  	[sflag:s21] =	ssyncset.done $0x0  }
0x6f: {  	[sflag:s21] =	ssyncadd.s32 $0xFFFFC000  }
0x70: {  	[spmem:s2] =	stream.indirect.scatter.add.f32 [tilespmem:s18], [sflag:$0x3], $0x80, s26, s17, $0xb8;
	[tilespmem:$0x1E400] =	vst v63  }
0x71: {  	_ =	swait.ge [sflag:s15], $0x4000  }
0x72: {  	[sflag:s15] =	ssyncset.done $0x0  }
0x73: {  	s31 =	sadd.s32 $0x280, s11;
	s1 =	simm.s32 $0x0;
	[sflag:s15] =	ssyncadd.s32 $0xFFFFC000  }
0x74: {  	[tilespmem:s1], [sflag:$0x3] =	stream.linear.gather [hbm4b:s31+s1], $0x1380, $0x38;
	[tilespmem:$0x1E400] =	vst v63  }
0x75: {  	_ =	swait.ge [sflag:s15], $0x1380  }
0x76: {  	[sflag:s15] =	ssyncset.done $0x0  }
0x77: {  	s31 =	sadd.s32 $0x280, s12;
	[sflag:s15] =	ssyncadd.s32 $0xFFFFEC80  }
0x78: {  	[tilespmem:s16], [sflag:$0x3] =	stream.linear.gather [hbm4b:s31+s1], $0x1380, $0x38;
	[tilespmem:$0x1E400] =	vst v63  }
0x79: {  	_ =	swait.ge [sflag:s15], $0x1380  }
0x7a: {  	[sflag:s15] =	ssyncset.done $0x0  }
0x7b: {  	[sflag:s15] =	ssyncadd.s32 $0xFFFFEC80  }
0x7c: {  	[tilespmem:s14], [sflag:$0x1] =	stream.indirect.gather [hbm4b:s4+s17], $0x80, s1, s17, $0xb8;
	[tilespmem:$0x1E400] =	vst v63  }
0x7d: {  	s1 =	simm.s32 $0x80  }
0x7e: {  	[tilespmem:s18], [sflag:$0x2] =	stream.indirect.gather [hbm4b:s4+s17], $0x80, s1, s17, $0xb8;
	[tilespmem:$0x1E400] =	vst v63  }
0x7f: {  	_ =	swait.ge [sflag:s19], $0x4000  }
0x80: {  	[sflag:s19] =	ssyncset.done $0x0  }
0x81: {  	s31 =	simm.s32 $0x1400;
	[sflag:s19] =	ssyncadd.s32 $0xFFFFC000  }
0x82: {  	[spmem:s2] =	stream.indirect.scatter.add.f32 [tilespmem:s14], [sflag:$0x4], $0x80, s31, s17, $0xb8;
	[tilespmem:$0x1E400] =	vst v63  }
0x83: {  	_ =	swait.ge [sflag:s20], $0x4000  }
0x84: {  	[sflag:s20] =	ssyncset.done $0x0  }
0x85: {  	s1 =	simm.s32 $0x100;
	[sflag:s20] =	ssyncadd.s32 $0xFFFFC000  }
0x86: {  	[tilespmem:s14], [sflag:$0x1] =	stream.indirect.gather [hbm4b:s4+s17], $0x80, s1, s17, $0xb8;
	[tilespmem:$0x1E400] =	vst v63  }
0x87: {  	_ =	swait.ge [sflag:s21], $0x4000  }
0x88: {  	[sflag:s21] =	ssyncset.done $0x0  }
0x89: {  	s31 =	simm.s32 $0x1480;
	[sflag:s21] =	ssyncadd.s32 $0xFFFFC000  }
0x8a: {  	[spmem:s2] =	stream.indirect.scatter.add.f32 [tilespmem:s18], [sflag:$0x3], $0x80, s31, s17, $0xb8;
	[tilespmem:$0x1E400] =	vst v63  }
0x8b: {  	_ =	swait.ge [sflag:s15], $0x4000  }
0x8c: {  	s30 =	simm.s32 $0x800;
	s29 =	simm.s32 $0x100;
	[sflag:s15] =	ssyncset.done $0x0  }
.LBB2_4:
0x8d: {  	s0 =	sadd.s32 $0x80, s29  }
0x8e: {  	[sflag:s15] =	ssyncadd.s32 $0xFFFFC000;
	s1 =	smov.u32 s30;
	s31 =	sadd.s32 $0x400, s30  }
0x8f: {  	[tilespmem:s18], [sflag:$0x2] =	stream.indirect.gather [hbm4b:s4+s17], $0x80, s0, s17, $0xb8;
	[tilespmem:$0x1E400] =	vst v63  }
0x90: {  	p0 =	sne.s32 s30, $0x4800;
	_ =	swait.ge [sflag:s19], $0x4000  }
0x91: {  	[sflag:s19] =	ssyncset.done $0x0  }
0x92: {  	s0 =	sadd.s32 $0x1400, s29;
	[sflag:s19] =	ssyncadd.s32 $0xFFFFC000  }
0x93: {  	[spmem:s2] =	stream.indirect.scatter.add.f32 [tilespmem:s14], [sflag:$0x4], $0x80, s0, s17, $0xb8;
	[tilespmem:$0x1E400] =	vst v63  }
0x94: {  	_ =	swait.ge [sflag:s20], $0x4000  }
0x95: {  	[sflag:s20] =	ssyncset.done $0x0  }
0x96: {  	s0 =	sadd.s32 $0x100, s29;
	[sflag:s20] =	ssyncadd.s32 $0xFFFFC000  }
0x97: {  	[tilespmem:s14], [sflag:$0x1] =	stream.indirect.gather [hbm4b:s4+s17], $0x80, s0, s17, $0xb8;
	[tilespmem:$0x1E400] =	vst v63  }
0x98: {  	_ =	swait.ge [sflag:s21], $0x4000  }
.Ltmp1:
0x99: {  	[sflag:s21] =	ssyncset.done $0x0;
	(pc) =	sbr.rel @p0 .LBB2_4-.Ltmp1, $4  }
0x9a: {  	s0 =	sadd.s32 $0x1480, s29;
	[sflag:s21] =	ssyncadd.s32 $0xFFFFC000  }
0x9b: {  	[spmem:s2] =	stream.indirect.scatter.add.f32 [tilespmem:s18], [sflag:$0x3], $0x80, s0, s17, $0xb8;
	[tilespmem:$0x1E400] =	vst v63  }
0x9c: {  	_ =	swait.ge [sflag:s15], $0x4000  }
0x9d: {  	s30 =	smov.u32 s31;
	s29 =	sshra.s32 s1, $0x2;
	[sflag:s15] =	ssyncset.done $0x0  }
0x9e: {  	s0 =	sadd.s32 $0x80, s29;
	[sflag:s15] =	ssyncadd.s32 $0xFFFFC000  }
0x9f: {  	[tilespmem:s18], [sflag:$0x2] =	stream.indirect.gather [hbm4b:s4+s17], $0x80, s0, s17, $0xb8;
	[tilespmem:$0x1E400] =	vst v63  }
0xa0: {  	_ =	swait.ge [sflag:s19], $0x4000  }
0xa1: {  	[sflag:s19] =	ssyncset.done $0x0  }
0xa2: {  	s31 =	sadd.s32 $0x1400, s29;
	[sflag:s19] =	ssyncadd.s32 $0xFFFFC000  }
0xa3: {  	[spmem:s2] =	stream.indirect.scatter.add.f32 [tilespmem:s14], [sflag:$0x4], $0x80, s31, s17, $0xb8;
	[tilespmem:$0x1E400] =	vst v63  }
0xa4: {  	_ =	swait.ge [sflag:s20], $0x4000  }
0xa5: {  	[sflag:s20] =	ssyncset.done $0x0  }
0xa6: {  	s1 =	sadd.s32 $0x100, s29;
	[sflag:s20] =	ssyncadd.s32 $0xFFFFC000  }
0xa7: {  	[tilespmem:s14], [sflag:$0x1] =	stream.indirect.gather [hbm4b:s4+s17], $0x80, s1, s17, $0xb8;
	[tilespmem:$0x1E400] =	vst v63  }
0xa8: {  	_ =	swait.ge [sflag:s21], $0x4000  }
0xa9: {  	[sflag:s21] =	ssyncset.done $0x0  }
0xaa: {  	s30 =	sadd.s32 $0x1480, s29;
	[sflag:s21] =	ssyncadd.s32 $0xFFFFC000  }
0xab: {  	[spmem:s2] =	stream.indirect.scatter.add.f32 [tilespmem:s18], [sflag:$0x3], $0x80, s30, s17, $0xb8;
	[tilespmem:$0x1E400] =	vst v63  }
0xac: {  	_ =	swait.ge [sflag:s15], $0x4000  }
0xad: {  	[sflag:s15] =	ssyncset.done $0x0  }
0xae: {  	[sflag:s15] =	ssyncadd.s32 $0xFFFFC000  }
0xaf: {  	_ =	swait.ge [sflag:s19], $0x4000  }
0xb0: {  	[sflag:s19] =	ssyncset.done $0x0  }
0xb1: {  	[sflag:s19] =	ssyncadd.s32 $0xFFFFC000  }
0xb2: {  	[spmem:s2] =	stream.indirect.scatter.add.f32 [tilespmem:s14], [sflag:$0x4], $0x80, s23, s17, $0xb8;
	[tilespmem:$0x1E400] =	vst v63  }
0xb3: {  	_ =	swait.ge [sflag:s20], $0x4000  }
0xb4: {  	s28 =	sadd.s32 $0x1, s28;
	[sflag:s20] =	ssyncset.done $0x0  }
0xb5: {  	p0 =	sne.s32 s28, s13;
	[sflag:s20] =	ssyncadd.s32 $0xFFFFC000  }
.Ltmp2:
0xb6: {  	s31 =	sshrl.u32 s6, $0x3;
	[bflag:$0x0] =	sbarrier.arrive $0xFFFF;
	(pc) =	sbr.rel @p0 .LBB2_1-.Ltmp2, $4  }
0xb7: {  	[hbm:s24], [sflag:s25] =	dma.local [spmem:s31], $0x2780  }
0xb8: {  	_ =	swait.ge [sflag:s15], $0x2780  }
0xb9: {  	[sflag:s15] =	ssyncset.done $0x0  }
0xba: {  	[sflag:s15] =	ssyncadd.s32 $0xFFFFD880  }
0xbb: {  	_ =	sfence.sel $0x180000  }
0xbc: {  	[bflag:$0x0] =	sbarrier.arrive $0xFFFF  }
0xbd: {  	_ =	strace $0x9000004D  }
0xbe: {  	s0 =	stileid.u32;
	[bflag:$0x2] =	sbarrier.arrive $0xFFFF  }
0xbf: {  	p0 =	sne.s32 s0, $0x0;
	s0 =	rddreg [dreg:$0x2]  }
0xc0: {  	s0 =	sadd.s32 @!p0 $0x100000, s0  }
0xc1: {  	[sflag:s0] =	ssyncadd.tile.s32 @!p0 $0x1;
	_ =	shalt  }
.Lfunc_end2:
_tile_overlayer_lowered:
.L_overlay_start_2:
0xc2: {  	(tag) =	ssettag $0x2  }
0xc3: {  	s0 =	rddreg [dreg:$0x0];
	s2 =	stileid.u32  }
0xc4: {  	s1 =	rddreg [dreg:$0x1];
	p0 =	sne.s32 s2, $0x0  }
0xc5: {  	s3 =	rddreg [dreg:$0x2];
	[bflag:$0x3] =	sbarrier.arrive $0xFFFF;
	s2 =	simm.s32 @!p0 $0x1C03  }
0xc6: {  	[timem:s3], [sflag:s2] =	dma.local @!p0 [hbm:s0], s1  }
0xc7: {  	s0 =	simm.s32 @!p0 $0x3  }
0xc8: {  	_ =	swait.ge @!p0 [sflag:s0], s1  }
0xc9: {  	s1 =	ssub.s32 @!p0 $0x0, s1;
	[sflag:s0] =	ssyncset.done @!p0 $0x0  }
0xca: {  	[sflag:s0] =	ssyncadd.s32 @!p0 s1  }
0xcb: {  	[bflag:$0x3] =	sbarrier.arrive $0xFFFF  }
0xcc: {  	_ =	shalt  }

// kernel: kernel.21.cloned.1.call-start
scs
__scs_entry_jumppad:
0x0: {  	(pc) =	sbr.rel $0x88, $3  }
0x1: {  	(tag) =	ssettag $0x0;
	lr =	simm.s32 $0x1  }
0x2: {  	[smem:$0x3F94] =	sst lr;
	_ =	strace $0xD0000000  }
0x3: {  	_ = 	snop  }
0x4: {  	_ = 	snop  }
0x5: {  	_ = 	snop  }
0x6: {  	_ = 	snop  }
0x7: {  	_ = 	snop  }
__scs_overlays_trampoline_lowered:
0x8: {  	[smem:$0x3FA3] =	sst s0  }
0x9: {  	[smem:$0x3FA4] =	sst s1  }
0xa: {  	[smem:$0x3FA5] =	sst s2  }
0xb: {  	[smem:$0x3FA6] =	sst s3  }
0xc: {  	[smem:$0x3FA7] =	sst s4  }
0xd: {  	[smem:$0x3FA8] =	sst s5  }
0xe: {  	[smem:$0x3FA9] =	sst s6  }
0xf: {  	[smem:$0x3FAA] =	sst s7  }
0x10: {  	[smem:$0x3FAB] =	sst s8  }
0x11: {  	[smem:$0x3FAC] =	sst s9;
	s0 =	simm.s32 @!p0 $0x0  }
0x12: {  	s1 =	sld [smem:$0x3F92];
	s0 =	simm.s32 @p0 $0x1  }
0x13: {  	[smem:$0x3FAD] =	sst s0;
	s0 =	simm.s32 @!p1 $0x0  }
0x14: {  	s2 =	sld [smem:$0x3F91];
	s0 =	simm.s32 @p1 $0x1  }
0x15: {  	[smem:$0x3FAE] =	sst s0;
	s0 =	simm.s32 @!p2 $0x0  }
0x16: {  	s3 =	sld [smem:$0x3FDB];
	s0 =	simm.s32 @p2 $0x1  }
0x17: {  	s4 =	simm.s32 $0x1BF5;
	[smem:$0x3FB0] =	sst s0  }
0x18: {  	s0 =	sld [smem:$0x3F93];
	_ =	swait.ge [sflag:s4], $0x0  }
0x19: {  	s7 =	sld [smem:$0x3F94]  }
0x1a: {  	s8 =	sadd.s32 $0xFFFFE003, lr  }
0x1b: {  	s9 =	sadd.s32 $0xFFFFFEF7, lr;
	s5 =	simm.s32 $0xFFFFFFFF;
	p2 =	slt.u32 s8, $0xFFFFF086  }
0x1c: {  	p1 =	slt.u32 s9, $0xF7A;
	s5 =	simm.s32 @!p2 $0x0  }
0x1d: {  	s5 =	simm.s32 @p1 $0x1;
	p0 =	seq.s32 s7, s2  }
0x1e: {  	s7 =	smul.u32 @!p0 $0xF7A, s2;
	p2 =	seq.s32 @!p0 s5, $0x0  }
0x1f: {  	s9 =	smul.u32 $0xF7A, s1;
	s8 =	simm.s32 @!p0 $0x1BF5;
	p2 =	por !p2, p0  }
0x20: {  	[sflag:s8] =	ssyncset.s32 @!p0 $0xFFFFF086;
	s6 =	sadd.s32 @!p0 s3, s7;
	s7 =	simm.s32 @!p0 $0x108  }
0x21: {  	s3 =	sadd.s32 s3, s9;
	s6 =	sadd.s32 @!p0 $0x88, s6;
	s7 =	simm.s32 @p2 $0x1082  }
0x22: {  	[simem:s7], [sflag:s8] =	dma.local @!p0 [hbm:s6], $0xF7A  }
0x23: {  	s9 =	sor.u32 $0xD0000000, s2;
	s6 =	simm.s32 $0x108;
	_ =	swait.ge @!p0 [sflag:s8], $0x0  }
0x24: {  	s3 =	sadd.s32 $0x88, s3;
	s6 =	simm.s32 @!p1 $0x1082;
	[sflag:s4] =	ssyncset.s32 $0xFFFFF086  }
0x25: {  	[simem:s6], [sflag:s4] =	dma.local [hbm:s3], $0xF7A  }
0x26: {  	[smem:$0x3F94] =	sst s1;
	(tag) =	ssettag s2;
	_ =	strace s9  }
0x27: {  	s1 =	sld [smem:$0x3FA4]  }
0x28: {  	s2 =	sld [smem:$0x3FA5]  }
0x29: {  	s4 =	sld [smem:$0x3FA7]  }
0x2a: {  	p0 =	seq.s32 s5, $0x0;
	s5 =	sld [smem:$0x3FA8]  }
0x2b: {  	s6 =	sld [smem:$0x3FA9]  }
0x2c: {  	s7 =	sld [smem:$0x3FAA]  }
0x2d: {  	s3 =	simm.s32 $0x108;
	s8 =	sld [smem:$0x3FAB]  }
0x2e: {  	s3 =	simm.s32 @!p0 $0x1082;
	s9 =	sld [smem:$0x3FAC]  }
0x2f: {  	lr =	sadd.s32 s0, s3;
	s0 =	sld [smem:$0x3FA3]  }
0x30: {  	s3 =	sld [smem:$0x3FA6]  }
0x31: {  	[smem:$0x3FAF] =	sst s10  }
0x32: {  	s10 =	sld [smem:$0x3FAD];
	_ =	sdelay $0x3  }
0x33: {  	p0 =	seq.s32 s10, $0x1;
	s10 =	sld [smem:$0x3FAF];
	_ =	sdelay $0x3  }
0x34: {  	[smem:$0x3FAF] =	sst s10  }
0x35: {  	s10 =	sld [smem:$0x3FAE];
	_ =	sdelay $0x3  }
0x36: {  	p1 =	seq.s32 s10, $0x1;
	s10 =	sld [smem:$0x3FAF];
	_ =	sdelay $0x3  }
0x37: {  	[smem:$0x3FAF] =	sst s10  }
0x38: {  	s10 =	sld [smem:$0x3FB0]  }
0x39: {  	_ = 	snop;
	(pc) =	sbr.ind lr, $3  }
0x3a: {  	_ = 	snop  }
0x3b: {  	_ = 	snop  }
0x3c: {  	p2 =	seq.s32 s10, $0x1;
	s10 =	sld [smem:$0x3FAF]  }
0x3d: {  	_ =	shalt  }
0x3e: {  	_ =	shalt  }
0x3f: {  	_ =	shalt  }
0x40: {  	_ =	shalt  }
0x41: {  	_ =	shalt  }
0x42: {  	_ =	shalt  }
0x43: {  	_ =	shalt  }
0x44: {  	_ =	shalt  }
0x45: {  	_ =	shalt  }
0x46: {  	_ =	shalt  }
0x47: {  	_ =	shalt  }
0x48: {  	_ =	shalt  }
0x49: {  	_ =	shalt  }
0x4a: {  	_ =	shalt  }
0x4b: {  	_ =	shalt  }
0x4c: {  	_ =	shalt  }
0x4d: {  	_ =	shalt  }
0x4e: {  	_ =	shalt  }
0x4f: {  	_ =	shalt  }
0x50: {  	_ =	shalt  }
0x51: {  	_ =	shalt  }
0x52: {  	_ =	shalt  }
0x53: {  	_ =	shalt  }
0x54: {  	_ =	shalt  }
0x55: {  	_ =	shalt  }
0x56: {  	_ =	shalt  }
0x57: {  	_ =	shalt  }
0x58: {  	_ =	shalt  }
0x59: {  	_ =	shalt  }
0x5a: {  	_ =	shalt  }
0x5b: {  	_ =	shalt  }
0x5c: {  	_ =	shalt  }
0x5d: {  	_ =	shalt  }
0x5e: {  	_ =	shalt  }
0x5f: {  	_ =	shalt  }
0x60: {  	_ =	shalt  }
0x61: {  	_ =	shalt  }
0x62: {  	_ =	shalt  }
0x63: {  	_ =	shalt  }
0x64: {  	_ =	shalt  }
0x65: {  	_ =	shalt  }
0x66: {  	_ =	shalt  }
0x67: {  	_ =	shalt  }
0x68: {  	_ =	shalt  }
0x69: {  	_ =	shalt  }
0x6a: {  	_ =	shalt  }
0x6b: {  	_ =	shalt  }
0x6c: {  	_ =	shalt  }
0x6d: {  	_ =	shalt  }
0x6e: {  	_ =	shalt  }
0x6f: {  	_ =	shalt  }
0x70: {  	_ =	shalt  }
0x71: {  	_ =	shalt  }
0x72: {  	_ =	shalt  }
0x73: {  	_ =	shalt  }
0x74: {  	_ =	shalt  }
0x75: {  	_ =	shalt  }
0x76: {  	_ =	shalt  }
0x77: {  	_ =	shalt  }
0x78: {  	_ =	shalt  }
0x79: {  	_ =	shalt  }
0x7a: {  	_ =	shalt  }
0x7b: {  	_ =	shalt  }
0x7c: {  	_ =	shalt  }
0x7d: {  	_ =	shalt  }
0x7e: {  	_ =	shalt  }
0x7f: {  	_ =	shalt  }
0x80: {  	_ =	shalt  }
0x81: {  	_ =	shalt  }
0x82: {  	_ =	shalt  }
0x83: {  	_ =	shalt  }
0x84: {  	_ =	shalt  }
0x85: {  	_ =	shalt  }
0x86: {  	_ =	shalt  }
0x87: {  	_ =	shalt  }
.Lfunc_end0:
.L_simem_size_0:
called_computation.3_lowered:
.L_overlay_start_0:
0x88: {  	s2 =	sld [smem:$0x3FD9]  }
0x89: {  	s3 =	sld [smem:$0x3FFE];
	_ =	sdelay $0x1  }
0x8a: {  	s1 =	srdreg.scid  }
0x8b: {  	s0 =	sand.u32 $0x1, s1  }
0x8c: {  	s16 =	sshll.u32 s0, $0xA;
	s2 =	sadd.s32 s3, s2  }
0x8d: {  	s2 =	sadd.s32 s2, s16  }
0x8e: {  	[smem:$0x3FBB] =	sst s2  }
0x8f: {  	_ = 	snop  }
0x90: {  	(tm) =	ssettm $0x1  }
0x91: {  	s17 =	sld [smem:$0x3FFB];
	_ =	sdelay $0x3  }
0x92: {  	_ =	strace s17  }
0x93: {  	s2 =	sld [smem:$0x3FFC];
	_ =	sdelay $0x3  }
0x94: {  	_ =	strace s2  }
0x95: {  	s2 =	sld [smem:$0x3FFD];
	_ =	sdelay $0x3  }
0x96: {  	_ =	strace s2  }
0x97: {  	_ =	strace $0x8FFFFFFF  }
0x98: {  	s18 =	sld [smem:$0x3FDB];
	_ =	sdelay $0x1  }
0x99: {  	s19 =	simm.s32 $_scs_section_size  }
0x9a: {  	s4 =	simm.s32 $_size__tile_overlayer_lowered;
	s5 =	simm.s32 $_tile_overlayer_lowered  }
0x9b: {  	s22 =	simm.s32 $0x1BFF;
	s21 =	sshll.u32 s5, $0x1;
	s2 =	sadd.s32 s19, s18  }
0x9c: {  	s6 =	simm.s32 $0x0;
	s20 =	sshll.u32 s4, $0x1;
	s4 =	sadd.s32 s21, s2  }
0x9d: {  	[timem:s6], [sflag:s22] =	dma.local [hbm:s4], s20  }
0x9e: {  	_ =	swait.ge [sflag:s22], s20  }
0x9f: {  	s3 =	ssub.s32 $0x0, s20;
	[sflag:s22] =	ssyncset.done $0x0  }
0xa0: {  	[sflag:s22] =	ssyncadd.s32 s3;
	_ =	sdelay $0x1  }
0xa1: {  	s23 =	simm.s32 $0x1B8B  }
0xa2: {  	_ =	swait.ge [sflag:s23], $0x1  }
0xa3: {  	[sflag:s23] =	ssyncset.done $0x0  }
0xa4: {  	s25 =	simm.s32 $0x1B8E;
	s24 =	sld [smem:$0x3FFE];
	[sflag:s23] =	ssyncadd.s32 $0xFFFFFFFF  }
0xa5: {  	s26 =	simm.s32 $execute0_lowered;
	[smem:$0x3FD2] =	sst s25  }
0xa6: {  	s4 =	sshll.u32 s26, $0x1;
	_ =	strace $0x8000004F;
	[dreg:$0x1] =	wrdreg $0xFFFFFFFF  }
0xa7: {  	s28 =	simm.s32 $_size_execute0_lowered;
	s2 =	sadd.s32 s2, s4;
	[dreg:$0x0] =	wrdreg $0x0  }
0xa8: {  	s4 =	sshll.u32 s28, $0x1;
	[dreg:$0x2] =	wrdreg s2  }
0xa9: {  	[dreg:$0x3] =	wrdreg s4  }
0xaa: {  	[dreg:$0x4] =	wrdreg $0xC0  }
0xab: {  	_ =	task [dreg:s6], $0x5FFFF  }
0xac: {  	[dreg:$0x1] =	wrdreg $0xFFFFFFFF  }
0xad: {  	[dreg:$0x0] =	wrdreg $0x60  }
0xae: {  	[dreg:$0x2] =	wrdreg s24  }
0xaf: {  	[dreg:$0x3] =	wrdreg $0xA8000  }
0xb0: {  	[dreg:$0x4] =	wrdreg $0x9  }
0xb1: {  	_ =	task.clear_ibuf [dreg:s6], $0x5FFFF;
	_ =	strace $0x9000004F  }
0xb2: {  	s29 =	simm.s32 $0x9;
	_ =	strace $0x80000051  }
0xb3: {  	_ =	swait.ge [sflag:s29], $0x1  }
0xb4: {  	[sflag:s29] =	ssyncadd.s32 $0xFFFFFFFF  }
0xb5: {  	_ =	strace $0x90000051  }
0xb6: {  	_ =	sfence  }
0xb7: {  	s30 =	sld [smem:$0x0];
	_ =	sdelay $0x2  }
0xb8: {  	s31 =	sshll.u32 s1, $0xD;
	s1 =	sshrl.u32 s1, $0x2  }
0xb9: {  	s3 =	sand.u32 $0x4000, s31;
	s1 =	sadd.s32 s1, s30  }
0xba: {  	s0 =	sor.u32 s3, s0;
	s1 =	sshll.u32 s1, $0x11  }
0xbb: {  	s0 =	sor.u32 s1, s0  }
0xbc: {  	s0 =	sadd.s32 $0x8F2B, s0  }
0xbd: {  	[sflag:s0] =	ssyncadd.remote.s32 $0x1  }
0xbe: {  	_ =	sfence.sel $0xFFFF  }
0xbf: {  	[dreg:$0x0] =	wrdreg $0xFFFFFFFF;
	(pc) =	sbr.abs _section_cstart, $3  }
0xc0: {  	[dreg:$0x1] =	wrdreg $0xFFFFFFFF  }
0xc1: {  	_ =	task.clear_ibuf [dreg:s6], $0x2FFFF;
	_ =	strace $0x9FFFFFFF  }
0xc2: {  	(tm) =	ssettm $0x7FFFFFFF  }
0xc3: {  	_ =	shalt  }
tec
execute0_lowered:
.L_overlay_start_1:
0x0: {  	(tag) =	ssettag $0x1  }
0x1: {  	s6 =	rddreg [dreg:$0x0];
	s1 =	srdreg.scid  }
0x2: {  	s0 =	stileid.u32;
	s2 =	rddreg [dreg:$0x1]  }
0x3: {  	s3 =	simm.s32 $0x0;
	s15 =	simm.s32 $0x3;
	s16 =	simm.s32 $0x1400  }
0x4: {  	s17 =	simm.s32 $0x80;
	s18 =	simm.s32 $0x6800;
	s19 =	simm.s32 $0x1  }
0x5: {  	s20 =	simm.s32 $0x4;
	s21 =	simm.s32 $0x2;
	s22 =	simm.s32 $0x1380  }
0x6: {  	s23 =	simm.s32 $0x2700;
	s26 =	simm.s32 $0x2780;
	s28 =	simm.s32 $0x0  }
0x7: {  	s5 =	sand.u32 $0x1, s1;
	s4 =	sshll.u32 s0, $0x1;
	s8 =	smul.u32 $0x4F000, s0  }
0x8: {  	[smem:$0x7FF] =	sst s3;
	s25 =	smul.u32 $0x2780, s0;
	s31 =	sshll.u32 s0, $0x6  }
0x9: {  	s4 =	sor.u32 s5, s4;
	_ =	strace $0x80000050;
	s30 =	smul.u32 $0x27800, s5  }
0xa: {  	s9 =	ssub.s32 $0x2, s5;
	s5 =	sadd.s32 $0xFE00, s6;
	s7 =	smul.u32 $0x500, s4  }
0xb: {  	s4 =	sadd.s32 $0x6CE00, s6;
	s10 =	sshrl.u32 s9, $0x1;
	s8 =	sshrl.u32 s8, $0x2  }
0xc: {  	s13 =	sadd.s32 s30, s6;
	s14 =	ssub.s32 s9, s10;
	s12 =	sadd.s32 s7, s6  }
0xd: {  	s6 =	sadd.s32 s8, s2;
	s24 =	sadd.s32 $0x94600, s13;
	s13 =	smax.u32 s14, $0x1  }
0xe: {  	s14 =	simm.s32 $0x2800;
	s7 =	sadd.s32 $0x4000, s6;
	s8 =	sadd.s32 $0x8000, s6  }
0xf: {  	s9 =	sadd.s32 $0xC000, s6;
	s10 =	sadd.s32 $0x10000, s6;
	s11 =	sadd.s32 $0x62E00, s12  }
0x10: {  	s12 =	sadd.s32 $0x5600, s12;
	s24 =	sadd.s32 s25, s24;
	s25 =	sor.u32 $0x1C03, s31  }
.LBB2_1:
0x11: {  	[tilespmem:s14], [sflag:$0x3] =	stream.linear.gather [hbm4b:s5+s3], $0x4000, $0x38;
	[tilespmem:$0x1E400] =	vst v63  }
0x12: {  	_ =	swait.ge [sflag:s15], $0x4000  }
0x13: {  	[sflag:s15] =	ssyncset.done $0x0  }
0x14: {  	[sflag:s15] =	ssyncadd.s32 $0xFFFFC000  }
0x15: {  	[spmem:s6] =	stream.linear.scatter [tilespmem:s14], [sflag:$0x3], $0x4000, $0x38;
	[tilespmem:$0x1E400] =	vst v63  }
0x16: {  	_ =	swait.ge [sflag:s15], $0x4000  }
0x17: {  	[sflag:s15] =	ssyncset.done $0x0  }
0x18: {  	[sflag:s15] =	ssyncadd.s32 $0xFFFFC000  }
0x19: {  	[spmem:s7] =	stream.linear.scatter [tilespmem:s14], [sflag:$0x3], $0x4000, $0x38;
	[tilespmem:$0x1E400] =	vst v63  }
0x1a: {  	_ =	swait.ge [sflag:s15], $0x4000  }
0x1b: {  	[sflag:s15] =	ssyncset.done $0x0  }
0x1c: {  	[sflag:s15] =	ssyncadd.s32 $0xFFFFC000  }
0x1d: {  	[spmem:s8] =	stream.linear.scatter [tilespmem:s14], [sflag:$0x3], $0x4000, $0x38;
	[tilespmem:$0x1E400] =	vst v63  }
0x1e: {  	_ =	swait.ge [sflag:s15], $0x4000  }
0x1f: {  	[sflag:s15] =	ssyncset.done $0x0  }
0x20: {  	[sflag:s15] =	ssyncadd.s32 $0xFFFFC000  }
0x21: {  	[spmem:s9] =	stream.linear.scatter [tilespmem:s14], [sflag:$0x3], $0x4000, $0x38;
	[tilespmem:$0x1E400] =	vst v63  }
0x22: {  	_ =	swait.ge [sflag:s15], $0x4000  }
0x23: {  	[sflag:s15] =	ssyncset.done $0x0  }
0x24: {  	[sflag:s15] =	ssyncadd.s32 $0xFFFFC000  }
0x25: {  	[spmem:s10] =	stream.linear.scatter [tilespmem:s14], [sflag:$0x3], $0x3C00, $0x38;
	[tilespmem:$0x1E400] =	vst v63  }
0x26: {  	_ =	swait.ge [sflag:s15], $0x3C00  }
0x27: {  	[sflag:s15] =	ssyncset.done $0x0  }
0x28: {  	[sflag:s15] =	ssyncadd.s32 $0xFFFFC400  }
0x29: {  	[bflag:$0x0] =	sbarrier.arrive $0xFFFF  }
0x2a: {  	[tilespmem:s3], [sflag:$0x3] =	stream.linear.gather [hbm4b:s11+s3], $0x1400, $0x38;
	[tilespmem:$0x1E400] =	vst v63  }
0x2b: {  	_ =	swait.ge [sflag:s15], $0x1400  }
0x2c: {  	[sflag:s15] =	ssyncset.done $0x0  }
0x2d: {  	[sflag:s15] =	ssyncadd.s32 $0xFFFFEC00  }
0x2e: {  	[tilespmem:s16], [sflag:$0x3] =	stream.linear.gather [hbm4b:s12+s3], $0x1400, $0x38;
	[tilespmem:$0x1E400] =	vst v63  }
0x2f: {  	_ =	swait.ge [sflag:s15], $0x1400  }
0x30: {  	[sflag:s15] =	ssyncset.done $0x0  }
0x31: {  	[sflag:s15] =	ssyncadd.s32 $0xFFFFEC00  }
0x32: {  	[tilespmem:s14], [sflag:$0x1] =	stream.indirect.gather [hbm4b:s4+s17], $0x80, s3, s17, $0xb8;
	[tilespmem:$0x1E400] =	vst v63  }
0x33: {  	s29 =	simm.s32 $0x80  }
0x34: {  	[tilespmem:s18], [sflag:$0x2] =	stream.indirect.gather [hbm4b:s4+s17], $0x80, s29, s17, $0xb8;
	[tilespmem:$0x1E400] =	vst v63  }
0x35: {  	_ =	swait.ge [sflag:s19], $0x4000  }
0x36: {  	[sflag:s19] =	ssyncset.done $0x0  }
0x37: {  	s29 =	simm.s32 $0x1400;
	[sflag:s19] =	ssyncadd.s32 $0xFFFFC000  }
0x38: {  	[spmem:s2] =	stream.indirect.scatter.add.f32 [tilespmem:s14], [sflag:$0x4], $0x80, s29, s17, $0xb8;
	[tilespmem:$0x1E400] =	vst v63  }
0x39: {  	_ =	swait.ge [sflag:s20], $0x4000  }
0x3a: {  	[sflag:s20] =	ssyncset.done $0x0  }
0x3b: {  	s29 =	simm.s32 $0x100;
	[sflag:s20] =	ssyncadd.s32 $0xFFFFC000  }
0x3c: {  	[tilespmem:s14], [sflag:$0x1] =	stream.indirect.gather [hbm4b:s4+s17], $0x80, s29, s17, $0xb8;
	[tilespmem:$0x1E400] =	vst v63  }
0x3d: {  	_ =	swait.ge [sflag:s21], $0x4000  }
0x3e: {  	[sflag:s21] =	ssyncset.done $0x0  }
0x3f: {  	s29 =	simm.s32 $0x1480;
	[sflag:s21] =	ssyncadd.s32 $0xFFFFC000  }
0x40: {  	[spmem:s2] =	stream.indirect.scatter.add.f32 [tilespmem:s18], [sflag:$0x3], $0x80, s29, s17, $0xb8;
	[tilespmem:$0x1E400] =	vst v63  }
0x41: {  	_ =	swait.ge [sflag:s15], $0x4000  }
0x42: {  	s30 =	simm.s32 $0x800;
	s29 =	simm.s32 $0x100;
	[sflag:s15] =	ssyncset.done $0x0  }
.LBB2_2:
0x43: {  	s31 =	sadd.s32 $0x80, s29  }
0x44: {  	[sflag:s15] =	ssyncadd.s32 $0xFFFFC000;
	s1 =	smov.u32 s30;
	s0 =	sadd.s32 $0x400, s30  }
0x45: {  	[tilespmem:s18], [sflag:$0x2] =	stream.indirect.gather [hbm4b:s4+s17], $0x80, s31, s17, $0xb8;
	[tilespmem:$0x1E400] =	vst v63  }
0x46: {  	p0 =	sne.s32 s30, $0x4800;
	_ =	swait.ge [sflag:s19], $0x4000  }
0x47: {  	[sflag:s19] =	ssyncset.done $0x0  }
0x48: {  	s30 =	sadd.s32 $0x1400, s29;
	[sflag:s19] =	ssyncadd.s32 $0xFFFFC000  }
0x49: {  	[spmem:s2] =	stream.indirect.scatter.add.f32 [tilespmem:s14], [sflag:$0x4], $0x80, s30, s17, $0xb8;
	[tilespmem:$0x1E400] =	vst v63  }
0x4a: {  	_ =	swait.ge [sflag:s20], $0x4000  }
0x4b: {  	[sflag:s20] =	ssyncset.done $0x0  }
0x4c: {  	s30 =	sadd.s32 $0x100, s29;
	[sflag:s20] =	ssyncadd.s32 $0xFFFFC000  }
0x4d: {  	[tilespmem:s14], [sflag:$0x1] =	stream.indirect.gather [hbm4b:s4+s17], $0x80, s30, s17, $0xb8;
	[tilespmem:$0x1E400] =	vst v63  }
0x4e: {  	_ =	swait.ge [sflag:s21], $0x4000  }
.Ltmp0:
0x4f: {  	[sflag:s21] =	ssyncset.done $0x0;
	(pc) =	sbr.rel @p0 .LBB2_2-.Ltmp0, $4  }
0x50: {  	s29 =	sadd.s32 $0x1480, s29;
	[sflag:s21] =	ssyncadd.s32 $0xFFFFC000  }
0x51: {  	[spmem:s2] =	stream.indirect.scatter.add.f32 [tilespmem:s18], [sflag:$0x3], $0x80, s29, s17, $0xb8;
	[tilespmem:$0x1E400] =	vst v63  }
0x52: {  	_ =	swait.ge [sflag:s15], $0x4000  }
0x53: {  	s30 =	smov.u32 s0;
	s29 =	sshra.s32 s1, $0x2;
	[sflag:s15] =	ssyncset.done $0x0  }
0x54: {  	s0 =	sadd.s32 $0x80, s29;
	[sflag:s15] =	ssyncadd.s32 $0xFFFFC000  }
0x55: {  	[tilespmem:s18], [sflag:$0x2] =	stream.indirect.gather [hbm4b:s4+s17], $0x80, s0, s17, $0xb8;
	[tilespmem:$0x1E400] =	vst v63  }
0x56: {  	_ =	swait.ge [sflag:s19], $0x4000  }
0x57: {  	[sflag:s19] =	ssyncset.done $0x0  }
0x58: {  	s1 =	sadd.s32 $0x1400, s29;
	[sflag:s19] =	ssyncadd.s32 $0xFFFFC000  }
0x59: {  	[spmem:s2] =	stream.indirect.scatter.add.f32 [tilespmem:s14], [sflag:$0x4], $0x80, s1, s17, $0xb8;
	[tilespmem:$0x1E400] =	vst v63  }
0x5a: {  	_ =	swait.ge [sflag:s20], $0x4000  }
0x5b: {  	[sflag:s20] =	ssyncset.done $0x0  }
0x5c: {  	s31 =	sadd.s32 $0x100, s29;
	[sflag:s20] =	ssyncadd.s32 $0xFFFFC000  }
0x5d: {  	[tilespmem:s14], [sflag:$0x1] =	stream.indirect.gather [hbm4b:s4+s17], $0x80, s31, s17, $0xb8;
	[tilespmem:$0x1E400] =	vst v63  }
0x5e: {  	_ =	swait.ge [sflag:s21], $0x4000  }
0x5f: {  	[sflag:s21] =	ssyncset.done $0x0  }
0x60: {  	s1 =	sadd.s32 $0x1480, s29;
	[sflag:s21] =	ssyncadd.s32 $0xFFFFC000  }
0x61: {  	[spmem:s2] =	stream.indirect.scatter.add.f32 [tilespmem:s18], [sflag:$0x3], $0x80, s1, s17, $0xb8;
	[tilespmem:$0x1E400] =	vst v63  }
0x62: {  	_ =	swait.ge [sflag:s15], $0x4000  }
0x63: {  	[sflag:s15] =	ssyncset.done $0x0  }
0x64: {  	[sflag:s15] =	ssyncadd.s32 $0xFFFFC000  }
0x65: {  	[tilespmem:s18], [sflag:$0x2] =	stream.indirect.gather [hbm4b:s4+s17], $0x80, s22, s17, $0xb8;
	[tilespmem:$0x1E400] =	vst v63  }
0x66: {  	_ =	swait.ge [sflag:s19], $0x4000  }
0x67: {  	[sflag:s19] =	ssyncset.done $0x0  }
0x68: {  	[sflag:s19] =	ssyncadd.s32 $0xFFFFC000  }
0x69: {  	[spmem:s2] =	stream.indirect.scatter.add.f32 [tilespmem:s14], [sflag:$0x4], $0x80, s23, s17, $0xb8;
	[tilespmem:$0x1E400] =	vst v63  }
0x6a: {  	_ =	swait.ge [sflag:s20], $0x4000  }
0x6b: {  	[sflag:s20] =	ssyncset.done $0x0  }
0x6c: {  	[sflag:s20] =	ssyncadd.s32 $0xFFFFC000  }
0x6d: {  	_ =	swait.ge [sflag:s21], $0x4000  }
0x6e: {  	[sflag:s21] =	ssyncset.done $0x0  }
0x6f: {  	[sflag:s21] =	ssyncadd.s32 $0xFFFFC000  }
0x70: {  	[spmem:s2] =	stream.indirect.scatter.add.f32 [tilespmem:s18], [sflag:$0x3], $0x80, s26, s17, $0xb8;
	[tilespmem:$0x1E400] =	vst v63  }
0x71: {  	_ =	swait.ge [sflag:s15], $0x4000  }
0x72: {  	[sflag:s15] =	ssyncset.done $0x0  }
0x73: {  	s31 =	sadd.s32 $0x280, s11;
	s1 =	simm.s32 $0x0;
	[sflag:s15] =	ssyncadd.s32 $0xFFFFC000  }
0x74: {  	[tilespmem:s1], [sflag:$0x3] =	stream.linear.gather [hbm4b:s31+s1], $0x1380, $0x38;
	[tilespmem:$0x1E400] =	vst v63  }
0x75: {  	_ =	swait.ge [sflag:s15], $0x1380  }
0x76: {  	[sflag:s15] =	ssyncset.done $0x0  }
0x77: {  	s31 =	sadd.s32 $0x280, s12;
	[sflag:s15] =	ssyncadd.s32 $0xFFFFEC80  }
0x78: {  	[tilespmem:s16], [sflag:$0x3] =	stream.linear.gather [hbm4b:s31+s1], $0x1380, $0x38;
	[tilespmem:$0x1E400] =	vst v63  }
0x79: {  	_ =	swait.ge [sflag:s15], $0x1380  }
0x7a: {  	[sflag:s15] =	ssyncset.done $0x0  }
0x7b: {  	[sflag:s15] =	ssyncadd.s32 $0xFFFFEC80  }
0x7c: {  	[tilespmem:s14], [sflag:$0x1] =	stream.indirect.gather [hbm4b:s4+s17], $0x80, s1, s17, $0xb8;
	[tilespmem:$0x1E400] =	vst v63  }
0x7d: {  	s1 =	simm.s32 $0x80  }
0x7e: {  	[tilespmem:s18], [sflag:$0x2] =	stream.indirect.gather [hbm4b:s4+s17], $0x80, s1, s17, $0xb8;
	[tilespmem:$0x1E400] =	vst v63  }
0x7f: {  	_ =	swait.ge [sflag:s19], $0x4000  }
0x80: {  	[sflag:s19] =	ssyncset.done $0x0  }
0x81: {  	s31 =	simm.s32 $0x1400;
	[sflag:s19] =	ssyncadd.s32 $0xFFFFC000  }
0x82: {  	[spmem:s2] =	stream.indirect.scatter.add.f32 [tilespmem:s14], [sflag:$0x4], $0x80, s31, s17, $0xb8;
	[tilespmem:$0x1E400] =	vst v63  }
0x83: {  	_ =	swait.ge [sflag:s20], $0x4000  }
0x84: {  	[sflag:s20] =	ssyncset.done $0x0  }
0x85: {  	s1 =	simm.s32 $0x100;
	[sflag:s20] =	ssyncadd.s32 $0xFFFFC000  }
0x86: {  	[tilespmem:s14], [sflag:$0x1] =	stream.indirect.gather [hbm4b:s4+s17], $0x80, s1, s17, $0xb8;
	[tilespmem:$0x1E400] =	vst v63  }
0x87: {  	_ =	swait.ge [sflag:s21], $0x4000  }
0x88: {  	[sflag:s21] =	ssyncset.done $0x0  }
0x89: {  	s31 =	simm.s32 $0x1480;
	[sflag:s21] =	ssyncadd.s32 $0xFFFFC000  }
0x8a: {  	[spmem:s2] =	stream.indirect.scatter.add.f32 [tilespmem:s18], [sflag:$0x3], $0x80, s31, s17, $0xb8;
	[tilespmem:$0x1E400] =	vst v63  }
0x8b: {  	_ =	swait.ge [sflag:s15], $0x4000  }
0x8c: {  	s30 =	simm.s32 $0x800;
	s29 =	simm.s32 $0x100;
	[sflag:s15] =	ssyncset.done $0x0  }
.LBB2_4:
0x8d: {  	s0 =	sadd.s32 $0x80, s29  }
0x8e: {  	[sflag:s15] =	ssyncadd.s32 $0xFFFFC000;
	s1 =	smov.u32 s30;
	s31 =	sadd.s32 $0x400, s30  }
0x8f: {  	[tilespmem:s18], [sflag:$0x2] =	stream.indirect.gather [hbm4b:s4+s17], $0x80, s0, s17, $0xb8;
	[tilespmem:$0x1E400] =	vst v63  }
0x90: {  	p0 =	sne.s32 s30, $0x4800;
	_ =	swait.ge [sflag:s19], $0x4000  }
0x91: {  	[sflag:s19] =	ssyncset.done $0x0  }
0x92: {  	s0 =	sadd.s32 $0x1400, s29;
	[sflag:s19] =	ssyncadd.s32 $0xFFFFC000  }
0x93: {  	[spmem:s2] =	stream.indirect.scatter.add.f32 [tilespmem:s14], [sflag:$0x4], $0x80, s0, s17, $0xb8;
	[tilespmem:$0x1E400] =	vst v63  }
0x94: {  	_ =	swait.ge [sflag:s20], $0x4000  }
0x95: {  	[sflag:s20] =	ssyncset.done $0x0  }
0x96: {  	s0 =	sadd.s32 $0x100, s29;
	[sflag:s20] =	ssyncadd.s32 $0xFFFFC000  }
0x97: {  	[tilespmem:s14], [sflag:$0x1] =	stream.indirect.gather [hbm4b:s4+s17], $0x80, s0, s17, $0xb8;
	[tilespmem:$0x1E400] =	vst v63  }
0x98: {  	_ =	swait.ge [sflag:s21], $0x4000  }
.Ltmp1:
0x99: {  	[sflag:s21] =	ssyncset.done $0x0;
	(pc) =	sbr.rel @p0 .LBB2_4-.Ltmp1, $4  }
0x9a: {  	s0 =	sadd.s32 $0x1480, s29;
	[sflag:s21] =	ssyncadd.s32 $0xFFFFC000  }
0x9b: {  	[spmem:s2] =	stream.indirect.scatter.add.f32 [tilespmem:s18], [sflag:$0x3], $0x80, s0, s17, $0xb8;
	[tilespmem:$0x1E400] =	vst v63  }
0x9c: {  	_ =	swait.ge [sflag:s15], $0x4000  }
0x9d: {  	s30 =	smov.u32 s31;
	s29 =	sshra.s32 s1, $0x2;
	[sflag:s15] =	ssyncset.done $0x0  }
0x9e: {  	s0 =	sadd.s32 $0x80, s29;
	[sflag:s15] =	ssyncadd.s32 $0xFFFFC000  }
0x9f: {  	[tilespmem:s18], [sflag:$0x2] =	stream.indirect.gather [hbm4b:s4+s17], $0x80, s0, s17, $0xb8;
	[tilespmem:$0x1E400] =	vst v63  }
0xa0: {  	_ =	swait.ge [sflag:s19], $0x4000  }
0xa1: {  	[sflag:s19] =	ssyncset.done $0x0  }
0xa2: {  	s31 =	sadd.s32 $0x1400, s29;
	[sflag:s19] =	ssyncadd.s32 $0xFFFFC000  }
0xa3: {  	[spmem:s2] =	stream.indirect.scatter.add.f32 [tilespmem:s14], [sflag:$0x4], $0x80, s31, s17, $0xb8;
	[tilespmem:$0x1E400] =	vst v63  }
0xa4: {  	_ =	swait.ge [sflag:s20], $0x4000  }
0xa5: {  	[sflag:s20] =	ssyncset.done $0x0  }
0xa6: {  	s1 =	sadd.s32 $0x100, s29;
	[sflag:s20] =	ssyncadd.s32 $0xFFFFC000  }
0xa7: {  	[tilespmem:s14], [sflag:$0x1] =	stream.indirect.gather [hbm4b:s4+s17], $0x80, s1, s17, $0xb8;
	[tilespmem:$0x1E400] =	vst v63  }
0xa8: {  	_ =	swait.ge [sflag:s21], $0x4000  }
0xa9: {  	[sflag:s21] =	ssyncset.done $0x0  }
0xaa: {  	s30 =	sadd.s32 $0x1480, s29;
	[sflag:s21] =	ssyncadd.s32 $0xFFFFC000  }
0xab: {  	[spmem:s2] =	stream.indirect.scatter.add.f32 [tilespmem:s18], [sflag:$0x3], $0x80, s30, s17, $0xb8;
	[tilespmem:$0x1E400] =	vst v63  }
0xac: {  	_ =	swait.ge [sflag:s15], $0x4000  }
0xad: {  	[sflag:s15] =	ssyncset.done $0x0  }
0xae: {  	[sflag:s15] =	ssyncadd.s32 $0xFFFFC000  }
0xaf: {  	_ =	swait.ge [sflag:s19], $0x4000  }
0xb0: {  	[sflag:s19] =	ssyncset.done $0x0  }
0xb1: {  	[sflag:s19] =	ssyncadd.s32 $0xFFFFC000  }
0xb2: {  	[spmem:s2] =	stream.indirect.scatter.add.f32 [tilespmem:s14], [sflag:$0x4], $0x80, s23, s17, $0xb8;
	[tilespmem:$0x1E400] =	vst v63  }
0xb3: {  	_ =	swait.ge [sflag:s20], $0x4000  }
0xb4: {  	s28 =	sadd.s32 $0x1, s28;
	[sflag:s20] =	ssyncset.done $0x0  }
0xb5: {  	p0 =	sne.s32 s28, s13;
	[sflag:s20] =	ssyncadd.s32 $0xFFFFC000  }
.Ltmp2:
0xb6: {  	s31 =	sshrl.u32 s6, $0x3;
	[bflag:$0x0] =	sbarrier.arrive $0xFFFF;
	(pc) =	sbr.rel @p0 .LBB2_1-.Ltmp2, $4  }
0xb7: {  	[hbm:s24], [sflag:s25] =	dma.local [spmem:s31], $0x2780  }
0xb8: {  	_ =	swait.ge [sflag:s15], $0x2780  }
0xb9: {  	[sflag:s15] =	ssyncset.done $0x0  }
0xba: {  	[sflag:s15] =	ssyncadd.s32 $0xFFFFD880  }
0xbb: {  	_ =	sfence.sel $0x180000  }
0xbc: {  	[bflag:$0x0] =	sbarrier.arrive $0xFFFF  }
0xbd: {  	_ =	strace $0x90000050  }
0xbe: {  	s0 =	stileid.u32;
	[bflag:$0x2] =	sbarrier.arrive $0xFFFF  }
0xbf: {  	p0 =	sne.s32 s0, $0x0;
	s0 =	rddreg [dreg:$0x2]  }
0xc0: {  	s0 =	sadd.s32 @!p0 $0x100000, s0  }
0xc1: {  	[sflag:s0] =	ssyncadd.tile.s32 @!p0 $0x1;
	_ =	shalt  }
.Lfunc_end2:
_tile_overlayer_lowered:
.L_overlay_start_2:
0xc2: {  	(tag) =	ssettag $0x2  }
0xc3: {  	s0 =	rddreg [dreg:$0x0];
	s2 =	stileid.u32  }
0xc4: {  	s1 =	rddreg [dreg:$0x1];
	p0 =	sne.s32 s2, $0x0  }
0xc5: {  	s3 =	rddreg [dreg:$0x2];
	[bflag:$0x3] =	sbarrier.arrive $0xFFFF;
	s2 =	simm.s32 @!p0 $0x1C03  }
0xc6: {  	[timem:s3], [sflag:s2] =	dma.local @!p0 [hbm:s0], s1  }
0xc7: {  	s0 =	simm.s32 @!p0 $0x3  }
0xc8: {  	_ =	swait.ge @!p0 [sflag:s0], s1  }
0xc9: {  	s1 =	ssub.s32 @!p0 $0x0, s1;
	[sflag:s0] =	ssyncset.done @!p0 $0x0  }
0xca: {  	[sflag:s0] =	ssyncadd.s32 @!p0 s1  }
0xcb: {  	[bflag:$0x3] =	sbarrier.arrive $0xFFFF  }
0xcc: {  	_ =	shalt  }

// kernel: kernel.24.cloned.1.call-start
scs
__scs_entry_jumppad:
0x0: {  	(pc) =	sbr.rel $0x88, $3  }
0x1: {  	(tag) =	ssettag $0x0;
	lr =	simm.s32 $0x1  }
0x2: {  	[smem:$0x3F94] =	sst lr;
	_ =	strace $0xD0000000  }
0x3: {  	_ = 	snop  }
0x4: {  	_ = 	snop  }
0x5: {  	_ = 	snop  }
0x6: {  	_ = 	snop  }
0x7: {  	_ = 	snop  }
__scs_overlays_trampoline_lowered:
0x8: {  	[smem:$0x3FA3] =	sst s0  }
0x9: {  	[smem:$0x3FA4] =	sst s1  }
0xa: {  	[smem:$0x3FA5] =	sst s2  }
0xb: {  	[smem:$0x3FA6] =	sst s3  }
0xc: {  	[smem:$0x3FA7] =	sst s4  }
0xd: {  	[smem:$0x3FA8] =	sst s5  }
0xe: {  	[smem:$0x3FA9] =	sst s6  }
0xf: {  	[smem:$0x3FAA] =	sst s7  }
0x10: {  	[smem:$0x3FAB] =	sst s8  }
0x11: {  	[smem:$0x3FAC] =	sst s9;
	s0 =	simm.s32 @!p0 $0x0  }
0x12: {  	s1 =	sld [smem:$0x3F92];
	s0 =	simm.s32 @p0 $0x1  }
0x13: {  	[smem:$0x3FAD] =	sst s0;
	s0 =	simm.s32 @!p1 $0x0  }
0x14: {  	s2 =	sld [smem:$0x3F91];
	s0 =	simm.s32 @p1 $0x1  }
0x15: {  	[smem:$0x3FAE] =	sst s0;
	s0 =	simm.s32 @!p2 $0x0  }
0x16: {  	s3 =	sld [smem:$0x3FDB];
	s0 =	simm.s32 @p2 $0x1  }
0x17: {  	s4 =	simm.s32 $0x1BF5;
	[smem:$0x3FB0] =	sst s0  }
0x18: {  	s0 =	sld [smem:$0x3F93];
	_ =	swait.ge [sflag:s4], $0x0  }
0x19: {  	s7 =	sld [smem:$0x3F94]  }
0x1a: {  	s8 =	sadd.s32 $0xFFFFE003, lr  }
0x1b: {  	s9 =	sadd.s32 $0xFFFFFEF7, lr;
	s5 =	simm.s32 $0xFFFFFFFF;
	p2 =	slt.u32 s8, $0xFFFFF086  }
0x1c: {  	p1 =	slt.u32 s9, $0xF7A;
	s5 =	simm.s32 @!p2 $0x0  }
0x1d: {  	s5 =	simm.s32 @p1 $0x1;
	p0 =	seq.s32 s7, s2  }
0x1e: {  	s7 =	smul.u32 @!p0 $0xF7A, s2;
	p2 =	seq.s32 @!p0 s5, $0x0  }
0x1f: {  	s9 =	smul.u32 $0xF7A, s1;
	s8 =	simm.s32 @!p0 $0x1BF5;
	p2 =	por !p2, p0  }
0x20: {  	[sflag:s8] =	ssyncset.s32 @!p0 $0xFFFFF086;
	s6 =	sadd.s32 @!p0 s3, s7;
	s7 =	simm.s32 @!p0 $0x108  }
0x21: {  	s3 =	sadd.s32 s3, s9;
	s6 =	sadd.s32 @!p0 $0x88, s6;
	s7 =	simm.s32 @p2 $0x1082  }
0x22: {  	[simem:s7], [sflag:s8] =	dma.local @!p0 [hbm:s6], $0xF7A  }
0x23: {  	s9 =	sor.u32 $0xD0000000, s2;
	s6 =	simm.s32 $0x108;
	_ =	swait.ge @!p0 [sflag:s8], $0x0  }
0x24: {  	s3 =	sadd.s32 $0x88, s3;
	s6 =	simm.s32 @!p1 $0x1082;
	[sflag:s4] =	ssyncset.s32 $0xFFFFF086  }
0x25: {  	[simem:s6], [sflag:s4] =	dma.local [hbm:s3], $0xF7A  }
0x26: {  	[smem:$0x3F94] =	sst s1;
	(tag) =	ssettag s2;
	_ =	strace s9  }
0x27: {  	s1 =	sld [smem:$0x3FA4]  }
0x28: {  	s2 =	sld [smem:$0x3FA5]  }
0x29: {  	s4 =	sld [smem:$0x3FA7]  }
0x2a: {  	p0 =	seq.s32 s5, $0x0;
	s5 =	sld [smem:$0x3FA8]  }
0x2b: {  	s6 =	sld [smem:$0x3FA9]  }
0x2c: {  	s7 =	sld [smem:$0x3FAA]  }
0x2d: {  	s3 =	simm.s32 $0x108;
	s8 =	sld [smem:$0x3FAB]  }
0x2e: {  	s3 =	simm.s32 @!p0 $0x1082;
	s9 =	sld [smem:$0x3FAC]  }
0x2f: {  	lr =	sadd.s32 s0, s3;
	s0 =	sld [smem:$0x3FA3]  }
0x30: {  	s3 =	sld [smem:$0x3FA6]  }
0x31: {  	[smem:$0x3FAF] =	sst s10  }
0x32: {  	s10 =	sld [smem:$0x3FAD];
	_ =	sdelay $0x3  }
0x33: {  	p0 =	seq.s32 s10, $0x1;
	s10 =	sld [smem:$0x3FAF];
	_ =	sdelay $0x3  }
0x34: {  	[smem:$0x3FAF] =	sst s10  }
0x35: {  	s10 =	sld [smem:$0x3FAE];
	_ =	sdelay $0x3  }
0x36: {  	p1 =	seq.s32 s10, $0x1;
	s10 =	sld [smem:$0x3FAF];
	_ =	sdelay $0x3  }
0x37: {  	[smem:$0x3FAF] =	sst s10  }
0x38: {  	s10 =	sld [smem:$0x3FB0]  }
0x39: {  	_ = 	snop;
	(pc) =	sbr.ind lr, $3  }
0x3a: {  	_ = 	snop  }
0x3b: {  	_ = 	snop  }
0x3c: {  	p2 =	seq.s32 s10, $0x1;
	s10 =	sld [smem:$0x3FAF]  }
0x3d: {  	_ =	shalt  }
0x3e: {  	_ =	shalt  }
0x3f: {  	_ =	shalt  }
0x40: {  	_ =	shalt  }
0x41: {  	_ =	shalt  }
0x42: {  	_ =	shalt  }
0x43: {  	_ =	shalt  }
0x44: {  	_ =	shalt  }
0x45: {  	_ =	shalt  }
0x46: {  	_ =	shalt  }
0x47: {  	_ =	shalt  }
0x48: {  	_ =	shalt  }
0x49: {  	_ =	shalt  }
0x4a: {  	_ =	shalt  }
0x4b: {  	_ =	shalt  }
0x4c: {  	_ =	shalt  }
0x4d: {  	_ =	shalt  }
0x4e: {  	_ =	shalt  }
0x4f: {  	_ =	shalt  }
0x50: {  	_ =	shalt  }
0x51: {  	_ =	shalt  }
0x52: {  	_ =	shalt  }
0x53: {  	_ =	shalt  }
0x54: {  	_ =	shalt  }
0x55: {  	_ =	shalt  }
0x56: {  	_ =	shalt  }
0x57: {  	_ =	shalt  }
0x58: {  	_ =	shalt  }
0x59: {  	_ =	shalt  }
0x5a: {  	_ =	shalt  }
0x5b: {  	_ =	shalt  }
0x5c: {  	_ =	shalt  }
0x5d: {  	_ =	shalt  }
0x5e: {  	_ =	shalt  }
0x5f: {  	_ =	shalt  }
0x60: {  	_ =	shalt  }
0x61: {  	_ =	shalt  }
0x62: {  	_ =	shalt  }
0x63: {  	_ =	shalt  }
0x64: {  	_ =	shalt  }
0x65: {  	_ =	shalt  }
0x66: {  	_ =	shalt  }
0x67: {  	_ =	shalt  }
0x68: {  	_ =	shalt  }
0x69: {  	_ =	shalt  }
0x6a: {  	_ =	shalt  }
0x6b: {  	_ =	shalt  }
0x6c: {  	_ =	shalt  }
0x6d: {  	_ =	shalt  }
0x6e: {  	_ =	shalt  }
0x6f: {  	_ =	shalt  }
0x70: {  	_ =	shalt  }
0x71: {  	_ =	shalt  }
0x72: {  	_ =	shalt  }
0x73: {  	_ =	shalt  }
0x74: {  	_ =	shalt  }
0x75: {  	_ =	shalt  }
0x76: {  	_ =	shalt  }
0x77: {  	_ =	shalt  }
0x78: {  	_ =	shalt  }
0x79: {  	_ =	shalt  }
0x7a: {  	_ =	shalt  }
0x7b: {  	_ =	shalt  }
0x7c: {  	_ =	shalt  }
0x7d: {  	_ =	shalt  }
0x7e: {  	_ =	shalt  }
0x7f: {  	_ =	shalt  }
0x80: {  	_ =	shalt  }
0x81: {  	_ =	shalt  }
0x82: {  	_ =	shalt  }
0x83: {  	_ =	shalt  }
0x84: {  	_ =	shalt  }
0x85: {  	_ =	shalt  }
0x86: {  	_ =	shalt  }
0x87: {  	_ =	shalt  }
.Lfunc_end0:
.L_simem_size_0:
called_computation.4_lowered:
.L_overlay_start_0:
0x88: {  	s2 =	sld [smem:$0x3FD9]  }
0x89: {  	s3 =	sld [smem:$0x3FFE];
	_ =	sdelay $0x1  }
0x8a: {  	s1 =	srdreg.scid  }
0x8b: {  	s0 =	sand.u32 $0x1, s1  }
0x8c: {  	s16 =	sshll.u32 s0, $0xA;
	s2 =	sadd.s32 s3, s2  }
0x8d: {  	s2 =	sadd.s32 s2, s16  }
0x8e: {  	[smem:$0x3FBB] =	sst s2  }
0x8f: {  	_ = 	snop  }
0x90: {  	(tm) =	ssettm $0x1  }
0x91: {  	s17 =	sld [smem:$0x3FFB];
	_ =	sdelay $0x3  }
0x92: {  	_ =	strace s17  }
0x93: {  	s2 =	sld [smem:$0x3FFC];
	_ =	sdelay $0x3  }
0x94: {  	_ =	strace s2  }
0x95: {  	s2 =	sld [smem:$0x3FFD];
	_ =	sdelay $0x3  }
0x96: {  	_ =	strace s2  }
0x97: {  	_ =	strace $0x8FFFFFFF  }
0x98: {  	s18 =	sld [smem:$0x3FDB];
	_ =	sdelay $0x1  }
0x99: {  	s19 =	simm.s32 $_scs_section_size  }
0x9a: {  	s4 =	simm.s32 $_size__tile_overlayer_lowered;
	s5 =	simm.s32 $_tile_overlayer_lowered  }
0x9b: {  	s22 =	simm.s32 $0x1BFF;
	s21 =	sshll.u32 s5, $0x1;
	s2 =	sadd.s32 s19, s18  }
0x9c: {  	s6 =	simm.s32 $0x0;
	s20 =	sshll.u32 s4, $0x1;
	s4 =	sadd.s32 s21, s2  }
0x9d: {  	[timem:s6], [sflag:s22] =	dma.local [hbm:s4], s20  }
0x9e: {  	_ =	swait.ge [sflag:s22], s20  }
0x9f: {  	s3 =	ssub.s32 $0x0, s20;
	[sflag:s22] =	ssyncset.done $0x0  }
0xa0: {  	[sflag:s22] =	ssyncadd.s32 s3;
	_ =	sdelay $0x1  }
0xa1: {  	s23 =	simm.s32 $0x1B8B  }
0xa2: {  	_ =	swait.ge [sflag:s23], $0x1  }
0xa3: {  	[sflag:s23] =	ssyncset.done $0x0  }
0xa4: {  	s25 =	simm.s32 $0x1B8E;
	s24 =	sld [smem:$0x3FFE];
	[sflag:s23] =	ssyncadd.s32 $0xFFFFFFFF  }
0xa5: {  	s26 =	simm.s32 $execute0_lowered;
	[smem:$0x3FD2] =	sst s25  }
0xa6: {  	s4 =	sshll.u32 s26, $0x1;
	_ =	strace $0x80000052;
	[dreg:$0x1] =	wrdreg $0xFFFFFFFF  }
0xa7: {  	s28 =	simm.s32 $_size_execute0_lowered;
	s2 =	sadd.s32 s2, s4;
	[dreg:$0x0] =	wrdreg $0x0  }
0xa8: {  	s4 =	sshll.u32 s28, $0x1;
	[dreg:$0x2] =	wrdreg s2  }
0xa9: {  	[dreg:$0x3] =	wrdreg s4  }
0xaa: {  	[dreg:$0x4] =	wrdreg $0xC0  }
0xab: {  	_ =	task [dreg:s6], $0x5FFFF  }
0xac: {  	[dreg:$0x1] =	wrdreg $0xFFFFFFFF  }
0xad: {  	[dreg:$0x0] =	wrdreg $0x60  }
0xae: {  	[dreg:$0x2] =	wrdreg s24  }
0xaf: {  	[dreg:$0x3] =	wrdreg $0x44000  }
0xb0: {  	[dreg:$0x4] =	wrdreg $0x9  }
0xb1: {  	_ =	task.clear_ibuf [dreg:s6], $0x5FFFF;
	_ =	strace $0x90000052  }
0xb2: {  	s29 =	simm.s32 $0x9;
	_ =	strace $0x80000054  }
0xb3: {  	_ =	swait.ge [sflag:s29], $0x1  }
0xb4: {  	[sflag:s29] =	ssyncadd.s32 $0xFFFFFFFF  }
0xb5: {  	_ =	strace $0x90000054  }
0xb6: {  	_ =	sfence  }
0xb7: {  	s30 =	sld [smem:$0x0];
	_ =	sdelay $0x2  }
0xb8: {  	s31 =	sshll.u32 s1, $0xD;
	s1 =	sshrl.u32 s1, $0x2  }
0xb9: {  	s3 =	sand.u32 $0x4000, s31;
	s1 =	sadd.s32 s1, s30  }
0xba: {  	s0 =	sor.u32 s3, s0;
	s1 =	sshll.u32 s1, $0x11  }
0xbb: {  	s0 =	sor.u32 s1, s0  }
0xbc: {  	s0 =	sadd.s32 $0x8F2B, s0  }
0xbd: {  	[sflag:s0] =	ssyncadd.remote.s32 $0x1  }
0xbe: {  	_ =	sfence.sel $0xFFFF  }
0xbf: {  	[dreg:$0x0] =	wrdreg $0xFFFFFFFF;
	(pc) =	sbr.abs _section_cstart, $3  }
0xc0: {  	[dreg:$0x1] =	wrdreg $0xFFFFFFFF  }
0xc1: {  	_ =	task.clear_ibuf [dreg:s6], $0x2FFFF;
	_ =	strace $0x9FFFFFFF  }
0xc2: {  	(tm) =	ssettm $0x7FFFFFFF  }
0xc3: {  	_ =	shalt  }
tec
execute0_lowered:
.L_overlay_start_1:
0x0: {  	(tag) =	ssettag $0x1  }
0x1: {  	s1 =	srdreg.scid  }
0x2: {  	s15 =	rddreg [dreg:$0x0];
	s0 =	stileid.u32;
	s16 =	sand.u32 $0x1, s1  }
0x3: {  	s2 =	rddreg [dreg:$0x1];
	s4 =	sshll.u32 s0, $0x7;
	s5 =	sshll.u32 s16, $0x6  }
0x4: {  	s3 =	simm.s32 $0x0;
	s1 =	rddreg [dreg:$0x2];
	s4 =	sor.u32 s5, s4  }
0x5: {  	[smem:$0x7FF] =	sst s3;
	s6 =	sadd.s32 s4, s15  }
0x6: {  	_ =	strace $0x80000053;
	s4 =	simm.s32 $0x1;
	s5 =	sadd.s32 $0x5600, s6  }
0x7: {  	[tilespmem:s3], [sflag:$0x1] =	stream.linear.gather [hbm4b:s5+s3], $0x180, $0x38;
	[tilespmem:$0x5000] =	vst v63  }
0x8: {  	_ =	swait.ge [sflag:s4], $0x180  }
0x9: {  	[sflag:s4] =	ssyncset.done $0x0  }
0xa: {  	s7 =	simm.s32 $0x200;
	s6 =	sadd.s32 $0xF600, s6;
	[sflag:s4] =	ssyncadd.s32 $0xFFFFFE80  }
0xb: {  	[tilespmem:s7], [sflag:$0x1] =	stream.linear.gather [hbm4b:s6+s3], $0x180, $0x38;
	[tilespmem:$0x5000] =	vst v63  }
0xc: {  	_ =	swait.ge [sflag:s4], $0x180  }
0xd: {  	s9 =	simm.s32 $0x400;
	[sflag:s4] =	ssyncset.done $0x0  }
0xe: {  	s8 =	sadd.s32 $0xFE00, s15;
	s10 =	smul.u32 $0x3000, s0;
	[sflag:s4] =	ssyncadd.s32 $0xFFFFFE80  }
0xf: {  	[tilespmem:s9], [sflag:$0x1] =	stream.linear.gather [hbm4b:s8+s3], $0x4000, $0x38;
	[tilespmem:$0x5000] =	vst v63  }
0x10: {  	_ =	swait.ge [sflag:s4], $0x4000  }
0x11: {  	s10 =	sshrl.u32 s10, $0x2;
	[sflag:s4] =	ssyncset.done $0x0  }
0x12: {  	s10 =	sadd.s32 s10, s2;
	[sflag:s4] =	ssyncadd.s32 $0xFFFFC000  }
0x13: {  	[spmem:s10] =	stream.linear.scatter [tilespmem:s9], [sflag:$0x1], $0xC00, $0x38;
	[tilespmem:$0x5000] =	vst v63  }
0x14: {  	_ =	swait.ge [sflag:s4], $0xC00  }
0x15: {  	[sflag:s4] =	ssyncset.done $0x0  }
0x16: {  	[sflag:s4] =	ssyncadd.s32 $0xFFFFF400  }
0x17: {  	s12 =	simm.s32 $0x80;
	s11 =	sadd.s32 $0x10600, s15;
	[bflag:$0x0] =	sbarrier.arrive $0xFFFF  }
0x18: {  	[tilespmem:s9], [sflag:$0x1] =	stream.indirect.gather [hbm4b:s11+s12], $0x80, s3, s12, $0xb8;
	[tilespmem:$0x5000] =	vst v63  }
0x19: {  	_ =	swait.ge [sflag:s4], $0x4000  }
0x1a: {  	[sflag:s4] =	ssyncset.done $0x0  }
0x1b: {  	[sflag:s4] =	ssyncadd.s32 $0xFFFFC000  }
0x1c: {  	[spmem:s2] =	stream.indirect.scatter.add.f32 [tilespmem:s9], [sflag:$0x1], $0x80, s7, s12, $0xb8;
	[tilespmem:$0x5000] =	vst v63  }
0x1d: {  	_ =	swait.ge [sflag:s4], $0x4000  }
0x1e: {  	[sflag:s4] =	ssyncset.done $0x0  }
0x1f: {  	[sflag:s4] =	ssyncadd.s32 $0xFFFFC000  }
0x20: {  	[tilespmem:s9], [sflag:$0x1] =	stream.indirect.gather [hbm4b:s11+s12], $0x80, s12, s12, $0xb8;
	[tilespmem:$0x5000] =	vst v63  }
0x21: {  	_ =	swait.ge [sflag:s4], $0x4000  }
0x22: {  	[sflag:s4] =	ssyncset.done $0x0  }
0x23: {  	s13 =	simm.s32 $0x280;
	[sflag:s4] =	ssyncadd.s32 $0xFFFFC000  }
0x24: {  	[spmem:s2] =	stream.indirect.scatter.add.f32 [tilespmem:s9], [sflag:$0x1], $0x80, s13, s12, $0xb8;
	[tilespmem:$0x5000] =	vst v63  }
0x25: {  	_ =	swait.ge [sflag:s4], $0x4000  }
0x26: {  	[sflag:s4] =	ssyncset.done $0x0  }
0x27: {  	s14 =	simm.s32 $0x100;
	s17 =	smul.u32 $0x1800, s16;
	[sflag:s4] =	ssyncadd.s32 $0xFFFFC000  }
0x28: {  	[tilespmem:s9], [sflag:$0x1] =	stream.indirect.gather [hbm4b:s11+s12], $0x80, s14, s12, $0xb8;
	[tilespmem:$0x5000] =	vst v63  }
0x29: {  	s30 =	smul.u32 $0x180, s0;
	s16 =	ssub.s32 $0x2, s16;
	_ =	swait.ge [sflag:s4], $0x4000  }
0x2a: {  	s18 =	sshrl.u32 s16, $0x1;
	s17 =	sadd.s32 s17, s15;
	[sflag:s4] =	ssyncset.done $0x0  }
0x2b: {  	s15 =	simm.s32 $0x300;
	s16 =	ssub.s32 s16, s18;
	[sflag:s4] =	ssyncadd.s32 $0xFFFFC000  }
0x2c: {  	[spmem:s2] =	stream.indirect.scatter.add.f32 [tilespmem:s9], [sflag:$0x1], $0x80, s15, s12, $0xb8;
	[tilespmem:$0x5000] =	vst v63  }
0x2d: {  	s31 =	sshll.u32 s0, $0x6;
	s19 =	smax.u32 s16, $0x1;
	_ =	swait.ge [sflag:s4], $0x4000  }
0x2e: {  	s17 =	sadd.s32 $0x5E00, s17;
	p0 =	sne.s32 s19, $0x1;
	[sflag:s4] =	ssyncset.done $0x0  }
.Ltmp0:
0x2f: {  	s18 =	sshrl.u32 s10, $0x3;
	[sflag:s4] =	ssyncadd.s32 $0xFFFFC000;
	(pc) =	sbr.rel @!p0 .LBB2_2-.Ltmp0, $4  }
0x30: {  	s16 =	sadd.s32 s30, s17;
	s17 =	sor.u32 $0x1C01, s31;
	[bflag:$0x0] =	sbarrier.arrive $0xFFFF  }
0x31: {  	[hbm:s16], [sflag:s17] =	dma.local [spmem:s18], $0x180  }
0x32: {  	_ =	swait.ge [sflag:s4], $0x180  }
0x33: {  	s19 =	sadd.s32 $0xFFFFFFFF, s19;
	[sflag:s4] =	ssyncset.done $0x0  }
.LBB2_1:
0x34: {  	p0 =	sne.s32 s19, $0x1;
	s19 =	sadd.s32 $0xFFFFFFFF, s19;
	[sflag:s4] =	ssyncadd.s32 $0xFFFFFE80  }
0x35: {  	[tilespmem:s3], [sflag:$0x1] =	stream.linear.gather [hbm4b:s5+s3], $0x180, $0x38;
	[tilespmem:$0x5000] =	vst v63  }
0x36: {  	_ =	swait.ge [sflag:s4], $0x180  }
0x37: {  	[sflag:s4] =	ssyncset.done $0x0  }
0x38: {  	[sflag:s4] =	ssyncadd.s32 $0xFFFFFE80  }
0x39: {  	[tilespmem:s7], [sflag:$0x1] =	stream.linear.gather [hbm4b:s6+s3], $0x180, $0x38;
	[tilespmem:$0x5000] =	vst v63  }
0x3a: {  	_ =	swait.ge [sflag:s4], $0x180  }
0x3b: {  	[sflag:s4] =	ssyncset.done $0x0  }
0x3c: {  	[sflag:s4] =	ssyncadd.s32 $0xFFFFFE80  }
0x3d: {  	[tilespmem:s9], [sflag:$0x1] =	stream.linear.gather [hbm4b:s8+s3], $0x4000, $0x38;
	[tilespmem:$0x5000] =	vst v63  }
0x3e: {  	_ =	swait.ge [sflag:s4], $0x4000  }
0x3f: {  	[sflag:s4] =	ssyncset.done $0x0  }
0x40: {  	[sflag:s4] =	ssyncadd.s32 $0xFFFFC000  }
0x41: {  	[spmem:s10] =	stream.linear.scatter [tilespmem:s9], [sflag:$0x1], $0xC00, $0x38;
	[tilespmem:$0x5000] =	vst v63  }
0x42: {  	_ =	swait.ge [sflag:s4], $0xC00  }
0x43: {  	[sflag:s4] =	ssyncset.done $0x0  }
0x44: {  	[sflag:s4] =	ssyncadd.s32 $0xFFFFF400  }
0x45: {  	[bflag:$0x0] =	sbarrier.arrive $0xFFFF  }
0x46: {  	[tilespmem:s9], [sflag:$0x1] =	stream.indirect.gather [hbm4b:s11+s12], $0x80, s3, s12, $0xb8;
	[tilespmem:$0x5000] =	vst v63  }
0x47: {  	_ =	swait.ge [sflag:s4], $0x4000  }
0x48: {  	[sflag:s4] =	ssyncset.done $0x0  }
0x49: {  	[sflag:s4] =	ssyncadd.s32 $0xFFFFC000  }
0x4a: {  	[spmem:s2] =	stream.indirect.scatter.add.f32 [tilespmem:s9], [sflag:$0x1], $0x80, s7, s12, $0xb8;
	[tilespmem:$0x5000] =	vst v63  }
0x4b: {  	_ =	swait.ge [sflag:s4], $0x4000  }
0x4c: {  	[sflag:s4] =	ssyncset.done $0x0  }
0x4d: {  	[sflag:s4] =	ssyncadd.s32 $0xFFFFC000  }
0x4e: {  	[tilespmem:s9], [sflag:$0x1] =	stream.indirect.gather [hbm4b:s11+s12], $0x80, s12, s12, $0xb8;
	[tilespmem:$0x5000] =	vst v63  }
0x4f: {  	_ =	swait.ge [sflag:s4], $0x4000  }
0x50: {  	[sflag:s4] =	ssyncset.done $0x0  }
0x51: {  	[sflag:s4] =	ssyncadd.s32 $0xFFFFC000  }
0x52: {  	[spmem:s2] =	stream.indirect.scatter.add.f32 [tilespmem:s9], [sflag:$0x1], $0x80, s13, s12, $0xb8;
	[tilespmem:$0x5000] =	vst v63  }
0x53: {  	_ =	swait.ge [sflag:s4], $0x4000  }
0x54: {  	[sflag:s4] =	ssyncset.done $0x0  }
0x55: {  	[sflag:s4] =	ssyncadd.s32 $0xFFFFC000  }
0x56: {  	[tilespmem:s9], [sflag:$0x1] =	stream.indirect.gather [hbm4b:s11+s12], $0x80, s14, s12, $0xb8;
	[tilespmem:$0x5000] =	vst v63  }
0x57: {  	_ =	swait.ge [sflag:s4], $0x4000  }
0x58: {  	[sflag:s4] =	ssyncset.done $0x0  }
0x59: {  	[sflag:s4] =	ssyncadd.s32 $0xFFFFC000  }
0x5a: {  	[spmem:s2] =	stream.indirect.scatter.add.f32 [tilespmem:s9], [sflag:$0x1], $0x80, s15, s12, $0xb8;
	[tilespmem:$0x5000] =	vst v63  }
0x5b: {  	_ =	swait.ge [sflag:s4], $0x4000  }
0x5c: {  	[sflag:s4] =	ssyncset.done $0x0  }
.Ltmp1:
0x5d: {  	[sflag:s4] =	ssyncadd.s32 $0xFFFFC000;
	(pc) =	sbr.rel @p0 .LBB2_1-.Ltmp1, $4  }
0x5e: {  	[bflag:$0x0] =	sbarrier.arrive $0xFFFF  }
0x5f: {  	[hbm:s16], [sflag:s17] =	dma.local [spmem:s18], $0x180  }
0x60: {  	_ =	swait.ge [sflag:s4], $0x180  }
0x61: {  	[sflag:s4] =	ssyncset.done $0x0  }
.LBB2_2:
0x62: {  	[sflag:s4] =	ssyncadd.s32 $0xFFFFFE80  }
0x63: {  	_ =	sfence.sel $0x180000  }
0x64: {  	[bflag:$0x0] =	sbarrier.arrive $0xFFFF  }
0x65: {  	p0 =	sne.s32 s0, $0x0;
	_ =	strace $0x90000053  }
0x66: {  	s0 =	sadd.s32 @!p0 $0x100000, s1;
	[bflag:$0x2] =	sbarrier.arrive $0xFFFF  }
0x67: {  	[sflag:s0] =	ssyncadd.tile.s32 @!p0 $0x1;
	_ =	shalt  }
.Lfunc_end2:
_tile_overlayer_lowered:
.L_overlay_start_2:
0x68: {  	(tag) =	ssettag $0x2  }
0x69: {  	s0 =	rddreg [dreg:$0x0];
	s2 =	stileid.u32  }
0x6a: {  	s1 =	rddreg [dreg:$0x1];
	p0 =	sne.s32 s2, $0x0  }
0x6b: {  	s3 =	rddreg [dreg:$0x2];
	[bflag:$0x3] =	sbarrier.arrive $0xFFFF;
	s2 =	simm.s32 @!p0 $0x1C01  }
0x6c: {  	[timem:s3], [sflag:s2] =	dma.local @!p0 [hbm:s0], s1  }
0x6d: {  	s0 =	simm.s32 @!p0 $0x1  }
0x6e: {  	_ =	swait.ge @!p0 [sflag:s0], s1  }
0x6f: {  	s1 =	ssub.s32 @!p0 $0x0, s1;
	[sflag:s0] =	ssyncset.done @!p0 $0x0  }
0x70: {  	[sflag:s0] =	ssyncadd.s32 @!p0 s1  }
0x71: {  	[bflag:$0x3] =	sbarrier.arrive $0xFFFF  }
0x72: {  	_ =	shalt  }

</sc_bundles>
